<compile_context>
chip_gen: v7x
topology: tpu7x:2x2x1
jax: 0.10.2.dev20260603
libtpu: 0.0.44.dev20260713+nightly
codegen_flags: <defaults>
</compile_context>

<pallas_src>
import functools

import jax
import jax.numpy as jnp
from jax import lax
from jax.experimental import pallas as pl
from jax.experimental.pallas import tpu as pltpu
from jax.experimental.pallas import tpu_sc as plsc

D = 128
LANES = 16
N_TILES = 32
WT = 128


def _lookup_add(x3, qidx, pe2, B, T):
    KB = B // WT
    n_total = T * KB
    wpt = n_total // N_TILES

    mesh = plsc.VectorSubcoreMesh(core_axis_name="c", subcore_axis_name="s")

    @functools.partial(
        pl.kernel,
        out_type=jax.ShapeDtypeStruct((B, T, D), jnp.float32),
        mesh=mesh,
        scratch_types=[
            pltpu.VMEM((WT,), jnp.int32),
            pltpu.VMEM((WT,), jnp.int32),
            pltpu.VMEM((WT,), jnp.int32),
            pltpu.VMEM((WT,), jnp.int32),
            pltpu.VMEM((WT, D), jnp.float32),
            pltpu.VMEM((WT, D), jnp.float32),
            pltpu.VMEM((WT, D), jnp.float32),
            pltpu.VMEM((WT, D), jnp.float32),
            pltpu.VMEM((WT, D), jnp.float32),
            pltpu.VMEM((WT, D), jnp.float32),
            pltpu.SemaphoreType.DMA((2,)),
            pltpu.SemaphoreType.DMA((2,)),
            pltpu.SemaphoreType.DMA((2,)),
            pltpu.SemaphoreType.DMA((2,)),
            pltpu.SemaphoreType.DMA((2,)),
            pltpu.SemaphoreType.DMA((2,)),
        ],
    )
    def k(x_hbm, idx_hbm, pe_hbm, out_hbm,
          ir0, ir1, ic0, ic1, gr0, gr1, gc0, gc1, xv0, xv1,
          irsem, icsem, rsem, csem, xsem, osem):
        wid = lax.axis_index("s") * 2 + lax.axis_index("c")
        wbase = wid * wpt
        ir_b = (ir0, ir1)
        ic_b = (ic0, ic1)
        gr_b = (gr0, gr1)
        gc_b = (gc0, gc1)
        x_b = (xv0, xv1)

        def ir_copy(w, b):
            g = wbase + w
            return pltpu.make_async_copy(
                idx_hbm.at[pl.ds(g * 2 * WT, WT)], ir_b[b], irsem.at[b])

        def ic_copy(w, b):
            g = wbase + w
            return pltpu.make_async_copy(
                idx_hbm.at[pl.ds(g * 2 * WT + WT, WT)], ic_b[b], icsem.at[b])

        def idx_start(w, b):
            ir_copy(w, b).start()
            ic_copy(w, b).start()

        def idx_wait(w, b):
            ir_copy(w, b).wait()
            ic_copy(w, b).wait()

        def row_gather(w, b):
            del w
            return pltpu.make_async_copy(pe_hbm.at[ir_b[b]], gr_b[b], rsem.at[b])

        def col_gather(w, b):
            del w
            return pltpu.make_async_copy(pe_hbm.at[ic_b[b]], gc_b[b], csem.at[b])

        def x_slice(w):
            g = wbase + w
            t = g // KB
            kk = g - t * KB
            return (pl.ds(kk * WT, WT), t)

        def x_copy(w, b):
            return pltpu.make_async_copy(x_hbm.at[x_slice(w)], x_b[b], xsem.at[b])

        def out_half(w, b, hf):
            g = wbase + w
            t = g // KB
            kk = g - t * KB
            hb = hf * (WT // 2)
            return pltpu.make_async_copy(
                x_b[b].at[pl.ds(hb, WT // 2)],
                out_hbm.at[(pl.ds(kk * WT + hb, WT // 2), t)], osem.at[b])

        def out_wait(w, b):
            out_half(w, b, 0).wait()
            out_half(w, b, 1).wait()

        idx_start(0, 0)
        idx_start(1, 1)
        idx_wait(0, 0)
        row_gather(0, 0).start()
        col_gather(0, 0).start()
        x_copy(0, 0).start()

        @pl.loop(0, wpt // 2)
        def _(h):
            for b in (0, 1):
                w = 2 * h + b
                nb = 1 - b

                @pl.when(w + 1 < wpt)
                def _():
                    idx_wait(w + 1, nb)
                    row_gather(w + 1, nb).start()
                    col_gather(w + 1, nb).start()

                @pl.when(w >= 1)
                def _():
                    out_wait(w - 1, nb)

                @pl.when(w + 1 < wpt)
                def _():
                    x_copy(w + 1, nb).start()

                row_gather(w, b).wait()
                col_gather(w, b).wait()
                x_copy(w, b).wait()

                @pl.when(w + 2 < wpt)
                def _():
                    idx_start(w + 2, b)

                for hf in (0, 1):
                    @pl.loop(hf * (WT // 2), (hf + 1) * (WT // 2), unroll=8)
                    def _(t):
                        for j in range(4):
                            s = pl.ds(j * LANES, LANES)
                            plsc.addupdate(x_b[b].at[t, s], gr_b[b][t, s])
                        for j in range(4, 8):
                            s = pl.ds(j * LANES, LANES)
                            plsc.addupdate(x_b[b].at[t, s], gc_b[b][t, s])

                    out_half(w, b, hf).start()

        out_wait(wpt - 1, 1)

    return k(x3, qidx, pe2)


def kernel(x, positions, pe):
    B, T, _ = x.shape
    qidx = (positions.transpose(1, 0, 2)
            .reshape(T, B // 128, 128, 2)
            .transpose(0, 1, 3, 2)
            .reshape(-1))
    pe2 = jnp.concatenate([pe, pe], axis=1)
    out = _lookup_add(x, qidx, pe2, B, T)
    return out

# --- scband reference (transcript-rebuilt; emitter-appended) ---
"""Pipeline reference for scband-positional-embedding2-d-77197742179041 (READ-ONLY COPY).

The authoritative reference and input builder live on the scoring server;
editing this copy changes nothing except your own understanding.
"""

import jax, jax.numpy as jnp
import numpy as np

MODEL_DIM = 128
MAX_WH = 1200
TEMP = 10000.0


def _build_pe():
    dim_pe = MODEL_DIM // 2
    pos = np.arange(MAX_WH, dtype=np.float32)[:, None]
    div_term = np.exp(np.arange(0, dim_pe, 2, dtype=np.float32) * -(np.log(TEMP) / dim_pe))
    p = pos * div_term
    pe = np.zeros((MAX_WH, dim_pe), dtype=np.float32)
    pe[:, 0::2] = np.sin(p)
    pe[:, 1::2] = np.cos(p)
    return jnp.asarray(pe)


def setup_inputs(seed: int = 0) -> dict:
    key = jax.random.key(seed)
    k1, k2 = jax.random.split(key)
    x = jax.random.normal(k1, (4096, 200, MODEL_DIM), dtype=jnp.float32)
    positions = jax.random.randint(k2, (4096, 200, 2), 0, MAX_WH, dtype=jnp.int32)
    pe = _build_pe()
    return {"x": x, "positions": positions, "pe": pe}


def reference(x, positions, pe):
    rows = positions[..., 0]
    cols = positions[..., 1]
    row_pos_emb = jnp.take(pe, rows, axis=0)
    col_pos_emb = jnp.take(pe, cols, axis=0)
    pos_emb = jnp.concatenate([row_pos_emb, col_pos_emb], axis=-1)
    return x + pos_emb

if __name__ == "__main__":
    import jax
    _d = setup_inputs()
    print(jax.jit(kernel)(*tuple(_d.values())))

</pallas_src>

<mosaic_0001>
#map = affine_map<(d0, d1) -> (0, 0, 0)>
#map1 = affine_map<(d0, d1) -> (0)>
#map2 = affine_map<(d0, d1) -> (0, 0)>
module attributes {stable_mosaic.version = 14 : i64} {
  func.func @k(%arg0: i32, %arg1: i32, %arg2: memref<4096x200x128xf32, #tpu.memory_space<hbm>>, %arg3: memref<1638400xi32, #tpu.memory_space<hbm>>, %arg4: memref<1200x128xf32, #tpu.memory_space<hbm>>, %arg5: memref<4096x200x128xf32, #tpu.memory_space<hbm>>, %arg6: memref<128xi32, #tpu.memory_space<vmem>>, %arg7: memref<128xi32, #tpu.memory_space<vmem>>, %arg8: memref<128xi32, #tpu.memory_space<vmem>>, %arg9: memref<128xi32, #tpu.memory_space<vmem>>, %arg10: memref<128x128xf32, #tpu.memory_space<vmem>>, %arg11: memref<128x128xf32, #tpu.memory_space<vmem>>, %arg12: memref<128x128xf32, #tpu.memory_space<vmem>>, %arg13: memref<128x128xf32, #tpu.memory_space<vmem>>, %arg14: memref<128x128xf32, #tpu.memory_space<vmem>>, %arg15: memref<128x128xf32, #tpu.memory_space<vmem>>, %arg16: memref<2x!tpu.dma_semaphore, #tpu.memory_space<semaphore_mem>>, %arg17: memref<2x!tpu.dma_semaphore, #tpu.memory_space<semaphore_mem>>, %arg18: memref<2x!tpu.dma_semaphore, #tpu.memory_space<semaphore_mem>>, %arg19: memref<2x!tpu.dma_semaphore, #tpu.memory_space<semaphore_mem>>, %arg20: memref<2x!tpu.dma_semaphore, #tpu.memory_space<semaphore_mem>>, %arg21: memref<2x!tpu.dma_semaphore, #tpu.memory_space<semaphore_mem>>) attributes {dimension_semantics = [#tpu.dimension_semantics<core_parallel>, #tpu.dimension_semantics<subcore_parallel>], iteration_bounds = array<i64: 2, 16>, scalar_prefetch = 0 : i64, scratch_operands = 16 : i64, tpu.core_type = #tpu.core_type<sc_vector_subcore>, window_params = [{transform_indices = #map}, {transform_indices = #map1}, {transform_indices = #map2}, {transform_indices = #map}]} {
    %mul3A = arith.constant 2 : i32
    %mul3A_0 = arith.muli %arg1, %mul3A : i32
    %add3A = arith.addi %mul3A_0, %arg0 : i32
    %mul3A_1 = arith.constant 200 : i32
    %mul3A_2 = arith.muli %add3A, %mul3A_1 : i32
    %add3A_3 = arith.constant 0 : i32
    %add3A_4 = arith.addi %mul3A_2, %add3A_3 : i32
    %mul3A_5 = arith.constant 2 : i32
    %mul3A_6 = arith.muli %add3A_4, %mul3A_5 : i32
    %mul3A_7 = arith.constant 128 : i32
    %mul3A_8 = arith.muli %mul3A_6, %mul3A_7 : i32
    %dma_start3A = arith.constant 0 : i32
    %dma_start3A_9 = tpu.memref_slice %arg3[%mul3A_8] : memref<1638400xi32, #tpu.memory_space<hbm>> -> memref<128xi32, #tpu.memory_space<hbm>>
    %dma_start3A_10 = tpu.memref_slice %arg16[%dma_start3A] : memref<2x!tpu.dma_semaphore, #tpu.memory_space<semaphore_mem>> -> memref<1x!tpu.dma_semaphore, #tpu.memory_space<semaphore_mem>>
    %dma_start3A_11 = tpu.memref_squeeze %dma_start3A_10 : memref<1x!tpu.dma_semaphore, #tpu.memory_space<semaphore_mem>> -> memref<!tpu.dma_semaphore, #tpu.memory_space<semaphore_mem>>
    %dma_start3A_12 = tpu.memref_slice %arg3[%mul3A_8] : memref<1638400xi32, #tpu.memory_space<hbm>> -> memref<128xi32, #tpu.memory_space<hbm>>
    tpu.enqueue_dma source(%dma_start3A_12 : memref<128xi32, #tpu.memory_space<hbm>>) target(%arg6 : memref<128xi32, #tpu.memory_space<vmem>>) target_semaphore(%dma_start3A_11 : memref<!tpu.dma_semaphore, #tpu.memory_space<semaphore_mem>>)
    %add3A_13 = arith.constant 0 : i32
    %add3A_14 = arith.addi %mul3A_2, %add3A_13 : i32
    %mul3A_15 = arith.constant 2 : i32
    %mul3A_16 = arith.muli %add3A_14, %mul3A_15 : i32
    %mul3A_17 = arith.constant 128 : i32
    %mul3A_18 = arith.muli %mul3A_16, %mul3A_17 : i32
    %add3A_19 = arith.constant 128 : i32
    %add3A_20 = arith.addi %mul3A_18, %add3A_19 : i32
    %dma_start3A_21 = arith.constant 0 : i32
    %dma_start3A_22 = tpu.memref_slice %arg3[%add3A_20] : memref<1638400xi32, #tpu.memory_space<hbm>> -> memref<128xi32, #tpu.memory_space<hbm>>
    %dma_start3A_23 = tpu.memref_slice %arg17[%dma_start3A_21] : memref<2x!tpu.dma_semaphore, #tpu.memory_space<semaphore_mem>> -> memref<1x!tpu.dma_semaphore, #tpu.memory_space<semaphore_mem>>
    %dma_start3A_24 = tpu.memref_squeeze %dma_start3A_23 : memref<1x!tpu.dma_semaphore, #tpu.memory_space<semaphore_mem>> -> memref<!tpu.dma_semaphore, #tpu.memory_space<semaphore_mem>>
    %dma_start3A_25 = tpu.memref_slice %arg3[%add3A_20] : memref<1638400xi32, #tpu.memory_space<hbm>> -> memref<128xi32, #tpu.memory_space<hbm>>
    tpu.enqueue_dma source(%dma_start3A_25 : memref<128xi32, #tpu.memory_space<hbm>>) target(%arg8 : memref<128xi32, #tpu.memory_space<vmem>>) target_semaphore(%dma_start3A_24 : memref<!tpu.dma_semaphore, #tpu.memory_space<semaphore_mem>>)
    %add3A_26 = arith.constant 1 : i32
    %add3A_27 = arith.addi %mul3A_2, %add3A_26 : i32
    %mul3A_28 = arith.constant 2 : i32
    %mul3A_29 = arith.muli %add3A_27, %mul3A_28 : i32
    %mul3A_30 = arith.constant 128 : i32
    %mul3A_31 = arith.muli %mul3A_29, %mul3A_30 : i32
    %dma_start3A_32 = arith.constant 1 : i32
    %dma_start3A_33 = tpu.memref_slice %arg3[%mul3A_31] : memref<1638400xi32, #tpu.memory_space<hbm>> -> memref<128xi32, #tpu.memory_space<hbm>>
    %dma_start3A_34 = tpu.memref_slice %arg16[%dma_start3A_32] : memref<2x!tpu.dma_semaphore, #tpu.memory_space<semaphore_mem>> -> memref<1x!tpu.dma_semaphore, #tpu.memory_space<semaphore_mem>>
    %dma_start3A_35 = tpu.memref_squeeze %dma_start3A_34 : memref<1x!tpu.dma_semaphore, #tpu.memory_space<semaphore_mem>> -> memref<!tpu.dma_semaphore, #tpu.memory_space<semaphore_mem>>
    %dma_start3A_36 = tpu.memref_slice %arg3[%mul3A_31] : memref<1638400xi32, #tpu.memory_space<hbm>> -> memref<128xi32, #tpu.memory_space<hbm>>
    tpu.enqueue_dma source(%dma_start3A_36 : memref<128xi32, #tpu.memory_space<hbm>>) target(%arg7 : memref<128xi32, #tpu.memory_space<vmem>>) target_semaphore(%dma_start3A_35 : memref<!tpu.dma_semaphore, #tpu.memory_space<semaphore_mem>>)
    %add3A_37 = arith.constant 1 : i32
    %add3A_38 = arith.addi %mul3A_2, %add3A_37 : i32
    %mul3A_39 = arith.constant 2 : i32
    %mul3A_40 = arith.muli %add3A_38, %mul3A_39 : i32
    %mul3A_41 = arith.constant 128 : i32
    %mul3A_42 = arith.muli %mul3A_40, %mul3A_41 : i32
    %add3A_43 = arith.constant 128 : i32
    %add3A_44 = arith.addi %mul3A_42, %add3A_43 : i32
    %dma_start3A_45 = arith.constant 1 : i32
    %dma_start3A_46 = tpu.memref_slice %arg3[%add3A_44] : memref<1638400xi32, #tpu.memory_space<hbm>> -> memref<128xi32, #tpu.memory_space<hbm>>
    %dma_start3A_47 = tpu.memref_slice %arg17[%dma_start3A_45] : memref<2x!tpu.dma_semaphore, #tpu.memory_space<semaphore_mem>> -> memref<1x!tpu.dma_semaphore, #tpu.memory_space<semaphore_mem>>
    %dma_start3A_48 = tpu.memref_squeeze %dma_start3A_47 : memref<1x!tpu.dma_semaphore, #tpu.memory_space<semaphore_mem>> -> memref<!tpu.dma_semaphore, #tpu.memory_space<semaphore_mem>>
    %dma_start3A_49 = tpu.memref_slice %arg3[%add3A_44] : memref<1638400xi32, #tpu.memory_space<hbm>> -> memref<128xi32, #tpu.memory_space<hbm>>
    tpu.enqueue_dma source(%dma_start3A_49 : memref<128xi32, #tpu.memory_space<hbm>>) target(%arg9 : memref<128xi32, #tpu.memory_space<vmem>>) target_semaphore(%dma_start3A_48 : memref<!tpu.dma_semaphore, #tpu.memory_space<semaphore_mem>>)
    %add3A_50 = arith.constant 0 : i32
    %add3A_51 = arith.addi %mul3A_2, %add3A_50 : i32
    %mul3A_52 = arith.constant 2 : i32
    %mul3A_53 = arith.muli %add3A_51, %mul3A_52 : i32
    %mul3A_54 = arith.constant 128 : i32
    %mul3A_55 = arith.muli %mul3A_53, %mul3A_54 : i32
    %dma_wait3A = arith.constant 0 : i32
    %dma_wait3A_56 = tpu.memref_slice %arg3[%mul3A_55] : memref<1638400xi32, #tpu.memory_space<hbm>> -> memref<128xi32, #tpu.memory_space<hbm>>
    %dma_wait3A_57 = tpu.memref_slice %arg16[%dma_wait3A] : memref<2x!tpu.dma_semaphore, #tpu.memory_space<semaphore_mem>> -> memref<1x!tpu.dma_semaphore, #tpu.memory_space<semaphore_mem>>
    %dma_wait3A_58 = tpu.memref_squeeze %dma_wait3A_57 : memref<1x!tpu.dma_semaphore, #tpu.memory_space<semaphore_mem>> -> memref<!tpu.dma_semaphore, #tpu.memory_space<semaphore_mem>>
    %dma_wait3A_59 = tpu.memref_slice %arg3[%mul3A_55] : memref<1638400xi32, #tpu.memory_space<hbm>> -> memref<128xi32, #tpu.memory_space<hbm>>
    tpu.wait_dma2 semaphore(%dma_wait3A_58 : memref<!tpu.dma_semaphore, #tpu.memory_space<semaphore_mem>>) src(%dma_wait3A_59 : memref<128xi32, #tpu.memory_space<hbm>>) dst(%arg6 : memref<128xi32, #tpu.memory_space<vmem>>)
    %add3A_60 = arith.constant 0 : i32
    %add3A_61 = arith.addi %mul3A_2, %add3A_60 : i32
    %mul3A_62 = arith.constant 2 : i32
    %mul3A_63 = arith.muli %add3A_61, %mul3A_62 : i32
    %mul3A_64 = arith.constant 128 : i32
    %mul3A_65 = arith.muli %mul3A_63, %mul3A_64 : i32
    %add3A_66 = arith.constant 128 : i32
    %add3A_67 = arith.addi %mul3A_65, %add3A_66 : i32
    %dma_wait3A_68 = arith.constant 0 : i32
    %dma_wait3A_69 = tpu.memref_slice %arg3[%add3A_67] : memref<1638400xi32, #tpu.memory_space<hbm>> -> memref<128xi32, #tpu.memory_space<hbm>>
    %dma_wait3A_70 = tpu.memref_slice %arg17[%dma_wait3A_68] : memref<2x!tpu.dma_semaphore, #tpu.memory_space<semaphore_mem>> -> memref<1x!tpu.dma_semaphore, #tpu.memory_space<semaphore_mem>>
    %dma_wait3A_71 = tpu.memref_squeeze %dma_wait3A_70 : memref<1x!tpu.dma_semaphore, #tpu.memory_space<semaphore_mem>> -> memref<!tpu.dma_semaphore, #tpu.memory_space<semaphore_mem>>
    %dma_wait3A_72 = tpu.memref_slice %arg3[%add3A_67] : memref<1638400xi32, #tpu.memory_space<hbm>> -> memref<128xi32, #tpu.memory_space<hbm>>
    tpu.wait_dma2 semaphore(%dma_wait3A_71 : memref<!tpu.dma_semaphore, #tpu.memory_space<semaphore_mem>>) src(%dma_wait3A_72 : memref<128xi32, #tpu.memory_space<hbm>>) dst(%arg8 : memref<128xi32, #tpu.memory_space<vmem>>)
    %dma_start3A_73 = arith.constant 0 : i32
    %dma_start3A_74 = arith.constant 0 : i32
    %dma_start3A_75 = arith.constant 0 : i32
    %dma_start3A_76 = tpu.memref_slice %arg4[%dma_start3A_74, %dma_start3A_75] : memref<1200x128xf32, #tpu.memory_space<hbm>> -> memref<1200x128xf32, #tpu.memory_space<hbm>>
    %dma_start3A_77 = tpu.memref_slice %arg18[%dma_start3A_73] : memref<2x!tpu.dma_semaphore, #tpu.memory_space<semaphore_mem>> -> memref<1x!tpu.dma_semaphore, #tpu.memory_space<semaphore_mem>>
    %dma_start3A_78 = tpu.memref_squeeze %dma_start3A_77 : memref<1x!tpu.dma_semaphore, #tpu.memory_space<semaphore_mem>> -> memref<!tpu.dma_semaphore, #tpu.memory_space<semaphore_mem>>
    tpu.enqueue_indirect_dma source(%dma_start3A_76 : memref<1200x128xf32, #tpu.memory_space<hbm>>) target(%arg10 : memref<128x128xf32, #tpu.memory_space<vmem>>) offsets(%arg6 : memref<128xi32, #tpu.memory_space<vmem>>) semaphore(%dma_start3A_78 : memref<!tpu.dma_semaphore, #tpu.memory_space<semaphore_mem>>)
    %dma_start3A_79 = arith.constant 0 : i32
    %dma_start3A_80 = arith.constant 0 : i32
    %dma_start3A_81 = arith.constant 0 : i32
    %dma_start3A_82 = tpu.memref_slice %arg4[%dma_start3A_80, %dma_start3A_81] : memref<1200x128xf32, #tpu.memory_space<hbm>> -> memref<1200x128xf32, #tpu.memory_space<hbm>>
    %dma_start3A_83 = tpu.memref_slice %arg19[%dma_start3A_79] : memref<2x!tpu.dma_semaphore, #tpu.memory_space<semaphore_mem>> -> memref<1x!tpu.dma_semaphore, #tpu.memory_space<semaphore_mem>>
    %dma_start3A_84 = tpu.memref_squeeze %dma_start3A_83 : memref<1x!tpu.dma_semaphore, #tpu.memory_space<semaphore_mem>> -> memref<!tpu.dma_semaphore, #tpu.memory_space<semaphore_mem>>
    tpu.enqueue_indirect_dma source(%dma_start3A_82 : memref<1200x128xf32, #tpu.memory_space<hbm>>) target(%arg12 : memref<128x128xf32, #tpu.memory_space<vmem>>) offsets(%arg8 : memref<128xi32, #tpu.memory_space<vmem>>) semaphore(%dma_start3A_84 : memref<!tpu.dma_semaphore, #tpu.memory_space<semaphore_mem>>)
    %add3A_85 = arith.constant 0 : i32
    %add3A_86 = arith.addi %mul3A_2, %add3A_85 : i32
    %jit3A = arith.constant 32 : i32
    %div3A = arith.divsi %add3A_86, %jit3A : i32
    %sign3A = arith.constant 0 : i32
    %sign3A_87 = arith.cmpi sgt, %add3A_86, %sign3A : i32
    %sign3A_88 = arith.extui %sign3A_87 : i1 to i32
    %sign3A_89 = arith.constant 0 : i32
    %sign3A_90 = arith.cmpi slt, %add3A_86, %sign3A_89 : i32
    %sign3A_91 = arith.extui %sign3A_90 : i1 to i32
    %sign3A_92 = arith.subi %sign3A_88, %sign3A_91 : i32
    %sign3A_93 = arith.constant 0 : i32
    %sign3A_94 = arith.cmpi sgt, %jit3A, %sign3A_93 : i32
    %sign3A_95 = arith.extui %sign3A_94 : i1 to i32
    %sign3A_96 = arith.constant 0 : i32
    %sign3A_97 = arith.cmpi slt, %jit3A, %sign3A_96 : i32
    %sign3A_98 = arith.extui %sign3A_97 : i1 to i32
    %sign3A_99 = arith.subi %sign3A_95, %sign3A_98 : i32
    %ne3A = arith.cmpi ne, %sign3A_92, %sign3A_99 : i32
    %rem3A = arith.remsi %add3A_86, %jit3A : i32
    %ne3A_100 = arith.constant 0 : i32
    %ne3A_101 = arith.cmpi ne, %rem3A, %ne3A_100 : i32
    %and3A = arith.andi %ne3A, %ne3A_101 : i1
    %sub3A = arith.constant 1 : i32
    %sub3A_102 = arith.subi %div3A, %sub3A : i32
    %select_n3A = arith.select %and3A, %sub3A_102, %div3A : i32
    %mul3A_103 = arith.constant 32 : i32
    %mul3A_104 = arith.muli %select_n3A, %mul3A_103 : i32
    %sub3A_105 = arith.subi %add3A_86, %mul3A_104 : i32
    %mul3A_106 = arith.constant 128 : i32
    %mul3A_107 = arith.muli %sub3A_105, %mul3A_106 : i32
    %dma_start3A_108 = arith.constant 0 : i32
    %dma_start3A_109 = arith.constant 0 : i32
    %dma_start3A_110 = tpu.memref_slice %arg2[%mul3A_107, %select_n3A, %dma_start3A_109] : memref<4096x200x128xf32, #tpu.memory_space<hbm>> -> memref<128x1x128xf32, #tpu.memory_space<hbm>>
    %dma_start3A_111 = tpu.memref_squeeze %dma_start3A_110 : memref<128x1x128xf32, #tpu.memory_space<hbm>> -> memref<128x128xf32, #tpu.memory_space<hbm>>
    %dma_start3A_112 = tpu.memref_slice %arg20[%dma_start3A_108] : memref<2x!tpu.dma_semaphore, #tpu.memory_space<semaphore_mem>> -> memref<1x!tpu.dma_semaphore, #tpu.memory_space<semaphore_mem>>
    %dma_start3A_113 = tpu.memref_squeeze %dma_start3A_112 : memref<1x!tpu.dma_semaphore, #tpu.memory_space<semaphore_mem>> -> memref<!tpu.dma_semaphore, #tpu.memory_space<semaphore_mem>>
    %dma_start3A_114 = arith.constant 0 : i32
    %dma_start3A_115 = tpu.memref_slice %arg2[%mul3A_107, %select_n3A, %dma_start3A_114] : memref<4096x200x128xf32, #tpu.memory_space<hbm>> -> memref<128x1x128xf32, #tpu.memory_space<hbm>>
    %dma_start3A_116 = tpu.memref_squeeze %dma_start3A_115 : memref<128x1x128xf32, #tpu.memory_space<hbm>> -> memref<128x128xf32, #tpu.memory_space<hbm>>
    tpu.enqueue_dma source(%dma_start3A_116 : memref<128x128xf32, #tpu.memory_space<hbm>>) target(%arg14 : memref<128x128xf32, #tpu.memory_space<vmem>>) target_semaphore(%dma_start3A_113 : memref<!tpu.dma_semaphore, #tpu.memory_space<semaphore_mem>>)
    %scan3A = arith.constant 0 : i32
    %scan3A_117 = arith.constant 100 : i32
    %scan3A_118 = arith.addi %scan3A, %scan3A_117 : i32
    %scan3A_119 = arith.constant 1 : i32
    scf.for %scan3A_217 = %scan3A to %scan3A_118 step %scan3A_119  : i32 {
      %mul3A_218 = arith.constant 1 : i32
      %mul3A_219 = arith.muli %scan3A_217, %mul3A_218 : i32
      %add3A_220 = arith.constant 0 : i32
      %add3A_221 = arith.addi %add3A_220, %mul3A_219 : i32
      %mul3A_222 = arith.constant 2 : i32
      %mul3A_223 = arith.muli %mul3A_222, %add3A_221 : i32
      %add3A_224 = arith.constant 0 : i32
      %add3A_225 = arith.addi %mul3A_223, %add3A_224 : i32
      %add3A_226 = arith.constant 1 : i32
      %add3A_227 = arith.addi %add3A_225, %add3A_226 : i32
      %lt3A = arith.constant 200 : i32
      %lt3A_228 = arith.cmpi slt, %add3A_227, %lt3A : i32
      %convert_element_type3A = arith.extui %lt3A_228 : i1 to i32
      %cond3A = arith.constant 0 : i32
      %cond3A_229 = arith.cmpi ne, %convert_element_type3A, %cond3A : i32
      scf.if %cond3A_229 {
        %add3A_588 = arith.constant 1 : i32
        %add3A_589 = arith.addi %add3A_225, %add3A_588 : i32
        %add3A_590 = arith.addi %mul3A_2, %add3A_589 : i32
        %mul3A_591 = arith.constant 2 : i32
        %mul3A_592 = arith.muli %add3A_590, %mul3A_591 : i32
        %mul3A_593 = arith.constant 128 : i32
        %mul3A_594 = arith.muli %mul3A_592, %mul3A_593 : i32
        %dma_wait3A_595 = arith.constant 1 : i32
        %dma_wait3A_596 = tpu.memref_slice %arg3[%mul3A_594] : memref<1638400xi32, #tpu.memory_space<hbm>> -> memref<128xi32, #tpu.memory_space<hbm>>
        %dma_wait3A_597 = tpu.memref_slice %arg16[%dma_wait3A_595] : memref<2x!tpu.dma_semaphore, #tpu.memory_space<semaphore_mem>> -> memref<1x!tpu.dma_semaphore, #tpu.memory_space<semaphore_mem>>
        %dma_wait3A_598 = tpu.memref_squeeze %dma_wait3A_597 : memref<1x!tpu.dma_semaphore, #tpu.memory_space<semaphore_mem>> -> memref<!tpu.dma_semaphore, #tpu.memory_space<semaphore_mem>>
        %dma_wait3A_599 = tpu.memref_slice %arg3[%mul3A_594] : memref<1638400xi32, #tpu.memory_space<hbm>> -> memref<128xi32, #tpu.memory_space<hbm>>
        tpu.wait_dma2 semaphore(%dma_wait3A_598 : memref<!tpu.dma_semaphore, #tpu.memory_space<semaphore_mem>>) src(%dma_wait3A_599 : memref<128xi32, #tpu.memory_space<hbm>>) dst(%arg7 : memref<128xi32, #tpu.memory_space<vmem>>)
        %add3A_600 = arith.addi %mul3A_2, %add3A_589 : i32
        %mul3A_601 = arith.constant 2 : i32
        %mul3A_602 = arith.muli %add3A_600, %mul3A_601 : i32
        %mul3A_603 = arith.constant 128 : i32
        %mul3A_604 = arith.muli %mul3A_602, %mul3A_603 : i32
        %add3A_605 = arith.constant 128 : i32
        %add3A_606 = arith.addi %mul3A_604, %add3A_605 : i32
        %dma_wait3A_607 = arith.constant 1 : i32
        %dma_wait3A_608 = tpu.memref_slice %arg3[%add3A_606] : memref<1638400xi32, #tpu.memory_space<hbm>> -> memref<128xi32, #tpu.memory_space<hbm>>
        %dma_wait3A_609 = tpu.memref_slice %arg17[%dma_wait3A_607] : memref<2x!tpu.dma_semaphore, #tpu.memory_space<semaphore_mem>> -> memref<1x!tpu.dma_semaphore, #tpu.memory_space<semaphore_mem>>
        %dma_wait3A_610 = tpu.memref_squeeze %dma_wait3A_609 : memref<1x!tpu.dma_semaphore, #tpu.memory_space<semaphore_mem>> -> memref<!tpu.dma_semaphore, #tpu.memory_space<semaphore_mem>>
        %dma_wait3A_611 = tpu.memref_slice %arg3[%add3A_606] : memref<1638400xi32, #tpu.memory_space<hbm>> -> memref<128xi32, #tpu.memory_space<hbm>>
        tpu.wait_dma2 semaphore(%dma_wait3A_610 : memref<!tpu.dma_semaphore, #tpu.memory_space<semaphore_mem>>) src(%dma_wait3A_611 : memref<128xi32, #tpu.memory_space<hbm>>) dst(%arg9 : memref<128xi32, #tpu.memory_space<vmem>>)
        %add3A_612 = arith.constant 1 : i32
        %add3A_613 = arith.addi %add3A_225, %add3A_612 : i32
        %dma_start3A_614 = arith.constant 1 : i32
        %dma_start3A_615 = arith.constant 0 : i32
        %dma_start3A_616 = arith.constant 0 : i32
        %dma_start3A_617 = tpu.memref_slice %arg4[%dma_start3A_615, %dma_start3A_616] : memref<1200x128xf32, #tpu.memory_space<hbm>> -> memref<1200x128xf32, #tpu.memory_space<hbm>>
        %dma_start3A_618 = tpu.memref_slice %arg18[%dma_start3A_614] : memref<2x!tpu.dma_semaphore, #tpu.memory_space<semaphore_mem>> -> memref<1x!tpu.dma_semaphore, #tpu.memory_space<semaphore_mem>>
        %dma_start3A_619 = tpu.memref_squeeze %dma_start3A_618 : memref<1x!tpu.dma_semaphore, #tpu.memory_space<semaphore_mem>> -> memref<!tpu.dma_semaphore, #tpu.memory_space<semaphore_mem>>
        tpu.enqueue_indirect_dma source(%dma_start3A_617 : memref<1200x128xf32, #tpu.memory_space<hbm>>) target(%arg11 : memref<128x128xf32, #tpu.memory_space<vmem>>) offsets(%arg7 : memref<128xi32, #tpu.memory_space<vmem>>) semaphore(%dma_start3A_619 : memref<!tpu.dma_semaphore, #tpu.memory_space<semaphore_mem>>)
        %add3A_620 = arith.constant 1 : i32
        %add3A_621 = arith.addi %add3A_225, %add3A_620 : i32
        %dma_start3A_622 = arith.constant 1 : i32
        %dma_start3A_623 = arith.constant 0 : i32
        %dma_start3A_624 = arith.constant 0 : i32
        %dma_start3A_625 = tpu.memref_slice %arg4[%dma_start3A_623, %dma_start3A_624] : memref<1200x128xf32, #tpu.memory_space<hbm>> -> memref<1200x128xf32, #tpu.memory_space<hbm>>
        %dma_start3A_626 = tpu.memref_slice %arg19[%dma_start3A_622] : memref<2x!tpu.dma_semaphore, #tpu.memory_space<semaphore_mem>> -> memref<1x!tpu.dma_semaphore, #tpu.memory_space<semaphore_mem>>
        %dma_start3A_627 = tpu.memref_squeeze %dma_start3A_626 : memref<1x!tpu.dma_semaphore, #tpu.memory_space<semaphore_mem>> -> memref<!tpu.dma_semaphore, #tpu.memory_space<semaphore_mem>>
        tpu.enqueue_indirect_dma source(%dma_start3A_625 : memref<1200x128xf32, #tpu.memory_space<hbm>>) target(%arg13 : memref<128x128xf32, #tpu.memory_space<vmem>>) offsets(%arg9 : memref<128xi32, #tpu.memory_space<vmem>>) semaphore(%dma_start3A_627 : memref<!tpu.dma_semaphore, #tpu.memory_space<semaphore_mem>>)
      } else {
      }
      %ge3A = arith.constant 1 : i32
      %ge3A_230 = arith.cmpi sge, %add3A_225, %ge3A : i32
      %convert_element_type3A_231 = arith.extui %ge3A_230 : i1 to i32
      %cond3A_232 = arith.constant 0 : i32
      %cond3A_233 = arith.cmpi ne, %convert_element_type3A_231, %cond3A_232 : i32
      scf.if %cond3A_233 {
        %sub3A_588 = arith.constant 1 : i32
        %sub3A_589 = arith.subi %add3A_225, %sub3A_588 : i32
        %add3A_590 = arith.addi %mul3A_2, %sub3A_589 : i32
        %jit3A_591 = arith.constant 32 : i32
        %div3A_592 = arith.divsi %add3A_590, %jit3A_591 : i32
        %sign3A_593 = arith.constant 0 : i32
        %sign3A_594 = arith.cmpi sgt, %add3A_590, %sign3A_593 : i32
        %sign3A_595 = arith.extui %sign3A_594 : i1 to i32
        %sign3A_596 = arith.constant 0 : i32
        %sign3A_597 = arith.cmpi slt, %add3A_590, %sign3A_596 : i32
        %sign3A_598 = arith.extui %sign3A_597 : i1 to i32
        %sign3A_599 = arith.subi %sign3A_595, %sign3A_598 : i32
        %sign3A_600 = arith.constant 0 : i32
        %sign3A_601 = arith.cmpi sgt, %jit3A_591, %sign3A_600 : i32
        %sign3A_602 = arith.extui %sign3A_601 : i1 to i32
        %sign3A_603 = arith.constant 0 : i32
        %sign3A_604 = arith.cmpi slt, %jit3A_591, %sign3A_603 : i32
        %sign3A_605 = arith.extui %sign3A_604 : i1 to i32
        %sign3A_606 = arith.subi %sign3A_602, %sign3A_605 : i32
        %ne3A_607 = arith.cmpi ne, %sign3A_599, %sign3A_606 : i32
        %rem3A_608 = arith.remsi %add3A_590, %jit3A_591 : i32
        %ne3A_609 = arith.constant 0 : i32
        %ne3A_610 = arith.cmpi ne, %rem3A_608, %ne3A_609 : i32
        %and3A_611 = arith.andi %ne3A_607, %ne3A_610 : i1
        %sub3A_612 = arith.constant 1 : i32
        %sub3A_613 = arith.subi %div3A_592, %sub3A_612 : i32
        %select_n3A_614 = arith.select %and3A_611, %sub3A_613, %div3A_592 : i32
        %mul3A_615 = arith.constant 32 : i32
        %mul3A_616 = arith.muli %select_n3A_614, %mul3A_615 : i32
        %sub3A_617 = arith.subi %add3A_590, %mul3A_616 : i32
        %mul3A_618 = arith.constant 128 : i32
        %mul3A_619 = arith.muli %sub3A_617, %mul3A_618 : i32
        %add3A_620 = arith.constant 0 : i32
        %add3A_621 = arith.addi %mul3A_619, %add3A_620 : i32
        %dma_wait3A_622 = arith.constant 1 : i32
        %dma_wait3A_623 = arith.constant 0 : i32
        %dma_wait3A_624 = arith.constant 0 : i32
        %dma_wait3A_625 = tpu.memref_slice %arg15[%dma_wait3A_623, %dma_wait3A_624] : memref<128x128xf32, #tpu.memory_space<vmem>> -> memref<64x128xf32, #tpu.memory_space<vmem>>
        %dma_wait3A_626 = arith.constant 0 : i32
        %dma_wait3A_627 = tpu.memref_slice %arg5[%add3A_621, %select_n3A_614, %dma_wait3A_626] : memref<4096x200x128xf32, #tpu.memory_space<hbm>> -> memref<64x1x128xf32, #tpu.memory_space<hbm>>
        %dma_wait3A_628 = tpu.memref_squeeze %dma_wait3A_627 : memref<64x1x128xf32, #tpu.memory_space<hbm>> -> memref<64x128xf32, #tpu.memory_space<hbm>>
        %dma_wait3A_629 = tpu.memref_slice %arg21[%dma_wait3A_622] : memref<2x!tpu.dma_semaphore, #tpu.memory_space<semaphore_mem>> -> memref<1x!tpu.dma_semaphore, #tpu.memory_space<semaphore_mem>>
        %dma_wait3A_630 = tpu.memref_squeeze %dma_wait3A_629 : memref<1x!tpu.dma_semaphore, #tpu.memory_space<semaphore_mem>> -> memref<!tpu.dma_semaphore, #tpu.memory_space<semaphore_mem>>
        %dma_wait3A_631 = arith.constant 0 : i32
        %dma_wait3A_632 = tpu.memref_slice %arg5[%add3A_621, %select_n3A_614, %dma_wait3A_631] : memref<4096x200x128xf32, #tpu.memory_space<hbm>> -> memref<64x1x128xf32, #tpu.memory_space<hbm>>
        %dma_wait3A_633 = tpu.memref_squeeze %dma_wait3A_632 : memref<64x1x128xf32, #tpu.memory_space<hbm>> -> memref<64x128xf32, #tpu.memory_space<hbm>>
        %dma_wait3A_634 = arith.constant 0 : i32
        %dma_wait3A_635 = arith.constant 0 : i32
        %dma_wait3A_636 = tpu.memref_slice %arg15[%dma_wait3A_634, %dma_wait3A_635] : memref<128x128xf32, #tpu.memory_space<vmem>> -> memref<64x128xf32, #tpu.memory_space<vmem>>
        tpu.wait_dma2 semaphore(%dma_wait3A_630 : memref<!tpu.dma_semaphore, #tpu.memory_space<semaphore_mem>>) src(%dma_wait3A_636 : memref<64x128xf32, #tpu.memory_space<vmem>>) dst(%dma_wait3A_633 : memref<64x128xf32, #tpu.memory_space<hbm>>)
        %add3A_637 = arith.addi %mul3A_2, %sub3A_589 : i32
        %jit3A_638 = arith.constant 32 : i32
        %div3A_639 = arith.divsi %add3A_637, %jit3A_638 : i32
        %sign3A_640 = arith.constant 0 : i32
        %sign3A_641 = arith.cmpi sgt, %add3A_637, %sign3A_640 : i32
        %sign3A_642 = arith.extui %sign3A_641 : i1 to i32
        %sign3A_643 = arith.constant 0 : i32
        %sign3A_644 = arith.cmpi slt, %add3A_637, %sign3A_643 : i32
        %sign3A_645 = arith.extui %sign3A_644 : i1 to i32
        %sign3A_646 = arith.subi %sign3A_642, %sign3A_645 : i32
        %sign3A_647 = arith.constant 0 : i32
        %sign3A_648 = arith.cmpi sgt, %jit3A_638, %sign3A_647 : i32
        %sign3A_649 = arith.extui %sign3A_648 : i1 to i32
        %sign3A_650 = arith.constant 0 : i32
        %sign3A_651 = arith.cmpi slt, %jit3A_638, %sign3A_650 : i32
        %sign3A_652 = arith.extui %sign3A_651 : i1 to i32
        %sign3A_653 = arith.subi %sign3A_649, %sign3A_652 : i32
        %ne3A_654 = arith.cmpi ne, %sign3A_646, %sign3A_653 : i32
        %rem3A_655 = arith.remsi %add3A_637, %jit3A_638 : i32
        %ne3A_656 = arith.constant 0 : i32
        %ne3A_657 = arith.cmpi ne, %rem3A_655, %ne3A_656 : i32
        %and3A_658 = arith.andi %ne3A_654, %ne3A_657 : i1
        %sub3A_659 = arith.constant 1 : i32
        %sub3A_660 = arith.subi %div3A_639, %sub3A_659 : i32
        %select_n3A_661 = arith.select %and3A_658, %sub3A_660, %div3A_639 : i32
        %mul3A_662 = arith.constant 32 : i32
        %mul3A_663 = arith.muli %select_n3A_661, %mul3A_662 : i32
        %sub3A_664 = arith.subi %add3A_637, %mul3A_663 : i32
        %mul3A_665 = arith.constant 128 : i32
        %mul3A_666 = arith.muli %sub3A_664, %mul3A_665 : i32
        %add3A_667 = arith.constant 64 : i32
        %add3A_668 = arith.addi %mul3A_666, %add3A_667 : i32
        %dma_wait3A_669 = arith.constant 1 : i32
        %dma_wait3A_670 = arith.constant 64 : i32
        %dma_wait3A_671 = arith.constant 0 : i32
        %dma_wait3A_672 = tpu.memref_slice %arg15[%dma_wait3A_670, %dma_wait3A_671] : memref<128x128xf32, #tpu.memory_space<vmem>> -> memref<64x128xf32, #tpu.memory_space<vmem>>
        %dma_wait3A_673 = arith.constant 0 : i32
        %dma_wait3A_674 = tpu.memref_slice %arg5[%add3A_668, %select_n3A_661, %dma_wait3A_673] : memref<4096x200x128xf32, #tpu.memory_space<hbm>> -> memref<64x1x128xf32, #tpu.memory_space<hbm>>
        %dma_wait3A_675 = tpu.memref_squeeze %dma_wait3A_674 : memref<64x1x128xf32, #tpu.memory_space<hbm>> -> memref<64x128xf32, #tpu.memory_space<hbm>>
        %dma_wait3A_676 = tpu.memref_slice %arg21[%dma_wait3A_669] : memref<2x!tpu.dma_semaphore, #tpu.memory_space<semaphore_mem>> -> memref<1x!tpu.dma_semaphore, #tpu.memory_space<semaphore_mem>>
        %dma_wait3A_677 = tpu.memref_squeeze %dma_wait3A_676 : memref<1x!tpu.dma_semaphore, #tpu.memory_space<semaphore_mem>> -> memref<!tpu.dma_semaphore, #tpu.memory_space<semaphore_mem>>
        %dma_wait3A_678 = arith.constant 0 : i32
        %dma_wait3A_679 = tpu.memref_slice %arg5[%add3A_668, %select_n3A_661, %dma_wait3A_678] : memref<4096x200x128xf32, #tpu.memory_space<hbm>> -> memref<64x1x128xf32, #tpu.memory_space<hbm>>
        %dma_wait3A_680 = tpu.memref_squeeze %dma_wait3A_679 : memref<64x1x128xf32, #tpu.memory_space<hbm>> -> memref<64x128xf32, #tpu.memory_space<hbm>>
        %dma_wait3A_681 = arith.constant 64 : i32
        %dma_wait3A_682 = arith.constant 0 : i32
        %dma_wait3A_683 = tpu.memref_slice %arg15[%dma_wait3A_681, %dma_wait3A_682] : memref<128x128xf32, #tpu.memory_space<vmem>> -> memref<64x128xf32, #tpu.memory_space<vmem>>
        tpu.wait_dma2 semaphore(%dma_wait3A_677 : memref<!tpu.dma_semaphore, #tpu.memory_space<semaphore_mem>>) src(%dma_wait3A_683 : memref<64x128xf32, #tpu.memory_space<vmem>>) dst(%dma_wait3A_680 : memref<64x128xf32, #tpu.memory_space<hbm>>)
      } else {
      }
      %add3A_234 = arith.constant 1 : i32
      %add3A_235 = arith.addi %add3A_225, %add3A_234 : i32
      %lt3A_236 = arith.constant 200 : i32
      %lt3A_237 = arith.cmpi slt, %add3A_235, %lt3A_236 : i32
      %convert_element_type3A_238 = arith.extui %lt3A_237 : i1 to i32
      %cond3A_239 = arith.constant 0 : i32
      %cond3A_240 = arith.cmpi ne, %convert_element_type3A_238, %cond3A_239 : i32
      scf.if %cond3A_240 {
        %add3A_588 = arith.constant 1 : i32
        %add3A_589 = arith.addi %add3A_225, %add3A_588 : i32
        %add3A_590 = arith.addi %mul3A_2, %add3A_589 : i32
        %jit3A_591 = arith.constant 32 : i32
        %div3A_592 = arith.divsi %add3A_590, %jit3A_591 : i32
        %sign3A_593 = arith.constant 0 : i32
        %sign3A_594 = arith.cmpi sgt, %add3A_590, %sign3A_593 : i32
        %sign3A_595 = arith.extui %sign3A_594 : i1 to i32
        %sign3A_596 = arith.constant 0 : i32
        %sign3A_597 = arith.cmpi slt, %add3A_590, %sign3A_596 : i32
        %sign3A_598 = arith.extui %sign3A_597 : i1 to i32
        %sign3A_599 = arith.subi %sign3A_595, %sign3A_598 : i32
        %sign3A_600 = arith.constant 0 : i32
        %sign3A_601 = arith.cmpi sgt, %jit3A_591, %sign3A_600 : i32
        %sign3A_602 = arith.extui %sign3A_601 : i1 to i32
        %sign3A_603 = arith.constant 0 : i32
        %sign3A_604 = arith.cmpi slt, %jit3A_591, %sign3A_603 : i32
        %sign3A_605 = arith.extui %sign3A_604 : i1 to i32
        %sign3A_606 = arith.subi %sign3A_602, %sign3A_605 : i32
        %ne3A_607 = arith.cmpi ne, %sign3A_599, %sign3A_606 : i32
        %rem3A_608 = arith.remsi %add3A_590, %jit3A_591 : i32
        %ne3A_609 = arith.constant 0 : i32
        %ne3A_610 = arith.cmpi ne, %rem3A_608, %ne3A_609 : i32
        %and3A_611 = arith.andi %ne3A_607, %ne3A_610 : i1
        %sub3A_612 = arith.constant 1 : i32
        %sub3A_613 = arith.subi %div3A_592, %sub3A_612 : i32
        %select_n3A_614 = arith.select %and3A_611, %sub3A_613, %div3A_592 : i32
        %mul3A_615 = arith.constant 32 : i32
        %mul3A_616 = arith.muli %select_n3A_614, %mul3A_615 : i32
        %sub3A_617 = arith.subi %add3A_590, %mul3A_616 : i32
        %mul3A_618 = arith.constant 128 : i32
        %mul3A_619 = arith.muli %sub3A_617, %mul3A_618 : i32
        %dma_start3A_620 = arith.constant 1 : i32
        %dma_start3A_621 = arith.constant 0 : i32
        %dma_start3A_622 = tpu.memref_slice %arg2[%mul3A_619, %select_n3A_614, %dma_start3A_621] : memref<4096x200x128xf32, #tpu.memory_space<hbm>> -> memref<128x1x128xf32, #tpu.memory_space<hbm>>
        %dma_start3A_623 = tpu.memref_squeeze %dma_start3A_622 : memref<128x1x128xf32, #tpu.memory_space<hbm>> -> memref<128x128xf32, #tpu.memory_space<hbm>>
        %dma_start3A_624 = tpu.memref_slice %arg20[%dma_start3A_620] : memref<2x!tpu.dma_semaphore, #tpu.memory_space<semaphore_mem>> -> memref<1x!tpu.dma_semaphore, #tpu.memory_space<semaphore_mem>>
        %dma_start3A_625 = tpu.memref_squeeze %dma_start3A_624 : memref<1x!tpu.dma_semaphore, #tpu.memory_space<semaphore_mem>> -> memref<!tpu.dma_semaphore, #tpu.memory_space<semaphore_mem>>
        %dma_start3A_626 = arith.constant 0 : i32
        %dma_start3A_627 = tpu.memref_slice %arg2[%mul3A_619, %select_n3A_614, %dma_start3A_626] : memref<4096x200x128xf32, #tpu.memory_space<hbm>> -> memref<128x1x128xf32, #tpu.memory_space<hbm>>
        %dma_start3A_628 = tpu.memref_squeeze %dma_start3A_627 : memref<128x1x128xf32, #tpu.memory_space<hbm>> -> memref<128x128xf32, #tpu.memory_space<hbm>>
        tpu.enqueue_dma source(%dma_start3A_628 : memref<128x128xf32, #tpu.memory_space<hbm>>) target(%arg15 : memref<128x128xf32, #tpu.memory_space<vmem>>) target_semaphore(%dma_start3A_625 : memref<!tpu.dma_semaphore, #tpu.memory_space<semaphore_mem>>)
      } else {
      }
      %dma_wait3A_241 = arith.constant 0 : i32
      %dma_wait3A_242 = arith.constant 0 : i32
      %dma_wait3A_243 = arith.constant 0 : i32
      %dma_wait3A_244 = tpu.memref_slice %arg4[%dma_wait3A_242, %dma_wait3A_243] : memref<1200x128xf32, #tpu.memory_space<hbm>> -> memref<1200x128xf32, #tpu.memory_space<hbm>>
      %dma_wait3A_245 = tpu.memref_slice %arg18[%dma_wait3A_241] : memref<2x!tpu.dma_semaphore, #tpu.memory_space<semaphore_mem>> -> memref<1x!tpu.dma_semaphore, #tpu.memory_space<semaphore_mem>>
      %dma_wait3A_246 = tpu.memref_squeeze %dma_wait3A_245 : memref<1x!tpu.dma_semaphore, #tpu.memory_space<semaphore_mem>> -> memref<!tpu.dma_semaphore, #tpu.memory_space<semaphore_mem>>
      tpu.wait_indirect_dma semaphore(%dma_wait3A_246 : memref<!tpu.dma_semaphore, #tpu.memory_space<semaphore_mem>>) src(%dma_wait3A_244 : memref<1200x128xf32, #tpu.memory_space<hbm>>) dst(%arg10 : memref<128x128xf32, #tpu.memory_space<vmem>>)
      %dma_wait3A_247 = arith.constant 0 : i32
      %dma_wait3A_248 = arith.constant 0 : i32
      %dma_wait3A_249 = arith.constant 0 : i32
      %dma_wait3A_250 = tpu.memref_slice %arg4[%dma_wait3A_248, %dma_wait3A_249] : memref<1200x128xf32, #tpu.memory_space<hbm>> -> memref<1200x128xf32, #tpu.memory_space<hbm>>
      %dma_wait3A_251 = tpu.memref_slice %arg19[%dma_wait3A_247] : memref<2x!tpu.dma_semaphore, #tpu.memory_space<semaphore_mem>> -> memref<1x!tpu.dma_semaphore, #tpu.memory_space<semaphore_mem>>
      %dma_wait3A_252 = tpu.memref_squeeze %dma_wait3A_251 : memref<1x!tpu.dma_semaphore, #tpu.memory_space<semaphore_mem>> -> memref<!tpu.dma_semaphore, #tpu.memory_space<semaphore_mem>>
      tpu.wait_indirect_dma semaphore(%dma_wait3A_252 : memref<!tpu.dma_semaphore, #tpu.memory_space<semaphore_mem>>) src(%dma_wait3A_250 : memref<1200x128xf32, #tpu.memory_space<hbm>>) dst(%arg12 : memref<128x128xf32, #tpu.memory_space<vmem>>)
      %add3A_253 = arith.addi %mul3A_2, %add3A_225 : i32
      %jit3A_254 = arith.constant 32 : i32
      %div3A_255 = arith.divsi %add3A_253, %jit3A_254 : i32
      %sign3A_256 = arith.constant 0 : i32
      %sign3A_257 = arith.cmpi sgt, %add3A_253, %sign3A_256 : i32
      %sign3A_258 = arith.extui %sign3A_257 : i1 to i32
      %sign3A_259 = arith.constant 0 : i32
      %sign3A_260 = arith.cmpi slt, %add3A_253, %sign3A_259 : i32
      %sign3A_261 = arith.extui %sign3A_260 : i1 to i32
      %sign3A_262 = arith.subi %sign3A_258, %sign3A_261 : i32
      %sign3A_263 = arith.constant 0 : i32
      %sign3A_264 = arith.cmpi sgt, %jit3A_254, %sign3A_263 : i32
      %sign3A_265 = arith.extui %sign3A_264 : i1 to i32
      %sign3A_266 = arith.constant 0 : i32
      %sign3A_267 = arith.cmpi slt, %jit3A_254, %sign3A_266 : i32
      %sign3A_268 = arith.extui %sign3A_267 : i1 to i32
      %sign3A_269 = arith.subi %sign3A_265, %sign3A_268 : i32
      %ne3A_270 = arith.cmpi ne, %sign3A_262, %sign3A_269 : i32
      %rem3A_271 = arith.remsi %add3A_253, %jit3A_254 : i32
      %ne3A_272 = arith.constant 0 : i32
      %ne3A_273 = arith.cmpi ne, %rem3A_271, %ne3A_272 : i32
      %and3A_274 = arith.andi %ne3A_270, %ne3A_273 : i1
      %sub3A_275 = arith.constant 1 : i32
      %sub3A_276 = arith.subi %div3A_255, %sub3A_275 : i32
      %select_n3A_277 = arith.select %and3A_274, %sub3A_276, %div3A_255 : i32
      %mul3A_278 = arith.constant 32 : i32
      %mul3A_279 = arith.muli %select_n3A_277, %mul3A_278 : i32
      %sub3A_280 = arith.subi %add3A_253, %mul3A_279 : i32
      %mul3A_281 = arith.constant 128 : i32
      %mul3A_282 = arith.muli %sub3A_280, %mul3A_281 : i32
      %dma_wait3A_283 = arith.constant 0 : i32
      %dma_wait3A_284 = arith.constant 0 : i32
      %dma_wait3A_285 = tpu.memref_slice %arg2[%mul3A_282, %select_n3A_277, %dma_wait3A_284] : memref<4096x200x128xf32, #tpu.memory_space<hbm>> -> memref<128x1x128xf32, #tpu.memory_space<hbm>>
      %dma_wait3A_286 = tpu.memref_squeeze %dma_wait3A_285 : memref<128x1x128xf32, #tpu.memory_space<hbm>> -> memref<128x128xf32, #tpu.memory_space<hbm>>
      %dma_wait3A_287 = tpu.memref_slice %arg20[%dma_wait3A_283] : memref<2x!tpu.dma_semaphore, #tpu.memory_space<semaphore_mem>> -> memref<1x!tpu.dma_semaphore, #tpu.memory_space<semaphore_mem>>
      %dma_wait3A_288 = tpu.memref_squeeze %dma_wait3A_287 : memref<1x!tpu.dma_semaphore, #tpu.memory_space<semaphore_mem>> -> memref<!tpu.dma_semaphore, #tpu.memory_space<semaphore_mem>>
      %dma_wait3A_289 = arith.constant 0 : i32
      %dma_wait3A_290 = tpu.memref_slice %arg2[%mul3A_282, %select_n3A_277, %dma_wait3A_289] : memref<4096x200x128xf32, #tpu.memory_space<hbm>> -> memref<128x1x128xf32, #tpu.memory_space<hbm>>
      %dma_wait3A_291 = tpu.memref_squeeze %dma_wait3A_290 : memref<128x1x128xf32, #tpu.memory_space<hbm>> -> memref<128x128xf32, #tpu.memory_space<hbm>>
      tpu.wait_dma2 semaphore(%dma_wait3A_288 : memref<!tpu.dma_semaphore, #tpu.memory_space<semaphore_mem>>) src(%dma_wait3A_291 : memref<128x128xf32, #tpu.memory_space<hbm>>) dst(%arg14 : memref<128x128xf32, #tpu.memory_space<vmem>>)
      %add3A_292 = arith.constant 2 : i32
      %add3A_293 = arith.addi %add3A_225, %add3A_292 : i32
      %lt3A_294 = arith.constant 200 : i32
      %lt3A_295 = arith.cmpi slt, %add3A_293, %lt3A_294 : i32
      %convert_element_type3A_296 = arith.extui %lt3A_295 : i1 to i32
      %cond3A_297 = arith.constant 0 : i32
      %cond3A_298 = arith.cmpi ne, %convert_element_type3A_296, %cond3A_297 : i32
      scf.if %cond3A_298 {
        %add3A_588 = arith.constant 2 : i32
        %add3A_589 = arith.addi %add3A_225, %add3A_588 : i32
        %add3A_590 = arith.addi %mul3A_2, %add3A_589 : i32
        %mul3A_591 = arith.constant 2 : i32
        %mul3A_592 = arith.muli %add3A_590, %mul3A_591 : i32
        %mul3A_593 = arith.constant 128 : i32
        %mul3A_594 = arith.muli %mul3A_592, %mul3A_593 : i32
        %dma_start3A_595 = arith.constant 0 : i32
        %dma_start3A_596 = tpu.memref_slice %arg3[%mul3A_594] : memref<1638400xi32, #tpu.memory_space<hbm>> -> memref<128xi32, #tpu.memory_space<hbm>>
        %dma_start3A_597 = tpu.memref_slice %arg16[%dma_start3A_595] : memref<2x!tpu.dma_semaphore, #tpu.memory_space<semaphore_mem>> -> memref<1x!tpu.dma_semaphore, #tpu.memory_space<semaphore_mem>>
        %dma_start3A_598 = tpu.memref_squeeze %dma_start3A_597 : memref<1x!tpu.dma_semaphore, #tpu.memory_space<semaphore_mem>> -> memref<!tpu.dma_semaphore, #tpu.memory_space<semaphore_mem>>
        %dma_start3A_599 = tpu.memref_slice %arg3[%mul3A_594] : memref<1638400xi32, #tpu.memory_space<hbm>> -> memref<128xi32, #tpu.memory_space<hbm>>
        tpu.enqueue_dma source(%dma_start3A_599 : memref<128xi32, #tpu.memory_space<hbm>>) target(%arg6 : memref<128xi32, #tpu.memory_space<vmem>>) target_semaphore(%dma_start3A_598 : memref<!tpu.dma_semaphore, #tpu.memory_space<semaphore_mem>>)
        %add3A_600 = arith.addi %mul3A_2, %add3A_589 : i32
        %mul3A_601 = arith.constant 2 : i32
        %mul3A_602 = arith.muli %add3A_600, %mul3A_601 : i32
        %mul3A_603 = arith.constant 128 : i32
        %mul3A_604 = arith.muli %mul3A_602, %mul3A_603 : i32
        %add3A_605 = arith.constant 128 : i32
        %add3A_606 = arith.addi %mul3A_604, %add3A_605 : i32
        %dma_start3A_607 = arith.constant 0 : i32
        %dma_start3A_608 = tpu.memref_slice %arg3[%add3A_606] : memref<1638400xi32, #tpu.memory_space<hbm>> -> memref<128xi32, #tpu.memory_space<hbm>>
        %dma_start3A_609 = tpu.memref_slice %arg17[%dma_start3A_607] : memref<2x!tpu.dma_semaphore, #tpu.memory_space<semaphore_mem>> -> memref<1x!tpu.dma_semaphore, #tpu.memory_space<semaphore_mem>>
        %dma_start3A_610 = tpu.memref_squeeze %dma_start3A_609 : memref<1x!tpu.dma_semaphore, #tpu.memory_space<semaphore_mem>> -> memref<!tpu.dma_semaphore, #tpu.memory_space<semaphore_mem>>
        %dma_start3A_611 = tpu.memref_slice %arg3[%add3A_606] : memref<1638400xi32, #tpu.memory_space<hbm>> -> memref<128xi32, #tpu.memory_space<hbm>>
        tpu.enqueue_dma source(%dma_start3A_611 : memref<128xi32, #tpu.memory_space<hbm>>) target(%arg8 : memref<128xi32, #tpu.memory_space<vmem>>) target_semaphore(%dma_start3A_610 : memref<!tpu.dma_semaphore, #tpu.memory_space<semaphore_mem>>)
      } else {
      }
      %scan3A_299 = arith.constant 0 : i32
      %scan3A_300 = arith.constant 64 : i32
      %scan3A_301 = arith.addi %scan3A_299, %scan3A_300 : i32
      %scan3A_302 = arith.constant 8 : i32
      scf.for %scan3A_588 = %scan3A_299 to %scan3A_301 step %scan3A_302  : i32 {
        %mul3A_589 = arith.constant 1 : i32
        %mul3A_590 = arith.muli %scan3A_588, %mul3A_589 : i32
        %add3A_591 = arith.constant 0 : i32
        %add3A_592 = arith.addi %add3A_591, %mul3A_590 : i32
        %get3A = arith.index_cast %add3A_592 : i32 to index
        %get3A_593 = arith.constant 0 : index
        %get3A_594 = tpu.vector_load %arg10[%get3A, %get3A_593] {strides = array<i32>} : memref<128x128xf32, #tpu.memory_space<vmem>>, vector<1x16xf32>,
        %get3A_595 = vector.shape_cast %get3A_594 : vector<1x16xf32> to vector<16xf32>
        %swap3A = arith.index_cast %add3A_592 : i32 to index
        %swap3A_596 = arith.constant 0 : index
        %swap3A_597 = tpu.vector_load %arg14[%swap3A, %swap3A_596] {strides = array<i32>} : memref<128x128xf32, #tpu.memory_space<vmem>>, vector<1x16xf32>,
        %swap3A_598 = vector.shape_cast %swap3A_597 : vector<1x16xf32> to vector<16xf32>
        %swap3A_599 = vector.shape_cast %get3A_595 : vector<16xf32> to vector<1x16xf32>
        tpu.vector_store %arg14[%swap3A, %swap3A_596], %swap3A_599 {add = true, strides = array<i32>} : memref<128x128xf32, #tpu.memory_space<vmem>>, vector<1x16xf32>,
        %get3A_600 = arith.index_cast %add3A_592 : i32 to index
        %get3A_601 = arith.constant 16 : index
        %get3A_602 = tpu.vector_load %arg10[%get3A_600, %get3A_601] {strides = array<i32>} : memref<128x128xf32, #tpu.memory_space<vmem>>, vector<1x16xf32>,
        %get3A_603 = vector.shape_cast %get3A_602 : vector<1x16xf32> to vector<16xf32>
        %swap3A_604 = arith.index_cast %add3A_592 : i32 to index
        %swap3A_605 = arith.constant 16 : index
        %swap3A_606 = tpu.vector_load %arg14[%swap3A_604, %swap3A_605] {strides = array<i32>} : memref<128x128xf32, #tpu.memory_space<vmem>>, vector<1x16xf32>,
        %swap3A_607 = vector.shape_cast %swap3A_606 : vector<1x16xf32> to vector<16xf32>
        %swap3A_608 = vector.shape_cast %get3A_603 : vector<16xf32> to vector<1x16xf32>
        tpu.vector_store %arg14[%swap3A_604, %swap3A_605], %swap3A_608 {add = true, strides = array<i32>} : memref<128x128xf32, #tpu.memory_space<vmem>>, vector<1x16xf32>,
        %get3A_609 = arith.index_cast %add3A_592 : i32 to index
        %get3A_610 = arith.constant 32 : index
        %get3A_611 = tpu.vector_load %arg10[%get3A_609, %get3A_610] {strides = array<i32>} : memref<128x128xf32, #tpu.memory_space<vmem>>, vector<1x16xf32>,
        %get3A_612 = vector.shape_cast %get3A_611 : vector<1x16xf32> to vector<16xf32>
        %swap3A_613 = arith.index_cast %add3A_592 : i32 to index
        %swap3A_614 = arith.constant 32 : index
        %swap3A_615 = tpu.vector_load %arg14[%swap3A_613, %swap3A_614] {strides = array<i32>} : memref<128x128xf32, #tpu.memory_space<vmem>>, vector<1x16xf32>,
        %swap3A_616 = vector.shape_cast %swap3A_615 : vector<1x16xf32> to vector<16xf32>
        %swap3A_617 = vector.shape_cast %get3A_612 : vector<16xf32> to vector<1x16xf32>
        tpu.vector_store %arg14[%swap3A_613, %swap3A_614], %swap3A_617 {add = true, strides = array<i32>} : memref<128x128xf32, #tpu.memory_space<vmem>>, vector<1x16xf32>,
        %get3A_618 = arith.index_cast %add3A_592 : i32 to index
        %get3A_619 = arith.constant 48 : index
        %get3A_620 = tpu.vector_load %arg10[%get3A_618, %get3A_619] {strides = array<i32>} : memref<128x128xf32, #tpu.memory_space<vmem>>, vector<1x16xf32>,
        %get3A_621 = vector.shape_cast %get3A_620 : vector<1x16xf32> to vector<16xf32>
        %swap3A_622 = arith.index_cast %add3A_592 : i32 to index
        %swap3A_623 = arith.constant 48 : index
        %swap3A_624 = tpu.vector_load %arg14[%swap3A_622, %swap3A_623] {strides = array<i32>} : memref<128x128xf32, #tpu.memory_space<vmem>>, vector<1x16xf32>,
        %swap3A_625 = vector.shape_cast %swap3A_624 : vector<1x16xf32> to vector<16xf32>
        %swap3A_626 = vector.shape_cast %get3A_621 : vector<16xf32> to vector<1x16xf32>
        tpu.vector_store %arg14[%swap3A_622, %swap3A_623], %swap3A_626 {add = true, strides = array<i32>} : memref<128x128xf32, #tpu.memory_space<vmem>>, vector<1x16xf32>,
        %get3A_627 = arith.index_cast %add3A_592 : i32 to index
        %get3A_628 = arith.constant 64 : index
        %get3A_629 = tpu.vector_load %arg12[%get3A_627, %get3A_628] {strides = array<i32>} : memref<128x128xf32, #tpu.memory_space<vmem>>, vector<1x16xf32>,
        %get3A_630 = vector.shape_cast %get3A_629 : vector<1x16xf32> to vector<16xf32>
        %swap3A_631 = arith.index_cast %add3A_592 : i32 to index
        %swap3A_632 = arith.constant 64 : index
        %swap3A_633 = tpu.vector_load %arg14[%swap3A_631, %swap3A_632] {strides = array<i32>} : memref<128x128xf32, #tpu.memory_space<vmem>>, vector<1x16xf32>,
        %swap3A_634 = vector.shape_cast %swap3A_633 : vector<1x16xf32> to vector<16xf32>
        %swap3A_635 = vector.shape_cast %get3A_630 : vector<16xf32> to vector<1x16xf32>
        tpu.vector_store %arg14[%swap3A_631, %swap3A_632], %swap3A_635 {add = true, strides = array<i32>} : memref<128x128xf32, #tpu.memory_space<vmem>>, vector<1x16xf32>,
        %get3A_636 = arith.index_cast %add3A_592 : i32 to index
        %get3A_637 = arith.constant 80 : index
        %get3A_638 = tpu.vector_load %arg12[%get3A_636, %get3A_637] {strides = array<i32>} : memref<128x128xf32, #tpu.memory_space<vmem>>, vector<1x16xf32>,
        %get3A_639 = vector.shape_cast %get3A_638 : vector<1x16xf32> to vector<16xf32>
        %swap3A_640 = arith.index_cast %add3A_592 : i32 to index
        %swap3A_641 = arith.constant 80 : index
        %swap3A_642 = tpu.vector_load %arg14[%swap3A_640, %swap3A_641] {strides = array<i32>} : memref<128x128xf32, #tpu.memory_space<vmem>>, vector<1x16xf32>,
        %swap3A_643 = vector.shape_cast %swap3A_642 : vector<1x16xf32> to vector<16xf32>
        %swap3A_644 = vector.shape_cast %get3A_639 : vector<16xf32> to vector<1x16xf32>
        tpu.vector_store %arg14[%swap3A_640, %swap3A_641], %swap3A_644 {add = true, strides = array<i32>} : memref<128x128xf32, #tpu.memory_space<vmem>>, vector<1x16xf32>,
        %get3A_645 = arith.index_cast %add3A_592 : i32 to index
        %get3A_646 = arith.constant 96 : index
        %get3A_647 = tpu.vector_load %arg12[%get3A_645, %get3A_646] {strides = array<i32>} : memref<128x128xf32, #tpu.memory_space<vmem>>, vector<1x16xf32>,
        %get3A_648 = vector.shape_cast %get3A_647 : vector<1x16xf32> to vector<16xf32>
        %swap3A_649 = arith.index_cast %add3A_592 : i32 to index
        %swap3A_650 = arith.constant 96 : index
        %swap3A_651 = tpu.vector_load %arg14[%swap3A_649, %swap3A_650] {strides = array<i32>} : memref<128x128xf32, #tpu.memory_space<vmem>>, vector<1x16xf32>,
        %swap3A_652 = vector.shape_cast %swap3A_651 : vector<1x16xf32> to vector<16xf32>
        %swap3A_653 = vector.shape_cast %get3A_648 : vector<16xf32> to vector<1x16xf32>
        tpu.vector_store %arg14[%swap3A_649, %swap3A_650], %swap3A_653 {add = true, strides = array<i32>} : memref<128x128xf32, #tpu.memory_space<vmem>>, vector<1x16xf32>,
        %get3A_654 = arith.index_cast %add3A_592 : i32 to index
        %get3A_655 = arith.constant 112 : index
        %get3A_656 = tpu.vector_load %arg12[%get3A_654, %get3A_655] {strides = array<i32>} : memref<128x128xf32, #tpu.memory_space<vmem>>, vector<1x16xf32>,
        %get3A_657 = vector.shape_cast %get3A_656 : vector<1x16xf32> to vector<16xf32>
        %swap3A_658 = arith.index_cast %add3A_592 : i32 to index
        %swap3A_659 = arith.constant 112 : index
        %swap3A_660 = tpu.vector_load %arg14[%swap3A_658, %swap3A_659] {strides = array<i32>} : memref<128x128xf32, #tpu.memory_space<vmem>>, vector<1x16xf32>,
        %swap3A_661 = vector.shape_cast %swap3A_660 : vector<1x16xf32> to vector<16xf32>
        %swap3A_662 = vector.shape_cast %get3A_657 : vector<16xf32> to vector<1x16xf32>
        tpu.vector_store %arg14[%swap3A_658, %swap3A_659], %swap3A_662 {add = true, strides = array<i32>} : memref<128x128xf32, #tpu.memory_space<vmem>>, vector<1x16xf32>,
        %scan3A_663 = arith.constant 1 : i32
        %scan3A_664 = arith.addi %scan3A_588, %scan3A_663 : i32
        %mul3A_665 = arith.constant 1 : i32
        %mul3A_666 = arith.muli %scan3A_664, %mul3A_665 : i32
        %add3A_667 = arith.constant 0 : i32
        %add3A_668 = arith.addi %add3A_667, %mul3A_666 : i32
        %get3A_669 = arith.index_cast %add3A_668 : i32 to index
        %get3A_670 = arith.constant 0 : index
        %get3A_671 = tpu.vector_load %arg10[%get3A_669, %get3A_670] {strides = array<i32>} : memref<128x128xf32, #tpu.memory_space<vmem>>, vector<1x16xf32>,
        %get3A_672 = vector.shape_cast %get3A_671 : vector<1x16xf32> to vector<16xf32>
        %swap3A_673 = arith.index_cast %add3A_668 : i32 to index
        %swap3A_674 = arith.constant 0 : index
        %swap3A_675 = tpu.vector_load %arg14[%swap3A_673, %swap3A_674] {strides = array<i32>} : memref<128x128xf32, #tpu.memory_space<vmem>>, vector<1x16xf32>,
        %swap3A_676 = vector.shape_cast %swap3A_675 : vector<1x16xf32> to vector<16xf32>
        %swap3A_677 = vector.shape_cast %get3A_672 : vector<16xf32> to vector<1x16xf32>
        tpu.vector_store %arg14[%swap3A_673, %swap3A_674], %swap3A_677 {add = true, strides = array<i32>} : memref<128x128xf32, #tpu.memory_space<vmem>>, vector<1x16xf32>,
        %get3A_678 = arith.index_cast %add3A_668 : i32 to index
        %get3A_679 = arith.constant 16 : index
        %get3A_680 = tpu.vector_load %arg10[%get3A_678, %get3A_679] {strides = array<i32>} : memref<128x128xf32, #tpu.memory_space<vmem>>, vector<1x16xf32>,
        %get3A_681 = vector.shape_cast %get3A_680 : vector<1x16xf32> to vector<16xf32>
        %swap3A_682 = arith.index_cast %add3A_668 : i32 to index
        %swap3A_683 = arith.constant 16 : index
        %swap3A_684 = tpu.vector_load %arg14[%swap3A_682, %swap3A_683] {strides = array<i32>} : memref<128x128xf32, #tpu.memory_space<vmem>>, vector<1x16xf32>,
        %swap3A_685 = vector.shape_cast %swap3A_684 : vector<1x16xf32> to vector<16xf32>
        %swap3A_686 = vector.shape_cast %get3A_681 : vector<16xf32> to vector<1x16xf32>
        tpu.vector_store %arg14[%swap3A_682, %swap3A_683], %swap3A_686 {add = true, strides = array<i32>} : memref<128x128xf32, #tpu.memory_space<vmem>>, vector<1x16xf32>,
        %get3A_687 = arith.index_cast %add3A_668 : i32 to index
        %get3A_688 = arith.constant 32 : index
        %get3A_689 = tpu.vector_load %arg10[%get3A_687, %get3A_688] {strides = array<i32>} : memref<128x128xf32, #tpu.memory_space<vmem>>, vector<1x16xf32>,
        %get3A_690 = vector.shape_cast %get3A_689 : vector<1x16xf32> to vector<16xf32>
        %swap3A_691 = arith.index_cast %add3A_668 : i32 to index
        %swap3A_692 = arith.constant 32 : index
        %swap3A_693 = tpu.vector_load %arg14[%swap3A_691, %swap3A_692] {strides = array<i32>} : memref<128x128xf32, #tpu.memory_space<vmem>>, vector<1x16xf32>,
        %swap3A_694 = vector.shape_cast %swap3A_693 : vector<1x16xf32> to vector<16xf32>
        %swap3A_695 = vector.shape_cast %get3A_690 : vector<16xf32> to vector<1x16xf32>
        tpu.vector_store %arg14[%swap3A_691, %swap3A_692], %swap3A_695 {add = true, strides = array<i32>} : memref<128x128xf32, #tpu.memory_space<vmem>>, vector<1x16xf32>,
        %get3A_696 = arith.index_cast %add3A_668 : i32 to index
        %get3A_697 = arith.constant 48 : index
        %get3A_698 = tpu.vector_load %arg10[%get3A_696, %get3A_697] {strides = array<i32>} : memref<128x128xf32, #tpu.memory_space<vmem>>, vector<1x16xf32>,
        %get3A_699 = vector.shape_cast %get3A_698 : vector<1x16xf32> to vector<16xf32>
        %swap3A_700 = arith.index_cast %add3A_668 : i32 to index
        %swap3A_701 = arith.constant 48 : index
        %swap3A_702 = tpu.vector_load %arg14[%swap3A_700, %swap3A_701] {strides = array<i32>} : memref<128x128xf32, #tpu.memory_space<vmem>>, vector<1x16xf32>,
        %swap3A_703 = vector.shape_cast %swap3A_702 : vector<1x16xf32> to vector<16xf32>
        %swap3A_704 = vector.shape_cast %get3A_699 : vector<16xf32> to vector<1x16xf32>
        tpu.vector_store %arg14[%swap3A_700, %swap3A_701], %swap3A_704 {add = true, strides = array<i32>} : memref<128x128xf32, #tpu.memory_space<vmem>>, vector<1x16xf32>,
        %get3A_705 = arith.index_cast %add3A_668 : i32 to index
        %get3A_706 = arith.constant 64 : index
        %get3A_707 = tpu.vector_load %arg12[%get3A_705, %get3A_706] {strides = array<i32>} : memref<128x128xf32, #tpu.memory_space<vmem>>, vector<1x16xf32>,
        %get3A_708 = vector.shape_cast %get3A_707 : vector<1x16xf32> to vector<16xf32>
        %swap3A_709 = arith.index_cast %add3A_668 : i32 to index
        %swap3A_710 = arith.constant 64 : index
        %swap3A_711 = tpu.vector_load %arg14[%swap3A_709, %swap3A_710] {strides = array<i32>} : memref<128x128xf32, #tpu.memory_space<vmem>>, vector<1x16xf32>,
        %swap3A_712 = vector.shape_cast %swap3A_711 : vector<1x16xf32> to vector<16xf32>
        %swap3A_713 = vector.shape_cast %get3A_708 : vector<16xf32> to vector<1x16xf32>
        tpu.vector_store %arg14[%swap3A_709, %swap3A_710], %swap3A_713 {add = true, strides = array<i32>} : memref<128x128xf32, #tpu.memory_space<vmem>>, vector<1x16xf32>,
        %get3A_714 = arith.index_cast %add3A_668 : i32 to index
        %get3A_715 = arith.constant 80 : index
        %get3A_716 = tpu.vector_load %arg12[%get3A_714, %get3A_715] {strides = array<i32>} : memref<128x128xf32, #tpu.memory_space<vmem>>, vector<1x16xf32>,
        %get3A_717 = vector.shape_cast %get3A_716 : vector<1x16xf32> to vector<16xf32>
        %swap3A_718 = arith.index_cast %add3A_668 : i32 to index
        %swap3A_719 = arith.constant 80 : index
        %swap3A_720 = tpu.vector_load %arg14[%swap3A_718, %swap3A_719] {strides = array<i32>} : memref<128x128xf32, #tpu.memory_space<vmem>>, vector<1x16xf32>,
        %swap3A_721 = vector.shape_cast %swap3A_720 : vector<1x16xf32> to vector<16xf32>
        %swap3A_722 = vector.shape_cast %get3A_717 : vector<16xf32> to vector<1x16xf32>
        tpu.vector_store %arg14[%swap3A_718, %swap3A_719], %swap3A_722 {add = true, strides = array<i32>} : memref<128x128xf32, #tpu.memory_space<vmem>>, vector<1x16xf32>,
        %get3A_723 = arith.index_cast %add3A_668 : i32 to index
        %get3A_724 = arith.constant 96 : index
        %get3A_725 = tpu.vector_load %arg12[%get3A_723, %get3A_724] {strides = array<i32>} : memref<128x128xf32, #tpu.memory_space<vmem>>, vector<1x16xf32>,
        %get3A_726 = vector.shape_cast %get3A_725 : vector<1x16xf32> to vector<16xf32>
        %swap3A_727 = arith.index_cast %add3A_668 : i32 to index
        %swap3A_728 = arith.constant 96 : index
        %swap3A_729 = tpu.vector_load %arg14[%swap3A_727, %swap3A_728] {strides = array<i32>} : memref<128x128xf32, #tpu.memory_space<vmem>>, vector<1x16xf32>,
        %swap3A_730 = vector.shape_cast %swap3A_729 : vector<1x16xf32> to vector<16xf32>
        %swap3A_731 = vector.shape_cast %get3A_726 : vector<16xf32> to vector<1x16xf32>
        tpu.vector_store %arg14[%swap3A_727, %swap3A_728], %swap3A_731 {add = true, strides = array<i32>} : memref<128x128xf32, #tpu.memory_space<vmem>>, vector<1x16xf32>,
        %get3A_732 = arith.index_cast %add3A_668 : i32 to index
        %get3A_733 = arith.constant 112 : index
        %get3A_734 = tpu.vector_load %arg12[%get3A_732, %get3A_733] {strides = array<i32>} : memref<128x128xf32, #tpu.memory_space<vmem>>, vector<1x16xf32>,
        %get3A_735 = vector.shape_cast %get3A_734 : vector<1x16xf32> to vector<16xf32>
        %swap3A_736 = arith.index_cast %add3A_668 : i32 to index
        %swap3A_737 = arith.constant 112 : index
        %swap3A_738 = tpu.vector_load %arg14[%swap3A_736, %swap3A_737] {strides = array<i32>} : memref<128x128xf32, #tpu.memory_space<vmem>>, vector<1x16xf32>,
        %swap3A_739 = vector.shape_cast %swap3A_738 : vector<1x16xf32> to vector<16xf32>
        %swap3A_740 = vector.shape_cast %get3A_735 : vector<16xf32> to vector<1x16xf32>
        tpu.vector_store %arg14[%swap3A_736, %swap3A_737], %swap3A_740 {add = true, strides = array<i32>} : memref<128x128xf32, #tpu.memory_space<vmem>>, vector<1x16xf32>,
        %scan3A_741 = arith.constant 2 : i32
        %scan3A_742 = arith.addi %scan3A_588, %scan3A_741 : i32
        %mul3A_743 = arith.constant 1 : i32
        %mul3A_744 = arith.muli %scan3A_742, %mul3A_743 : i32
        %add3A_745 = arith.constant 0 : i32
        %add3A_746 = arith.addi %add3A_745, %mul3A_744 : i32
        %get3A_747 = arith.index_cast %add3A_746 : i32 to index
        %get3A_748 = arith.constant 0 : index
        %get3A_749 = tpu.vector_load %arg10[%get3A_747, %get3A_748] {strides = array<i32>} : memref<128x128xf32, #tpu.memory_space<vmem>>, vector<1x16xf32>,
        %get3A_750 = vector.shape_cast %get3A_749 : vector<1x16xf32> to vector<16xf32>
        %swap3A_751 = arith.index_cast %add3A_746 : i32 to index
        %swap3A_752 = arith.constant 0 : index
        %swap3A_753 = tpu.vector_load %arg14[%swap3A_751, %swap3A_752] {strides = array<i32>} : memref<128x128xf32, #tpu.memory_space<vmem>>, vector<1x16xf32>,
        %swap3A_754 = vector.shape_cast %swap3A_753 : vector<1x16xf32> to vector<16xf32>
        %swap3A_755 = vector.shape_cast %get3A_750 : vector<16xf32> to vector<1x16xf32>
        tpu.vector_store %arg14[%swap3A_751, %swap3A_752], %swap3A_755 {add = true, strides = array<i32>} : memref<128x128xf32, #tpu.memory_space<vmem>>, vector<1x16xf32>,
        %get3A_756 = arith.index_cast %add3A_746 : i32 to index
        %get3A_757 = arith.constant 16 : index
        %get3A_758 = tpu.vector_load %arg10[%get3A_756, %get3A_757] {strides = array<i32>} : memref<128x128xf32, #tpu.memory_space<vmem>>, vector<1x16xf32>,
        %get3A_759 = vector.shape_cast %get3A_758 : vector<1x16xf32> to vector<16xf32>
        %swap3A_760 = arith.index_cast %add3A_746 : i32 to index
        %swap3A_761 = arith.constant 16 : index
        %swap3A_762 = tpu.vector_load %arg14[%swap3A_760, %swap3A_761] {strides = array<i32>} : memref<128x128xf32, #tpu.memory_space<vmem>>, vector<1x16xf32>,
        %swap3A_763 = vector.shape_cast %swap3A_762 : vector<1x16xf32> to vector<16xf32>
        %swap3A_764 = vector.shape_cast %get3A_759 : vector<16xf32> to vector<1x16xf32>
        tpu.vector_store %arg14[%swap3A_760, %swap3A_761], %swap3A_764 {add = true, strides = array<i32>} : memref<128x128xf32, #tpu.memory_space<vmem>>, vector<1x16xf32>,
        %get3A_765 = arith.index_cast %add3A_746 : i32 to index
        %get3A_766 = arith.constant 32 : index
        %get3A_767 = tpu.vector_load %arg10[%get3A_765, %get3A_766] {strides = array<i32>} : memref<128x128xf32, #tpu.memory_space<vmem>>, vector<1x16xf32>,
        %get3A_768 = vector.shape_cast %get3A_767 : vector<1x16xf32> to vector<16xf32>
        %swap3A_769 = arith.index_cast %add3A_746 : i32 to index
        %swap3A_770 = arith.constant 32 : index
        %swap3A_771 = tpu.vector_load %arg14[%swap3A_769, %swap3A_770] {strides = array<i32>} : memref<128x128xf32, #tpu.memory_space<vmem>>, vector<1x16xf32>,
        %swap3A_772 = vector.shape_cast %swap3A_771 : vector<1x16xf32> to vector<16xf32>
        %swap3A_773 = vector.shape_cast %get3A_768 : vector<16xf32> to vector<1x16xf32>
        tpu.vector_store %arg14[%swap3A_769, %swap3A_770], %swap3A_773 {add = true, strides = array<i32>} : memref<128x128xf32, #tpu.memory_space<vmem>>, vector<1x16xf32>,
        %get3A_774 = arith.index_cast %add3A_746 : i32 to index
        %get3A_775 = arith.constant 48 : index
        %get3A_776 = tpu.vector_load %arg10[%get3A_774, %get3A_775] {strides = array<i32>} : memref<128x128xf32, #tpu.memory_space<vmem>>, vector<1x16xf32>,
        %get3A_777 = vector.shape_cast %get3A_776 : vector<1x16xf32> to vector<16xf32>
        %swap3A_778 = arith.index_cast %add3A_746 : i32 to index
        %swap3A_779 = arith.constant 48 : index
        %swap3A_780 = tpu.vector_load %arg14[%swap3A_778, %swap3A_779] {strides = array<i32>} : memref<128x128xf32, #tpu.memory_space<vmem>>, vector<1x16xf32>,
        %swap3A_781 = vector.shape_cast %swap3A_780 : vector<1x16xf32> to vector<16xf32>
        %swap3A_782 = vector.shape_cast %get3A_777 : vector<16xf32> to vector<1x16xf32>
        tpu.vector_store %arg14[%swap3A_778, %swap3A_779], %swap3A_782 {add = true, strides = array<i32>} : memref<128x128xf32, #tpu.memory_space<vmem>>, vector<1x16xf32>,
        %get3A_783 = arith.index_cast %add3A_746 : i32 to index
        %get3A_784 = arith.constant 64 : index
        %get3A_785 = tpu.vector_load %arg12[%get3A_783, %get3A_784] {strides = array<i32>} : memref<128x128xf32, #tpu.memory_space<vmem>>, vector<1x16xf32>,
        %get3A_786 = vector.shape_cast %get3A_785 : vector<1x16xf32> to vector<16xf32>
        %swap3A_787 = arith.index_cast %add3A_746 : i32 to index
        %swap3A_788 = arith.constant 64 : index
        %swap3A_789 = tpu.vector_load %arg14[%swap3A_787, %swap3A_788] {strides = array<i32>} : memref<128x128xf32, #tpu.memory_space<vmem>>, vector<1x16xf32>,
        %swap3A_790 = vector.shape_cast %swap3A_789 : vector<1x16xf32> to vector<16xf32>
        %swap3A_791 = vector.shape_cast %get3A_786 : vector<16xf32> to vector<1x16xf32>
        tpu.vector_store %arg14[%swap3A_787, %swap3A_788], %swap3A_791 {add = true, strides = array<i32>} : memref<128x128xf32, #tpu.memory_space<vmem>>, vector<1x16xf32>,
        %get3A_792 = arith.index_cast %add3A_746 : i32 to index
        %get3A_793 = arith.constant 80 : index
        %get3A_794 = tpu.vector_load %arg12[%get3A_792, %get3A_793] {strides = array<i32>} : memref<128x128xf32, #tpu.memory_space<vmem>>, vector<1x16xf32>,
        %get3A_795 = vector.shape_cast %get3A_794 : vector<1x16xf32> to vector<16xf32>
        %swap3A_796 = arith.index_cast %add3A_746 : i32 to index
        %swap3A_797 = arith.constant 80 : index
        %swap3A_798 = tpu.vector_load %arg14[%swap3A_796, %swap3A_797] {strides = array<i32>} : memref<128x128xf32, #tpu.memory_space<vmem>>, vector<1x16xf32>,
        %swap3A_799 = vector.shape_cast %swap3A_798 : vector<1x16xf32> to vector<16xf32>
        %swap3A_800 = vector.shape_cast %get3A_795 : vector<16xf32> to vector<1x16xf32>
        tpu.vector_store %arg14[%swap3A_796, %swap3A_797], %swap3A_800 {add = true, strides = array<i32>} : memref<128x128xf32, #tpu.memory_space<vmem>>, vector<1x16xf32>,
        %get3A_801 = arith.index_cast %add3A_746 : i32 to index
        %get3A_802 = arith.constant 96 : index
        %get3A_803 = tpu.vector_load %arg12[%get3A_801, %get3A_802] {strides = array<i32>} : memref<128x128xf32, #tpu.memory_space<vmem>>, vector<1x16xf32>,
        %get3A_804 = vector.shape_cast %get3A_803 : vector<1x16xf32> to vector<16xf32>
        %swap3A_805 = arith.index_cast %add3A_746 : i32 to index
        %swap3A_806 = arith.constant 96 : index
        %swap3A_807 = tpu.vector_load %arg14[%swap3A_805, %swap3A_806] {strides = array<i32>} : memref<128x128xf32, #tpu.memory_space<vmem>>, vector<1x16xf32>,
        %swap3A_808 = vector.shape_cast %swap3A_807 : vector<1x16xf32> to vector<16xf32>
        %swap3A_809 = vector.shape_cast %get3A_804 : vector<16xf32> to vector<1x16xf32>
        tpu.vector_store %arg14[%swap3A_805, %swap3A_806], %swap3A_809 {add = true, strides = array<i32>} : memref<128x128xf32, #tpu.memory_space<vmem>>, vector<1x16xf32>,
        %get3A_810 = arith.index_cast %add3A_746 : i32 to index
        %get3A_811 = arith.constant 112 : index
        %get3A_812 = tpu.vector_load %arg12[%get3A_810, %get3A_811] {strides = array<i32>} : memref<128x128xf32, #tpu.memory_space<vmem>>, vector<1x16xf32>,
        %get3A_813 = vector.shape_cast %get3A_812 : vector<1x16xf32> to vector<16xf32>
        %swap3A_814 = arith.index_cast %add3A_746 : i32 to index
        %swap3A_815 = arith.constant 112 : index
        %swap3A_816 = tpu.vector_load %arg14[%swap3A_814, %swap3A_815] {strides = array<i32>} : memref<128x128xf32, #tpu.memory_space<vmem>>, vector<1x16xf32>,
        %swap3A_817 = vector.shape_cast %swap3A_816 : vector<1x16xf32> to vector<16xf32>
        %swap3A_818 = vector.shape_cast %get3A_813 : vector<16xf32> to vector<1x16xf32>
        tpu.vector_store %arg14[%swap3A_814, %swap3A_815], %swap3A_818 {add = true, strides = array<i32>} : memref<128x128xf32, #tpu.memory_space<vmem>>, vector<1x16xf32>,
        %scan3A_819 = arith.constant 3 : i32
        %scan3A_820 = arith.addi %scan3A_588, %scan3A_819 : i32
        %mul3A_821 = arith.constant 1 : i32
        %mul3A_822 = arith.muli %scan3A_820, %mul3A_821 : i32
        %add3A_823 = arith.constant 0 : i32
        %add3A_824 = arith.addi %add3A_823, %mul3A_822 : i32
        %get3A_825 = arith.index_cast %add3A_824 : i32 to index
        %get3A_826 = arith.constant 0 : index
        %get3A_827 = tpu.vector_load %arg10[%get3A_825, %get3A_826] {strides = array<i32>} : memref<128x128xf32, #tpu.memory_space<vmem>>, vector<1x16xf32>,
        %get3A_828 = vector.shape_cast %get3A_827 : vector<1x16xf32> to vector<16xf32>
        %swap3A_829 = arith.index_cast %add3A_824 : i32 to index
        %swap3A_830 = arith.constant 0 : index
        %swap3A_831 = tpu.vector_load %arg14[%swap3A_829, %swap3A_830] {strides = array<i32>} : memref<128x128xf32, #tpu.memory_space<vmem>>, vector<1x16xf32>,
        %swap3A_832 = vector.shape_cast %swap3A_831 : vector<1x16xf32> to vector<16xf32>
        %swap3A_833 = vector.shape_cast %get3A_828 : vector<16xf32> to vector<1x16xf32>
        tpu.vector_store %arg14[%swap3A_829, %swap3A_830], %swap3A_833 {add = true, strides = array<i32>} : memref<128x128xf32, #tpu.memory_space<vmem>>, vector<1x16xf32>,
        %get3A_834 = arith.index_cast %add3A_824 : i32 to index
        %get3A_835 = arith.constant 16 : index
        %get3A_836 = tpu.vector_load %arg10[%get3A_834, %get3A_835] {strides = array<i32>} : memref<128x128xf32, #tpu.memory_space<vmem>>, vector<1x16xf32>,
        %get3A_837 = vector.shape_cast %get3A_836 : vector<1x16xf32> to vector<16xf32>
        %swap3A_838 = arith.index_cast %add3A_824 : i32 to index
        %swap3A_839 = arith.constant 16 : index
        %swap3A_840 = tpu.vector_load %arg14[%swap3A_838, %swap3A_839] {strides = array<i32>} : memref<128x128xf32, #tpu.memory_space<vmem>>, vector<1x16xf32>,
        %swap3A_841 = vector.shape_cast %swap3A_840 : vector<1x16xf32> to vector<16xf32>
        %swap3A_842 = vector.shape_cast %get3A_837 : vector<16xf32> to vector<1x16xf32>
        tpu.vector_store %arg14[%swap3A_838, %swap3A_839], %swap3A_842 {add = true, strides = array<i32>} : memref<128x128xf32, #tpu.memory_space<vmem>>, vector<1x16xf32>,
        %get3A_843 = arith.index_cast %add3A_824 : i32 to index
        %get3A_844 = arith.constant 32 : index
        %get3A_845 = tpu.vector_load %arg10[%get3A_843, %get3A_844] {strides = array<i32>} : memref<128x128xf32, #tpu.memory_space<vmem>>, vector<1x16xf32>,
        %get3A_846 = vector.shape_cast %get3A_845 : vector<1x16xf32> to vector<16xf32>
        %swap3A_847 = arith.index_cast %add3A_824 : i32 to index
        %swap3A_848 = arith.constant 32 : index
        %swap3A_849 = tpu.vector_load %arg14[%swap3A_847, %swap3A_848] {strides = array<i32>} : memref<128x128xf32, #tpu.memory_space<vmem>>, vector<1x16xf32>,
        %swap3A_850 = vector.shape_cast %swap3A_849 : vector<1x16xf32> to vector<16xf32>
        %swap3A_851 = vector.shape_cast %get3A_846 : vector<16xf32> to vector<1x16xf32>
        tpu.vector_store %arg14[%swap3A_847, %swap3A_848], %swap3A_851 {add = true, strides = array<i32>} : memref<128x128xf32, #tpu.memory_space<vmem>>, vector<1x16xf32>,
        %get3A_852 = arith.index_cast %add3A_824 : i32 to index
        %get3A_853 = arith.constant 48 : index
        %get3A_854 = tpu.vector_load %arg10[%get3A_852, %get3A_853] {strides = array<i32>} : memref<128x128xf32, #tpu.memory_space<vmem>>, vector<1x16xf32>,
        %get3A_855 = vector.shape_cast %get3A_854 : vector<1x16xf32> to vector<16xf32>
        %swap3A_856 = arith.index_cast %add3A_824 : i32 to index
        %swap3A_857 = arith.constant 48 : index
        %swap3A_858 = tpu.vector_load %arg14[%swap3A_856, %swap3A_857] {strides = array<i32>} : memref<128x128xf32, #tpu.memory_space<vmem>>, vector<1x16xf32>,
        %swap3A_859 = vector.shape_cast %swap3A_858 : vector<1x16xf32> to vector<16xf32>
        %swap3A_860 = vector.shape_cast %get3A_855 : vector<16xf32> to vector<1x16xf32>
        tpu.vector_store %arg14[%swap3A_856, %swap3A_857], %swap3A_860 {add = true, strides = array<i32>} : memref<128x128xf32, #tpu.memory_space<vmem>>, vector<1x16xf32>,
        %get3A_861 = arith.index_cast %add3A_824 : i32 to index
        %get3A_862 = arith.constant 64 : index
        %get3A_863 = tpu.vector_load %arg12[%get3A_861, %get3A_862] {strides = array<i32>} : memref<128x128xf32, #tpu.memory_space<vmem>>, vector<1x16xf32>,
        %get3A_864 = vector.shape_cast %get3A_863 : vector<1x16xf32> to vector<16xf32>
        %swap3A_865 = arith.index_cast %add3A_824 : i32 to index
        %swap3A_866 = arith.constant 64 : index
        %swap3A_867 = tpu.vector_load %arg14[%swap3A_865, %swap3A_866] {strides = array<i32>} : memref<128x128xf32, #tpu.memory_space<vmem>>, vector<1x16xf32>,
        %swap3A_868 = vector.shape_cast %swap3A_867 : vector<1x16xf32> to vector<16xf32>
        %swap3A_869 = vector.shape_cast %get3A_864 : vector<16xf32> to vector<1x16xf32>
        tpu.vector_store %arg14[%swap3A_865, %swap3A_866], %swap3A_869 {add = true, strides = array<i32>} : memref<128x128xf32, #tpu.memory_space<vmem>>, vector<1x16xf32>,
        %get3A_870 = arith.index_cast %add3A_824 : i32 to index
        %get3A_871 = arith.constant 80 : index
        %get3A_872 = tpu.vector_load %arg12[%get3A_870, %get3A_871] {strides = array<i32>} : memref<128x128xf32, #tpu.memory_space<vmem>>, vector<1x16xf32>,
        %get3A_873 = vector.shape_cast %get3A_872 : vector<1x16xf32> to vector<16xf32>
        %swap3A_874 = arith.index_cast %add3A_824 : i32 to index
        %swap3A_875 = arith.constant 80 : index
        %swap3A_876 = tpu.vector_load %arg14[%swap3A_874, %swap3A_875] {strides = array<i32>} : memref<128x128xf32, #tpu.memory_space<vmem>>, vector<1x16xf32>,
        %swap3A_877 = vector.shape_cast %swap3A_876 : vector<1x16xf32> to vector<16xf32>
        %swap3A_878 = vector.shape_cast %get3A_873 : vector<16xf32> to vector<1x16xf32>
        tpu.vector_store %arg14[%swap3A_874, %swap3A_875], %swap3A_878 {add = true, strides = array<i32>} : memref<128x128xf32, #tpu.memory_space<vmem>>, vector<1x16xf32>,
        %get3A_879 = arith.index_cast %add3A_824 : i32 to index
        %get3A_880 = arith.constant 96 : index
        %get3A_881 = tpu.vector_load %arg12[%get3A_879, %get3A_880] {strides = array<i32>} : memref<128x128xf32, #tpu.memory_space<vmem>>, vector<1x16xf32>,
        %get3A_882 = vector.shape_cast %get3A_881 : vector<1x16xf32> to vector<16xf32>
        %swap3A_883 = arith.index_cast %add3A_824 : i32 to index
        %swap3A_884 = arith.constant 96 : index
        %swap3A_885 = tpu.vector_load %arg14[%swap3A_883, %swap3A_884] {strides = array<i32>} : memref<128x128xf32, #tpu.memory_space<vmem>>, vector<1x16xf32>,
        %swap3A_886 = vector.shape_cast %swap3A_885 : vector<1x16xf32> to vector<16xf32>
        %swap3A_887 = vector.shape_cast %get3A_882 : vector<16xf32> to vector<1x16xf32>
        tpu.vector_store %arg14[%swap3A_883, %swap3A_884], %swap3A_887 {add = true, strides = array<i32>} : memref<128x128xf32, #tpu.memory_space<vmem>>, vector<1x16xf32>,
        %get3A_888 = arith.index_cast %add3A_824 : i32 to index
        %get3A_889 = arith.constant 112 : index
        %get3A_890 = tpu.vector_load %arg12[%get3A_888, %get3A_889] {strides = array<i32>} : memref<128x128xf32, #tpu.memory_space<vmem>>, vector<1x16xf32>,
        %get3A_891 = vector.shape_cast %get3A_890 : vector<1x16xf32> to vector<16xf32>
        %swap3A_892 = arith.index_cast %add3A_824 : i32 to index
        %swap3A_893 = arith.constant 112 : index
        %swap3A_894 = tpu.vector_load %arg14[%swap3A_892, %swap3A_893] {strides = array<i32>} : memref<128x128xf32, #tpu.memory_space<vmem>>, vector<1x16xf32>,
        %swap3A_895 = vector.shape_cast %swap3A_894 : vector<1x16xf32> to vector<16xf32>
        %swap3A_896 = vector.shape_cast %get3A_891 : vector<16xf32> to vector<1x16xf32>
        tpu.vector_store %arg14[%swap3A_892, %swap3A_893], %swap3A_896 {add = true, strides = array<i32>} : memref<128x128xf32, #tpu.memory_space<vmem>>, vector<1x16xf32>,
        %scan3A_897 = arith.constant 4 : i32
        %scan3A_898 = arith.addi %scan3A_588, %scan3A_897 : i32
        %mul3A_899 = arith.constant 1 : i32
        %mul3A_900 = arith.muli %scan3A_898, %mul3A_899 : i32
        %add3A_901 = arith.constant 0 : i32
        %add3A_902 = arith.addi %add3A_901, %mul3A_900 : i32
        %get3A_903 = arith.index_cast %add3A_902 : i32 to index
        %get3A_904 = arith.constant 0 : index
        %get3A_905 = tpu.vector_load %arg10[%get3A_903, %get3A_904] {strides = array<i32>} : memref<128x128xf32, #tpu.memory_space<vmem>>, vector<1x16xf32>,
        %get3A_906 = vector.shape_cast %get3A_905 : vector<1x16xf32> to vector<16xf32>
        %swap3A_907 = arith.index_cast %add3A_902 : i32 to index
        %swap3A_908 = arith.constant 0 : index
        %swap3A_909 = tpu.vector_load %arg14[%swap3A_907, %swap3A_908] {strides = array<i32>} : memref<128x128xf32, #tpu.memory_space<vmem>>, vector<1x16xf32>,
        %swap3A_910 = vector.shape_cast %swap3A_909 : vector<1x16xf32> to vector<16xf32>
        %swap3A_911 = vector.shape_cast %get3A_906 : vector<16xf32> to vector<1x16xf32>
        tpu.vector_store %arg14[%swap3A_907, %swap3A_908], %swap3A_911 {add = true, strides = array<i32>} : memref<128x128xf32, #tpu.memory_space<vmem>>, vector<1x16xf32>,
        %get3A_912 = arith.index_cast %add3A_902 : i32 to index
        %get3A_913 = arith.constant 16 : index
        %get3A_914 = tpu.vector_load %arg10[%get3A_912, %get3A_913] {strides = array<i32>} : memref<128x128xf32, #tpu.memory_space<vmem>>, vector<1x16xf32>,
        %get3A_915 = vector.shape_cast %get3A_914 : vector<1x16xf32> to vector<16xf32>
        %swap3A_916 = arith.index_cast %add3A_902 : i32 to index
        %swap3A_917 = arith.constant 16 : index
        %swap3A_918 = tpu.vector_load %arg14[%swap3A_916, %swap3A_917] {strides = array<i32>} : memref<128x128xf32, #tpu.memory_space<vmem>>, vector<1x16xf32>,
        %swap3A_919 = vector.shape_cast %swap3A_918 : vector<1x16xf32> to vector<16xf32>
        %swap3A_920 = vector.shape_cast %get3A_915 : vector<16xf32> to vector<1x16xf32>
        tpu.vector_store %arg14[%swap3A_916, %swap3A_917], %swap3A_920 {add = true, strides = array<i32>} : memref<128x128xf32, #tpu.memory_space<vmem>>, vector<1x16xf32>,
        %get3A_921 = arith.index_cast %add3A_902 : i32 to index
        %get3A_922 = arith.constant 32 : index
        %get3A_923 = tpu.vector_load %arg10[%get3A_921, %get3A_922] {strides = array<i32>} : memref<128x128xf32, #tpu.memory_space<vmem>>, vector<1x16xf32>,
        %get3A_924 = vector.shape_cast %get3A_923 : vector<1x16xf32> to vector<16xf32>
        %swap3A_925 = arith.index_cast %add3A_902 : i32 to index
        %swap3A_926 = arith.constant 32 : index
        %swap3A_927 = tpu.vector_load %arg14[%swap3A_925, %swap3A_926] {strides = array<i32>} : memref<128x128xf32, #tpu.memory_space<vmem>>, vector<1x16xf32>,
        %swap3A_928 = vector.shape_cast %swap3A_927 : vector<1x16xf32> to vector<16xf32>
        %swap3A_929 = vector.shape_cast %get3A_924 : vector<16xf32> to vector<1x16xf32>
        tpu.vector_store %arg14[%swap3A_925, %swap3A_926], %swap3A_929 {add = true, strides = array<i32>} : memref<128x128xf32, #tpu.memory_space<vmem>>, vector<1x16xf32>,
        %get3A_930 = arith.index_cast %add3A_902 : i32 to index
        %get3A_931 = arith.constant 48 : index
        %get3A_932 = tpu.vector_load %arg10[%get3A_930, %get3A_931] {strides = array<i32>} : memref<128x128xf32, #tpu.memory_space<vmem>>, vector<1x16xf32>,
        %get3A_933 = vector.shape_cast %get3A_932 : vector<1x16xf32> to vector<16xf32>
        %swap3A_934 = arith.index_cast %add3A_902 : i32 to index
        %swap3A_935 = arith.constant 48 : index
        %swap3A_936 = tpu.vector_load %arg14[%swap3A_934, %swap3A_935] {strides = array<i32>} : memref<128x128xf32, #tpu.memory_space<vmem>>, vector<1x16xf32>,
        %swap3A_937 = vector.shape_cast %swap3A_936 : vector<1x16xf32> to vector<16xf32>
        %swap3A_938 = vector.shape_cast %get3A_933 : vector<16xf32> to vector<1x16xf32>
        tpu.vector_store %arg14[%swap3A_934, %swap3A_935], %swap3A_938 {add = true, strides = array<i32>} : memref<128x128xf32, #tpu.memory_space<vmem>>, vector<1x16xf32>,
        %get3A_939 = arith.index_cast %add3A_902 : i32 to index
        %get3A_940 = arith.constant 64 : index
        %get3A_941 = tpu.vector_load %arg12[%get3A_939, %get3A_940] {strides = array<i32>} : memref<128x128xf32, #tpu.memory_space<vmem>>, vector<1x16xf32>,
        %get3A_942 = vector.shape_cast %get3A_941 : vector<1x16xf32> to vector<16xf32>
        %swap3A_943 = arith.index_cast %add3A_902 : i32 to index
        %swap3A_944 = arith.constant 64 : index
        %swap3A_945 = tpu.vector_load %arg14[%swap3A_943, %swap3A_944] {strides = array<i32>} : memref<128x128xf32, #tpu.memory_space<vmem>>, vector<1x16xf32>,
        %swap3A_946 = vector.shape_cast %swap3A_945 : vector<1x16xf32> to vector<16xf32>
        %swap3A_947 = vector.shape_cast %get3A_942 : vector<16xf32> to vector<1x16xf32>
        tpu.vector_store %arg14[%swap3A_943, %swap3A_944], %swap3A_947 {add = true, strides = array<i32>} : memref<128x128xf32, #tpu.memory_space<vmem>>, vector<1x16xf32>,
        %get3A_948 = arith.index_cast %add3A_902 : i32 to index
        %get3A_949 = arith.constant 80 : index
        %get3A_950 = tpu.vector_load %arg12[%get3A_948, %get3A_949] {strides = array<i32>} : memref<128x128xf32, #tpu.memory_space<vmem>>, vector<1x16xf32>,
        %get3A_951 = vector.shape_cast %get3A_950 : vector<1x16xf32> to vector<16xf32>
        %swap3A_952 = arith.index_cast %add3A_902 : i32 to index
        %swap3A_953 = arith.constant 80 : index
        %swap3A_954 = tpu.vector_load %arg14[%swap3A_952, %swap3A_953] {strides = array<i32>} : memref<128x128xf32, #tpu.memory_space<vmem>>, vector<1x16xf32>,
        %swap3A_955 = vector.shape_cast %swap3A_954 : vector<1x16xf32> to vector<16xf32>
        %swap3A_956 = vector.shape_cast %get3A_951 : vector<16xf32> to vector<1x16xf32>
        tpu.vector_store %arg14[%swap3A_952, %swap3A_953], %swap3A_956 {add = true, strides = array<i32>} : memref<128x128xf32, #tpu.memory_space<vmem>>, vector<1x16xf32>,
        %get3A_957 = arith.index_cast %add3A_902 : i32 to index
        %get3A_958 = arith.constant 96 : index
        %get3A_959 = tpu.vector_load %arg12[%get3A_957, %get3A_958] {strides = array<i32>} : memref<128x128xf32, #tpu.memory_space<vmem>>, vector<1x16xf32>,
        %get3A_960 = vector.shape_cast %get3A_959 : vector<1x16xf32> to vector<16xf32>
        %swap3A_961 = arith.index_cast %add3A_902 : i32 to index
        %swap3A_962 = arith.constant 96 : index
        %swap3A_963 = tpu.vector_load %arg14[%swap3A_961, %swap3A_962] {strides = array<i32>} : memref<128x128xf32, #tpu.memory_space<vmem>>, vector<1x16xf32>,
        %swap3A_964 = vector.shape_cast %swap3A_963 : vector<1x16xf32> to vector<16xf32>
        %swap3A_965 = vector.shape_cast %get3A_960 : vector<16xf32> to vector<1x16xf32>
        tpu.vector_store %arg14[%swap3A_961, %swap3A_962], %swap3A_965 {add = true, strides = array<i32>} : memref<128x128xf32, #tpu.memory_space<vmem>>, vector<1x16xf32>,
        %get3A_966 = arith.index_cast %add3A_902 : i32 to index
        %get3A_967 = arith.constant 112 : index
        %get3A_968 = tpu.vector_load %arg12[%get3A_966, %get3A_967] {strides = array<i32>} : memref<128x128xf32, #tpu.memory_space<vmem>>, vector<1x16xf32>,
        %get3A_969 = vector.shape_cast %get3A_968 : vector<1x16xf32> to vector<16xf32>
        %swap3A_970 = arith.index_cast %add3A_902 : i32 to index
        %swap3A_971 = arith.constant 112 : index
        %swap3A_972 = tpu.vector_load %arg14[%swap3A_970, %swap3A_971] {strides = array<i32>} : memref<128x128xf32, #tpu.memory_space<vmem>>, vector<1x16xf32>,
        %swap3A_973 = vector.shape_cast %swap3A_972 : vector<1x16xf32> to vector<16xf32>
        %swap3A_974 = vector.shape_cast %get3A_969 : vector<16xf32> to vector<1x16xf32>
        tpu.vector_store %arg14[%swap3A_970, %swap3A_971], %swap3A_974 {add = true, strides = array<i32>} : memref<128x128xf32, #tpu.memory_space<vmem>>, vector<1x16xf32>,
        %scan3A_975 = arith.constant 5 : i32
        %scan3A_976 = arith.addi %scan3A_588, %scan3A_975 : i32
        %mul3A_977 = arith.constant 1 : i32
        %mul3A_978 = arith.muli %scan3A_976, %mul3A_977 : i32
        %add3A_979 = arith.constant 0 : i32
        %add3A_980 = arith.addi %add3A_979, %mul3A_978 : i32
        %get3A_981 = arith.index_cast %add3A_980 : i32 to index
        %get3A_982 = arith.constant 0 : index
        %get3A_983 = tpu.vector_load %arg10[%get3A_981, %get3A_982] {strides = array<i32>} : memref<128x128xf32, #tpu.memory_space<vmem>>, vector<1x16xf32>,
        %get3A_984 = vector.shape_cast %get3A_983 : vector<1x16xf32> to vector<16xf32>
        %swap3A_985 = arith.index_cast %add3A_980 : i32 to index
        %swap3A_986 = arith.constant 0 : index
        %swap3A_987 = tpu.vector_load %arg14[%swap3A_985, %swap3A_986] {strides = array<i32>} : memref<128x128xf32, #tpu.memory_space<vmem>>, vector<1x16xf32>,
        %swap3A_988 = vector.shape_cast %swap3A_987 : vector<1x16xf32> to vector<16xf32>
        %swap3A_989 = vector.shape_cast %get3A_984 : vector<16xf32> to vector<1x16xf32>
        tpu.vector_store %arg14[%swap3A_985, %swap3A_986], %swap3A_989 {add = true, strides = array<i32>} : memref<128x128xf32, #tpu.memory_space<vmem>>, vector<1x16xf32>,
        %get3A_990 = arith.index_cast %add3A_980 : i32 to index
        %get3A_991 = arith.constant 16 : index
        %get3A_992 = tpu.vector_load %arg10[%get3A_990, %get3A_991] {strides = array<i32>} : memref<128x128xf32, #tpu.memory_space<vmem>>, vector<1x16xf32>,
        %get3A_993 = vector.shape_cast %get3A_992 : vector<1x16xf32> to vector<16xf32>
        %swap3A_994 = arith.index_cast %add3A_980 : i32 to index
        %swap3A_995 = arith.constant 16 : index
        %swap3A_996 = tpu.vector_load %arg14[%swap3A_994, %swap3A_995] {strides = array<i32>} : memref<128x128xf32, #tpu.memory_space<vmem>>, vector<1x16xf32>,
        %swap3A_997 = vector.shape_cast %swap3A_996 : vector<1x16xf32> to vector<16xf32>
        %swap3A_998 = vector.shape_cast %get3A_993 : vector<16xf32> to vector<1x16xf32>
        tpu.vector_store %arg14[%swap3A_994, %swap3A_995], %swap3A_998 {add = true, strides = array<i32>} : memref<128x128xf32, #tpu.memory_space<vmem>>, vector<1x16xf32>,
        %get3A_999 = arith.index_cast %add3A_980 : i32 to index
        %get3A_1000 = arith.constant 32 : index
        %get3A_1001 = tpu.vector_load %arg10[%get3A_999, %get3A_1000] {strides = array<i32>} : memref<128x128xf32, #tpu.memory_space<vmem>>, vector<1x16xf32>,
        %get3A_1002 = vector.shape_cast %get3A_1001 : vector<1x16xf32> to vector<16xf32>
        %swap3A_1003 = arith.index_cast %add3A_980 : i32 to index
        %swap3A_1004 = arith.constant 32 : index
        %swap3A_1005 = tpu.vector_load %arg14[%swap3A_1003, %swap3A_1004] {strides = array<i32>} : memref<128x128xf32, #tpu.memory_space<vmem>>, vector<1x16xf32>,
        %swap3A_1006 = vector.shape_cast %swap3A_1005 : vector<1x16xf32> to vector<16xf32>
        %swap3A_1007 = vector.shape_cast %get3A_1002 : vector<16xf32> to vector<1x16xf32>
        tpu.vector_store %arg14[%swap3A_1003, %swap3A_1004], %swap3A_1007 {add = true, strides = array<i32>} : memref<128x128xf32, #tpu.memory_space<vmem>>, vector<1x16xf32>,
        %get3A_1008 = arith.index_cast %add3A_980 : i32 to index
        %get3A_1009 = arith.constant 48 : index
        %get3A_1010 = tpu.vector_load %arg10[%get3A_1008, %get3A_1009] {strides = array<i32>} : memref<128x128xf32, #tpu.memory_space<vmem>>, vector<1x16xf32>,
        %get3A_1011 = vector.shape_cast %get3A_1010 : vector<1x16xf32> to vector<16xf32>
        %swap3A_1012 = arith.index_cast %add3A_980 : i32 to index
        %swap3A_1013 = arith.constant 48 : index
        %swap3A_1014 = tpu.vector_load %arg14[%swap3A_1012, %swap3A_1013] {strides = array<i32>} : memref<128x128xf32, #tpu.memory_space<vmem>>, vector<1x16xf32>,
        %swap3A_1015 = vector.shape_cast %swap3A_1014 : vector<1x16xf32> to vector<16xf32>
        %swap3A_1016 = vector.shape_cast %get3A_1011 : vector<16xf32> to vector<1x16xf32>
        tpu.vector_store %arg14[%swap3A_1012, %swap3A_1013], %swap3A_1016 {add = true, strides = array<i32>} : memref<128x128xf32, #tpu.memory_space<vmem>>, vector<1x16xf32>,
        %get3A_1017 = arith.index_cast %add3A_980 : i32 to index
        %get3A_1018 = arith.constant 64 : index
        %get3A_1019 = tpu.vector_load %arg12[%get3A_1017, %get3A_1018] {strides = array<i32>} : memref<128x128xf32, #tpu.memory_space<vmem>>, vector<1x16xf32>,
        %get3A_1020 = vector.shape_cast %get3A_1019 : vector<1x16xf32> to vector<16xf32>
        %swap3A_1021 = arith.index_cast %add3A_980 : i32 to index
        %swap3A_1022 = arith.constant 64 : index
        %swap3A_1023 = tpu.vector_load %arg14[%swap3A_1021, %swap3A_1022] {strides = array<i32>} : memref<128x128xf32, #tpu.memory_space<vmem>>, vector<1x16xf32>,
        %swap3A_1024 = vector.shape_cast %swap3A_1023 : vector<1x16xf32> to vector<16xf32>
        %swap3A_1025 = vector.shape_cast %get3A_1020 : vector<16xf32> to vector<1x16xf32>
        tpu.vector_store %arg14[%swap3A_1021, %swap3A_1022], %swap3A_1025 {add = true, strides = array<i32>} : memref<128x128xf32, #tpu.memory_space<vmem>>, vector<1x16xf32>,
        %get3A_1026 = arith.index_cast %add3A_980 : i32 to index
        %get3A_1027 = arith.constant 80 : index
        %get3A_1028 = tpu.vector_load %arg12[%get3A_1026, %get3A_1027] {strides = array<i32>} : memref<128x128xf32, #tpu.memory_space<vmem>>, vector<1x16xf32>,
        %get3A_1029 = vector.shape_cast %get3A_1028 : vector<1x16xf32> to vector<16xf32>
        %swap3A_1030 = arith.index_cast %add3A_980 : i32 to index
        %swap3A_1031 = arith.constant 80 : index
        %swap3A_1032 = tpu.vector_load %arg14[%swap3A_1030, %swap3A_1031] {strides = array<i32>} : memref<128x128xf32, #tpu.memory_space<vmem>>, vector<1x16xf32>,
        %swap3A_1033 = vector.shape_cast %swap3A_1032 : vector<1x16xf32> to vector<16xf32>
        %swap3A_1034 = vector.shape_cast %get3A_1029 : vector<16xf32> to vector<1x16xf32>
        tpu.vector_store %arg14[%swap3A_1030, %swap3A_1031], %swap3A_1034 {add = true, strides = array<i32>} : memref<128x128xf32, #tpu.memory_space<vmem>>, vector<1x16xf32>,
        %get3A_1035 = arith.index_cast %add3A_980 : i32 to index
        %get3A_1036 = arith.constant 96 : index
        %get3A_1037 = tpu.vector_load %arg12[%get3A_1035, %get3A_1036] {strides = array<i32>} : memref<128x128xf32, #tpu.memory_space<vmem>>, vector<1x16xf32>,
        %get3A_1038 = vector.shape_cast %get3A_1037 : vector<1x16xf32> to vector<16xf32>
        %swap3A_1039 = arith.index_cast %add3A_980 : i32 to index
        %swap3A_1040 = arith.constant 96 : index
        %swap3A_1041 = tpu.vector_load %arg14[%swap3A_1039, %swap3A_1040] {strides = array<i32>} : memref<128x128xf32, #tpu.memory_space<vmem>>, vector<1x16xf32>,
        %swap3A_1042 = vector.shape_cast %swap3A_1041 : vector<1x16xf32> to vector<16xf32>
        %swap3A_1043 = vector.shape_cast %get3A_1038 : vector<16xf32> to vector<1x16xf32>
        tpu.vector_store %arg14[%swap3A_1039, %swap3A_1040], %swap3A_1043 {add = true, strides = array<i32>} : memref<128x128xf32, #tpu.memory_space<vmem>>, vector<1x16xf32>,
        %get3A_1044 = arith.index_cast %add3A_980 : i32 to index
        %get3A_1045 = arith.constant 112 : index
        %get3A_1046 = tpu.vector_load %arg12[%get3A_1044, %get3A_1045] {strides = array<i32>} : memref<128x128xf32, #tpu.memory_space<vmem>>, vector<1x16xf32>,
        %get3A_1047 = vector.shape_cast %get3A_1046 : vector<1x16xf32> to vector<16xf32>
        %swap3A_1048 = arith.index_cast %add3A_980 : i32 to index
        %swap3A_1049 = arith.constant 112 : index
        %swap3A_1050 = tpu.vector_load %arg14[%swap3A_1048, %swap3A_1049] {strides = array<i32>} : memref<128x128xf32, #tpu.memory_space<vmem>>, vector<1x16xf32>,
        %swap3A_1051 = vector.shape_cast %swap3A_1050 : vector<1x16xf32> to vector<16xf32>
        %swap3A_1052 = vector.shape_cast %get3A_1047 : vector<16xf32> to vector<1x16xf32>
        tpu.vector_store %arg14[%swap3A_1048, %swap3A_1049], %swap3A_1052 {add = true, strides = array<i32>} : memref<128x128xf32, #tpu.memory_space<vmem>>, vector<1x16xf32>,
        %scan3A_1053 = arith.constant 6 : i32
        %scan3A_1054 = arith.addi %scan3A_588, %scan3A_1053 : i32
        %mul3A_1055 = arith.constant 1 : i32
        %mul3A_1056 = arith.muli %scan3A_1054, %mul3A_1055 : i32
        %add3A_1057 = arith.constant 0 : i32
        %add3A_1058 = arith.addi %add3A_1057, %mul3A_1056 : i32
        %get3A_1059 = arith.index_cast %add3A_1058 : i32 to index
        %get3A_1060 = arith.constant 0 : index
        %get3A_1061 = tpu.vector_load %arg10[%get3A_1059, %get3A_1060] {strides = array<i32>} : memref<128x128xf32, #tpu.memory_space<vmem>>, vector<1x16xf32>,
        %get3A_1062 = vector.shape_cast %get3A_1061 : vector<1x16xf32> to vector<16xf32>
        %swap3A_1063 = arith.index_cast %add3A_1058 : i32 to index
        %swap3A_1064 = arith.constant 0 : index
        %swap3A_1065 = tpu.vector_load %arg14[%swap3A_1063, %swap3A_1064] {strides = array<i32>} : memref<128x128xf32, #tpu.memory_space<vmem>>, vector<1x16xf32>,
        %swap3A_1066 = vector.shape_cast %swap3A_1065 : vector<1x16xf32> to vector<16xf32>
        %swap3A_1067 = vector.shape_cast %get3A_1062 : vector<16xf32> to vector<1x16xf32>
        tpu.vector_store %arg14[%swap3A_1063, %swap3A_1064], %swap3A_1067 {add = true, strides = array<i32>} : memref<128x128xf32, #tpu.memory_space<vmem>>, vector<1x16xf32>,
        %get3A_1068 = arith.index_cast %add3A_1058 : i32 to index
        %get3A_1069 = arith.constant 16 : index
        %get3A_1070 = tpu.vector_load %arg10[%get3A_1068, %get3A_1069] {strides = array<i32>} : memref<128x128xf32, #tpu.memory_space<vmem>>, vector<1x16xf32>,
        %get3A_1071 = vector.shape_cast %get3A_1070 : vector<1x16xf32> to vector<16xf32>
        %swap3A_1072 = arith.index_cast %add3A_1058 : i32 to index
        %swap3A_1073 = arith.constant 16 : index
        %swap3A_1074 = tpu.vector_load %arg14[%swap3A_1072, %swap3A_1073] {strides = array<i32>} : memref<128x128xf32, #tpu.memory_space<vmem>>, vector<1x16xf32>,
        %swap3A_1075 = vector.shape_cast %swap3A_1074 : vector<1x16xf32> to vector<16xf32>
        %swap3A_1076 = vector.shape_cast %get3A_1071 : vector<16xf32> to vector<1x16xf32>
        tpu.vector_store %arg14[%swap3A_1072, %swap3A_1073], %swap3A_1076 {add = true, strides = array<i32>} : memref<128x128xf32, #tpu.memory_space<vmem>>, vector<1x16xf32>,
        %get3A_1077 = arith.index_cast %add3A_1058 : i32 to index
        %get3A_1078 = arith.constant 32 : index
        %get3A_1079 = tpu.vector_load %arg10[%get3A_1077, %get3A_1078] {strides = array<i32>} : memref<128x128xf32, #tpu.memory_space<vmem>>, vector<1x16xf32>,
        %get3A_1080 = vector.shape_cast %get3A_1079 : vector<1x16xf32> to vector<16xf32>
        %swap3A_1081 = arith.index_cast %add3A_1058 : i32 to index
        %swap3A_1082 = arith.constant 32 : index
        %swap3A_1083 = tpu.vector_load %arg14[%swap3A_1081, %swap3A_1082] {strides = array<i32>} : memref<128x128xf32, #tpu.memory_space<vmem>>, vector<1x16xf32>,
        %swap3A_1084 = vector.shape_cast %swap3A_1083 : vector<1x16xf32> to vector<16xf32>
        %swap3A_1085 = vector.shape_cast %get3A_1080 : vector<16xf32> to vector<1x16xf32>
        tpu.vector_store %arg14[%swap3A_1081, %swap3A_1082], %swap3A_1085 {add = true, strides = array<i32>} : memref<128x128xf32, #tpu.memory_space<vmem>>, vector<1x16xf32>,
        %get3A_1086 = arith.index_cast %add3A_1058 : i32 to index
        %get3A_1087 = arith.constant 48 : index
        %get3A_1088 = tpu.vector_load %arg10[%get3A_1086, %get3A_1087] {strides = array<i32>} : memref<128x128xf32, #tpu.memory_space<vmem>>, vector<1x16xf32>,
        %get3A_1089 = vector.shape_cast %get3A_1088 : vector<1x16xf32> to vector<16xf32>
        %swap3A_1090 = arith.index_cast %add3A_1058 : i32 to index
        %swap3A_1091 = arith.constant 48 : index
        %swap3A_1092 = tpu.vector_load %arg14[%swap3A_1090, %swap3A_1091] {strides = array<i32>} : memref<128x128xf32, #tpu.memory_space<vmem>>, vector<1x16xf32>,
        %swap3A_1093 = vector.shape_cast %swap3A_1092 : vector<1x16xf32> to vector<16xf32>
        %swap3A_1094 = vector.shape_cast %get3A_1089 : vector<16xf32> to vector<1x16xf32>
        tpu.vector_store %arg14[%swap3A_1090, %swap3A_1091], %swap3A_1094 {add = true, strides = array<i32>} : memref<128x128xf32, #tpu.memory_space<vmem>>, vector<1x16xf32>,
        %get3A_1095 = arith.index_cast %add3A_1058 : i32 to index
        %get3A_1096 = arith.constant 64 : index
        %get3A_1097 = tpu.vector_load %arg12[%get3A_1095, %get3A_1096] {strides = array<i32>} : memref<128x128xf32, #tpu.memory_space<vmem>>, vector<1x16xf32>,
        %get3A_1098 = vector.shape_cast %get3A_1097 : vector<1x16xf32> to vector<16xf32>
        %swap3A_1099 = arith.index_cast %add3A_1058 : i32 to index
        %swap3A_1100 = arith.constant 64 : index
        %swap3A_1101 = tpu.vector_load %arg14[%swap3A_1099, %swap3A_1100] {strides = array<i32>} : memref<128x128xf32, #tpu.memory_space<vmem>>, vector<1x16xf32>,
        %swap3A_1102 = vector.shape_cast %swap3A_1101 : vector<1x16xf32> to vector<16xf32>
        %swap3A_1103 = vector.shape_cast %get3A_1098 : vector<16xf32> to vector<1x16xf32>
        tpu.vector_store %arg14[%swap3A_1099, %swap3A_1100], %swap3A_1103 {add = true, strides = array<i32>} : memref<128x128xf32, #tpu.memory_space<vmem>>, vector<1x16xf32>,
        %get3A_1104 = arith.index_cast %add3A_1058 : i32 to index
        %get3A_1105 = arith.constant 80 : index
        %get3A_1106 = tpu.vector_load %arg12[%get3A_1104, %get3A_1105] {strides = array<i32>} : memref<128x128xf32, #tpu.memory_space<vmem>>, vector<1x16xf32>,
        %get3A_1107 = vector.shape_cast %get3A_1106 : vector<1x16xf32> to vector<16xf32>
        %swap3A_1108 = arith.index_cast %add3A_1058 : i32 to index
        %swap3A_1109 = arith.constant 80 : index
        %swap3A_1110 = tpu.vector_load %arg14[%swap3A_1108, %swap3A_1109] {strides = array<i32>} : memref<128x128xf32, #tpu.memory_space<vmem>>, vector<1x16xf32>,
        %swap3A_1111 = vector.shape_cast %swap3A_1110 : vector<1x16xf32> to vector<16xf32>
        %swap3A_1112 = vector.shape_cast %get3A_1107 : vector<16xf32> to vector<1x16xf32>
        tpu.vector_store %arg14[%swap3A_1108, %swap3A_1109], %swap3A_1112 {add = true, strides = array<i32>} : memref<128x128xf32, #tpu.memory_space<vmem>>, vector<1x16xf32>,
        %get3A_1113 = arith.index_cast %add3A_1058 : i32 to index
        %get3A_1114 = arith.constant 96 : index
        %get3A_1115 = tpu.vector_load %arg12[%get3A_1113, %get3A_1114] {strides = array<i32>} : memref<128x128xf32, #tpu.memory_space<vmem>>, vector<1x16xf32>,
        %get3A_1116 = vector.shape_cast %get3A_1115 : vector<1x16xf32> to vector<16xf32>
        %swap3A_1117 = arith.index_cast %add3A_1058 : i32 to index
        %swap3A_1118 = arith.constant 96 : index
        %swap3A_1119 = tpu.vector_load %arg14[%swap3A_1117, %swap3A_1118] {strides = array<i32>} : memref<128x128xf32, #tpu.memory_space<vmem>>, vector<1x16xf32>,
        %swap3A_1120 = vector.shape_cast %swap3A_1119 : vector<1x16xf32> to vector<16xf32>
        %swap3A_1121 = vector.shape_cast %get3A_1116 : vector<16xf32> to vector<1x16xf32>
        tpu.vector_store %arg14[%swap3A_1117, %swap3A_1118], %swap3A_1121 {add = true, strides = array<i32>} : memref<128x128xf32, #tpu.memory_space<vmem>>, vector<1x16xf32>,
        %get3A_1122 = arith.index_cast %add3A_1058 : i32 to index
        %get3A_1123 = arith.constant 112 : index
        %get3A_1124 = tpu.vector_load %arg12[%get3A_1122, %get3A_1123] {strides = array<i32>} : memref<128x128xf32, #tpu.memory_space<vmem>>, vector<1x16xf32>,
        %get3A_1125 = vector.shape_cast %get3A_1124 : vector<1x16xf32> to vector<16xf32>
        %swap3A_1126 = arith.index_cast %add3A_1058 : i32 to index
        %swap3A_1127 = arith.constant 112 : index
        %swap3A_1128 = tpu.vector_load %arg14[%swap3A_1126, %swap3A_1127] {strides = array<i32>} : memref<128x128xf32, #tpu.memory_space<vmem>>, vector<1x16xf32>,
        %swap3A_1129 = vector.shape_cast %swap3A_1128 : vector<1x16xf32> to vector<16xf32>
        %swap3A_1130 = vector.shape_cast %get3A_1125 : vector<16xf32> to vector<1x16xf32>
        tpu.vector_store %arg14[%swap3A_1126, %swap3A_1127], %swap3A_1130 {add = true, strides = array<i32>} : memref<128x128xf32, #tpu.memory_space<vmem>>, vector<1x16xf32>,
        %scan3A_1131 = arith.constant 7 : i32
        %scan3A_1132 = arith.addi %scan3A_588, %scan3A_1131 : i32
        %mul3A_1133 = arith.constant 1 : i32
        %mul3A_1134 = arith.muli %scan3A_1132, %mul3A_1133 : i32
        %add3A_1135 = arith.constant 0 : i32
        %add3A_1136 = arith.addi %add3A_1135, %mul3A_1134 : i32
        %get3A_1137 = arith.index_cast %add3A_1136 : i32 to index
        %get3A_1138 = arith.constant 0 : index
        %get3A_1139 = tpu.vector_load %arg10[%get3A_1137, %get3A_1138] {strides = array<i32>} : memref<128x128xf32, #tpu.memory_space<vmem>>, vector<1x16xf32>,
        %get3A_1140 = vector.shape_cast %get3A_1139 : vector<1x16xf32> to vector<16xf32>
        %swap3A_1141 = arith.index_cast %add3A_1136 : i32 to index
        %swap3A_1142 = arith.constant 0 : index
        %swap3A_1143 = tpu.vector_load %arg14[%swap3A_1141, %swap3A_1142] {strides = array<i32>} : memref<128x128xf32, #tpu.memory_space<vmem>>, vector<1x16xf32>,
        %swap3A_1144 = vector.shape_cast %swap3A_1143 : vector<1x16xf32> to vector<16xf32>
        %swap3A_1145 = vector.shape_cast %get3A_1140 : vector<16xf32> to vector<1x16xf32>
        tpu.vector_store %arg14[%swap3A_1141, %swap3A_1142], %swap3A_1145 {add = true, strides = array<i32>} : memref<128x128xf32, #tpu.memory_space<vmem>>, vector<1x16xf32>,
        %get3A_1146 = arith.index_cast %add3A_1136 : i32 to index
        %get3A_1147 = arith.constant 16 : index
        %get3A_1148 = tpu.vector_load %arg10[%get3A_1146, %get3A_1147] {strides = array<i32>} : memref<128x128xf32, #tpu.memory_space<vmem>>, vector<1x16xf32>,
        %get3A_1149 = vector.shape_cast %get3A_1148 : vector<1x16xf32> to vector<16xf32>
        %swap3A_1150 = arith.index_cast %add3A_1136 : i32 to index
        %swap3A_1151 = arith.constant 16 : index
        %swap3A_1152 = tpu.vector_load %arg14[%swap3A_1150, %swap3A_1151] {strides = array<i32>} : memref<128x128xf32, #tpu.memory_space<vmem>>, vector<1x16xf32>,
        %swap3A_1153 = vector.shape_cast %swap3A_1152 : vector<1x16xf32> to vector<16xf32>
        %swap3A_1154 = vector.shape_cast %get3A_1149 : vector<16xf32> to vector<1x16xf32>
        tpu.vector_store %arg14[%swap3A_1150, %swap3A_1151], %swap3A_1154 {add = true, strides = array<i32>} : memref<128x128xf32, #tpu.memory_space<vmem>>, vector<1x16xf32>,
        %get3A_1155 = arith.index_cast %add3A_1136 : i32 to index
        %get3A_1156 = arith.constant 32 : index
        %get3A_1157 = tpu.vector_load %arg10[%get3A_1155, %get3A_1156] {strides = array<i32>} : memref<128x128xf32, #tpu.memory_space<vmem>>, vector<1x16xf32>,
        %get3A_1158 = vector.shape_cast %get3A_1157 : vector<1x16xf32> to vector<16xf32>
        %swap3A_1159 = arith.index_cast %add3A_1136 : i32 to index
        %swap3A_1160 = arith.constant 32 : index
        %swap3A_1161 = tpu.vector_load %arg14[%swap3A_1159, %swap3A_1160] {strides = array<i32>} : memref<128x128xf32, #tpu.memory_space<vmem>>, vector<1x16xf32>,
        %swap3A_1162 = vector.shape_cast %swap3A_1161 : vector<1x16xf32> to vector<16xf32>
        %swap3A_1163 = vector.shape_cast %get3A_1158 : vector<16xf32> to vector<1x16xf32>
        tpu.vector_store %arg14[%swap3A_1159, %swap3A_1160], %swap3A_1163 {add = true, strides = array<i32>} : memref<128x128xf32, #tpu.memory_space<vmem>>, vector<1x16xf32>,
        %get3A_1164 = arith.index_cast %add3A_1136 : i32 to index
        %get3A_1165 = arith.constant 48 : index
        %get3A_1166 = tpu.vector_load %arg10[%get3A_1164, %get3A_1165] {strides = array<i32>} : memref<128x128xf32, #tpu.memory_space<vmem>>, vector<1x16xf32>,
        %get3A_1167 = vector.shape_cast %get3A_1166 : vector<1x16xf32> to vector<16xf32>
        %swap3A_1168 = arith.index_cast %add3A_1136 : i32 to index
        %swap3A_1169 = arith.constant 48 : index
        %swap3A_1170 = tpu.vector_load %arg14[%swap3A_1168, %swap3A_1169] {strides = array<i32>} : memref<128x128xf32, #tpu.memory_space<vmem>>, vector<1x16xf32>,
        %swap3A_1171 = vector.shape_cast %swap3A_1170 : vector<1x16xf32> to vector<16xf32>
        %swap3A_1172 = vector.shape_cast %get3A_1167 : vector<16xf32> to vector<1x16xf32>
        tpu.vector_store %arg14[%swap3A_1168, %swap3A_1169], %swap3A_1172 {add = true, strides = array<i32>} : memref<128x128xf32, #tpu.memory_space<vmem>>, vector<1x16xf32>,
        %get3A_1173 = arith.index_cast %add3A_1136 : i32 to index
        %get3A_1174 = arith.constant 64 : index
        %get3A_1175 = tpu.vector_load %arg12[%get3A_1173, %get3A_1174] {strides = array<i32>} : memref<128x128xf32, #tpu.memory_space<vmem>>, vector<1x16xf32>,
        %get3A_1176 = vector.shape_cast %get3A_1175 : vector<1x16xf32> to vector<16xf32>
        %swap3A_1177 = arith.index_cast %add3A_1136 : i32 to index
        %swap3A_1178 = arith.constant 64 : index
        %swap3A_1179 = tpu.vector_load %arg14[%swap3A_1177, %swap3A_1178] {strides = array<i32>} : memref<128x128xf32, #tpu.memory_space<vmem>>, vector<1x16xf32>,
        %swap3A_1180 = vector.shape_cast %swap3A_1179 : vector<1x16xf32> to vector<16xf32>
        %swap3A_1181 = vector.shape_cast %get3A_1176 : vector<16xf32> to vector<1x16xf32>
        tpu.vector_store %arg14[%swap3A_1177, %swap3A_1178], %swap3A_1181 {add = true, strides = array<i32>} : memref<128x128xf32, #tpu.memory_space<vmem>>, vector<1x16xf32>,
        %get3A_1182 = arith.index_cast %add3A_1136 : i32 to index
        %get3A_1183 = arith.constant 80 : index
        %get3A_1184 = tpu.vector_load %arg12[%get3A_1182, %get3A_1183] {strides = array<i32>} : memref<128x128xf32, #tpu.memory_space<vmem>>, vector<1x16xf32>,
        %get3A_1185 = vector.shape_cast %get3A_1184 : vector<1x16xf32> to vector<16xf32>
        %swap3A_1186 = arith.index_cast %add3A_1136 : i32 to index
        %swap3A_1187 = arith.constant 80 : index
        %swap3A_1188 = tpu.vector_load %arg14[%swap3A_1186, %swap3A_1187] {strides = array<i32>} : memref<128x128xf32, #tpu.memory_space<vmem>>, vector<1x16xf32>,
        %swap3A_1189 = vector.shape_cast %swap3A_1188 : vector<1x16xf32> to vector<16xf32>
        %swap3A_1190 = vector.shape_cast %get3A_1185 : vector<16xf32> to vector<1x16xf32>
        tpu.vector_store %arg14[%swap3A_1186, %swap3A_1187], %swap3A_1190 {add = true, strides = array<i32>} : memref<128x128xf32, #tpu.memory_space<vmem>>, vector<1x16xf32>,
        %get3A_1191 = arith.index_cast %add3A_1136 : i32 to index
        %get3A_1192 = arith.constant 96 : index
        %get3A_1193 = tpu.vector_load %arg12[%get3A_1191, %get3A_1192] {strides = array<i32>} : memref<128x128xf32, #tpu.memory_space<vmem>>, vector<1x16xf32>,
        %get3A_1194 = vector.shape_cast %get3A_1193 : vector<1x16xf32> to vector<16xf32>
        %swap3A_1195 = arith.index_cast %add3A_1136 : i32 to index
        %swap3A_1196 = arith.constant 96 : index
        %swap3A_1197 = tpu.vector_load %arg14[%swap3A_1195, %swap3A_1196] {strides = array<i32>} : memref<128x128xf32, #tpu.memory_space<vmem>>, vector<1x16xf32>,
        %swap3A_1198 = vector.shape_cast %swap3A_1197 : vector<1x16xf32> to vector<16xf32>
        %swap3A_1199 = vector.shape_cast %get3A_1194 : vector<16xf32> to vector<1x16xf32>
        tpu.vector_store %arg14[%swap3A_1195, %swap3A_1196], %swap3A_1199 {add = true, strides = array<i32>} : memref<128x128xf32, #tpu.memory_space<vmem>>, vector<1x16xf32>,
        %get3A_1200 = arith.index_cast %add3A_1136 : i32 to index
        %get3A_1201 = arith.constant 112 : index
        %get3A_1202 = tpu.vector_load %arg12[%get3A_1200, %get3A_1201] {strides = array<i32>} : memref<128x128xf32, #tpu.memory_space<vmem>>, vector<1x16xf32>,
        %get3A_1203 = vector.shape_cast %get3A_1202 : vector<1x16xf32> to vector<16xf32>
        %swap3A_1204 = arith.index_cast %add3A_1136 : i32 to index
        %swap3A_1205 = arith.constant 112 : index
        %swap3A_1206 = tpu.vector_load %arg14[%swap3A_1204, %swap3A_1205] {strides = array<i32>} : memref<128x128xf32, #tpu.memory_space<vmem>>, vector<1x16xf32>,
        %swap3A_1207 = vector.shape_cast %swap3A_1206 : vector<1x16xf32> to vector<16xf32>
        %swap3A_1208 = vector.shape_cast %get3A_1203 : vector<16xf32> to vector<1x16xf32>
        tpu.vector_store %arg14[%swap3A_1204, %swap3A_1205], %swap3A_1208 {add = true, strides = array<i32>} : memref<128x128xf32, #tpu.memory_space<vmem>>, vector<1x16xf32>,
      }
      %scan3A_303 = arith.constant 64 : i32
      %add3A_304 = arith.addi %mul3A_2, %add3A_225 : i32
      %jit3A_305 = arith.constant 32 : i32
      %div3A_306 = arith.divsi %add3A_304, %jit3A_305 : i32
      %sign3A_307 = arith.constant 0 : i32
      %sign3A_308 = arith.cmpi sgt, %add3A_304, %sign3A_307 : i32
      %sign3A_309 = arith.extui %sign3A_308 : i1 to i32
      %sign3A_310 = arith.constant 0 : i32
      %sign3A_311 = arith.cmpi slt, %add3A_304, %sign3A_310 : i32
      %sign3A_312 = arith.extui %sign3A_311 : i1 to i32
      %sign3A_313 = arith.subi %sign3A_309, %sign3A_312 : i32
      %sign3A_314 = arith.constant 0 : i32
      %sign3A_315 = arith.cmpi sgt, %jit3A_305, %sign3A_314 : i32
      %sign3A_316 = arith.extui %sign3A_315 : i1 to i32
      %sign3A_317 = arith.constant 0 : i32
      %sign3A_318 = arith.cmpi slt, %jit3A_305, %sign3A_317 : i32
      %sign3A_319 = arith.extui %sign3A_318 : i1 to i32
      %sign3A_320 = arith.subi %sign3A_316, %sign3A_319 : i32
      %ne3A_321 = arith.cmpi ne, %sign3A_313, %sign3A_320 : i32
      %rem3A_322 = arith.remsi %add3A_304, %jit3A_305 : i32
      %ne3A_323 = arith.constant 0 : i32
      %ne3A_324 = arith.cmpi ne, %rem3A_322, %ne3A_323 : i32
      %and3A_325 = arith.andi %ne3A_321, %ne3A_324 : i1
      %sub3A_326 = arith.constant 1 : i32
      %sub3A_327 = arith.subi %div3A_306, %sub3A_326 : i32
      %select_n3A_328 = arith.select %and3A_325, %sub3A_327, %div3A_306 : i32
      %mul3A_329 = arith.constant 32 : i32
      %mul3A_330 = arith.muli %select_n3A_328, %mul3A_329 : i32
      %sub3A_331 = arith.subi %add3A_304, %mul3A_330 : i32
      %mul3A_332 = arith.constant 128 : i32
      %mul3A_333 = arith.muli %sub3A_331, %mul3A_332 : i32
      %add3A_334 = arith.constant 0 : i32
      %add3A_335 = arith.addi %mul3A_333, %add3A_334 : i32
      %dma_start3A_336 = arith.constant 0 : i32
      %dma_start3A_337 = arith.constant 0 : i32
      %dma_start3A_338 = arith.constant 0 : i32
      %dma_start3A_339 = tpu.memref_slice %arg14[%dma_start3A_337, %dma_start3A_338] : memref<128x128xf32, #tpu.memory_space<vmem>> -> memref<64x128xf32, #tpu.memory_space<vmem>>
      %dma_start3A_340 = arith.constant 0 : i32
      %dma_start3A_341 = tpu.memref_slice %arg5[%add3A_335, %select_n3A_328, %dma_start3A_340] : memref<4096x200x128xf32, #tpu.memory_space<hbm>> -> memref<64x1x128xf32, #tpu.memory_space<hbm>>
      %dma_start3A_342 = tpu.memref_squeeze %dma_start3A_341 : memref<64x1x128xf32, #tpu.memory_space<hbm>> -> memref<64x128xf32, #tpu.memory_space<hbm>>
      %dma_start3A_343 = tpu.memref_slice %arg21[%dma_start3A_336] : memref<2x!tpu.dma_semaphore, #tpu.memory_space<semaphore_mem>> -> memref<1x!tpu.dma_semaphore, #tpu.memory_space<semaphore_mem>>
      %dma_start3A_344 = tpu.memref_squeeze %dma_start3A_343 : memref<1x!tpu.dma_semaphore, #tpu.memory_space<semaphore_mem>> -> memref<!tpu.dma_semaphore, #tpu.memory_space<semaphore_mem>>
      %dma_start3A_345 = arith.constant 0 : i32
      %dma_start3A_346 = tpu.memref_slice %arg5[%add3A_335, %select_n3A_328, %dma_start3A_345] : memref<4096x200x128xf32, #tpu.memory_space<hbm>> -> memref<64x1x128xf32, #tpu.memory_space<hbm>>
      %dma_start3A_347 = tpu.memref_squeeze %dma_start3A_346 : memref<64x1x128xf32, #tpu.memory_space<hbm>> -> memref<64x128xf32, #tpu.memory_space<hbm>>
      %dma_start3A_348 = arith.constant 0 : i32
      %dma_start3A_349 = arith.constant 0 : i32
      %dma_start3A_350 = tpu.memref_slice %arg14[%dma_start3A_348, %dma_start3A_349] : memref<128x128xf32, #tpu.memory_space<vmem>> -> memref<64x128xf32, #tpu.memory_space<vmem>>
      tpu.enqueue_dma source(%dma_start3A_350 : memref<64x128xf32, #tpu.memory_space<vmem>>) target(%dma_start3A_347 : memref<64x128xf32, #tpu.memory_space<hbm>>) target_semaphore(%dma_start3A_344 : memref<!tpu.dma_semaphore, #tpu.memory_space<semaphore_mem>>)
      %scan3A_351 = arith.constant 0 : i32
      %scan3A_352 = arith.constant 64 : i32
      %scan3A_353 = arith.addi %scan3A_351, %scan3A_352 : i32
      %scan3A_354 = arith.constant 8 : i32
      scf.for %scan3A_588 = %scan3A_351 to %scan3A_353 step %scan3A_354  : i32 {
        %mul3A_589 = arith.constant 1 : i32
        %mul3A_590 = arith.muli %scan3A_588, %mul3A_589 : i32
        %add3A_591 = arith.constant 64 : i32
        %add3A_592 = arith.addi %add3A_591, %mul3A_590 : i32
        %get3A = arith.index_cast %add3A_592 : i32 to index
        %get3A_593 = arith.constant 0 : index
        %get3A_594 = tpu.vector_load %arg10[%get3A, %get3A_593] {strides = array<i32>} : memref<128x128xf32, #tpu.memory_space<vmem>>, vector<1x16xf32>,
        %get3A_595 = vector.shape_cast %get3A_594 : vector<1x16xf32> to vector<16xf32>
        %swap3A = arith.index_cast %add3A_592 : i32 to index
        %swap3A_596 = arith.constant 0 : index
        %swap3A_597 = tpu.vector_load %arg14[%swap3A, %swap3A_596] {strides = array<i32>} : memref<128x128xf32, #tpu.memory_space<vmem>>, vector<1x16xf32>,
        %swap3A_598 = vector.shape_cast %swap3A_597 : vector<1x16xf32> to vector<16xf32>
        %swap3A_599 = vector.shape_cast %get3A_595 : vector<16xf32> to vector<1x16xf32>
        tpu.vector_store %arg14[%swap3A, %swap3A_596], %swap3A_599 {add = true, strides = array<i32>} : memref<128x128xf32, #tpu.memory_space<vmem>>, vector<1x16xf32>,
        %get3A_600 = arith.index_cast %add3A_592 : i32 to index
        %get3A_601 = arith.constant 16 : index
        %get3A_602 = tpu.vector_load %arg10[%get3A_600, %get3A_601] {strides = array<i32>} : memref<128x128xf32, #tpu.memory_space<vmem>>, vector<1x16xf32>,
        %get3A_603 = vector.shape_cast %get3A_602 : vector<1x16xf32> to vector<16xf32>
        %swap3A_604 = arith.index_cast %add3A_592 : i32 to index
        %swap3A_605 = arith.constant 16 : index
        %swap3A_606 = tpu.vector_load %arg14[%swap3A_604, %swap3A_605] {strides = array<i32>} : memref<128x128xf32, #tpu.memory_space<vmem>>, vector<1x16xf32>,
        %swap3A_607 = vector.shape_cast %swap3A_606 : vector<1x16xf32> to vector<16xf32>
        %swap3A_608 = vector.shape_cast %get3A_603 : vector<16xf32> to vector<1x16xf32>
        tpu.vector_store %arg14[%swap3A_604, %swap3A_605], %swap3A_608 {add = true, strides = array<i32>} : memref<128x128xf32, #tpu.memory_space<vmem>>, vector<1x16xf32>,
        %get3A_609 = arith.index_cast %add3A_592 : i32 to index
        %get3A_610 = arith.constant 32 : index
        %get3A_611 = tpu.vector_load %arg10[%get3A_609, %get3A_610] {strides = array<i32>} : memref<128x128xf32, #tpu.memory_space<vmem>>, vector<1x16xf32>,
        %get3A_612 = vector.shape_cast %get3A_611 : vector<1x16xf32> to vector<16xf32>
        %swap3A_613 = arith.index_cast %add3A_592 : i32 to index
        %swap3A_614 = arith.constant 32 : index
        %swap3A_615 = tpu.vector_load %arg14[%swap3A_613, %swap3A_614] {strides = array<i32>} : memref<128x128xf32, #tpu.memory_space<vmem>>, vector<1x16xf32>,
        %swap3A_616 = vector.shape_cast %swap3A_615 : vector<1x16xf32> to vector<16xf32>
        %swap3A_617 = vector.shape_cast %get3A_612 : vector<16xf32> to vector<1x16xf32>
        tpu.vector_store %arg14[%swap3A_613, %swap3A_614], %swap3A_617 {add = true, strides = array<i32>} : memref<128x128xf32, #tpu.memory_space<vmem>>, vector<1x16xf32>,
        %get3A_618 = arith.index_cast %add3A_592 : i32 to index
        %get3A_619 = arith.constant 48 : index
        %get3A_620 = tpu.vector_load %arg10[%get3A_618, %get3A_619] {strides = array<i32>} : memref<128x128xf32, #tpu.memory_space<vmem>>, vector<1x16xf32>,
        %get3A_621 = vector.shape_cast %get3A_620 : vector<1x16xf32> to vector<16xf32>
        %swap3A_622 = arith.index_cast %add3A_592 : i32 to index
        %swap3A_623 = arith.constant 48 : index
        %swap3A_624 = tpu.vector_load %arg14[%swap3A_622, %swap3A_623] {strides = array<i32>} : memref<128x128xf32, #tpu.memory_space<vmem>>, vector<1x16xf32>,
        %swap3A_625 = vector.shape_cast %swap3A_624 : vector<1x16xf32> to vector<16xf32>
        %swap3A_626 = vector.shape_cast %get3A_621 : vector<16xf32> to vector<1x16xf32>
        tpu.vector_store %arg14[%swap3A_622, %swap3A_623], %swap3A_626 {add = true, strides = array<i32>} : memref<128x128xf32, #tpu.memory_space<vmem>>, vector<1x16xf32>,
        %get3A_627 = arith.index_cast %add3A_592 : i32 to index
        %get3A_628 = arith.constant 64 : index
        %get3A_629 = tpu.vector_load %arg12[%get3A_627, %get3A_628] {strides = array<i32>} : memref<128x128xf32, #tpu.memory_space<vmem>>, vector<1x16xf32>,
        %get3A_630 = vector.shape_cast %get3A_629 : vector<1x16xf32> to vector<16xf32>
        %swap3A_631 = arith.index_cast %add3A_592 : i32 to index
        %swap3A_632 = arith.constant 64 : index
        %swap3A_633 = tpu.vector_load %arg14[%swap3A_631, %swap3A_632] {strides = array<i32>} : memref<128x128xf32, #tpu.memory_space<vmem>>, vector<1x16xf32>,
        %swap3A_634 = vector.shape_cast %swap3A_633 : vector<1x16xf32> to vector<16xf32>
        %swap3A_635 = vector.shape_cast %get3A_630 : vector<16xf32> to vector<1x16xf32>
        tpu.vector_store %arg14[%swap3A_631, %swap3A_632], %swap3A_635 {add = true, strides = array<i32>} : memref<128x128xf32, #tpu.memory_space<vmem>>, vector<1x16xf32>,
        %get3A_636 = arith.index_cast %add3A_592 : i32 to index
        %get3A_637 = arith.constant 80 : index
        %get3A_638 = tpu.vector_load %arg12[%get3A_636, %get3A_637] {strides = array<i32>} : memref<128x128xf32, #tpu.memory_space<vmem>>, vector<1x16xf32>,
        %get3A_639 = vector.shape_cast %get3A_638 : vector<1x16xf32> to vector<16xf32>
        %swap3A_640 = arith.index_cast %add3A_592 : i32 to index
        %swap3A_641 = arith.constant 80 : index
        %swap3A_642 = tpu.vector_load %arg14[%swap3A_640, %swap3A_641] {strides = array<i32>} : memref<128x128xf32, #tpu.memory_space<vmem>>, vector<1x16xf32>,
        %swap3A_643 = vector.shape_cast %swap3A_642 : vector<1x16xf32> to vector<16xf32>
        %swap3A_644 = vector.shape_cast %get3A_639 : vector<16xf32> to vector<1x16xf32>
        tpu.vector_store %arg14[%swap3A_640, %swap3A_641], %swap3A_644 {add = true, strides = array<i32>} : memref<128x128xf32, #tpu.memory_space<vmem>>, vector<1x16xf32>,
        %get3A_645 = arith.index_cast %add3A_592 : i32 to index
        %get3A_646 = arith.constant 96 : index
        %get3A_647 = tpu.vector_load %arg12[%get3A_645, %get3A_646] {strides = array<i32>} : memref<128x128xf32, #tpu.memory_space<vmem>>, vector<1x16xf32>,
        %get3A_648 = vector.shape_cast %get3A_647 : vector<1x16xf32> to vector<16xf32>
        %swap3A_649 = arith.index_cast %add3A_592 : i32 to index
        %swap3A_650 = arith.constant 96 : index
        %swap3A_651 = tpu.vector_load %arg14[%swap3A_649, %swap3A_650] {strides = array<i32>} : memref<128x128xf32, #tpu.memory_space<vmem>>, vector<1x16xf32>,
        %swap3A_652 = vector.shape_cast %swap3A_651 : vector<1x16xf32> to vector<16xf32>
        %swap3A_653 = vector.shape_cast %get3A_648 : vector<16xf32> to vector<1x16xf32>
        tpu.vector_store %arg14[%swap3A_649, %swap3A_650], %swap3A_653 {add = true, strides = array<i32>} : memref<128x128xf32, #tpu.memory_space<vmem>>, vector<1x16xf32>,
        %get3A_654 = arith.index_cast %add3A_592 : i32 to index
        %get3A_655 = arith.constant 112 : index
        %get3A_656 = tpu.vector_load %arg12[%get3A_654, %get3A_655] {strides = array<i32>} : memref<128x128xf32, #tpu.memory_space<vmem>>, vector<1x16xf32>,
        %get3A_657 = vector.shape_cast %get3A_656 : vector<1x16xf32> to vector<16xf32>
        %swap3A_658 = arith.index_cast %add3A_592 : i32 to index
        %swap3A_659 = arith.constant 112 : index
        %swap3A_660 = tpu.vector_load %arg14[%swap3A_658, %swap3A_659] {strides = array<i32>} : memref<128x128xf32, #tpu.memory_space<vmem>>, vector<1x16xf32>,
        %swap3A_661 = vector.shape_cast %swap3A_660 : vector<1x16xf32> to vector<16xf32>
        %swap3A_662 = vector.shape_cast %get3A_657 : vector<16xf32> to vector<1x16xf32>
        tpu.vector_store %arg14[%swap3A_658, %swap3A_659], %swap3A_662 {add = true, strides = array<i32>} : memref<128x128xf32, #tpu.memory_space<vmem>>, vector<1x16xf32>,
        %scan3A_663 = arith.constant 1 : i32
        %scan3A_664 = arith.addi %scan3A_588, %scan3A_663 : i32
        %mul3A_665 = arith.constant 1 : i32
        %mul3A_666 = arith.muli %scan3A_664, %mul3A_665 : i32
        %add3A_667 = arith.constant 64 : i32
        %add3A_668 = arith.addi %add3A_667, %mul3A_666 : i32
        %get3A_669 = arith.index_cast %add3A_668 : i32 to index
        %get3A_670 = arith.constant 0 : index
        %get3A_671 = tpu.vector_load %arg10[%get3A_669, %get3A_670] {strides = array<i32>} : memref<128x128xf32, #tpu.memory_space<vmem>>, vector<1x16xf32>,
        %get3A_672 = vector.shape_cast %get3A_671 : vector<1x16xf32> to vector<16xf32>
        %swap3A_673 = arith.index_cast %add3A_668 : i32 to index
        %swap3A_674 = arith.constant 0 : index
        %swap3A_675 = tpu.vector_load %arg14[%swap3A_673, %swap3A_674] {strides = array<i32>} : memref<128x128xf32, #tpu.memory_space<vmem>>, vector<1x16xf32>,
        %swap3A_676 = vector.shape_cast %swap3A_675 : vector<1x16xf32> to vector<16xf32>
        %swap3A_677 = vector.shape_cast %get3A_672 : vector<16xf32> to vector<1x16xf32>
        tpu.vector_store %arg14[%swap3A_673, %swap3A_674], %swap3A_677 {add = true, strides = array<i32>} : memref<128x128xf32, #tpu.memory_space<vmem>>, vector<1x16xf32>,
        %get3A_678 = arith.index_cast %add3A_668 : i32 to index
        %get3A_679 = arith.constant 16 : index
        %get3A_680 = tpu.vector_load %arg10[%get3A_678, %get3A_679] {strides = array<i32>} : memref<128x128xf32, #tpu.memory_space<vmem>>, vector<1x16xf32>,
        %get3A_681 = vector.shape_cast %get3A_680 : vector<1x16xf32> to vector<16xf32>
        %swap3A_682 = arith.index_cast %add3A_668 : i32 to index
        %swap3A_683 = arith.constant 16 : index
        %swap3A_684 = tpu.vector_load %arg14[%swap3A_682, %swap3A_683] {strides = array<i32>} : memref<128x128xf32, #tpu.memory_space<vmem>>, vector<1x16xf32>,
        %swap3A_685 = vector.shape_cast %swap3A_684 : vector<1x16xf32> to vector<16xf32>
        %swap3A_686 = vector.shape_cast %get3A_681 : vector<16xf32> to vector<1x16xf32>
        tpu.vector_store %arg14[%swap3A_682, %swap3A_683], %swap3A_686 {add = true, strides = array<i32>} : memref<128x128xf32, #tpu.memory_space<vmem>>, vector<1x16xf32>,
        %get3A_687 = arith.index_cast %add3A_668 : i32 to index
        %get3A_688 = arith.constant 32 : index
        %get3A_689 = tpu.vector_load %arg10[%get3A_687, %get3A_688] {strides = array<i32>} : memref<128x128xf32, #tpu.memory_space<vmem>>, vector<1x16xf32>,
        %get3A_690 = vector.shape_cast %get3A_689 : vector<1x16xf32> to vector<16xf32>
        %swap3A_691 = arith.index_cast %add3A_668 : i32 to index
        %swap3A_692 = arith.constant 32 : index
        %swap3A_693 = tpu.vector_load %arg14[%swap3A_691, %swap3A_692] {strides = array<i32>} : memref<128x128xf32, #tpu.memory_space<vmem>>, vector<1x16xf32>,
        %swap3A_694 = vector.shape_cast %swap3A_693 : vector<1x16xf32> to vector<16xf32>
        %swap3A_695 = vector.shape_cast %get3A_690 : vector<16xf32> to vector<1x16xf32>
        tpu.vector_store %arg14[%swap3A_691, %swap3A_692], %swap3A_695 {add = true, strides = array<i32>} : memref<128x128xf32, #tpu.memory_space<vmem>>, vector<1x16xf32>,
        %get3A_696 = arith.index_cast %add3A_668 : i32 to index
        %get3A_697 = arith.constant 48 : index
        %get3A_698 = tpu.vector_load %arg10[%get3A_696, %get3A_697] {strides = array<i32>} : memref<128x128xf32, #tpu.memory_space<vmem>>, vector<1x16xf32>,
        %get3A_699 = vector.shape_cast %get3A_698 : vector<1x16xf32> to vector<16xf32>
        %swap3A_700 = arith.index_cast %add3A_668 : i32 to index
        %swap3A_701 = arith.constant 48 : index
        %swap3A_702 = tpu.vector_load %arg14[%swap3A_700, %swap3A_701] {strides = array<i32>} : memref<128x128xf32, #tpu.memory_space<vmem>>, vector<1x16xf32>,
        %swap3A_703 = vector.shape_cast %swap3A_702 : vector<1x16xf32> to vector<16xf32>
        %swap3A_704 = vector.shape_cast %get3A_699 : vector<16xf32> to vector<1x16xf32>
        tpu.vector_store %arg14[%swap3A_700, %swap3A_701], %swap3A_704 {add = true, strides = array<i32>} : memref<128x128xf32, #tpu.memory_space<vmem>>, vector<1x16xf32>,
        %get3A_705 = arith.index_cast %add3A_668 : i32 to index
        %get3A_706 = arith.constant 64 : index
        %get3A_707 = tpu.vector_load %arg12[%get3A_705, %get3A_706] {strides = array<i32>} : memref<128x128xf32, #tpu.memory_space<vmem>>, vector<1x16xf32>,
        %get3A_708 = vector.shape_cast %get3A_707 : vector<1x16xf32> to vector<16xf32>
        %swap3A_709 = arith.index_cast %add3A_668 : i32 to index
        %swap3A_710 = arith.constant 64 : index
        %swap3A_711 = tpu.vector_load %arg14[%swap3A_709, %swap3A_710] {strides = array<i32>} : memref<128x128xf32, #tpu.memory_space<vmem>>, vector<1x16xf32>,
        %swap3A_712 = vector.shape_cast %swap3A_711 : vector<1x16xf32> to vector<16xf32>
        %swap3A_713 = vector.shape_cast %get3A_708 : vector<16xf32> to vector<1x16xf32>
        tpu.vector_store %arg14[%swap3A_709, %swap3A_710], %swap3A_713 {add = true, strides = array<i32>} : memref<128x128xf32, #tpu.memory_space<vmem>>, vector<1x16xf32>,
        %get3A_714 = arith.index_cast %add3A_668 : i32 to index
        %get3A_715 = arith.constant 80 : index
        %get3A_716 = tpu.vector_load %arg12[%get3A_714, %get3A_715] {strides = array<i32>} : memref<128x128xf32, #tpu.memory_space<vmem>>, vector<1x16xf32>,
        %get3A_717 = vector.shape_cast %get3A_716 : vector<1x16xf32> to vector<16xf32>
        %swap3A_718 = arith.index_cast %add3A_668 : i32 to index
        %swap3A_719 = arith.constant 80 : index
        %swap3A_720 = tpu.vector_load %arg14[%swap3A_718, %swap3A_719] {strides = array<i32>} : memref<128x128xf32, #tpu.memory_space<vmem>>, vector<1x16xf32>,
        %swap3A_721 = vector.shape_cast %swap3A_720 : vector<1x16xf32> to vector<16xf32>
        %swap3A_722 = vector.shape_cast %get3A_717 : vector<16xf32> to vector<1x16xf32>
        tpu.vector_store %arg14[%swap3A_718, %swap3A_719], %swap3A_722 {add = true, strides = array<i32>} : memref<128x128xf32, #tpu.memory_space<vmem>>, vector<1x16xf32>,
        %get3A_723 = arith.index_cast %add3A_668 : i32 to index
        %get3A_724 = arith.constant 96 : index
        %get3A_725 = tpu.vector_load %arg12[%get3A_723, %get3A_724] {strides = array<i32>} : memref<128x128xf32, #tpu.memory_space<vmem>>, vector<1x16xf32>,
        %get3A_726 = vector.shape_cast %get3A_725 : vector<1x16xf32> to vector<16xf32>
        %swap3A_727 = arith.index_cast %add3A_668 : i32 to index
        %swap3A_728 = arith.constant 96 : index
        %swap3A_729 = tpu.vector_load %arg14[%swap3A_727, %swap3A_728] {strides = array<i32>} : memref<128x128xf32, #tpu.memory_space<vmem>>, vector<1x16xf32>,
        %swap3A_730 = vector.shape_cast %swap3A_729 : vector<1x16xf32> to vector<16xf32>
        %swap3A_731 = vector.shape_cast %get3A_726 : vector<16xf32> to vector<1x16xf32>
        tpu.vector_store %arg14[%swap3A_727, %swap3A_728], %swap3A_731 {add = true, strides = array<i32>} : memref<128x128xf32, #tpu.memory_space<vmem>>, vector<1x16xf32>,
        %get3A_732 = arith.index_cast %add3A_668 : i32 to index
        %get3A_733 = arith.constant 112 : index
        %get3A_734 = tpu.vector_load %arg12[%get3A_732, %get3A_733] {strides = array<i32>} : memref<128x128xf32, #tpu.memory_space<vmem>>, vector<1x16xf32>,
        %get3A_735 = vector.shape_cast %get3A_734 : vector<1x16xf32> to vector<16xf32>
        %swap3A_736 = arith.index_cast %add3A_668 : i32 to index
        %swap3A_737 = arith.constant 112 : index
        %swap3A_738 = tpu.vector_load %arg14[%swap3A_736, %swap3A_737] {strides = array<i32>} : memref<128x128xf32, #tpu.memory_space<vmem>>, vector<1x16xf32>,
        %swap3A_739 = vector.shape_cast %swap3A_738 : vector<1x16xf32> to vector<16xf32>
        %swap3A_740 = vector.shape_cast %get3A_735 : vector<16xf32> to vector<1x16xf32>
        tpu.vector_store %arg14[%swap3A_736, %swap3A_737], %swap3A_740 {add = true, strides = array<i32>} : memref<128x128xf32, #tpu.memory_space<vmem>>, vector<1x16xf32>,
        %scan3A_741 = arith.constant 2 : i32
        %scan3A_742 = arith.addi %scan3A_588, %scan3A_741 : i32
        %mul3A_743 = arith.constant 1 : i32
        %mul3A_744 = arith.muli %scan3A_742, %mul3A_743 : i32
        %add3A_745 = arith.constant 64 : i32
        %add3A_746 = arith.addi %add3A_745, %mul3A_744 : i32
        %get3A_747 = arith.index_cast %add3A_746 : i32 to index
        %get3A_748 = arith.constant 0 : index
        %get3A_749 = tpu.vector_load %arg10[%get3A_747, %get3A_748] {strides = array<i32>} : memref<128x128xf32, #tpu.memory_space<vmem>>, vector<1x16xf32>,
        %get3A_750 = vector.shape_cast %get3A_749 : vector<1x16xf32> to vector<16xf32>
        %swap3A_751 = arith.index_cast %add3A_746 : i32 to index
        %swap3A_752 = arith.constant 0 : index
        %swap3A_753 = tpu.vector_load %arg14[%swap3A_751, %swap3A_752] {strides = array<i32>} : memref<128x128xf32, #tpu.memory_space<vmem>>, vector<1x16xf32>,
        %swap3A_754 = vector.shape_cast %swap3A_753 : vector<1x16xf32> to vector<16xf32>
        %swap3A_755 = vector.shape_cast %get3A_750 : vector<16xf32> to vector<1x16xf32>
        tpu.vector_store %arg14[%swap3A_751, %swap3A_752], %swap3A_755 {add = true, strides = array<i32>} : memref<128x128xf32, #tpu.memory_space<vmem>>, vector<1x16xf32>,
        %get3A_756 = arith.index_cast %add3A_746 : i32 to index
        %get3A_757 = arith.constant 16 : index
        %get3A_758 = tpu.vector_load %arg10[%get3A_756, %get3A_757] {strides = array<i32>} : memref<128x128xf32, #tpu.memory_space<vmem>>, vector<1x16xf32>,
        %get3A_759 = vector.shape_cast %get3A_758 : vector<1x16xf32> to vector<16xf32>
        %swap3A_760 = arith.index_cast %add3A_746 : i32 to index
        %swap3A_761 = arith.constant 16 : index
        %swap3A_762 = tpu.vector_load %arg14[%swap3A_760, %swap3A_761] {strides = array<i32>} : memref<128x128xf32, #tpu.memory_space<vmem>>, vector<1x16xf32>,
        %swap3A_763 = vector.shape_cast %swap3A_762 : vector<1x16xf32> to vector<16xf32>
        %swap3A_764 = vector.shape_cast %get3A_759 : vector<16xf32> to vector<1x16xf32>
        tpu.vector_store %arg14[%swap3A_760, %swap3A_761], %swap3A_764 {add = true, strides = array<i32>} : memref<128x128xf32, #tpu.memory_space<vmem>>, vector<1x16xf32>,
        %get3A_765 = arith.index_cast %add3A_746 : i32 to index
        %get3A_766 = arith.constant 32 : index
        %get3A_767 = tpu.vector_load %arg10[%get3A_765, %get3A_766] {strides = array<i32>} : memref<128x128xf32, #tpu.memory_space<vmem>>, vector<1x16xf32>,
        %get3A_768 = vector.shape_cast %get3A_767 : vector<1x16xf32> to vector<16xf32>
        %swap3A_769 = arith.index_cast %add3A_746 : i32 to index
        %swap3A_770 = arith.constant 32 : index
        %swap3A_771 = tpu.vector_load %arg14[%swap3A_769, %swap3A_770] {strides = array<i32>} : memref<128x128xf32, #tpu.memory_space<vmem>>, vector<1x16xf32>,
        %swap3A_772 = vector.shape_cast %swap3A_771 : vector<1x16xf32> to vector<16xf32>
        %swap3A_773 = vector.shape_cast %get3A_768 : vector<16xf32> to vector<1x16xf32>
        tpu.vector_store %arg14[%swap3A_769, %swap3A_770], %swap3A_773 {add = true, strides = array<i32>} : memref<128x128xf32, #tpu.memory_space<vmem>>, vector<1x16xf32>,
        %get3A_774 = arith.index_cast %add3A_746 : i32 to index
        %get3A_775 = arith.constant 48 : index
        %get3A_776 = tpu.vector_load %arg10[%get3A_774, %get3A_775] {strides = array<i32>} : memref<128x128xf32, #tpu.memory_space<vmem>>, vector<1x16xf32>,
        %get3A_777 = vector.shape_cast %get3A_776 : vector<1x16xf32> to vector<16xf32>
        %swap3A_778 = arith.index_cast %add3A_746 : i32 to index
        %swap3A_779 = arith.constant 48 : index
        %swap3A_780 = tpu.vector_load %arg14[%swap3A_778, %swap3A_779] {strides = array<i32>} : memref<128x128xf32, #tpu.memory_space<vmem>>, vector<1x16xf32>,
        %swap3A_781 = vector.shape_cast %swap3A_780 : vector<1x16xf32> to vector<16xf32>
        %swap3A_782 = vector.shape_cast %get3A_777 : vector<16xf32> to vector<1x16xf32>
        tpu.vector_store %arg14[%swap3A_778, %swap3A_779], %swap3A_782 {add = true, strides = array<i32>} : memref<128x128xf32, #tpu.memory_space<vmem>>, vector<1x16xf32>,
        %get3A_783 = arith.index_cast %add3A_746 : i32 to index
        %get3A_784 = arith.constant 64 : index
        %get3A_785 = tpu.vector_load %arg12[%get3A_783, %get3A_784] {strides = array<i32>} : memref<128x128xf32, #tpu.memory_space<vmem>>, vector<1x16xf32>,
        %get3A_786 = vector.shape_cast %get3A_785 : vector<1x16xf32> to vector<16xf32>
        %swap3A_787 = arith.index_cast %add3A_746 : i32 to index
        %swap3A_788 = arith.constant 64 : index
        %swap3A_789 = tpu.vector_load %arg14[%swap3A_787, %swap3A_788] {strides = array<i32>} : memref<128x128xf32, #tpu.memory_space<vmem>>, vector<1x16xf32>,
        %swap3A_790 = vector.shape_cast %swap3A_789 : vector<1x16xf32> to vector<16xf32>
        %swap3A_791 = vector.shape_cast %get3A_786 : vector<16xf32> to vector<1x16xf32>
        tpu.vector_store %arg14[%swap3A_787, %swap3A_788], %swap3A_791 {add = true, strides = array<i32>} : memref<128x128xf32, #tpu.memory_space<vmem>>, vector<1x16xf32>,
        %get3A_792 = arith.index_cast %add3A_746 : i32 to index
        %get3A_793 = arith.constant 80 : index
        %get3A_794 = tpu.vector_load %arg12[%get3A_792, %get3A_793] {strides = array<i32>} : memref<128x128xf32, #tpu.memory_space<vmem>>, vector<1x16xf32>,
        %get3A_795 = vector.shape_cast %get3A_794 : vector<1x16xf32> to vector<16xf32>
        %swap3A_796 = arith.index_cast %add3A_746 : i32 to index
        %swap3A_797 = arith.constant 80 : index
        %swap3A_798 = tpu.vector_load %arg14[%swap3A_796, %swap3A_797] {strides = array<i32>} : memref<128x128xf32, #tpu.memory_space<vmem>>, vector<1x16xf32>,
        %swap3A_799 = vector.shape_cast %swap3A_798 : vector<1x16xf32> to vector<16xf32>
        %swap3A_800 = vector.shape_cast %get3A_795 : vector<16xf32> to vector<1x16xf32>
        tpu.vector_store %arg14[%swap3A_796, %swap3A_797], %swap3A_800 {add = true, strides = array<i32>} : memref<128x128xf32, #tpu.memory_space<vmem>>, vector<1x16xf32>,
        %get3A_801 = arith.index_cast %add3A_746 : i32 to index
        %get3A_802 = arith.constant 96 : index
        %get3A_803 = tpu.vector_load %arg12[%get3A_801, %get3A_802] {strides = array<i32>} : memref<128x128xf32, #tpu.memory_space<vmem>>, vector<1x16xf32>,
        %get3A_804 = vector.shape_cast %get3A_803 : vector<1x16xf32> to vector<16xf32>
        %swap3A_805 = arith.index_cast %add3A_746 : i32 to index
        %swap3A_806 = arith.constant 96 : index
        %swap3A_807 = tpu.vector_load %arg14[%swap3A_805, %swap3A_806] {strides = array<i32>} : memref<128x128xf32, #tpu.memory_space<vmem>>, vector<1x16xf32>,
        %swap3A_808 = vector.shape_cast %swap3A_807 : vector<1x16xf32> to vector<16xf32>
        %swap3A_809 = vector.shape_cast %get3A_804 : vector<16xf32> to vector<1x16xf32>
        tpu.vector_store %arg14[%swap3A_805, %swap3A_806], %swap3A_809 {add = true, strides = array<i32>} : memref<128x128xf32, #tpu.memory_space<vmem>>, vector<1x16xf32>,
        %get3A_810 = arith.index_cast %add3A_746 : i32 to index
        %get3A_811 = arith.constant 112 : index
        %get3A_812 = tpu.vector_load %arg12[%get3A_810, %get3A_811] {strides = array<i32>} : memref<128x128xf32, #tpu.memory_space<vmem>>, vector<1x16xf32>,
        %get3A_813 = vector.shape_cast %get3A_812 : vector<1x16xf32> to vector<16xf32>
        %swap3A_814 = arith.index_cast %add3A_746 : i32 to index
        %swap3A_815 = arith.constant 112 : index
        %swap3A_816 = tpu.vector_load %arg14[%swap3A_814, %swap3A_815] {strides = array<i32>} : memref<128x128xf32, #tpu.memory_space<vmem>>, vector<1x16xf32>,
        %swap3A_817 = vector.shape_cast %swap3A_816 : vector<1x16xf32> to vector<16xf32>
        %swap3A_818 = vector.shape_cast %get3A_813 : vector<16xf32> to vector<1x16xf32>
        tpu.vector_store %arg14[%swap3A_814, %swap3A_815], %swap3A_818 {add = true, strides = array<i32>} : memref<128x128xf32, #tpu.memory_space<vmem>>, vector<1x16xf32>,
        %scan3A_819 = arith.constant 3 : i32
        %scan3A_820 = arith.addi %scan3A_588, %scan3A_819 : i32
        %mul3A_821 = arith.constant 1 : i32
        %mul3A_822 = arith.muli %scan3A_820, %mul3A_821 : i32
        %add3A_823 = arith.constant 64 : i32
        %add3A_824 = arith.addi %add3A_823, %mul3A_822 : i32
        %get3A_825 = arith.index_cast %add3A_824 : i32 to index
        %get3A_826 = arith.constant 0 : index
        %get3A_827 = tpu.vector_load %arg10[%get3A_825, %get3A_826] {strides = array<i32>} : memref<128x128xf32, #tpu.memory_space<vmem>>, vector<1x16xf32>,
        %get3A_828 = vector.shape_cast %get3A_827 : vector<1x16xf32> to vector<16xf32>
        %swap3A_829 = arith.index_cast %add3A_824 : i32 to index
        %swap3A_830 = arith.constant 0 : index
        %swap3A_831 = tpu.vector_load %arg14[%swap3A_829, %swap3A_830] {strides = array<i32>} : memref<128x128xf32, #tpu.memory_space<vmem>>, vector<1x16xf32>,
        %swap3A_832 = vector.shape_cast %swap3A_831 : vector<1x16xf32> to vector<16xf32>
        %swap3A_833 = vector.shape_cast %get3A_828 : vector<16xf32> to vector<1x16xf32>
        tpu.vector_store %arg14[%swap3A_829, %swap3A_830], %swap3A_833 {add = true, strides = array<i32>} : memref<128x128xf32, #tpu.memory_space<vmem>>, vector<1x16xf32>,
        %get3A_834 = arith.index_cast %add3A_824 : i32 to index
        %get3A_835 = arith.constant 16 : index
        %get3A_836 = tpu.vector_load %arg10[%get3A_834, %get3A_835] {strides = array<i32>} : memref<128x128xf32, #tpu.memory_space<vmem>>, vector<1x16xf32>,
        %get3A_837 = vector.shape_cast %get3A_836 : vector<1x16xf32> to vector<16xf32>
        %swap3A_838 = arith.index_cast %add3A_824 : i32 to index
        %swap3A_839 = arith.constant 16 : index
        %swap3A_840 = tpu.vector_load %arg14[%swap3A_838, %swap3A_839] {strides = array<i32>} : memref<128x128xf32, #tpu.memory_space<vmem>>, vector<1x16xf32>,
        %swap3A_841 = vector.shape_cast %swap3A_840 : vector<1x16xf32> to vector<16xf32>
        %swap3A_842 = vector.shape_cast %get3A_837 : vector<16xf32> to vector<1x16xf32>
        tpu.vector_store %arg14[%swap3A_838, %swap3A_839], %swap3A_842 {add = true, strides = array<i32>} : memref<128x128xf32, #tpu.memory_space<vmem>>, vector<1x16xf32>,
        %get3A_843 = arith.index_cast %add3A_824 : i32 to index
        %get3A_844 = arith.constant 32 : index
        %get3A_845 = tpu.vector_load %arg10[%get3A_843, %get3A_844] {strides = array<i32>} : memref<128x128xf32, #tpu.memory_space<vmem>>, vector<1x16xf32>,
        %get3A_846 = vector.shape_cast %get3A_845 : vector<1x16xf32> to vector<16xf32>
        %swap3A_847 = arith.index_cast %add3A_824 : i32 to index
        %swap3A_848 = arith.constant 32 : index
        %swap3A_849 = tpu.vector_load %arg14[%swap3A_847, %swap3A_848] {strides = array<i32>} : memref<128x128xf32, #tpu.memory_space<vmem>>, vector<1x16xf32>,
        %swap3A_850 = vector.shape_cast %swap3A_849 : vector<1x16xf32> to vector<16xf32>
        %swap3A_851 = vector.shape_cast %get3A_846 : vector<16xf32> to vector<1x16xf32>
        tpu.vector_store %arg14[%swap3A_847, %swap3A_848], %swap3A_851 {add = true, strides = array<i32>} : memref<128x128xf32, #tpu.memory_space<vmem>>, vector<1x16xf32>,
        %get3A_852 = arith.index_cast %add3A_824 : i32 to index
        %get3A_853 = arith.constant 48 : index
        %get3A_854 = tpu.vector_load %arg10[%get3A_852, %get3A_853] {strides = array<i32>} : memref<128x128xf32, #tpu.memory_space<vmem>>, vector<1x16xf32>,
        %get3A_855 = vector.shape_cast %get3A_854 : vector<1x16xf32> to vector<16xf32>
        %swap3A_856 = arith.index_cast %add3A_824 : i32 to index
        %swap3A_857 = arith.constant 48 : index
        %swap3A_858 = tpu.vector_load %arg14[%swap3A_856, %swap3A_857] {strides = array<i32>} : memref<128x128xf32, #tpu.memory_space<vmem>>, vector<1x16xf32>,
        %swap3A_859 = vector.shape_cast %swap3A_858 : vector<1x16xf32> to vector<16xf32>
        %swap3A_860 = vector.shape_cast %get3A_855 : vector<16xf32> to vector<1x16xf32>
        tpu.vector_store %arg14[%swap3A_856, %swap3A_857], %swap3A_860 {add = true, strides = array<i32>} : memref<128x128xf32, #tpu.memory_space<vmem>>, vector<1x16xf32>,
        %get3A_861 = arith.index_cast %add3A_824 : i32 to index
        %get3A_862 = arith.constant 64 : index
        %get3A_863 = tpu.vector_load %arg12[%get3A_861, %get3A_862] {strides = array<i32>} : memref<128x128xf32, #tpu.memory_space<vmem>>, vector<1x16xf32>,
        %get3A_864 = vector.shape_cast %get3A_863 : vector<1x16xf32> to vector<16xf32>
        %swap3A_865 = arith.index_cast %add3A_824 : i32 to index
        %swap3A_866 = arith.constant 64 : index
        %swap3A_867 = tpu.vector_load %arg14[%swap3A_865, %swap3A_866] {strides = array<i32>} : memref<128x128xf32, #tpu.memory_space<vmem>>, vector<1x16xf32>,
        %swap3A_868 = vector.shape_cast %swap3A_867 : vector<1x16xf32> to vector<16xf32>
        %swap3A_869 = vector.shape_cast %get3A_864 : vector<16xf32> to vector<1x16xf32>
        tpu.vector_store %arg14[%swap3A_865, %swap3A_866], %swap3A_869 {add = true, strides = array<i32>} : memref<128x128xf32, #tpu.memory_space<vmem>>, vector<1x16xf32>,
        %get3A_870 = arith.index_cast %add3A_824 : i32 to index
        %get3A_871 = arith.constant 80 : index
        %get3A_872 = tpu.vector_load %arg12[%get3A_870, %get3A_871] {strides = array<i32>} : memref<128x128xf32, #tpu.memory_space<vmem>>, vector<1x16xf32>,
        %get3A_873 = vector.shape_cast %get3A_872 : vector<1x16xf32> to vector<16xf32>
        %swap3A_874 = arith.index_cast %add3A_824 : i32 to index
        %swap3A_875 = arith.constant 80 : index
        %swap3A_876 = tpu.vector_load %arg14[%swap3A_874, %swap3A_875] {strides = array<i32>} : memref<128x128xf32, #tpu.memory_space<vmem>>, vector<1x16xf32>,
        %swap3A_877 = vector.shape_cast %swap3A_876 : vector<1x16xf32> to vector<16xf32>
        %swap3A_878 = vector.shape_cast %get3A_873 : vector<16xf32> to vector<1x16xf32>
        tpu.vector_store %arg14[%swap3A_874, %swap3A_875], %swap3A_878 {add = true, strides = array<i32>} : memref<128x128xf32, #tpu.memory_space<vmem>>, vector<1x16xf32>,
        %get3A_879 = arith.index_cast %add3A_824 : i32 to index
        %get3A_880 = arith.constant 96 : index
        %get3A_881 = tpu.vector_load %arg12[%get3A_879, %get3A_880] {strides = array<i32>} : memref<128x128xf32, #tpu.memory_space<vmem>>, vector<1x16xf32>,
        %get3A_882 = vector.shape_cast %get3A_881 : vector<1x16xf32> to vector<16xf32>
        %swap3A_883 = arith.index_cast %add3A_824 : i32 to index
        %swap3A_884 = arith.constant 96 : index
        %swap3A_885 = tpu.vector_load %arg14[%swap3A_883, %swap3A_884] {strides = array<i32>} : memref<128x128xf32, #tpu.memory_space<vmem>>, vector<1x16xf32>,
        %swap3A_886 = vector.shape_cast %swap3A_885 : vector<1x16xf32> to vector<16xf32>
        %swap3A_887 = vector.shape_cast %get3A_882 : vector<16xf32> to vector<1x16xf32>
        tpu.vector_store %arg14[%swap3A_883, %swap3A_884], %swap3A_887 {add = true, strides = array<i32>} : memref<128x128xf32, #tpu.memory_space<vmem>>, vector<1x16xf32>,
        %get3A_888 = arith.index_cast %add3A_824 : i32 to index
        %get3A_889 = arith.constant 112 : index
        %get3A_890 = tpu.vector_load %arg12[%get3A_888, %get3A_889] {strides = array<i32>} : memref<128x128xf32, #tpu.memory_space<vmem>>, vector<1x16xf32>,
        %get3A_891 = vector.shape_cast %get3A_890 : vector<1x16xf32> to vector<16xf32>
        %swap3A_892 = arith.index_cast %add3A_824 : i32 to index
        %swap3A_893 = arith.constant 112 : index
        %swap3A_894 = tpu.vector_load %arg14[%swap3A_892, %swap3A_893] {strides = array<i32>} : memref<128x128xf32, #tpu.memory_space<vmem>>, vector<1x16xf32>,
        %swap3A_895 = vector.shape_cast %swap3A_894 : vector<1x16xf32> to vector<16xf32>
        %swap3A_896 = vector.shape_cast %get3A_891 : vector<16xf32> to vector<1x16xf32>
        tpu.vector_store %arg14[%swap3A_892, %swap3A_893], %swap3A_896 {add = true, strides = array<i32>} : memref<128x128xf32, #tpu.memory_space<vmem>>, vector<1x16xf32>,
        %scan3A_897 = arith.constant 4 : i32
        %scan3A_898 = arith.addi %scan3A_588, %scan3A_897 : i32
        %mul3A_899 = arith.constant 1 : i32
        %mul3A_900 = arith.muli %scan3A_898, %mul3A_899 : i32
        %add3A_901 = arith.constant 64 : i32
        %add3A_902 = arith.addi %add3A_901, %mul3A_900 : i32
        %get3A_903 = arith.index_cast %add3A_902 : i32 to index
        %get3A_904 = arith.constant 0 : index
        %get3A_905 = tpu.vector_load %arg10[%get3A_903, %get3A_904] {strides = array<i32>} : memref<128x128xf32, #tpu.memory_space<vmem>>, vector<1x16xf32>,
        %get3A_906 = vector.shape_cast %get3A_905 : vector<1x16xf32> to vector<16xf32>
        %swap3A_907 = arith.index_cast %add3A_902 : i32 to index
        %swap3A_908 = arith.constant 0 : index
        %swap3A_909 = tpu.vector_load %arg14[%swap3A_907, %swap3A_908] {strides = array<i32>} : memref<128x128xf32, #tpu.memory_space<vmem>>, vector<1x16xf32>,
        %swap3A_910 = vector.shape_cast %swap3A_909 : vector<1x16xf32> to vector<16xf32>
        %swap3A_911 = vector.shape_cast %get3A_906 : vector<16xf32> to vector<1x16xf32>
        tpu.vector_store %arg14[%swap3A_907, %swap3A_908], %swap3A_911 {add = true, strides = array<i32>} : memref<128x128xf32, #tpu.memory_space<vmem>>, vector<1x16xf32>,
        %get3A_912 = arith.index_cast %add3A_902 : i32 to index
        %get3A_913 = arith.constant 16 : index
        %get3A_914 = tpu.vector_load %arg10[%get3A_912, %get3A_913] {strides = array<i32>} : memref<128x128xf32, #tpu.memory_space<vmem>>, vector<1x16xf32>,
        %get3A_915 = vector.shape_cast %get3A_914 : vector<1x16xf32> to vector<16xf32>
        %swap3A_916 = arith.index_cast %add3A_902 : i32 to index
        %swap3A_917 = arith.constant 16 : index
        %swap3A_918 = tpu.vector_load %arg14[%swap3A_916, %swap3A_917] {strides = array<i32>} : memref<128x128xf32, #tpu.memory_space<vmem>>, vector<1x16xf32>,
        %swap3A_919 = vector.shape_cast %swap3A_918 : vector<1x16xf32> to vector<16xf32>
        %swap3A_920 = vector.shape_cast %get3A_915 : vector<16xf32> to vector<1x16xf32>
        tpu.vector_store %arg14[%swap3A_916, %swap3A_917], %swap3A_920 {add = true, strides = array<i32>} : memref<128x128xf32, #tpu.memory_space<vmem>>, vector<1x16xf32>,
        %get3A_921 = arith.index_cast %add3A_902 : i32 to index
        %get3A_922 = arith.constant 32 : index
        %get3A_923 = tpu.vector_load %arg10[%get3A_921, %get3A_922] {strides = array<i32>} : memref<128x128xf32, #tpu.memory_space<vmem>>, vector<1x16xf32>,
        %get3A_924 = vector.shape_cast %get3A_923 : vector<1x16xf32> to vector<16xf32>
        %swap3A_925 = arith.index_cast %add3A_902 : i32 to index
        %swap3A_926 = arith.constant 32 : index
        %swap3A_927 = tpu.vector_load %arg14[%swap3A_925, %swap3A_926] {strides = array<i32>} : memref<128x128xf32, #tpu.memory_space<vmem>>, vector<1x16xf32>,
        %swap3A_928 = vector.shape_cast %swap3A_927 : vector<1x16xf32> to vector<16xf32>
        %swap3A_929 = vector.shape_cast %get3A_924 : vector<16xf32> to vector<1x16xf32>
        tpu.vector_store %arg14[%swap3A_925, %swap3A_926], %swap3A_929 {add = true, strides = array<i32>} : memref<128x128xf32, #tpu.memory_space<vmem>>, vector<1x16xf32>,
        %get3A_930 = arith.index_cast %add3A_902 : i32 to index
        %get3A_931 = arith.constant 48 : index
        %get3A_932 = tpu.vector_load %arg10[%get3A_930, %get3A_931] {strides = array<i32>} : memref<128x128xf32, #tpu.memory_space<vmem>>, vector<1x16xf32>,
        %get3A_933 = vector.shape_cast %get3A_932 : vector<1x16xf32> to vector<16xf32>
        %swap3A_934 = arith.index_cast %add3A_902 : i32 to index
        %swap3A_935 = arith.constant 48 : index
        %swap3A_936 = tpu.vector_load %arg14[%swap3A_934, %swap3A_935] {strides = array<i32>} : memref<128x128xf32, #tpu.memory_space<vmem>>, vector<1x16xf32>,
        %swap3A_937 = vector.shape_cast %swap3A_936 : vector<1x16xf32> to vector<16xf32>
        %swap3A_938 = vector.shape_cast %get3A_933 : vector<16xf32> to vector<1x16xf32>
        tpu.vector_store %arg14[%swap3A_934, %swap3A_935], %swap3A_938 {add = true, strides = array<i32>} : memref<128x128xf32, #tpu.memory_space<vmem>>, vector<1x16xf32>,
        %get3A_939 = arith.index_cast %add3A_902 : i32 to index
        %get3A_940 = arith.constant 64 : index
        %get3A_941 = tpu.vector_load %arg12[%get3A_939, %get3A_940] {strides = array<i32>} : memref<128x128xf32, #tpu.memory_space<vmem>>, vector<1x16xf32>,
        %get3A_942 = vector.shape_cast %get3A_941 : vector<1x16xf32> to vector<16xf32>
        %swap3A_943 = arith.index_cast %add3A_902 : i32 to index
        %swap3A_944 = arith.constant 64 : index
        %swap3A_945 = tpu.vector_load %arg14[%swap3A_943, %swap3A_944] {strides = array<i32>} : memref<128x128xf32, #tpu.memory_space<vmem>>, vector<1x16xf32>,
        %swap3A_946 = vector.shape_cast %swap3A_945 : vector<1x16xf32> to vector<16xf32>
        %swap3A_947 = vector.shape_cast %get3A_942 : vector<16xf32> to vector<1x16xf32>
        tpu.vector_store %arg14[%swap3A_943, %swap3A_944], %swap3A_947 {add = true, strides = array<i32>} : memref<128x128xf32, #tpu.memory_space<vmem>>, vector<1x16xf32>,
        %get3A_948 = arith.index_cast %add3A_902 : i32 to index
        %get3A_949 = arith.constant 80 : index
        %get3A_950 = tpu.vector_load %arg12[%get3A_948, %get3A_949] {strides = array<i32>} : memref<128x128xf32, #tpu.memory_space<vmem>>, vector<1x16xf32>,
        %get3A_951 = vector.shape_cast %get3A_950 : vector<1x16xf32> to vector<16xf32>
        %swap3A_952 = arith.index_cast %add3A_902 : i32 to index
        %swap3A_953 = arith.constant 80 : index
        %swap3A_954 = tpu.vector_load %arg14[%swap3A_952, %swap3A_953] {strides = array<i32>} : memref<128x128xf32, #tpu.memory_space<vmem>>, vector<1x16xf32>,
        %swap3A_955 = vector.shape_cast %swap3A_954 : vector<1x16xf32> to vector<16xf32>
        %swap3A_956 = vector.shape_cast %get3A_951 : vector<16xf32> to vector<1x16xf32>
        tpu.vector_store %arg14[%swap3A_952, %swap3A_953], %swap3A_956 {add = true, strides = array<i32>} : memref<128x128xf32, #tpu.memory_space<vmem>>, vector<1x16xf32>,
        %get3A_957 = arith.index_cast %add3A_902 : i32 to index
        %get3A_958 = arith.constant 96 : index
        %get3A_959 = tpu.vector_load %arg12[%get3A_957, %get3A_958] {strides = array<i32>} : memref<128x128xf32, #tpu.memory_space<vmem>>, vector<1x16xf32>,
        %get3A_960 = vector.shape_cast %get3A_959 : vector<1x16xf32> to vector<16xf32>
        %swap3A_961 = arith.index_cast %add3A_902 : i32 to index
        %swap3A_962 = arith.constant 96 : index
        %swap3A_963 = tpu.vector_load %arg14[%swap3A_961, %swap3A_962] {strides = array<i32>} : memref<128x128xf32, #tpu.memory_space<vmem>>, vector<1x16xf32>,
        %swap3A_964 = vector.shape_cast %swap3A_963 : vector<1x16xf32> to vector<16xf32>
        %swap3A_965 = vector.shape_cast %get3A_960 : vector<16xf32> to vector<1x16xf32>
        tpu.vector_store %arg14[%swap3A_961, %swap3A_962], %swap3A_965 {add = true, strides = array<i32>} : memref<128x128xf32, #tpu.memory_space<vmem>>, vector<1x16xf32>,
        %get3A_966 = arith.index_cast %add3A_902 : i32 to index
        %get3A_967 = arith.constant 112 : index
        %get3A_968 = tpu.vector_load %arg12[%get3A_966, %get3A_967] {strides = array<i32>} : memref<128x128xf32, #tpu.memory_space<vmem>>, vector<1x16xf32>,
        %get3A_969 = vector.shape_cast %get3A_968 : vector<1x16xf32> to vector<16xf32>
        %swap3A_970 = arith.index_cast %add3A_902 : i32 to index
        %swap3A_971 = arith.constant 112 : index
        %swap3A_972 = tpu.vector_load %arg14[%swap3A_970, %swap3A_971] {strides = array<i32>} : memref<128x128xf32, #tpu.memory_space<vmem>>, vector<1x16xf32>,
        %swap3A_973 = vector.shape_cast %swap3A_972 : vector<1x16xf32> to vector<16xf32>
        %swap3A_974 = vector.shape_cast %get3A_969 : vector<16xf32> to vector<1x16xf32>
        tpu.vector_store %arg14[%swap3A_970, %swap3A_971], %swap3A_974 {add = true, strides = array<i32>} : memref<128x128xf32, #tpu.memory_space<vmem>>, vector<1x16xf32>,
        %scan3A_975 = arith.constant 5 : i32
        %scan3A_976 = arith.addi %scan3A_588, %scan3A_975 : i32
        %mul3A_977 = arith.constant 1 : i32
        %mul3A_978 = arith.muli %scan3A_976, %mul3A_977 : i32
        %add3A_979 = arith.constant 64 : i32
        %add3A_980 = arith.addi %add3A_979, %mul3A_978 : i32
        %get3A_981 = arith.index_cast %add3A_980 : i32 to index
        %get3A_982 = arith.constant 0 : index
        %get3A_983 = tpu.vector_load %arg10[%get3A_981, %get3A_982] {strides = array<i32>} : memref<128x128xf32, #tpu.memory_space<vmem>>, vector<1x16xf32>,
        %get3A_984 = vector.shape_cast %get3A_983 : vector<1x16xf32> to vector<16xf32>
        %swap3A_985 = arith.index_cast %add3A_980 : i32 to index
        %swap3A_986 = arith.constant 0 : index
        %swap3A_987 = tpu.vector_load %arg14[%swap3A_985, %swap3A_986] {strides = array<i32>} : memref<128x128xf32, #tpu.memory_space<vmem>>, vector<1x16xf32>,
        %swap3A_988 = vector.shape_cast %swap3A_987 : vector<1x16xf32> to vector<16xf32>
        %swap3A_989 = vector.shape_cast %get3A_984 : vector<16xf32> to vector<1x16xf32>
        tpu.vector_store %arg14[%swap3A_985, %swap3A_986], %swap3A_989 {add = true, strides = array<i32>} : memref<128x128xf32, #tpu.memory_space<vmem>>, vector<1x16xf32>,
        %get3A_990 = arith.index_cast %add3A_980 : i32 to index
        %get3A_991 = arith.constant 16 : index
        %get3A_992 = tpu.vector_load %arg10[%get3A_990, %get3A_991] {strides = array<i32>} : memref<128x128xf32, #tpu.memory_space<vmem>>, vector<1x16xf32>,
        %get3A_993 = vector.shape_cast %get3A_992 : vector<1x16xf32> to vector<16xf32>
        %swap3A_994 = arith.index_cast %add3A_980 : i32 to index
        %swap3A_995 = arith.constant 16 : index
        %swap3A_996 = tpu.vector_load %arg14[%swap3A_994, %swap3A_995] {strides = array<i32>} : memref<128x128xf32, #tpu.memory_space<vmem>>, vector<1x16xf32>,
        %swap3A_997 = vector.shape_cast %swap3A_996 : vector<1x16xf32> to vector<16xf32>
        %swap3A_998 = vector.shape_cast %get3A_993 : vector<16xf32> to vector<1x16xf32>
        tpu.vector_store %arg14[%swap3A_994, %swap3A_995], %swap3A_998 {add = true, strides = array<i32>} : memref<128x128xf32, #tpu.memory_space<vmem>>, vector<1x16xf32>,
        %get3A_999 = arith.index_cast %add3A_980 : i32 to index
        %get3A_1000 = arith.constant 32 : index
        %get3A_1001 = tpu.vector_load %arg10[%get3A_999, %get3A_1000] {strides = array<i32>} : memref<128x128xf32, #tpu.memory_space<vmem>>, vector<1x16xf32>,
        %get3A_1002 = vector.shape_cast %get3A_1001 : vector<1x16xf32> to vector<16xf32>
        %swap3A_1003 = arith.index_cast %add3A_980 : i32 to index
        %swap3A_1004 = arith.constant 32 : index
        %swap3A_1005 = tpu.vector_load %arg14[%swap3A_1003, %swap3A_1004] {strides = array<i32>} : memref<128x128xf32, #tpu.memory_space<vmem>>, vector<1x16xf32>,
        %swap3A_1006 = vector.shape_cast %swap3A_1005 : vector<1x16xf32> to vector<16xf32>
        %swap3A_1007 = vector.shape_cast %get3A_1002 : vector<16xf32> to vector<1x16xf32>
        tpu.vector_store %arg14[%swap3A_1003, %swap3A_1004], %swap3A_1007 {add = true, strides = array<i32>} : memref<128x128xf32, #tpu.memory_space<vmem>>, vector<1x16xf32>,
        %get3A_1008 = arith.index_cast %add3A_980 : i32 to index
        %get3A_1009 = arith.constant 48 : index
        %get3A_1010 = tpu.vector_load %arg10[%get3A_1008, %get3A_1009] {strides = array<i32>} : memref<128x128xf32, #tpu.memory_space<vmem>>, vector<1x16xf32>,
        %get3A_1011 = vector.shape_cast %get3A_1010 : vector<1x16xf32> to vector<16xf32>
        %swap3A_1012 = arith.index_cast %add3A_980 : i32 to index
        %swap3A_1013 = arith.constant 48 : index
        %swap3A_1014 = tpu.vector_load %arg14[%swap3A_1012, %swap3A_1013] {strides = array<i32>} : memref<128x128xf32, #tpu.memory_space<vmem>>, vector<1x16xf32>,
        %swap3A_1015 = vector.shape_cast %swap3A_1014 : vector<1x16xf32> to vector<16xf32>
        %swap3A_1016 = vector.shape_cast %get3A_1011 : vector<16xf32> to vector<1x16xf32>
        tpu.vector_store %arg14[%swap3A_1012, %swap3A_1013], %swap3A_1016 {add = true, strides = array<i32>} : memref<128x128xf32, #tpu.memory_space<vmem>>, vector<1x16xf32>,
        %get3A_1017 = arith.index_cast %add3A_980 : i32 to index
        %get3A_1018 = arith.constant 64 : index
        %get3A_1019 = tpu.vector_load %arg12[%get3A_1017, %get3A_1018] {strides = array<i32>} : memref<128x128xf32, #tpu.memory_space<vmem>>, vector<1x16xf32>,
        %get3A_1020 = vector.shape_cast %get3A_1019 : vector<1x16xf32> to vector<16xf32>
        %swap3A_1021 = arith.index_cast %add3A_980 : i32 to index
        %swap3A_1022 = arith.constant 64 : index
        %swap3A_1023 = tpu.vector_load %arg14[%swap3A_1021, %swap3A_1022] {strides = array<i32>} : memref<128x128xf32, #tpu.memory_space<vmem>>, vector<1x16xf32>,
        %swap3A_1024 = vector.shape_cast %swap3A_1023 : vector<1x16xf32> to vector<16xf32>
        %swap3A_1025 = vector.shape_cast %get3A_1020 : vector<16xf32> to vector<1x16xf32>
        tpu.vector_store %arg14[%swap3A_1021, %swap3A_1022], %swap3A_1025 {add = true, strides = array<i32>} : memref<128x128xf32, #tpu.memory_space<vmem>>, vector<1x16xf32>,
        %get3A_1026 = arith.index_cast %add3A_980 : i32 to index
        %get3A_1027 = arith.constant 80 : index
        %get3A_1028 = tpu.vector_load %arg12[%get3A_1026, %get3A_1027] {strides = array<i32>} : memref<128x128xf32, #tpu.memory_space<vmem>>, vector<1x16xf32>,
        %get3A_1029 = vector.shape_cast %get3A_1028 : vector<1x16xf32> to vector<16xf32>
        %swap3A_1030 = arith.index_cast %add3A_980 : i32 to index
        %swap3A_1031 = arith.constant 80 : index
        %swap3A_1032 = tpu.vector_load %arg14[%swap3A_1030, %swap3A_1031] {strides = array<i32>} : memref<128x128xf32, #tpu.memory_space<vmem>>, vector<1x16xf32>,
        %swap3A_1033 = vector.shape_cast %swap3A_1032 : vector<1x16xf32> to vector<16xf32>
        %swap3A_1034 = vector.shape_cast %get3A_1029 : vector<16xf32> to vector<1x16xf32>
        tpu.vector_store %arg14[%swap3A_1030, %swap3A_1031], %swap3A_1034 {add = true, strides = array<i32>} : memref<128x128xf32, #tpu.memory_space<vmem>>, vector<1x16xf32>,
        %get3A_1035 = arith.index_cast %add3A_980 : i32 to index
        %get3A_1036 = arith.constant 96 : index
        %get3A_1037 = tpu.vector_load %arg12[%get3A_1035, %get3A_1036] {strides = array<i32>} : memref<128x128xf32, #tpu.memory_space<vmem>>, vector<1x16xf32>,
        %get3A_1038 = vector.shape_cast %get3A_1037 : vector<1x16xf32> to vector<16xf32>
        %swap3A_1039 = arith.index_cast %add3A_980 : i32 to index
        %swap3A_1040 = arith.constant 96 : index
        %swap3A_1041 = tpu.vector_load %arg14[%swap3A_1039, %swap3A_1040] {strides = array<i32>} : memref<128x128xf32, #tpu.memory_space<vmem>>, vector<1x16xf32>,
        %swap3A_1042 = vector.shape_cast %swap3A_1041 : vector<1x16xf32> to vector<16xf32>
        %swap3A_1043 = vector.shape_cast %get3A_1038 : vector<16xf32> to vector<1x16xf32>
        tpu.vector_store %arg14[%swap3A_1039, %swap3A_1040], %swap3A_1043 {add = true, strides = array<i32>} : memref<128x128xf32, #tpu.memory_space<vmem>>, vector<1x16xf32>,
        %get3A_1044 = arith.index_cast %add3A_980 : i32 to index
        %get3A_1045 = arith.constant 112 : index
        %get3A_1046 = tpu.vector_load %arg12[%get3A_1044, %get3A_1045] {strides = array<i32>} : memref<128x128xf32, #tpu.memory_space<vmem>>, vector<1x16xf32>,
        %get3A_1047 = vector.shape_cast %get3A_1046 : vector<1x16xf32> to vector<16xf32>
        %swap3A_1048 = arith.index_cast %add3A_980 : i32 to index
        %swap3A_1049 = arith.constant 112 : index
        %swap3A_1050 = tpu.vector_load %arg14[%swap3A_1048, %swap3A_1049] {strides = array<i32>} : memref<128x128xf32, #tpu.memory_space<vmem>>, vector<1x16xf32>,
        %swap3A_1051 = vector.shape_cast %swap3A_1050 : vector<1x16xf32> to vector<16xf32>
        %swap3A_1052 = vector.shape_cast %get3A_1047 : vector<16xf32> to vector<1x16xf32>
        tpu.vector_store %arg14[%swap3A_1048, %swap3A_1049], %swap3A_1052 {add = true, strides = array<i32>} : memref<128x128xf32, #tpu.memory_space<vmem>>, vector<1x16xf32>,
        %scan3A_1053 = arith.constant 6 : i32
        %scan3A_1054 = arith.addi %scan3A_588, %scan3A_1053 : i32
        %mul3A_1055 = arith.constant 1 : i32
        %mul3A_1056 = arith.muli %scan3A_1054, %mul3A_1055 : i32
        %add3A_1057 = arith.constant 64 : i32
        %add3A_1058 = arith.addi %add3A_1057, %mul3A_1056 : i32
        %get3A_1059 = arith.index_cast %add3A_1058 : i32 to index
        %get3A_1060 = arith.constant 0 : index
        %get3A_1061 = tpu.vector_load %arg10[%get3A_1059, %get3A_1060] {strides = array<i32>} : memref<128x128xf32, #tpu.memory_space<vmem>>, vector<1x16xf32>,
        %get3A_1062 = vector.shape_cast %get3A_1061 : vector<1x16xf32> to vector<16xf32>
        %swap3A_1063 = arith.index_cast %add3A_1058 : i32 to index
        %swap3A_1064 = arith.constant 0 : index
        %swap3A_1065 = tpu.vector_load %arg14[%swap3A_1063, %swap3A_1064] {strides = array<i32>} : memref<128x128xf32, #tpu.memory_space<vmem>>, vector<1x16xf32>,
        %swap3A_1066 = vector.shape_cast %swap3A_1065 : vector<1x16xf32> to vector<16xf32>
        %swap3A_1067 = vector.shape_cast %get3A_1062 : vector<16xf32> to vector<1x16xf32>
        tpu.vector_store %arg14[%swap3A_1063, %swap3A_1064], %swap3A_1067 {add = true, strides = array<i32>} : memref<128x128xf32, #tpu.memory_space<vmem>>, vector<1x16xf32>,
        %get3A_1068 = arith.index_cast %add3A_1058 : i32 to index
        %get3A_1069 = arith.constant 16 : index
        %get3A_1070 = tpu.vector_load %arg10[%get3A_1068, %get3A_1069] {strides = array<i32>} : memref<128x128xf32, #tpu.memory_space<vmem>>, vector<1x16xf32>,
        %get3A_1071 = vector.shape_cast %get3A_1070 : vector<1x16xf32> to vector<16xf32>
        %swap3A_1072 = arith.index_cast %add3A_1058 : i32 to index
        %swap3A_1073 = arith.constant 16 : index
        %swap3A_1074 = tpu.vector_load %arg14[%swap3A_1072, %swap3A_1073] {strides = array<i32>} : memref<128x128xf32, #tpu.memory_space<vmem>>, vector<1x16xf32>,
        %swap3A_1075 = vector.shape_cast %swap3A_1074 : vector<1x16xf32> to vector<16xf32>
        %swap3A_1076 = vector.shape_cast %get3A_1071 : vector<16xf32> to vector<1x16xf32>
        tpu.vector_store %arg14[%swap3A_1072, %swap3A_1073], %swap3A_1076 {add = true, strides = array<i32>} : memref<128x128xf32, #tpu.memory_space<vmem>>, vector<1x16xf32>,
        %get3A_1077 = arith.index_cast %add3A_1058 : i32 to index
        %get3A_1078 = arith.constant 32 : index
        %get3A_1079 = tpu.vector_load %arg10[%get3A_1077, %get3A_1078] {strides = array<i32>} : memref<128x128xf32, #tpu.memory_space<vmem>>, vector<1x16xf32>,
        %get3A_1080 = vector.shape_cast %get3A_1079 : vector<1x16xf32> to vector<16xf32>
        %swap3A_1081 = arith.index_cast %add3A_1058 : i32 to index
        %swap3A_1082 = arith.constant 32 : index
        %swap3A_1083 = tpu.vector_load %arg14[%swap3A_1081, %swap3A_1082] {strides = array<i32>} : memref<128x128xf32, #tpu.memory_space<vmem>>, vector<1x16xf32>,
        %swap3A_1084 = vector.shape_cast %swap3A_1083 : vector<1x16xf32> to vector<16xf32>
        %swap3A_1085 = vector.shape_cast %get3A_1080 : vector<16xf32> to vector<1x16xf32>
        tpu.vector_store %arg14[%swap3A_1081, %swap3A_1082], %swap3A_1085 {add = true, strides = array<i32>} : memref<128x128xf32, #tpu.memory_space<vmem>>, vector<1x16xf32>,
        %get3A_1086 = arith.index_cast %add3A_1058 : i32 to index
        %get3A_1087 = arith.constant 48 : index
        %get3A_1088 = tpu.vector_load %arg10[%get3A_1086, %get3A_1087] {strides = array<i32>} : memref<128x128xf32, #tpu.memory_space<vmem>>, vector<1x16xf32>,
        %get3A_1089 = vector.shape_cast %get3A_1088 : vector<1x16xf32> to vector<16xf32>
        %swap3A_1090 = arith.index_cast %add3A_1058 : i32 to index
        %swap3A_1091 = arith.constant 48 : index
        %swap3A_1092 = tpu.vector_load %arg14[%swap3A_1090, %swap3A_1091] {strides = array<i32>} : memref<128x128xf32, #tpu.memory_space<vmem>>, vector<1x16xf32>,
        %swap3A_1093 = vector.shape_cast %swap3A_1092 : vector<1x16xf32> to vector<16xf32>
        %swap3A_1094 = vector.shape_cast %get3A_1089 : vector<16xf32> to vector<1x16xf32>
        tpu.vector_store %arg14[%swap3A_1090, %swap3A_1091], %swap3A_1094 {add = true, strides = array<i32>} : memref<128x128xf32, #tpu.memory_space<vmem>>, vector<1x16xf32>,
        %get3A_1095 = arith.index_cast %add3A_1058 : i32 to index
        %get3A_1096 = arith.constant 64 : index
        %get3A_1097 = tpu.vector_load %arg12[%get3A_1095, %get3A_1096] {strides = array<i32>} : memref<128x128xf32, #tpu.memory_space<vmem>>, vector<1x16xf32>,
        %get3A_1098 = vector.shape_cast %get3A_1097 : vector<1x16xf32> to vector<16xf32>
        %swap3A_1099 = arith.index_cast %add3A_1058 : i32 to index
        %swap3A_1100 = arith.constant 64 : index
        %swap3A_1101 = tpu.vector_load %arg14[%swap3A_1099, %swap3A_1100] {strides = array<i32>} : memref<128x128xf32, #tpu.memory_space<vmem>>, vector<1x16xf32>,
        %swap3A_1102 = vector.shape_cast %swap3A_1101 : vector<1x16xf32> to vector<16xf32>
        %swap3A_1103 = vector.shape_cast %get3A_1098 : vector<16xf32> to vector<1x16xf32>
        tpu.vector_store %arg14[%swap3A_1099, %swap3A_1100], %swap3A_1103 {add = true, strides = array<i32>} : memref<128x128xf32, #tpu.memory_space<vmem>>, vector<1x16xf32>,
        %get3A_1104 = arith.index_cast %add3A_1058 : i32 to index
        %get3A_1105 = arith.constant 80 : index
        %get3A_1106 = tpu.vector_load %arg12[%get3A_1104, %get3A_1105] {strides = array<i32>} : memref<128x128xf32, #tpu.memory_space<vmem>>, vector<1x16xf32>,
        %get3A_1107 = vector.shape_cast %get3A_1106 : vector<1x16xf32> to vector<16xf32>
        %swap3A_1108 = arith.index_cast %add3A_1058 : i32 to index
        %swap3A_1109 = arith.constant 80 : index
        %swap3A_1110 = tpu.vector_load %arg14[%swap3A_1108, %swap3A_1109] {strides = array<i32>} : memref<128x128xf32, #tpu.memory_space<vmem>>, vector<1x16xf32>,
        %swap3A_1111 = vector.shape_cast %swap3A_1110 : vector<1x16xf32> to vector<16xf32>
        %swap3A_1112 = vector.shape_cast %get3A_1107 : vector<16xf32> to vector<1x16xf32>
        tpu.vector_store %arg14[%swap3A_1108, %swap3A_1109], %swap3A_1112 {add = true, strides = array<i32>} : memref<128x128xf32, #tpu.memory_space<vmem>>, vector<1x16xf32>,
        %get3A_1113 = arith.index_cast %add3A_1058 : i32 to index
        %get3A_1114 = arith.constant 96 : index
        %get3A_1115 = tpu.vector_load %arg12[%get3A_1113, %get3A_1114] {strides = array<i32>} : memref<128x128xf32, #tpu.memory_space<vmem>>, vector<1x16xf32>,
        %get3A_1116 = vector.shape_cast %get3A_1115 : vector<1x16xf32> to vector<16xf32>
        %swap3A_1117 = arith.index_cast %add3A_1058 : i32 to index
        %swap3A_1118 = arith.constant 96 : index
        %swap3A_1119 = tpu.vector_load %arg14[%swap3A_1117, %swap3A_1118] {strides = array<i32>} : memref<128x128xf32, #tpu.memory_space<vmem>>, vector<1x16xf32>,
        %swap3A_1120 = vector.shape_cast %swap3A_1119 : vector<1x16xf32> to vector<16xf32>
        %swap3A_1121 = vector.shape_cast %get3A_1116 : vector<16xf32> to vector<1x16xf32>
        tpu.vector_store %arg14[%swap3A_1117, %swap3A_1118], %swap3A_1121 {add = true, strides = array<i32>} : memref<128x128xf32, #tpu.memory_space<vmem>>, vector<1x16xf32>,
        %get3A_1122 = arith.index_cast %add3A_1058 : i32 to index
        %get3A_1123 = arith.constant 112 : index
        %get3A_1124 = tpu.vector_load %arg12[%get3A_1122, %get3A_1123] {strides = array<i32>} : memref<128x128xf32, #tpu.memory_space<vmem>>, vector<1x16xf32>,
        %get3A_1125 = vector.shape_cast %get3A_1124 : vector<1x16xf32> to vector<16xf32>
        %swap3A_1126 = arith.index_cast %add3A_1058 : i32 to index
        %swap3A_1127 = arith.constant 112 : index
        %swap3A_1128 = tpu.vector_load %arg14[%swap3A_1126, %swap3A_1127] {strides = array<i32>} : memref<128x128xf32, #tpu.memory_space<vmem>>, vector<1x16xf32>,
        %swap3A_1129 = vector.shape_cast %swap3A_1128 : vector<1x16xf32> to vector<16xf32>
        %swap3A_1130 = vector.shape_cast %get3A_1125 : vector<16xf32> to vector<1x16xf32>
        tpu.vector_store %arg14[%swap3A_1126, %swap3A_1127], %swap3A_1130 {add = true, strides = array<i32>} : memref<128x128xf32, #tpu.memory_space<vmem>>, vector<1x16xf32>,
        %scan3A_1131 = arith.constant 7 : i32
        %scan3A_1132 = arith.addi %scan3A_588, %scan3A_1131 : i32
        %mul3A_1133 = arith.constant 1 : i32
        %mul3A_1134 = arith.muli %scan3A_1132, %mul3A_1133 : i32
        %add3A_1135 = arith.constant 64 : i32
        %add3A_1136 = arith.addi %add3A_1135, %mul3A_1134 : i32
        %get3A_1137 = arith.index_cast %add3A_1136 : i32 to index
        %get3A_1138 = arith.constant 0 : index
        %get3A_1139 = tpu.vector_load %arg10[%get3A_1137, %get3A_1138] {strides = array<i32>} : memref<128x128xf32, #tpu.memory_space<vmem>>, vector<1x16xf32>,
        %get3A_1140 = vector.shape_cast %get3A_1139 : vector<1x16xf32> to vector<16xf32>
        %swap3A_1141 = arith.index_cast %add3A_1136 : i32 to index
        %swap3A_1142 = arith.constant 0 : index
        %swap3A_1143 = tpu.vector_load %arg14[%swap3A_1141, %swap3A_1142] {strides = array<i32>} : memref<128x128xf32, #tpu.memory_space<vmem>>, vector<1x16xf32>,
        %swap3A_1144 = vector.shape_cast %swap3A_1143 : vector<1x16xf32> to vector<16xf32>
        %swap3A_1145 = vector.shape_cast %get3A_1140 : vector<16xf32> to vector<1x16xf32>
        tpu.vector_store %arg14[%swap3A_1141, %swap3A_1142], %swap3A_1145 {add = true, strides = array<i32>} : memref<128x128xf32, #tpu.memory_space<vmem>>, vector<1x16xf32>,
        %get3A_1146 = arith.index_cast %add3A_1136 : i32 to index
        %get3A_1147 = arith.constant 16 : index
        %get3A_1148 = tpu.vector_load %arg10[%get3A_1146, %get3A_1147] {strides = array<i32>} : memref<128x128xf32, #tpu.memory_space<vmem>>, vector<1x16xf32>,
        %get3A_1149 = vector.shape_cast %get3A_1148 : vector<1x16xf32> to vector<16xf32>
        %swap3A_1150 = arith.index_cast %add3A_1136 : i32 to index
        %swap3A_1151 = arith.constant 16 : index
        %swap3A_1152 = tpu.vector_load %arg14[%swap3A_1150, %swap3A_1151] {strides = array<i32>} : memref<128x128xf32, #tpu.memory_space<vmem>>, vector<1x16xf32>,
        %swap3A_1153 = vector.shape_cast %swap3A_1152 : vector<1x16xf32> to vector<16xf32>
        %swap3A_1154 = vector.shape_cast %get3A_1149 : vector<16xf32> to vector<1x16xf32>
        tpu.vector_store %arg14[%swap3A_1150, %swap3A_1151], %swap3A_1154 {add = true, strides = array<i32>} : memref<128x128xf32, #tpu.memory_space<vmem>>, vector<1x16xf32>,
        %get3A_1155 = arith.index_cast %add3A_1136 : i32 to index
        %get3A_1156 = arith.constant 32 : index
        %get3A_1157 = tpu.vector_load %arg10[%get3A_1155, %get3A_1156] {strides = array<i32>} : memref<128x128xf32, #tpu.memory_space<vmem>>, vector<1x16xf32>,
        %get3A_1158 = vector.shape_cast %get3A_1157 : vector<1x16xf32> to vector<16xf32>
        %swap3A_1159 = arith.index_cast %add3A_1136 : i32 to index
        %swap3A_1160 = arith.constant 32 : index
        %swap3A_1161 = tpu.vector_load %arg14[%swap3A_1159, %swap3A_1160] {strides = array<i32>} : memref<128x128xf32, #tpu.memory_space<vmem>>, vector<1x16xf32>,
        %swap3A_1162 = vector.shape_cast %swap3A_1161 : vector<1x16xf32> to vector<16xf32>
        %swap3A_1163 = vector.shape_cast %get3A_1158 : vector<16xf32> to vector<1x16xf32>
        tpu.vector_store %arg14[%swap3A_1159, %swap3A_1160], %swap3A_1163 {add = true, strides = array<i32>} : memref<128x128xf32, #tpu.memory_space<vmem>>, vector<1x16xf32>,
        %get3A_1164 = arith.index_cast %add3A_1136 : i32 to index
        %get3A_1165 = arith.constant 48 : index
        %get3A_1166 = tpu.vector_load %arg10[%get3A_1164, %get3A_1165] {strides = array<i32>} : memref<128x128xf32, #tpu.memory_space<vmem>>, vector<1x16xf32>,
        %get3A_1167 = vector.shape_cast %get3A_1166 : vector<1x16xf32> to vector<16xf32>
        %swap3A_1168 = arith.index_cast %add3A_1136 : i32 to index
        %swap3A_1169 = arith.constant 48 : index
        %swap3A_1170 = tpu.vector_load %arg14[%swap3A_1168, %swap3A_1169] {strides = array<i32>} : memref<128x128xf32, #tpu.memory_space<vmem>>, vector<1x16xf32>,
        %swap3A_1171 = vector.shape_cast %swap3A_1170 : vector<1x16xf32> to vector<16xf32>
        %swap3A_1172 = vector.shape_cast %get3A_1167 : vector<16xf32> to vector<1x16xf32>
        tpu.vector_store %arg14[%swap3A_1168, %swap3A_1169], %swap3A_1172 {add = true, strides = array<i32>} : memref<128x128xf32, #tpu.memory_space<vmem>>, vector<1x16xf32>,
        %get3A_1173 = arith.index_cast %add3A_1136 : i32 to index
        %get3A_1174 = arith.constant 64 : index
        %get3A_1175 = tpu.vector_load %arg12[%get3A_1173, %get3A_1174] {strides = array<i32>} : memref<128x128xf32, #tpu.memory_space<vmem>>, vector<1x16xf32>,
        %get3A_1176 = vector.shape_cast %get3A_1175 : vector<1x16xf32> to vector<16xf32>
        %swap3A_1177 = arith.index_cast %add3A_1136 : i32 to index
        %swap3A_1178 = arith.constant 64 : index
        %swap3A_1179 = tpu.vector_load %arg14[%swap3A_1177, %swap3A_1178] {strides = array<i32>} : memref<128x128xf32, #tpu.memory_space<vmem>>, vector<1x16xf32>,
        %swap3A_1180 = vector.shape_cast %swap3A_1179 : vector<1x16xf32> to vector<16xf32>
        %swap3A_1181 = vector.shape_cast %get3A_1176 : vector<16xf32> to vector<1x16xf32>
        tpu.vector_store %arg14[%swap3A_1177, %swap3A_1178], %swap3A_1181 {add = true, strides = array<i32>} : memref<128x128xf32, #tpu.memory_space<vmem>>, vector<1x16xf32>,
        %get3A_1182 = arith.index_cast %add3A_1136 : i32 to index
        %get3A_1183 = arith.constant 80 : index
        %get3A_1184 = tpu.vector_load %arg12[%get3A_1182, %get3A_1183] {strides = array<i32>} : memref<128x128xf32, #tpu.memory_space<vmem>>, vector<1x16xf32>,
        %get3A_1185 = vector.shape_cast %get3A_1184 : vector<1x16xf32> to vector<16xf32>
        %swap3A_1186 = arith.index_cast %add3A_1136 : i32 to index
        %swap3A_1187 = arith.constant 80 : index
        %swap3A_1188 = tpu.vector_load %arg14[%swap3A_1186, %swap3A_1187] {strides = array<i32>} : memref<128x128xf32, #tpu.memory_space<vmem>>, vector<1x16xf32>,
        %swap3A_1189 = vector.shape_cast %swap3A_1188 : vector<1x16xf32> to vector<16xf32>
        %swap3A_1190 = vector.shape_cast %get3A_1185 : vector<16xf32> to vector<1x16xf32>
        tpu.vector_store %arg14[%swap3A_1186, %swap3A_1187], %swap3A_1190 {add = true, strides = array<i32>} : memref<128x128xf32, #tpu.memory_space<vmem>>, vector<1x16xf32>,
        %get3A_1191 = arith.index_cast %add3A_1136 : i32 to index
        %get3A_1192 = arith.constant 96 : index
        %get3A_1193 = tpu.vector_load %arg12[%get3A_1191, %get3A_1192] {strides = array<i32>} : memref<128x128xf32, #tpu.memory_space<vmem>>, vector<1x16xf32>,
        %get3A_1194 = vector.shape_cast %get3A_1193 : vector<1x16xf32> to vector<16xf32>
        %swap3A_1195 = arith.index_cast %add3A_1136 : i32 to index
        %swap3A_1196 = arith.constant 96 : index
        %swap3A_1197 = tpu.vector_load %arg14[%swap3A_1195, %swap3A_1196] {strides = array<i32>} : memref<128x128xf32, #tpu.memory_space<vmem>>, vector<1x16xf32>,
        %swap3A_1198 = vector.shape_cast %swap3A_1197 : vector<1x16xf32> to vector<16xf32>
        %swap3A_1199 = vector.shape_cast %get3A_1194 : vector<16xf32> to vector<1x16xf32>
        tpu.vector_store %arg14[%swap3A_1195, %swap3A_1196], %swap3A_1199 {add = true, strides = array<i32>} : memref<128x128xf32, #tpu.memory_space<vmem>>, vector<1x16xf32>,
        %get3A_1200 = arith.index_cast %add3A_1136 : i32 to index
        %get3A_1201 = arith.constant 112 : index
        %get3A_1202 = tpu.vector_load %arg12[%get3A_1200, %get3A_1201] {strides = array<i32>} : memref<128x128xf32, #tpu.memory_space<vmem>>, vector<1x16xf32>,
        %get3A_1203 = vector.shape_cast %get3A_1202 : vector<1x16xf32> to vector<16xf32>
        %swap3A_1204 = arith.index_cast %add3A_1136 : i32 to index
        %swap3A_1205 = arith.constant 112 : index
        %swap3A_1206 = tpu.vector_load %arg14[%swap3A_1204, %swap3A_1205] {strides = array<i32>} : memref<128x128xf32, #tpu.memory_space<vmem>>, vector<1x16xf32>,
        %swap3A_1207 = vector.shape_cast %swap3A_1206 : vector<1x16xf32> to vector<16xf32>
        %swap3A_1208 = vector.shape_cast %get3A_1203 : vector<16xf32> to vector<1x16xf32>
        tpu.vector_store %arg14[%swap3A_1204, %swap3A_1205], %swap3A_1208 {add = true, strides = array<i32>} : memref<128x128xf32, #tpu.memory_space<vmem>>, vector<1x16xf32>,
      }
      %scan3A_355 = arith.constant 64 : i32
      %add3A_356 = arith.addi %mul3A_2, %add3A_225 : i32
      %jit3A_357 = arith.constant 32 : i32
      %div3A_358 = arith.divsi %add3A_356, %jit3A_357 : i32
      %sign3A_359 = arith.constant 0 : i32
      %sign3A_360 = arith.cmpi sgt, %add3A_356, %sign3A_359 : i32
      %sign3A_361 = arith.extui %sign3A_360 : i1 to i32
      %sign3A_362 = arith.constant 0 : i32
      %sign3A_363 = arith.cmpi slt, %add3A_356, %sign3A_362 : i32
      %sign3A_364 = arith.extui %sign3A_363 : i1 to i32
      %sign3A_365 = arith.subi %sign3A_361, %sign3A_364 : i32
      %sign3A_366 = arith.constant 0 : i32
      %sign3A_367 = arith.cmpi sgt, %jit3A_357, %sign3A_366 : i32
      %sign3A_368 = arith.extui %sign3A_367 : i1 to i32
      %sign3A_369 = arith.constant 0 : i32
      %sign3A_370 = arith.cmpi slt, %jit3A_357, %sign3A_369 : i32
      %sign3A_371 = arith.extui %sign3A_370 : i1 to i32
      %sign3A_372 = arith.subi %sign3A_368, %sign3A_371 : i32
      %ne3A_373 = arith.cmpi ne, %sign3A_365, %sign3A_372 : i32
      %rem3A_374 = arith.remsi %add3A_356, %jit3A_357 : i32
      %ne3A_375 = arith.constant 0 : i32
      %ne3A_376 = arith.cmpi ne, %rem3A_374, %ne3A_375 : i32
      %and3A_377 = arith.andi %ne3A_373, %ne3A_376 : i1
      %sub3A_378 = arith.constant 1 : i32
      %sub3A_379 = arith.subi %div3A_358, %sub3A_378 : i32
      %select_n3A_380 = arith.select %and3A_377, %sub3A_379, %div3A_358 : i32
      %mul3A_381 = arith.constant 32 : i32
      %mul3A_382 = arith.muli %select_n3A_380, %mul3A_381 : i32
      %sub3A_383 = arith.subi %add3A_356, %mul3A_382 : i32
      %mul3A_384 = arith.constant 128 : i32
      %mul3A_385 = arith.muli %sub3A_383, %mul3A_384 : i32
      %add3A_386 = arith.constant 64 : i32
      %add3A_387 = arith.addi %mul3A_385, %add3A_386 : i32
      %dma_start3A_388 = arith.constant 0 : i32
      %dma_start3A_389 = arith.constant 64 : i32
      %dma_start3A_390 = arith.constant 0 : i32
      %dma_start3A_391 = tpu.memref_slice %arg14[%dma_start3A_389, %dma_start3A_390] : memref<128x128xf32, #tpu.memory_space<vmem>> -> memref<64x128xf32, #tpu.memory_space<vmem>>
      %dma_start3A_392 = arith.constant 0 : i32
      %dma_start3A_393 = tpu.memref_slice %arg5[%add3A_387, %select_n3A_380, %dma_start3A_392] : memref<4096x200x128xf32, #tpu.memory_space<hbm>> -> memref<64x1x128xf32, #tpu.memory_space<hbm>>
      %dma_start3A_394 = tpu.memref_squeeze %dma_start3A_393 : memref<64x1x128xf32, #tpu.memory_space<hbm>> -> memref<64x128xf32, #tpu.memory_space<hbm>>
      %dma_start3A_395 = tpu.memref_slice %arg21[%dma_start3A_388] : memref<2x!tpu.dma_semaphore, #tpu.memory_space<semaphore_mem>> -> memref<1x!tpu.dma_semaphore, #tpu.memory_space<semaphore_mem>>
      %dma_start3A_396 = tpu.memref_squeeze %dma_start3A_395 : memref<1x!tpu.dma_semaphore, #tpu.memory_space<semaphore_mem>> -> memref<!tpu.dma_semaphore, #tpu.memory_space<semaphore_mem>>
      %dma_start3A_397 = arith.constant 0 : i32
      %dma_start3A_398 = tpu.memref_slice %arg5[%add3A_387, %select_n3A_380, %dma_start3A_397] : memref<4096x200x128xf32, #tpu.memory_space<hbm>> -> memref<64x1x128xf32, #tpu.memory_space<hbm>>
      %dma_start3A_399 = tpu.memref_squeeze %dma_start3A_398 : memref<64x1x128xf32, #tpu.memory_space<hbm>> -> memref<64x128xf32, #tpu.memory_space<hbm>>
      %dma_start3A_400 = arith.constant 64 : i32
      %dma_start3A_401 = arith.constant 0 : i32
      %dma_start3A_402 = tpu.memref_slice %arg14[%dma_start3A_400, %dma_start3A_401] : memref<128x128xf32, #tpu.memory_space<vmem>> -> memref<64x128xf32, #tpu.memory_space<vmem>>
      tpu.enqueue_dma source(%dma_start3A_402 : memref<64x128xf32, #tpu.memory_space<vmem>>) target(%dma_start3A_399 : memref<64x128xf32, #tpu.memory_space<hbm>>) target_semaphore(%dma_start3A_396 : memref<!tpu.dma_semaphore, #tpu.memory_space<semaphore_mem>>)
      %mul3A_403 = arith.constant 2 : i32
      %mul3A_404 = arith.muli %mul3A_403, %add3A_221 : i32
      %add3A_405 = arith.constant 1 : i32
      %add3A_406 = arith.addi %mul3A_404, %add3A_405 : i32
      %add3A_407 = arith.constant 1 : i32
      %add3A_408 = arith.addi %add3A_406, %add3A_407 : i32
      %lt3A_409 = arith.constant 200 : i32
      %lt3A_410 = arith.cmpi slt, %add3A_408, %lt3A_409 : i32
      %convert_element_type3A_411 = arith.extui %lt3A_410 : i1 to i32
      %cond3A_412 = arith.constant 0 : i32
      %cond3A_413 = arith.cmpi ne, %convert_element_type3A_411, %cond3A_412 : i32
      scf.if %cond3A_413 {
        %add3A_588 = arith.constant 1 : i32
        %add3A_589 = arith.addi %add3A_406, %add3A_588 : i32
        %add3A_590 = arith.addi %mul3A_2, %add3A_589 : i32
        %mul3A_591 = arith.constant 2 : i32
        %mul3A_592 = arith.muli %add3A_590, %mul3A_591 : i32
        %mul3A_593 = arith.constant 128 : i32
        %mul3A_594 = arith.muli %mul3A_592, %mul3A_593 : i32
        %dma_wait3A_595 = arith.constant 0 : i32
        %dma_wait3A_596 = tpu.memref_slice %arg3[%mul3A_594] : memref<1638400xi32, #tpu.memory_space<hbm>> -> memref<128xi32, #tpu.memory_space<hbm>>
        %dma_wait3A_597 = tpu.memref_slice %arg16[%dma_wait3A_595] : memref<2x!tpu.dma_semaphore, #tpu.memory_space<semaphore_mem>> -> memref<1x!tpu.dma_semaphore, #tpu.memory_space<semaphore_mem>>
        %dma_wait3A_598 = tpu.memref_squeeze %dma_wait3A_597 : memref<1x!tpu.dma_semaphore, #tpu.memory_space<semaphore_mem>> -> memref<!tpu.dma_semaphore, #tpu.memory_space<semaphore_mem>>
        %dma_wait3A_599 = tpu.memref_slice %arg3[%mul3A_594] : memref<1638400xi32, #tpu.memory_space<hbm>> -> memref<128xi32, #tpu.memory_space<hbm>>
        tpu.wait_dma2 semaphore(%dma_wait3A_598 : memref<!tpu.dma_semaphore, #tpu.memory_space<semaphore_mem>>) src(%dma_wait3A_599 : memref<128xi32, #tpu.memory_space<hbm>>) dst(%arg6 : memref<128xi32, #tpu.memory_space<vmem>>)
        %add3A_600 = arith.addi %mul3A_2, %add3A_589 : i32
        %mul3A_601 = arith.constant 2 : i32
        %mul3A_602 = arith.muli %add3A_600, %mul3A_601 : i32
        %mul3A_603 = arith.constant 128 : i32
        %mul3A_604 = arith.muli %mul3A_602, %mul3A_603 : i32
        %add3A_605 = arith.constant 128 : i32
        %add3A_606 = arith.addi %mul3A_604, %add3A_605 : i32
        %dma_wait3A_607 = arith.constant 0 : i32
        %dma_wait3A_608 = tpu.memref_slice %arg3[%add3A_606] : memref<1638400xi32, #tpu.memory_space<hbm>> -> memref<128xi32, #tpu.memory_space<hbm>>
        %dma_wait3A_609 = tpu.memref_slice %arg17[%dma_wait3A_607] : memref<2x!tpu.dma_semaphore, #tpu.memory_space<semaphore_mem>> -> memref<1x!tpu.dma_semaphore, #tpu.memory_space<semaphore_mem>>
        %dma_wait3A_610 = tpu.memref_squeeze %dma_wait3A_609 : memref<1x!tpu.dma_semaphore, #tpu.memory_space<semaphore_mem>> -> memref<!tpu.dma_semaphore, #tpu.memory_space<semaphore_mem>>
        %dma_wait3A_611 = tpu.memref_slice %arg3[%add3A_606] : memref<1638400xi32, #tpu.memory_space<hbm>> -> memref<128xi32, #tpu.memory_space<hbm>>
        tpu.wait_dma2 semaphore(%dma_wait3A_610 : memref<!tpu.dma_semaphore, #tpu.memory_space<semaphore_mem>>) src(%dma_wait3A_611 : memref<128xi32, #tpu.memory_space<hbm>>) dst(%arg8 : memref<128xi32, #tpu.memory_space<vmem>>)
        %add3A_612 = arith.constant 1 : i32
        %add3A_613 = arith.addi %add3A_406, %add3A_612 : i32
        %dma_start3A_614 = arith.constant 0 : i32
        %dma_start3A_615 = arith.constant 0 : i32
        %dma_start3A_616 = arith.constant 0 : i32
        %dma_start3A_617 = tpu.memref_slice %arg4[%dma_start3A_615, %dma_start3A_616] : memref<1200x128xf32, #tpu.memory_space<hbm>> -> memref<1200x128xf32, #tpu.memory_space<hbm>>
        %dma_start3A_618 = tpu.memref_slice %arg18[%dma_start3A_614] : memref<2x!tpu.dma_semaphore, #tpu.memory_space<semaphore_mem>> -> memref<1x!tpu.dma_semaphore, #tpu.memory_space<semaphore_mem>>
        %dma_start3A_619 = tpu.memref_squeeze %dma_start3A_618 : memref<1x!tpu.dma_semaphore, #tpu.memory_space<semaphore_mem>> -> memref<!tpu.dma_semaphore, #tpu.memory_space<semaphore_mem>>
        tpu.enqueue_indirect_dma source(%dma_start3A_617 : memref<1200x128xf32, #tpu.memory_space<hbm>>) target(%arg10 : memref<128x128xf32, #tpu.memory_space<vmem>>) offsets(%arg6 : memref<128xi32, #tpu.memory_space<vmem>>) semaphore(%dma_start3A_619 : memref<!tpu.dma_semaphore, #tpu.memory_space<semaphore_mem>>)
        %add3A_620 = arith.constant 1 : i32
        %add3A_621 = arith.addi %add3A_406, %add3A_620 : i32
        %dma_start3A_622 = arith.constant 0 : i32
        %dma_start3A_623 = arith.constant 0 : i32
        %dma_start3A_624 = arith.constant 0 : i32
        %dma_start3A_625 = tpu.memref_slice %arg4[%dma_start3A_623, %dma_start3A_624] : memref<1200x128xf32, #tpu.memory_space<hbm>> -> memref<1200x128xf32, #tpu.memory_space<hbm>>
        %dma_start3A_626 = tpu.memref_slice %arg19[%dma_start3A_622] : memref<2x!tpu.dma_semaphore, #tpu.memory_space<semaphore_mem>> -> memref<1x!tpu.dma_semaphore, #tpu.memory_space<semaphore_mem>>
        %dma_start3A_627 = tpu.memref_squeeze %dma_start3A_626 : memref<1x!tpu.dma_semaphore, #tpu.memory_space<semaphore_mem>> -> memref<!tpu.dma_semaphore, #tpu.memory_space<semaphore_mem>>
        tpu.enqueue_indirect_dma source(%dma_start3A_625 : memref<1200x128xf32, #tpu.memory_space<hbm>>) target(%arg12 : memref<128x128xf32, #tpu.memory_space<vmem>>) offsets(%arg8 : memref<128xi32, #tpu.memory_space<vmem>>) semaphore(%dma_start3A_627 : memref<!tpu.dma_semaphore, #tpu.memory_space<semaphore_mem>>)
      } else {
      }
      %ge3A_414 = arith.constant 1 : i32
      %ge3A_415 = arith.cmpi sge, %add3A_406, %ge3A_414 : i32
      %convert_element_type3A_416 = arith.extui %ge3A_415 : i1 to i32
      %cond3A_417 = arith.constant 0 : i32
      %cond3A_418 = arith.cmpi ne, %convert_element_type3A_416, %cond3A_417 : i32
      scf.if %cond3A_418 {
        %sub3A_588 = arith.constant 1 : i32
        %sub3A_589 = arith.subi %add3A_406, %sub3A_588 : i32
        %add3A_590 = arith.addi %mul3A_2, %sub3A_589 : i32
        %jit3A_591 = arith.constant 32 : i32
        %div3A_592 = arith.divsi %add3A_590, %jit3A_591 : i32
        %sign3A_593 = arith.constant 0 : i32
        %sign3A_594 = arith.cmpi sgt, %add3A_590, %sign3A_593 : i32
        %sign3A_595 = arith.extui %sign3A_594 : i1 to i32
        %sign3A_596 = arith.constant 0 : i32
        %sign3A_597 = arith.cmpi slt, %add3A_590, %sign3A_596 : i32
        %sign3A_598 = arith.extui %sign3A_597 : i1 to i32
        %sign3A_599 = arith.subi %sign3A_595, %sign3A_598 : i32
        %sign3A_600 = arith.constant 0 : i32
        %sign3A_601 = arith.cmpi sgt, %jit3A_591, %sign3A_600 : i32
        %sign3A_602 = arith.extui %sign3A_601 : i1 to i32
        %sign3A_603 = arith.constant 0 : i32
        %sign3A_604 = arith.cmpi slt, %jit3A_591, %sign3A_603 : i32
        %sign3A_605 = arith.extui %sign3A_604 : i1 to i32
        %sign3A_606 = arith.subi %sign3A_602, %sign3A_605 : i32
        %ne3A_607 = arith.cmpi ne, %sign3A_599, %sign3A_606 : i32
        %rem3A_608 = arith.remsi %add3A_590, %jit3A_591 : i32
        %ne3A_609 = arith.constant 0 : i32
        %ne3A_610 = arith.cmpi ne, %rem3A_608, %ne3A_609 : i32
        %and3A_611 = arith.andi %ne3A_607, %ne3A_610 : i1
        %sub3A_612 = arith.constant 1 : i32
        %sub3A_613 = arith.subi %div3A_592, %sub3A_612 : i32
        %select_n3A_614 = arith.select %and3A_611, %sub3A_613, %div3A_592 : i32
        %mul3A_615 = arith.constant 32 : i32
        %mul3A_616 = arith.muli %select_n3A_614, %mul3A_615 : i32
        %sub3A_617 = arith.subi %add3A_590, %mul3A_616 : i32
        %mul3A_618 = arith.constant 128 : i32
        %mul3A_619 = arith.muli %sub3A_617, %mul3A_618 : i32
        %add3A_620 = arith.constant 0 : i32
        %add3A_621 = arith.addi %mul3A_619, %add3A_620 : i32
        %dma_wait3A_622 = arith.constant 0 : i32
        %dma_wait3A_623 = arith.constant 0 : i32
        %dma_wait3A_624 = arith.constant 0 : i32
        %dma_wait3A_625 = tpu.memref_slice %arg14[%dma_wait3A_623, %dma_wait3A_624] : memref<128x128xf32, #tpu.memory_space<vmem>> -> memref<64x128xf32, #tpu.memory_space<vmem>>
        %dma_wait3A_626 = arith.constant 0 : i32
        %dma_wait3A_627 = tpu.memref_slice %arg5[%add3A_621, %select_n3A_614, %dma_wait3A_626] : memref<4096x200x128xf32, #tpu.memory_space<hbm>> -> memref<64x1x128xf32, #tpu.memory_space<hbm>>
        %dma_wait3A_628 = tpu.memref_squeeze %dma_wait3A_627 : memref<64x1x128xf32, #tpu.memory_space<hbm>> -> memref<64x128xf32, #tpu.memory_space<hbm>>
        %dma_wait3A_629 = tpu.memref_slice %arg21[%dma_wait3A_622] : memref<2x!tpu.dma_semaphore, #tpu.memory_space<semaphore_mem>> -> memref<1x!tpu.dma_semaphore, #tpu.memory_space<semaphore_mem>>
        %dma_wait3A_630 = tpu.memref_squeeze %dma_wait3A_629 : memref<1x!tpu.dma_semaphore, #tpu.memory_space<semaphore_mem>> -> memref<!tpu.dma_semaphore, #tpu.memory_space<semaphore_mem>>
        %dma_wait3A_631 = arith.constant 0 : i32
        %dma_wait3A_632 = tpu.memref_slice %arg5[%add3A_621, %select_n3A_614, %dma_wait3A_631] : memref<4096x200x128xf32, #tpu.memory_space<hbm>> -> memref<64x1x128xf32, #tpu.memory_space<hbm>>
        %dma_wait3A_633 = tpu.memref_squeeze %dma_wait3A_632 : memref<64x1x128xf32, #tpu.memory_space<hbm>> -> memref<64x128xf32, #tpu.memory_space<hbm>>
        %dma_wait3A_634 = arith.constant 0 : i32
        %dma_wait3A_635 = arith.constant 0 : i32
        %dma_wait3A_636 = tpu.memref_slice %arg14[%dma_wait3A_634, %dma_wait3A_635] : memref<128x128xf32, #tpu.memory_space<vmem>> -> memref<64x128xf32, #tpu.memory_space<vmem>>
        tpu.wait_dma2 semaphore(%dma_wait3A_630 : memref<!tpu.dma_semaphore, #tpu.memory_space<semaphore_mem>>) src(%dma_wait3A_636 : memref<64x128xf32, #tpu.memory_space<vmem>>) dst(%dma_wait3A_633 : memref<64x128xf32, #tpu.memory_space<hbm>>)
        %add3A_637 = arith.addi %mul3A_2, %sub3A_589 : i32
        %jit3A_638 = arith.constant 32 : i32
        %div3A_639 = arith.divsi %add3A_637, %jit3A_638 : i32
        %sign3A_640 = arith.constant 0 : i32
        %sign3A_641 = arith.cmpi sgt, %add3A_637, %sign3A_640 : i32
        %sign3A_642 = arith.extui %sign3A_641 : i1 to i32
        %sign3A_643 = arith.constant 0 : i32
        %sign3A_644 = arith.cmpi slt, %add3A_637, %sign3A_643 : i32
        %sign3A_645 = arith.extui %sign3A_644 : i1 to i32
        %sign3A_646 = arith.subi %sign3A_642, %sign3A_645 : i32
        %sign3A_647 = arith.constant 0 : i32
        %sign3A_648 = arith.cmpi sgt, %jit3A_638, %sign3A_647 : i32
        %sign3A_649 = arith.extui %sign3A_648 : i1 to i32
        %sign3A_650 = arith.constant 0 : i32
        %sign3A_651 = arith.cmpi slt, %jit3A_638, %sign3A_650 : i32
        %sign3A_652 = arith.extui %sign3A_651 : i1 to i32
        %sign3A_653 = arith.subi %sign3A_649, %sign3A_652 : i32
        %ne3A_654 = arith.cmpi ne, %sign3A_646, %sign3A_653 : i32
        %rem3A_655 = arith.remsi %add3A_637, %jit3A_638 : i32
        %ne3A_656 = arith.constant 0 : i32
        %ne3A_657 = arith.cmpi ne, %rem3A_655, %ne3A_656 : i32
        %and3A_658 = arith.andi %ne3A_654, %ne3A_657 : i1
        %sub3A_659 = arith.constant 1 : i32
        %sub3A_660 = arith.subi %div3A_639, %sub3A_659 : i32
        %select_n3A_661 = arith.select %and3A_658, %sub3A_660, %div3A_639 : i32
        %mul3A_662 = arith.constant 32 : i32
        %mul3A_663 = arith.muli %select_n3A_661, %mul3A_662 : i32
        %sub3A_664 = arith.subi %add3A_637, %mul3A_663 : i32
        %mul3A_665 = arith.constant 128 : i32
        %mul3A_666 = arith.muli %sub3A_664, %mul3A_665 : i32
        %add3A_667 = arith.constant 64 : i32
        %add3A_668 = arith.addi %mul3A_666, %add3A_667 : i32
        %dma_wait3A_669 = arith.constant 0 : i32
        %dma_wait3A_670 = arith.constant 64 : i32
        %dma_wait3A_671 = arith.constant 0 : i32
        %dma_wait3A_672 = tpu.memref_slice %arg14[%dma_wait3A_670, %dma_wait3A_671] : memref<128x128xf32, #tpu.memory_space<vmem>> -> memref<64x128xf32, #tpu.memory_space<vmem>>
        %dma_wait3A_673 = arith.constant 0 : i32
        %dma_wait3A_674 = tpu.memref_slice %arg5[%add3A_668, %select_n3A_661, %dma_wait3A_673] : memref<4096x200x128xf32, #tpu.memory_space<hbm>> -> memref<64x1x128xf32, #tpu.memory_space<hbm>>
        %dma_wait3A_675 = tpu.memref_squeeze %dma_wait3A_674 : memref<64x1x128xf32, #tpu.memory_space<hbm>> -> memref<64x128xf32, #tpu.memory_space<hbm>>
        %dma_wait3A_676 = tpu.memref_slice %arg21[%dma_wait3A_669] : memref<2x!tpu.dma_semaphore, #tpu.memory_space<semaphore_mem>> -> memref<1x!tpu.dma_semaphore, #tpu.memory_space<semaphore_mem>>
        %dma_wait3A_677 = tpu.memref_squeeze %dma_wait3A_676 : memref<1x!tpu.dma_semaphore, #tpu.memory_space<semaphore_mem>> -> memref<!tpu.dma_semaphore, #tpu.memory_space<semaphore_mem>>
        %dma_wait3A_678 = arith.constant 0 : i32
        %dma_wait3A_679 = tpu.memref_slice %arg5[%add3A_668, %select_n3A_661, %dma_wait3A_678] : memref<4096x200x128xf32, #tpu.memory_space<hbm>> -> memref<64x1x128xf32, #tpu.memory_space<hbm>>
        %dma_wait3A_680 = tpu.memref_squeeze %dma_wait3A_679 : memref<64x1x128xf32, #tpu.memory_space<hbm>> -> memref<64x128xf32, #tpu.memory_space<hbm>>
        %dma_wait3A_681 = arith.constant 64 : i32
        %dma_wait3A_682 = arith.constant 0 : i32
        %dma_wait3A_683 = tpu.memref_slice %arg14[%dma_wait3A_681, %dma_wait3A_682] : memref<128x128xf32, #tpu.memory_space<vmem>> -> memref<64x128xf32, #tpu.memory_space<vmem>>
        tpu.wait_dma2 semaphore(%dma_wait3A_677 : memref<!tpu.dma_semaphore, #tpu.memory_space<semaphore_mem>>) src(%dma_wait3A_683 : memref<64x128xf32, #tpu.memory_space<vmem>>) dst(%dma_wait3A_680 : memref<64x128xf32, #tpu.memory_space<hbm>>)
      } else {
      }
      %add3A_419 = arith.constant 1 : i32
      %add3A_420 = arith.addi %add3A_406, %add3A_419 : i32
      %lt3A_421 = arith.constant 200 : i32
      %lt3A_422 = arith.cmpi slt, %add3A_420, %lt3A_421 : i32
      %convert_element_type3A_423 = arith.extui %lt3A_422 : i1 to i32
      %cond3A_424 = arith.constant 0 : i32
      %cond3A_425 = arith.cmpi ne, %convert_element_type3A_423, %cond3A_424 : i32
      scf.if %cond3A_425 {
        %add3A_588 = arith.constant 1 : i32
        %add3A_589 = arith.addi %add3A_406, %add3A_588 : i32
        %add3A_590 = arith.addi %mul3A_2, %add3A_589 : i32
        %jit3A_591 = arith.constant 32 : i32
        %div3A_592 = arith.divsi %add3A_590, %jit3A_591 : i32
        %sign3A_593 = arith.constant 0 : i32
        %sign3A_594 = arith.cmpi sgt, %add3A_590, %sign3A_593 : i32
        %sign3A_595 = arith.extui %sign3A_594 : i1 to i32
        %sign3A_596 = arith.constant 0 : i32
        %sign3A_597 = arith.cmpi slt, %add3A_590, %sign3A_596 : i32
        %sign3A_598 = arith.extui %sign3A_597 : i1 to i32
        %sign3A_599 = arith.subi %sign3A_595, %sign3A_598 : i32
        %sign3A_600 = arith.constant 0 : i32
        %sign3A_601 = arith.cmpi sgt, %jit3A_591, %sign3A_600 : i32
        %sign3A_602 = arith.extui %sign3A_601 : i1 to i32
        %sign3A_603 = arith.constant 0 : i32
        %sign3A_604 = arith.cmpi slt, %jit3A_591, %sign3A_603 : i32
        %sign3A_605 = arith.extui %sign3A_604 : i1 to i32
        %sign3A_606 = arith.subi %sign3A_602, %sign3A_605 : i32
        %ne3A_607 = arith.cmpi ne, %sign3A_599, %sign3A_606 : i32
        %rem3A_608 = arith.remsi %add3A_590, %jit3A_591 : i32
        %ne3A_609 = arith.constant 0 : i32
        %ne3A_610 = arith.cmpi ne, %rem3A_608, %ne3A_609 : i32
        %and3A_611 = arith.andi %ne3A_607, %ne3A_610 : i1
        %sub3A_612 = arith.constant 1 : i32
        %sub3A_613 = arith.subi %div3A_592, %sub3A_612 : i32
        %select_n3A_614 = arith.select %and3A_611, %sub3A_613, %div3A_592 : i32
        %mul3A_615 = arith.constant 32 : i32
        %mul3A_616 = arith.muli %select_n3A_614, %mul3A_615 : i32
        %sub3A_617 = arith.subi %add3A_590, %mul3A_616 : i32
        %mul3A_618 = arith.constant 128 : i32
        %mul3A_619 = arith.muli %sub3A_617, %mul3A_618 : i32
        %dma_start3A_620 = arith.constant 0 : i32
        %dma_start3A_621 = arith.constant 0 : i32
        %dma_start3A_622 = tpu.memref_slice %arg2[%mul3A_619, %select_n3A_614, %dma_start3A_621] : memref<4096x200x128xf32, #tpu.memory_space<hbm>> -> memref<128x1x128xf32, #tpu.memory_space<hbm>>
        %dma_start3A_623 = tpu.memref_squeeze %dma_start3A_622 : memref<128x1x128xf32, #tpu.memory_space<hbm>> -> memref<128x128xf32, #tpu.memory_space<hbm>>
        %dma_start3A_624 = tpu.memref_slice %arg20[%dma_start3A_620] : memref<2x!tpu.dma_semaphore, #tpu.memory_space<semaphore_mem>> -> memref<1x!tpu.dma_semaphore, #tpu.memory_space<semaphore_mem>>
        %dma_start3A_625 = tpu.memref_squeeze %dma_start3A_624 : memref<1x!tpu.dma_semaphore, #tpu.memory_space<semaphore_mem>> -> memref<!tpu.dma_semaphore, #tpu.memory_space<semaphore_mem>>
        %dma_start3A_626 = arith.constant 0 : i32
        %dma_start3A_627 = tpu.memref_slice %arg2[%mul3A_619, %select_n3A_614, %dma_start3A_626] : memref<4096x200x128xf32, #tpu.memory_space<hbm>> -> memref<128x1x128xf32, #tpu.memory_space<hbm>>
        %dma_start3A_628 = tpu.memref_squeeze %dma_start3A_627 : memref<128x1x128xf32, #tpu.memory_space<hbm>> -> memref<128x128xf32, #tpu.memory_space<hbm>>
        tpu.enqueue_dma source(%dma_start3A_628 : memref<128x128xf32, #tpu.memory_space<hbm>>) target(%arg14 : memref<128x128xf32, #tpu.memory_space<vmem>>) target_semaphore(%dma_start3A_625 : memref<!tpu.dma_semaphore, #tpu.memory_space<semaphore_mem>>)
      } else {
      }
      %dma_wait3A_426 = arith.constant 1 : i32
      %dma_wait3A_427 = arith.constant 0 : i32
      %dma_wait3A_428 = arith.constant 0 : i32
      %dma_wait3A_429 = tpu.memref_slice %arg4[%dma_wait3A_427, %dma_wait3A_428] : memref<1200x128xf32, #tpu.memory_space<hbm>> -> memref<1200x128xf32, #tpu.memory_space<hbm>>
      %dma_wait3A_430 = tpu.memref_slice %arg18[%dma_wait3A_426] : memref<2x!tpu.dma_semaphore, #tpu.memory_space<semaphore_mem>> -> memref<1x!tpu.dma_semaphore, #tpu.memory_space<semaphore_mem>>
      %dma_wait3A_431 = tpu.memref_squeeze %dma_wait3A_430 : memref<1x!tpu.dma_semaphore, #tpu.memory_space<semaphore_mem>> -> memref<!tpu.dma_semaphore, #tpu.memory_space<semaphore_mem>>
      tpu.wait_indirect_dma semaphore(%dma_wait3A_431 : memref<!tpu.dma_semaphore, #tpu.memory_space<semaphore_mem>>) src(%dma_wait3A_429 : memref<1200x128xf32, #tpu.memory_space<hbm>>) dst(%arg11 : memref<128x128xf32, #tpu.memory_space<vmem>>)
      %dma_wait3A_432 = arith.constant 1 : i32
      %dma_wait3A_433 = arith.constant 0 : i32
      %dma_wait3A_434 = arith.constant 0 : i32
      %dma_wait3A_435 = tpu.memref_slice %arg4[%dma_wait3A_433, %dma_wait3A_434] : memref<1200x128xf32, #tpu.memory_space<hbm>> -> memref<1200x128xf32, #tpu.memory_space<hbm>>
      %dma_wait3A_436 = tpu.memref_slice %arg19[%dma_wait3A_432] : memref<2x!tpu.dma_semaphore, #tpu.memory_space<semaphore_mem>> -> memref<1x!tpu.dma_semaphore, #tpu.memory_space<semaphore_mem>>
      %dma_wait3A_437 = tpu.memref_squeeze %dma_wait3A_436 : memref<1x!tpu.dma_semaphore, #tpu.memory_space<semaphore_mem>> -> memref<!tpu.dma_semaphore, #tpu.memory_space<semaphore_mem>>
      tpu.wait_indirect_dma semaphore(%dma_wait3A_437 : memref<!tpu.dma_semaphore, #tpu.memory_space<semaphore_mem>>) src(%dma_wait3A_435 : memref<1200x128xf32, #tpu.memory_space<hbm>>) dst(%arg13 : memref<128x128xf32, #tpu.memory_space<vmem>>)
      %add3A_438 = arith.addi %mul3A_2, %add3A_406 : i32
      %jit3A_439 = arith.constant 32 : i32
      %div3A_440 = arith.divsi %add3A_438, %jit3A_439 : i32
      %sign3A_441 = arith.constant 0 : i32
      %sign3A_442 = arith.cmpi sgt, %add3A_438, %sign3A_441 : i32
      %sign3A_443 = arith.extui %sign3A_442 : i1 to i32
      %sign3A_444 = arith.constant 0 : i32
      %sign3A_445 = arith.cmpi slt, %add3A_438, %sign3A_444 : i32
      %sign3A_446 = arith.extui %sign3A_445 : i1 to i32
      %sign3A_447 = arith.subi %sign3A_443, %sign3A_446 : i32
      %sign3A_448 = arith.constant 0 : i32
      %sign3A_449 = arith.cmpi sgt, %jit3A_439, %sign3A_448 : i32
      %sign3A_450 = arith.extui %sign3A_449 : i1 to i32
      %sign3A_451 = arith.constant 0 : i32
      %sign3A_452 = arith.cmpi slt, %jit3A_439, %sign3A_451 : i32
      %sign3A_453 = arith.extui %sign3A_452 : i1 to i32
      %sign3A_454 = arith.subi %sign3A_450, %sign3A_453 : i32
      %ne3A_455 = arith.cmpi ne, %sign3A_447, %sign3A_454 : i32
      %rem3A_456 = arith.remsi %add3A_438, %jit3A_439 : i32
      %ne3A_457 = arith.constant 0 : i32
      %ne3A_458 = arith.cmpi ne, %rem3A_456, %ne3A_457 : i32
      %and3A_459 = arith.andi %ne3A_455, %ne3A_458 : i1
      %sub3A_460 = arith.constant 1 : i32
      %sub3A_461 = arith.subi %div3A_440, %sub3A_460 : i32
      %select_n3A_462 = arith.select %and3A_459, %sub3A_461, %div3A_440 : i32
      %mul3A_463 = arith.constant 32 : i32
      %mul3A_464 = arith.muli %select_n3A_462, %mul3A_463 : i32
      %sub3A_465 = arith.subi %add3A_438, %mul3A_464 : i32
      %mul3A_466 = arith.constant 128 : i32
      %mul3A_467 = arith.muli %sub3A_465, %mul3A_466 : i32
      %dma_wait3A_468 = arith.constant 1 : i32
      %dma_wait3A_469 = arith.constant 0 : i32
      %dma_wait3A_470 = tpu.memref_slice %arg2[%mul3A_467, %select_n3A_462, %dma_wait3A_469] : memref<4096x200x128xf32, #tpu.memory_space<hbm>> -> memref<128x1x128xf32, #tpu.memory_space<hbm>>
      %dma_wait3A_471 = tpu.memref_squeeze %dma_wait3A_470 : memref<128x1x128xf32, #tpu.memory_space<hbm>> -> memref<128x128xf32, #tpu.memory_space<hbm>>
      %dma_wait3A_472 = tpu.memref_slice %arg20[%dma_wait3A_468] : memref<2x!tpu.dma_semaphore, #tpu.memory_space<semaphore_mem>> -> memref<1x!tpu.dma_semaphore, #tpu.memory_space<semaphore_mem>>
      %dma_wait3A_473 = tpu.memref_squeeze %dma_wait3A_472 : memref<1x!tpu.dma_semaphore, #tpu.memory_space<semaphore_mem>> -> memref<!tpu.dma_semaphore, #tpu.memory_space<semaphore_mem>>
      %dma_wait3A_474 = arith.constant 0 : i32
      %dma_wait3A_475 = tpu.memref_slice %arg2[%mul3A_467, %select_n3A_462, %dma_wait3A_474] : memref<4096x200x128xf32, #tpu.memory_space<hbm>> -> memref<128x1x128xf32, #tpu.memory_space<hbm>>
      %dma_wait3A_476 = tpu.memref_squeeze %dma_wait3A_475 : memref<128x1x128xf32, #tpu.memory_space<hbm>> -> memref<128x128xf32, #tpu.memory_space<hbm>>
      tpu.wait_dma2 semaphore(%dma_wait3A_473 : memref<!tpu.dma_semaphore, #tpu.memory_space<semaphore_mem>>) src(%dma_wait3A_476 : memref<128x128xf32, #tpu.memory_space<hbm>>) dst(%arg15 : memref<128x128xf32, #tpu.memory_space<vmem>>)
      %add3A_477 = arith.constant 2 : i32
      %add3A_478 = arith.addi %add3A_406, %add3A_477 : i32
      %lt3A_479 = arith.constant 200 : i32
      %lt3A_480 = arith.cmpi slt, %add3A_478, %lt3A_479 : i32
      %convert_element_type3A_481 = arith.extui %lt3A_480 : i1 to i32
      %cond3A_482 = arith.constant 0 : i32
      %cond3A_483 = arith.cmpi ne, %convert_element_type3A_481, %cond3A_482 : i32
      scf.if %cond3A_483 {
        %add3A_588 = arith.constant 2 : i32
        %add3A_589 = arith.addi %add3A_406, %add3A_588 : i32
        %add3A_590 = arith.addi %mul3A_2, %add3A_589 : i32
        %mul3A_591 = arith.constant 2 : i32
        %mul3A_592 = arith.muli %add3A_590, %mul3A_591 : i32
        %mul3A_593 = arith.constant 128 : i32
        %mul3A_594 = arith.muli %mul3A_592, %mul3A_593 : i32
        %dma_start3A_595 = arith.constant 1 : i32
        %dma_start3A_596 = tpu.memref_slice %arg3[%mul3A_594] : memref<1638400xi32, #tpu.memory_space<hbm>> -> memref<128xi32, #tpu.memory_space<hbm>>
        %dma_start3A_597 = tpu.memref_slice %arg16[%dma_start3A_595] : memref<2x!tpu.dma_semaphore, #tpu.memory_space<semaphore_mem>> -> memref<1x!tpu.dma_semaphore, #tpu.memory_space<semaphore_mem>>
        %dma_start3A_598 = tpu.memref_squeeze %dma_start3A_597 : memref<1x!tpu.dma_semaphore, #tpu.memory_space<semaphore_mem>> -> memref<!tpu.dma_semaphore, #tpu.memory_space<semaphore_mem>>
        %dma_start3A_599 = tpu.memref_slice %arg3[%mul3A_594] : memref<1638400xi32, #tpu.memory_space<hbm>> -> memref<128xi32, #tpu.memory_space<hbm>>
        tpu.enqueue_dma source(%dma_start3A_599 : memref<128xi32, #tpu.memory_space<hbm>>) target(%arg7 : memref<128xi32, #tpu.memory_space<vmem>>) target_semaphore(%dma_start3A_598 : memref<!tpu.dma_semaphore, #tpu.memory_space<semaphore_mem>>)
        %add3A_600 = arith.addi %mul3A_2, %add3A_589 : i32
        %mul3A_601 = arith.constant 2 : i32
        %mul3A_602 = arith.muli %add3A_600, %mul3A_601 : i32
        %mul3A_603 = arith.constant 128 : i32
        %mul3A_604 = arith.muli %mul3A_602, %mul3A_603 : i32
        %add3A_605 = arith.constant 128 : i32
        %add3A_606 = arith.addi %mul3A_604, %add3A_605 : i32
        %dma_start3A_607 = arith.constant 1 : i32
        %dma_start3A_608 = tpu.memref_slice %arg3[%add3A_606] : memref<1638400xi32, #tpu.memory_space<hbm>> -> memref<128xi32, #tpu.memory_space<hbm>>
        %dma_start3A_609 = tpu.memref_slice %arg17[%dma_start3A_607] : memref<2x!tpu.dma_semaphore, #tpu.memory_space<semaphore_mem>> -> memref<1x!tpu.dma_semaphore, #tpu.memory_space<semaphore_mem>>
        %dma_start3A_610 = tpu.memref_squeeze %dma_start3A_609 : memref<1x!tpu.dma_semaphore, #tpu.memory_space<semaphore_mem>> -> memref<!tpu.dma_semaphore, #tpu.memory_space<semaphore_mem>>
        %dma_start3A_611 = tpu.memref_slice %arg3[%add3A_606] : memref<1638400xi32, #tpu.memory_space<hbm>> -> memref<128xi32, #tpu.memory_space<hbm>>
        tpu.enqueue_dma source(%dma_start3A_611 : memref<128xi32, #tpu.memory_space<hbm>>) target(%arg9 : memref<128xi32, #tpu.memory_space<vmem>>) target_semaphore(%dma_start3A_610 : memref<!tpu.dma_semaphore, #tpu.memory_space<semaphore_mem>>)
      } else {
      }
      %scan3A_484 = arith.constant 0 : i32
      %scan3A_485 = arith.constant 64 : i32
      %scan3A_486 = arith.addi %scan3A_484, %scan3A_485 : i32
      %scan3A_487 = arith.constant 8 : i32
      scf.for %scan3A_588 = %scan3A_484 to %scan3A_486 step %scan3A_487  : i32 {
        %mul3A_589 = arith.constant 1 : i32
        %mul3A_590 = arith.muli %scan3A_588, %mul3A_589 : i32
        %add3A_591 = arith.constant 0 : i32
        %add3A_592 = arith.addi %add3A_591, %mul3A_590 : i32
        %get3A = arith.index_cast %add3A_592 : i32 to index
        %get3A_593 = arith.constant 0 : index
        %get3A_594 = tpu.vector_load %arg11[%get3A, %get3A_593] {strides = array<i32>} : memref<128x128xf32, #tpu.memory_space<vmem>>, vector<1x16xf32>,
        %get3A_595 = vector.shape_cast %get3A_594 : vector<1x16xf32> to vector<16xf32>
        %swap3A = arith.index_cast %add3A_592 : i32 to index
        %swap3A_596 = arith.constant 0 : index
        %swap3A_597 = tpu.vector_load %arg15[%swap3A, %swap3A_596] {strides = array<i32>} : memref<128x128xf32, #tpu.memory_space<vmem>>, vector<1x16xf32>,
        %swap3A_598 = vector.shape_cast %swap3A_597 : vector<1x16xf32> to vector<16xf32>
        %swap3A_599 = vector.shape_cast %get3A_595 : vector<16xf32> to vector<1x16xf32>
        tpu.vector_store %arg15[%swap3A, %swap3A_596], %swap3A_599 {add = true, strides = array<i32>} : memref<128x128xf32, #tpu.memory_space<vmem>>, vector<1x16xf32>,
        %get3A_600 = arith.index_cast %add3A_592 : i32 to index
        %get3A_601 = arith.constant 16 : index
        %get3A_602 = tpu.vector_load %arg11[%get3A_600, %get3A_601] {strides = array<i32>} : memref<128x128xf32, #tpu.memory_space<vmem>>, vector<1x16xf32>,
        %get3A_603 = vector.shape_cast %get3A_602 : vector<1x16xf32> to vector<16xf32>
        %swap3A_604 = arith.index_cast %add3A_592 : i32 to index
        %swap3A_605 = arith.constant 16 : index
        %swap3A_606 = tpu.vector_load %arg15[%swap3A_604, %swap3A_605] {strides = array<i32>} : memref<128x128xf32, #tpu.memory_space<vmem>>, vector<1x16xf32>,
        %swap3A_607 = vector.shape_cast %swap3A_606 : vector<1x16xf32> to vector<16xf32>
        %swap3A_608 = vector.shape_cast %get3A_603 : vector<16xf32> to vector<1x16xf32>
        tpu.vector_store %arg15[%swap3A_604, %swap3A_605], %swap3A_608 {add = true, strides = array<i32>} : memref<128x128xf32, #tpu.memory_space<vmem>>, vector<1x16xf32>,
        %get3A_609 = arith.index_cast %add3A_592 : i32 to index
        %get3A_610 = arith.constant 32 : index
        %get3A_611 = tpu.vector_load %arg11[%get3A_609, %get3A_610] {strides = array<i32>} : memref<128x128xf32, #tpu.memory_space<vmem>>, vector<1x16xf32>,
        %get3A_612 = vector.shape_cast %get3A_611 : vector<1x16xf32> to vector<16xf32>
        %swap3A_613 = arith.index_cast %add3A_592 : i32 to index
        %swap3A_614 = arith.constant 32 : index
        %swap3A_615 = tpu.vector_load %arg15[%swap3A_613, %swap3A_614] {strides = array<i32>} : memref<128x128xf32, #tpu.memory_space<vmem>>, vector<1x16xf32>,
        %swap3A_616 = vector.shape_cast %swap3A_615 : vector<1x16xf32> to vector<16xf32>
        %swap3A_617 = vector.shape_cast %get3A_612 : vector<16xf32> to vector<1x16xf32>
        tpu.vector_store %arg15[%swap3A_613, %swap3A_614], %swap3A_617 {add = true, strides = array<i32>} : memref<128x128xf32, #tpu.memory_space<vmem>>, vector<1x16xf32>,
        %get3A_618 = arith.index_cast %add3A_592 : i32 to index
        %get3A_619 = arith.constant 48 : index
        %get3A_620 = tpu.vector_load %arg11[%get3A_618, %get3A_619] {strides = array<i32>} : memref<128x128xf32, #tpu.memory_space<vmem>>, vector<1x16xf32>,
        %get3A_621 = vector.shape_cast %get3A_620 : vector<1x16xf32> to vector<16xf32>
        %swap3A_622 = arith.index_cast %add3A_592 : i32 to index
        %swap3A_623 = arith.constant 48 : index
        %swap3A_624 = tpu.vector_load %arg15[%swap3A_622, %swap3A_623] {strides = array<i32>} : memref<128x128xf32, #tpu.memory_space<vmem>>, vector<1x16xf32>,
        %swap3A_625 = vector.shape_cast %swap3A_624 : vector<1x16xf32> to vector<16xf32>
        %swap3A_626 = vector.shape_cast %get3A_621 : vector<16xf32> to vector<1x16xf32>
        tpu.vector_store %arg15[%swap3A_622, %swap3A_623], %swap3A_626 {add = true, strides = array<i32>} : memref<128x128xf32, #tpu.memory_space<vmem>>, vector<1x16xf32>,
        %get3A_627 = arith.index_cast %add3A_592 : i32 to index
        %get3A_628 = arith.constant 64 : index
        %get3A_629 = tpu.vector_load %arg13[%get3A_627, %get3A_628] {strides = array<i32>} : memref<128x128xf32, #tpu.memory_space<vmem>>, vector<1x16xf32>,
        %get3A_630 = vector.shape_cast %get3A_629 : vector<1x16xf32> to vector<16xf32>
        %swap3A_631 = arith.index_cast %add3A_592 : i32 to index
        %swap3A_632 = arith.constant 64 : index
        %swap3A_633 = tpu.vector_load %arg15[%swap3A_631, %swap3A_632] {strides = array<i32>} : memref<128x128xf32, #tpu.memory_space<vmem>>, vector<1x16xf32>,
        %swap3A_634 = vector.shape_cast %swap3A_633 : vector<1x16xf32> to vector<16xf32>
        %swap3A_635 = vector.shape_cast %get3A_630 : vector<16xf32> to vector<1x16xf32>
        tpu.vector_store %arg15[%swap3A_631, %swap3A_632], %swap3A_635 {add = true, strides = array<i32>} : memref<128x128xf32, #tpu.memory_space<vmem>>, vector<1x16xf32>,
        %get3A_636 = arith.index_cast %add3A_592 : i32 to index
        %get3A_637 = arith.constant 80 : index
        %get3A_638 = tpu.vector_load %arg13[%get3A_636, %get3A_637] {strides = array<i32>} : memref<128x128xf32, #tpu.memory_space<vmem>>, vector<1x16xf32>,
        %get3A_639 = vector.shape_cast %get3A_638 : vector<1x16xf32> to vector<16xf32>
        %swap3A_640 = arith.index_cast %add3A_592 : i32 to index
        %swap3A_641 = arith.constant 80 : index
        %swap3A_642 = tpu.vector_load %arg15[%swap3A_640, %swap3A_641] {strides = array<i32>} : memref<128x128xf32, #tpu.memory_space<vmem>>, vector<1x16xf32>,
        %swap3A_643 = vector.shape_cast %swap3A_642 : vector<1x16xf32> to vector<16xf32>
        %swap3A_644 = vector.shape_cast %get3A_639 : vector<16xf32> to vector<1x16xf32>
        tpu.vector_store %arg15[%swap3A_640, %swap3A_641], %swap3A_644 {add = true, strides = array<i32>} : memref<128x128xf32, #tpu.memory_space<vmem>>, vector<1x16xf32>,
        %get3A_645 = arith.index_cast %add3A_592 : i32 to index
        %get3A_646 = arith.constant 96 : index
        %get3A_647 = tpu.vector_load %arg13[%get3A_645, %get3A_646] {strides = array<i32>} : memref<128x128xf32, #tpu.memory_space<vmem>>, vector<1x16xf32>,
        %get3A_648 = vector.shape_cast %get3A_647 : vector<1x16xf32> to vector<16xf32>
        %swap3A_649 = arith.index_cast %add3A_592 : i32 to index
        %swap3A_650 = arith.constant 96 : index
        %swap3A_651 = tpu.vector_load %arg15[%swap3A_649, %swap3A_650] {strides = array<i32>} : memref<128x128xf32, #tpu.memory_space<vmem>>, vector<1x16xf32>,
        %swap3A_652 = vector.shape_cast %swap3A_651 : vector<1x16xf32> to vector<16xf32>
        %swap3A_653 = vector.shape_cast %get3A_648 : vector<16xf32> to vector<1x16xf32>
        tpu.vector_store %arg15[%swap3A_649, %swap3A_650], %swap3A_653 {add = true, strides = array<i32>} : memref<128x128xf32, #tpu.memory_space<vmem>>, vector<1x16xf32>,
        %get3A_654 = arith.index_cast %add3A_592 : i32 to index
        %get3A_655 = arith.constant 112 : index
        %get3A_656 = tpu.vector_load %arg13[%get3A_654, %get3A_655] {strides = array<i32>} : memref<128x128xf32, #tpu.memory_space<vmem>>, vector<1x16xf32>,
        %get3A_657 = vector.shape_cast %get3A_656 : vector<1x16xf32> to vector<16xf32>
        %swap3A_658 = arith.index_cast %add3A_592 : i32 to index
        %swap3A_659 = arith.constant 112 : index
        %swap3A_660 = tpu.vector_load %arg15[%swap3A_658, %swap3A_659] {strides = array<i32>} : memref<128x128xf32, #tpu.memory_space<vmem>>, vector<1x16xf32>,
        %swap3A_661 = vector.shape_cast %swap3A_660 : vector<1x16xf32> to vector<16xf32>
        %swap3A_662 = vector.shape_cast %get3A_657 : vector<16xf32> to vector<1x16xf32>
        tpu.vector_store %arg15[%swap3A_658, %swap3A_659], %swap3A_662 {add = true, strides = array<i32>} : memref<128x128xf32, #tpu.memory_space<vmem>>, vector<1x16xf32>,
        %scan3A_663 = arith.constant 1 : i32
        %scan3A_664 = arith.addi %scan3A_588, %scan3A_663 : i32
        %mul3A_665 = arith.constant 1 : i32
        %mul3A_666 = arith.muli %scan3A_664, %mul3A_665 : i32
        %add3A_667 = arith.constant 0 : i32
        %add3A_668 = arith.addi %add3A_667, %mul3A_666 : i32
        %get3A_669 = arith.index_cast %add3A_668 : i32 to index
        %get3A_670 = arith.constant 0 : index
        %get3A_671 = tpu.vector_load %arg11[%get3A_669, %get3A_670] {strides = array<i32>} : memref<128x128xf32, #tpu.memory_space<vmem>>, vector<1x16xf32>,
        %get3A_672 = vector.shape_cast %get3A_671 : vector<1x16xf32> to vector<16xf32>
        %swap3A_673 = arith.index_cast %add3A_668 : i32 to index
        %swap3A_674 = arith.constant 0 : index
        %swap3A_675 = tpu.vector_load %arg15[%swap3A_673, %swap3A_674] {strides = array<i32>} : memref<128x128xf32, #tpu.memory_space<vmem>>, vector<1x16xf32>,
        %swap3A_676 = vector.shape_cast %swap3A_675 : vector<1x16xf32> to vector<16xf32>
        %swap3A_677 = vector.shape_cast %get3A_672 : vector<16xf32> to vector<1x16xf32>
        tpu.vector_store %arg15[%swap3A_673, %swap3A_674], %swap3A_677 {add = true, strides = array<i32>} : memref<128x128xf32, #tpu.memory_space<vmem>>, vector<1x16xf32>,
        %get3A_678 = arith.index_cast %add3A_668 : i32 to index
        %get3A_679 = arith.constant 16 : index
        %get3A_680 = tpu.vector_load %arg11[%get3A_678, %get3A_679] {strides = array<i32>} : memref<128x128xf32, #tpu.memory_space<vmem>>, vector<1x16xf32>,
        %get3A_681 = vector.shape_cast %get3A_680 : vector<1x16xf32> to vector<16xf32>
        %swap3A_682 = arith.index_cast %add3A_668 : i32 to index
        %swap3A_683 = arith.constant 16 : index
        %swap3A_684 = tpu.vector_load %arg15[%swap3A_682, %swap3A_683] {strides = array<i32>} : memref<128x128xf32, #tpu.memory_space<vmem>>, vector<1x16xf32>,
        %swap3A_685 = vector.shape_cast %swap3A_684 : vector<1x16xf32> to vector<16xf32>
        %swap3A_686 = vector.shape_cast %get3A_681 : vector<16xf32> to vector<1x16xf32>
        tpu.vector_store %arg15[%swap3A_682, %swap3A_683], %swap3A_686 {add = true, strides = array<i32>} : memref<128x128xf32, #tpu.memory_space<vmem>>, vector<1x16xf32>,
        %get3A_687 = arith.index_cast %add3A_668 : i32 to index
        %get3A_688 = arith.constant 32 : index
        %get3A_689 = tpu.vector_load %arg11[%get3A_687, %get3A_688] {strides = array<i32>} : memref<128x128xf32, #tpu.memory_space<vmem>>, vector<1x16xf32>,
        %get3A_690 = vector.shape_cast %get3A_689 : vector<1x16xf32> to vector<16xf32>
        %swap3A_691 = arith.index_cast %add3A_668 : i32 to index
        %swap3A_692 = arith.constant 32 : index
        %swap3A_693 = tpu.vector_load %arg15[%swap3A_691, %swap3A_692] {strides = array<i32>} : memref<128x128xf32, #tpu.memory_space<vmem>>, vector<1x16xf32>,
        %swap3A_694 = vector.shape_cast %swap3A_693 : vector<1x16xf32> to vector<16xf32>
        %swap3A_695 = vector.shape_cast %get3A_690 : vector<16xf32> to vector<1x16xf32>
        tpu.vector_store %arg15[%swap3A_691, %swap3A_692], %swap3A_695 {add = true, strides = array<i32>} : memref<128x128xf32, #tpu.memory_space<vmem>>, vector<1x16xf32>,
        %get3A_696 = arith.index_cast %add3A_668 : i32 to index
        %get3A_697 = arith.constant 48 : index
        %get3A_698 = tpu.vector_load %arg11[%get3A_696, %get3A_697] {strides = array<i32>} : memref<128x128xf32, #tpu.memory_space<vmem>>, vector<1x16xf32>,
        %get3A_699 = vector.shape_cast %get3A_698 : vector<1x16xf32> to vector<16xf32>
        %swap3A_700 = arith.index_cast %add3A_668 : i32 to index
        %swap3A_701 = arith.constant 48 : index
        %swap3A_702 = tpu.vector_load %arg15[%swap3A_700, %swap3A_701] {strides = array<i32>} : memref<128x128xf32, #tpu.memory_space<vmem>>, vector<1x16xf32>,
        %swap3A_703 = vector.shape_cast %swap3A_702 : vector<1x16xf32> to vector<16xf32>
        %swap3A_704 = vector.shape_cast %get3A_699 : vector<16xf32> to vector<1x16xf32>
        tpu.vector_store %arg15[%swap3A_700, %swap3A_701], %swap3A_704 {add = true, strides = array<i32>} : memref<128x128xf32, #tpu.memory_space<vmem>>, vector<1x16xf32>,
        %get3A_705 = arith.index_cast %add3A_668 : i32 to index
        %get3A_706 = arith.constant 64 : index
        %get3A_707 = tpu.vector_load %arg13[%get3A_705, %get3A_706] {strides = array<i32>} : memref<128x128xf32, #tpu.memory_space<vmem>>, vector<1x16xf32>,
        %get3A_708 = vector.shape_cast %get3A_707 : vector<1x16xf32> to vector<16xf32>
        %swap3A_709 = arith.index_cast %add3A_668 : i32 to index
        %swap3A_710 = arith.constant 64 : index
        %swap3A_711 = tpu.vector_load %arg15[%swap3A_709, %swap3A_710] {strides = array<i32>} : memref<128x128xf32, #tpu.memory_space<vmem>>, vector<1x16xf32>,
        %swap3A_712 = vector.shape_cast %swap3A_711 : vector<1x16xf32> to vector<16xf32>
        %swap3A_713 = vector.shape_cast %get3A_708 : vector<16xf32> to vector<1x16xf32>
        tpu.vector_store %arg15[%swap3A_709, %swap3A_710], %swap3A_713 {add = true, strides = array<i32>} : memref<128x128xf32, #tpu.memory_space<vmem>>, vector<1x16xf32>,
        %get3A_714 = arith.index_cast %add3A_668 : i32 to index
        %get3A_715 = arith.constant 80 : index
        %get3A_716 = tpu.vector_load %arg13[%get3A_714, %get3A_715] {strides = array<i32>} : memref<128x128xf32, #tpu.memory_space<vmem>>, vector<1x16xf32>,
        %get3A_717 = vector.shape_cast %get3A_716 : vector<1x16xf32> to vector<16xf32>
        %swap3A_718 = arith.index_cast %add3A_668 : i32 to index
        %swap3A_719 = arith.constant 80 : index
        %swap3A_720 = tpu.vector_load %arg15[%swap3A_718, %swap3A_719] {strides = array<i32>} : memref<128x128xf32, #tpu.memory_space<vmem>>, vector<1x16xf32>,
        %swap3A_721 = vector.shape_cast %swap3A_720 : vector<1x16xf32> to vector<16xf32>
        %swap3A_722 = vector.shape_cast %get3A_717 : vector<16xf32> to vector<1x16xf32>
        tpu.vector_store %arg15[%swap3A_718, %swap3A_719], %swap3A_722 {add = true, strides = array<i32>} : memref<128x128xf32, #tpu.memory_space<vmem>>, vector<1x16xf32>,
        %get3A_723 = arith.index_cast %add3A_668 : i32 to index
        %get3A_724 = arith.constant 96 : index
        %get3A_725 = tpu.vector_load %arg13[%get3A_723, %get3A_724] {strides = array<i32>} : memref<128x128xf32, #tpu.memory_space<vmem>>, vector<1x16xf32>,
        %get3A_726 = vector.shape_cast %get3A_725 : vector<1x16xf32> to vector<16xf32>
        %swap3A_727 = arith.index_cast %add3A_668 : i32 to index
        %swap3A_728 = arith.constant 96 : index
        %swap3A_729 = tpu.vector_load %arg15[%swap3A_727, %swap3A_728] {strides = array<i32>} : memref<128x128xf32, #tpu.memory_space<vmem>>, vector<1x16xf32>,
        %swap3A_730 = vector.shape_cast %swap3A_729 : vector<1x16xf32> to vector<16xf32>
        %swap3A_731 = vector.shape_cast %get3A_726 : vector<16xf32> to vector<1x16xf32>
        tpu.vector_store %arg15[%swap3A_727, %swap3A_728], %swap3A_731 {add = true, strides = array<i32>} : memref<128x128xf32, #tpu.memory_space<vmem>>, vector<1x16xf32>,
        %get3A_732 = arith.index_cast %add3A_668 : i32 to index
        %get3A_733 = arith.constant 112 : index
        %get3A_734 = tpu.vector_load %arg13[%get3A_732, %get3A_733] {strides = array<i32>} : memref<128x128xf32, #tpu.memory_space<vmem>>, vector<1x16xf32>,
        %get3A_735 = vector.shape_cast %get3A_734 : vector<1x16xf32> to vector<16xf32>
        %swap3A_736 = arith.index_cast %add3A_668 : i32 to index
        %swap3A_737 = arith.constant 112 : index
        %swap3A_738 = tpu.vector_load %arg15[%swap3A_736, %swap3A_737] {strides = array<i32>} : memref<128x128xf32, #tpu.memory_space<vmem>>, vector<1x16xf32>,
        %swap3A_739 = vector.shape_cast %swap3A_738 : vector<1x16xf32> to vector<16xf32>
        %swap3A_740 = vector.shape_cast %get3A_735 : vector<16xf32> to vector<1x16xf32>
        tpu.vector_store %arg15[%swap3A_736, %swap3A_737], %swap3A_740 {add = true, strides = array<i32>} : memref<128x128xf32, #tpu.memory_space<vmem>>, vector<1x16xf32>,
        %scan3A_741 = arith.constant 2 : i32
        %scan3A_742 = arith.addi %scan3A_588, %scan3A_741 : i32
        %mul3A_743 = arith.constant 1 : i32
        %mul3A_744 = arith.muli %scan3A_742, %mul3A_743 : i32
        %add3A_745 = arith.constant 0 : i32
        %add3A_746 = arith.addi %add3A_745, %mul3A_744 : i32
        %get3A_747 = arith.index_cast %add3A_746 : i32 to index
        %get3A_748 = arith.constant 0 : index
        %get3A_749 = tpu.vector_load %arg11[%get3A_747, %get3A_748] {strides = array<i32>} : memref<128x128xf32, #tpu.memory_space<vmem>>, vector<1x16xf32>,
        %get3A_750 = vector.shape_cast %get3A_749 : vector<1x16xf32> to vector<16xf32>
        %swap3A_751 = arith.index_cast %add3A_746 : i32 to index
        %swap3A_752 = arith.constant 0 : index
        %swap3A_753 = tpu.vector_load %arg15[%swap3A_751, %swap3A_752] {strides = array<i32>} : memref<128x128xf32, #tpu.memory_space<vmem>>, vector<1x16xf32>,
        %swap3A_754 = vector.shape_cast %swap3A_753 : vector<1x16xf32> to vector<16xf32>
        %swap3A_755 = vector.shape_cast %get3A_750 : vector<16xf32> to vector<1x16xf32>
        tpu.vector_store %arg15[%swap3A_751, %swap3A_752], %swap3A_755 {add = true, strides = array<i32>} : memref<128x128xf32, #tpu.memory_space<vmem>>, vector<1x16xf32>,
        %get3A_756 = arith.index_cast %add3A_746 : i32 to index
        %get3A_757 = arith.constant 16 : index
        %get3A_758 = tpu.vector_load %arg11[%get3A_756, %get3A_757] {strides = array<i32>} : memref<128x128xf32, #tpu.memory_space<vmem>>, vector<1x16xf32>,
        %get3A_759 = vector.shape_cast %get3A_758 : vector<1x16xf32> to vector<16xf32>
        %swap3A_760 = arith.index_cast %add3A_746 : i32 to index
        %swap3A_761 = arith.constant 16 : index
        %swap3A_762 = tpu.vector_load %arg15[%swap3A_760, %swap3A_761] {strides = array<i32>} : memref<128x128xf32, #tpu.memory_space<vmem>>, vector<1x16xf32>,
        %swap3A_763 = vector.shape_cast %swap3A_762 : vector<1x16xf32> to vector<16xf32>
        %swap3A_764 = vector.shape_cast %get3A_759 : vector<16xf32> to vector<1x16xf32>
        tpu.vector_store %arg15[%swap3A_760, %swap3A_761], %swap3A_764 {add = true, strides = array<i32>} : memref<128x128xf32, #tpu.memory_space<vmem>>, vector<1x16xf32>,
        %get3A_765 = arith.index_cast %add3A_746 : i32 to index
        %get3A_766 = arith.constant 32 : index
        %get3A_767 = tpu.vector_load %arg11[%get3A_765, %get3A_766] {strides = array<i32>} : memref<128x128xf32, #tpu.memory_space<vmem>>, vector<1x16xf32>,
        %get3A_768 = vector.shape_cast %get3A_767 : vector<1x16xf32> to vector<16xf32>
        %swap3A_769 = arith.index_cast %add3A_746 : i32 to index
        %swap3A_770 = arith.constant 32 : index
        %swap3A_771 = tpu.vector_load %arg15[%swap3A_769, %swap3A_770] {strides = array<i32>} : memref<128x128xf32, #tpu.memory_space<vmem>>, vector<1x16xf32>,
        %swap3A_772 = vector.shape_cast %swap3A_771 : vector<1x16xf32> to vector<16xf32>
        %swap3A_773 = vector.shape_cast %get3A_768 : vector<16xf32> to vector<1x16xf32>
        tpu.vector_store %arg15[%swap3A_769, %swap3A_770], %swap3A_773 {add = true, strides = array<i32>} : memref<128x128xf32, #tpu.memory_space<vmem>>, vector<1x16xf32>,
        %get3A_774 = arith.index_cast %add3A_746 : i32 to index
        %get3A_775 = arith.constant 48 : index
        %get3A_776 = tpu.vector_load %arg11[%get3A_774, %get3A_775] {strides = array<i32>} : memref<128x128xf32, #tpu.memory_space<vmem>>, vector<1x16xf32>,
        %get3A_777 = vector.shape_cast %get3A_776 : vector<1x16xf32> to vector<16xf32>
        %swap3A_778 = arith.index_cast %add3A_746 : i32 to index
        %swap3A_779 = arith.constant 48 : index
        %swap3A_780 = tpu.vector_load %arg15[%swap3A_778, %swap3A_779] {strides = array<i32>} : memref<128x128xf32, #tpu.memory_space<vmem>>, vector<1x16xf32>,
        %swap3A_781 = vector.shape_cast %swap3A_780 : vector<1x16xf32> to vector<16xf32>
        %swap3A_782 = vector.shape_cast %get3A_777 : vector<16xf32> to vector<1x16xf32>
        tpu.vector_store %arg15[%swap3A_778, %swap3A_779], %swap3A_782 {add = true, strides = array<i32>} : memref<128x128xf32, #tpu.memory_space<vmem>>, vector<1x16xf32>,
        %get3A_783 = arith.index_cast %add3A_746 : i32 to index
        %get3A_784 = arith.constant 64 : index
        %get3A_785 = tpu.vector_load %arg13[%get3A_783, %get3A_784] {strides = array<i32>} : memref<128x128xf32, #tpu.memory_space<vmem>>, vector<1x16xf32>,
        %get3A_786 = vector.shape_cast %get3A_785 : vector<1x16xf32> to vector<16xf32>
        %swap3A_787 = arith.index_cast %add3A_746 : i32 to index
        %swap3A_788 = arith.constant 64 : index
        %swap3A_789 = tpu.vector_load %arg15[%swap3A_787, %swap3A_788] {strides = array<i32>} : memref<128x128xf32, #tpu.memory_space<vmem>>, vector<1x16xf32>,
        %swap3A_790 = vector.shape_cast %swap3A_789 : vector<1x16xf32> to vector<16xf32>
        %swap3A_791 = vector.shape_cast %get3A_786 : vector<16xf32> to vector<1x16xf32>
        tpu.vector_store %arg15[%swap3A_787, %swap3A_788], %swap3A_791 {add = true, strides = array<i32>} : memref<128x128xf32, #tpu.memory_space<vmem>>, vector<1x16xf32>,
        %get3A_792 = arith.index_cast %add3A_746 : i32 to index
        %get3A_793 = arith.constant 80 : index
        %get3A_794 = tpu.vector_load %arg13[%get3A_792, %get3A_793] {strides = array<i32>} : memref<128x128xf32, #tpu.memory_space<vmem>>, vector<1x16xf32>,
        %get3A_795 = vector.shape_cast %get3A_794 : vector<1x16xf32> to vector<16xf32>
        %swap3A_796 = arith.index_cast %add3A_746 : i32 to index
        %swap3A_797 = arith.constant 80 : index
        %swap3A_798 = tpu.vector_load %arg15[%swap3A_796, %swap3A_797] {strides = array<i32>} : memref<128x128xf32, #tpu.memory_space<vmem>>, vector<1x16xf32>,
        %swap3A_799 = vector.shape_cast %swap3A_798 : vector<1x16xf32> to vector<16xf32>
        %swap3A_800 = vector.shape_cast %get3A_795 : vector<16xf32> to vector<1x16xf32>
        tpu.vector_store %arg15[%swap3A_796, %swap3A_797], %swap3A_800 {add = true, strides = array<i32>} : memref<128x128xf32, #tpu.memory_space<vmem>>, vector<1x16xf32>,
        %get3A_801 = arith.index_cast %add3A_746 : i32 to index
        %get3A_802 = arith.constant 96 : index
        %get3A_803 = tpu.vector_load %arg13[%get3A_801, %get3A_802] {strides = array<i32>} : memref<128x128xf32, #tpu.memory_space<vmem>>, vector<1x16xf32>,
        %get3A_804 = vector.shape_cast %get3A_803 : vector<1x16xf32> to vector<16xf32>
        %swap3A_805 = arith.index_cast %add3A_746 : i32 to index
        %swap3A_806 = arith.constant 96 : index
        %swap3A_807 = tpu.vector_load %arg15[%swap3A_805, %swap3A_806] {strides = array<i32>} : memref<128x128xf32, #tpu.memory_space<vmem>>, vector<1x16xf32>,
        %swap3A_808 = vector.shape_cast %swap3A_807 : vector<1x16xf32> to vector<16xf32>
        %swap3A_809 = vector.shape_cast %get3A_804 : vector<16xf32> to vector<1x16xf32>
        tpu.vector_store %arg15[%swap3A_805, %swap3A_806], %swap3A_809 {add = true, strides = array<i32>} : memref<128x128xf32, #tpu.memory_space<vmem>>, vector<1x16xf32>,
        %get3A_810 = arith.index_cast %add3A_746 : i32 to index
        %get3A_811 = arith.constant 112 : index
        %get3A_812 = tpu.vector_load %arg13[%get3A_810, %get3A_811] {strides = array<i32>} : memref<128x128xf32, #tpu.memory_space<vmem>>, vector<1x16xf32>,
        %get3A_813 = vector.shape_cast %get3A_812 : vector<1x16xf32> to vector<16xf32>
        %swap3A_814 = arith.index_cast %add3A_746 : i32 to index
        %swap3A_815 = arith.constant 112 : index
        %swap3A_816 = tpu.vector_load %arg15[%swap3A_814, %swap3A_815] {strides = array<i32>} : memref<128x128xf32, #tpu.memory_space<vmem>>, vector<1x16xf32>,
        %swap3A_817 = vector.shape_cast %swap3A_816 : vector<1x16xf32> to vector<16xf32>
        %swap3A_818 = vector.shape_cast %get3A_813 : vector<16xf32> to vector<1x16xf32>
        tpu.vector_store %arg15[%swap3A_814, %swap3A_815], %swap3A_818 {add = true, strides = array<i32>} : memref<128x128xf32, #tpu.memory_space<vmem>>, vector<1x16xf32>,
        %scan3A_819 = arith.constant 3 : i32
        %scan3A_820 = arith.addi %scan3A_588, %scan3A_819 : i32
        %mul3A_821 = arith.constant 1 : i32
        %mul3A_822 = arith.muli %scan3A_820, %mul3A_821 : i32
        %add3A_823 = arith.constant 0 : i32
        %add3A_824 = arith.addi %add3A_823, %mul3A_822 : i32
        %get3A_825 = arith.index_cast %add3A_824 : i32 to index
        %get3A_826 = arith.constant 0 : index
        %get3A_827 = tpu.vector_load %arg11[%get3A_825, %get3A_826] {strides = array<i32>} : memref<128x128xf32, #tpu.memory_space<vmem>>, vector<1x16xf32>,
        %get3A_828 = vector.shape_cast %get3A_827 : vector<1x16xf32> to vector<16xf32>
        %swap3A_829 = arith.index_cast %add3A_824 : i32 to index
        %swap3A_830 = arith.constant 0 : index
        %swap3A_831 = tpu.vector_load %arg15[%swap3A_829, %swap3A_830] {strides = array<i32>} : memref<128x128xf32, #tpu.memory_space<vmem>>, vector<1x16xf32>,
        %swap3A_832 = vector.shape_cast %swap3A_831 : vector<1x16xf32> to vector<16xf32>
        %swap3A_833 = vector.shape_cast %get3A_828 : vector<16xf32> to vector<1x16xf32>
        tpu.vector_store %arg15[%swap3A_829, %swap3A_830], %swap3A_833 {add = true, strides = array<i32>} : memref<128x128xf32, #tpu.memory_space<vmem>>, vector<1x16xf32>,
        %get3A_834 = arith.index_cast %add3A_824 : i32 to index
        %get3A_835 = arith.constant 16 : index
        %get3A_836 = tpu.vector_load %arg11[%get3A_834, %get3A_835] {strides = array<i32>} : memref<128x128xf32, #tpu.memory_space<vmem>>, vector<1x16xf32>,
        %get3A_837 = vector.shape_cast %get3A_836 : vector<1x16xf32> to vector<16xf32>
        %swap3A_838 = arith.index_cast %add3A_824 : i32 to index
        %swap3A_839 = arith.constant 16 : index
        %swap3A_840 = tpu.vector_load %arg15[%swap3A_838, %swap3A_839] {strides = array<i32>} : memref<128x128xf32, #tpu.memory_space<vmem>>, vector<1x16xf32>,
        %swap3A_841 = vector.shape_cast %swap3A_840 : vector<1x16xf32> to vector<16xf32>
        %swap3A_842 = vector.shape_cast %get3A_837 : vector<16xf32> to vector<1x16xf32>
        tpu.vector_store %arg15[%swap3A_838, %swap3A_839], %swap3A_842 {add = true, strides = array<i32>} : memref<128x128xf32, #tpu.memory_space<vmem>>, vector<1x16xf32>,
        %get3A_843 = arith.index_cast %add3A_824 : i32 to index
        %get3A_844 = arith.constant 32 : index
        %get3A_845 = tpu.vector_load %arg11[%get3A_843, %get3A_844] {strides = array<i32>} : memref<128x128xf32, #tpu.memory_space<vmem>>, vector<1x16xf32>,
        %get3A_846 = vector.shape_cast %get3A_845 : vector<1x16xf32> to vector<16xf32>
        %swap3A_847 = arith.index_cast %add3A_824 : i32 to index
        %swap3A_848 = arith.constant 32 : index
        %swap3A_849 = tpu.vector_load %arg15[%swap3A_847, %swap3A_848] {strides = array<i32>} : memref<128x128xf32, #tpu.memory_space<vmem>>, vector<1x16xf32>,
        %swap3A_850 = vector.shape_cast %swap3A_849 : vector<1x16xf32> to vector<16xf32>
        %swap3A_851 = vector.shape_cast %get3A_846 : vector<16xf32> to vector<1x16xf32>
        tpu.vector_store %arg15[%swap3A_847, %swap3A_848], %swap3A_851 {add = true, strides = array<i32>} : memref<128x128xf32, #tpu.memory_space<vmem>>, vector<1x16xf32>,
        %get3A_852 = arith.index_cast %add3A_824 : i32 to index
        %get3A_853 = arith.constant 48 : index
        %get3A_854 = tpu.vector_load %arg11[%get3A_852, %get3A_853] {strides = array<i32>} : memref<128x128xf32, #tpu.memory_space<vmem>>, vector<1x16xf32>,
        %get3A_855 = vector.shape_cast %get3A_854 : vector<1x16xf32> to vector<16xf32>
        %swap3A_856 = arith.index_cast %add3A_824 : i32 to index
        %swap3A_857 = arith.constant 48 : index
        %swap3A_858 = tpu.vector_load %arg15[%swap3A_856, %swap3A_857] {strides = array<i32>} : memref<128x128xf32, #tpu.memory_space<vmem>>, vector<1x16xf32>,
        %swap3A_859 = vector.shape_cast %swap3A_858 : vector<1x16xf32> to vector<16xf32>
        %swap3A_860 = vector.shape_cast %get3A_855 : vector<16xf32> to vector<1x16xf32>
        tpu.vector_store %arg15[%swap3A_856, %swap3A_857], %swap3A_860 {add = true, strides = array<i32>} : memref<128x128xf32, #tpu.memory_space<vmem>>, vector<1x16xf32>,
        %get3A_861 = arith.index_cast %add3A_824 : i32 to index
        %get3A_862 = arith.constant 64 : index
        %get3A_863 = tpu.vector_load %arg13[%get3A_861, %get3A_862] {strides = array<i32>} : memref<128x128xf32, #tpu.memory_space<vmem>>, vector<1x16xf32>,
        %get3A_864 = vector.shape_cast %get3A_863 : vector<1x16xf32> to vector<16xf32>
        %swap3A_865 = arith.index_cast %add3A_824 : i32 to index
        %swap3A_866 = arith.constant 64 : index
        %swap3A_867 = tpu.vector_load %arg15[%swap3A_865, %swap3A_866] {strides = array<i32>} : memref<128x128xf32, #tpu.memory_space<vmem>>, vector<1x16xf32>,
        %swap3A_868 = vector.shape_cast %swap3A_867 : vector<1x16xf32> to vector<16xf32>
        %swap3A_869 = vector.shape_cast %get3A_864 : vector<16xf32> to vector<1x16xf32>
        tpu.vector_store %arg15[%swap3A_865, %swap3A_866], %swap3A_869 {add = true, strides = array<i32>} : memref<128x128xf32, #tpu.memory_space<vmem>>, vector<1x16xf32>,
        %get3A_870 = arith.index_cast %add3A_824 : i32 to index
        %get3A_871 = arith.constant 80 : index
        %get3A_872 = tpu.vector_load %arg13[%get3A_870, %get3A_871] {strides = array<i32>} : memref<128x128xf32, #tpu.memory_space<vmem>>, vector<1x16xf32>,
        %get3A_873 = vector.shape_cast %get3A_872 : vector<1x16xf32> to vector<16xf32>
        %swap3A_874 = arith.index_cast %add3A_824 : i32 to index
        %swap3A_875 = arith.constant 80 : index
        %swap3A_876 = tpu.vector_load %arg15[%swap3A_874, %swap3A_875] {strides = array<i32>} : memref<128x128xf32, #tpu.memory_space<vmem>>, vector<1x16xf32>,
        %swap3A_877 = vector.shape_cast %swap3A_876 : vector<1x16xf32> to vector<16xf32>
        %swap3A_878 = vector.shape_cast %get3A_873 : vector<16xf32> to vector<1x16xf32>
        tpu.vector_store %arg15[%swap3A_874, %swap3A_875], %swap3A_878 {add = true, strides = array<i32>} : memref<128x128xf32, #tpu.memory_space<vmem>>, vector<1x16xf32>,
        %get3A_879 = arith.index_cast %add3A_824 : i32 to index
        %get3A_880 = arith.constant 96 : index
        %get3A_881 = tpu.vector_load %arg13[%get3A_879, %get3A_880] {strides = array<i32>} : memref<128x128xf32, #tpu.memory_space<vmem>>, vector<1x16xf32>,
        %get3A_882 = vector.shape_cast %get3A_881 : vector<1x16xf32> to vector<16xf32>
        %swap3A_883 = arith.index_cast %add3A_824 : i32 to index
        %swap3A_884 = arith.constant 96 : index
        %swap3A_885 = tpu.vector_load %arg15[%swap3A_883, %swap3A_884] {strides = array<i32>} : memref<128x128xf32, #tpu.memory_space<vmem>>, vector<1x16xf32>,
        %swap3A_886 = vector.shape_cast %swap3A_885 : vector<1x16xf32> to vector<16xf32>
        %swap3A_887 = vector.shape_cast %get3A_882 : vector<16xf32> to vector<1x16xf32>
        tpu.vector_store %arg15[%swap3A_883, %swap3A_884], %swap3A_887 {add = true, strides = array<i32>} : memref<128x128xf32, #tpu.memory_space<vmem>>, vector<1x16xf32>,
        %get3A_888 = arith.index_cast %add3A_824 : i32 to index
        %get3A_889 = arith.constant 112 : index
        %get3A_890 = tpu.vector_load %arg13[%get3A_888, %get3A_889] {strides = array<i32>} : memref<128x128xf32, #tpu.memory_space<vmem>>, vector<1x16xf32>,
        %get3A_891 = vector.shape_cast %get3A_890 : vector<1x16xf32> to vector<16xf32>
        %swap3A_892 = arith.index_cast %add3A_824 : i32 to index
        %swap3A_893 = arith.constant 112 : index
        %swap3A_894 = tpu.vector_load %arg15[%swap3A_892, %swap3A_893] {strides = array<i32>} : memref<128x128xf32, #tpu.memory_space<vmem>>, vector<1x16xf32>,
        %swap3A_895 = vector.shape_cast %swap3A_894 : vector<1x16xf32> to vector<16xf32>
        %swap3A_896 = vector.shape_cast %get3A_891 : vector<16xf32> to vector<1x16xf32>
        tpu.vector_store %arg15[%swap3A_892, %swap3A_893], %swap3A_896 {add = true, strides = array<i32>} : memref<128x128xf32, #tpu.memory_space<vmem>>, vector<1x16xf32>,
        %scan3A_897 = arith.constant 4 : i32
        %scan3A_898 = arith.addi %scan3A_588, %scan3A_897 : i32
        %mul3A_899 = arith.constant 1 : i32
        %mul3A_900 = arith.muli %scan3A_898, %mul3A_899 : i32
        %add3A_901 = arith.constant 0 : i32
        %add3A_902 = arith.addi %add3A_901, %mul3A_900 : i32
        %get3A_903 = arith.index_cast %add3A_902 : i32 to index
        %get3A_904 = arith.constant 0 : index
        %get3A_905 = tpu.vector_load %arg11[%get3A_903, %get3A_904] {strides = array<i32>} : memref<128x128xf32, #tpu.memory_space<vmem>>, vector<1x16xf32>,
        %get3A_906 = vector.shape_cast %get3A_905 : vector<1x16xf32> to vector<16xf32>
        %swap3A_907 = arith.index_cast %add3A_902 : i32 to index
        %swap3A_908 = arith.constant 0 : index
        %swap3A_909 = tpu.vector_load %arg15[%swap3A_907, %swap3A_908] {strides = array<i32>} : memref<128x128xf32, #tpu.memory_space<vmem>>, vector<1x16xf32>,
        %swap3A_910 = vector.shape_cast %swap3A_909 : vector<1x16xf32> to vector<16xf32>
        %swap3A_911 = vector.shape_cast %get3A_906 : vector<16xf32> to vector<1x16xf32>
        tpu.vector_store %arg15[%swap3A_907, %swap3A_908], %swap3A_911 {add = true, strides = array<i32>} : memref<128x128xf32, #tpu.memory_space<vmem>>, vector<1x16xf32>,
        %get3A_912 = arith.index_cast %add3A_902 : i32 to index
        %get3A_913 = arith.constant 16 : index
        %get3A_914 = tpu.vector_load %arg11[%get3A_912, %get3A_913] {strides = array<i32>} : memref<128x128xf32, #tpu.memory_space<vmem>>, vector<1x16xf32>,
        %get3A_915 = vector.shape_cast %get3A_914 : vector<1x16xf32> to vector<16xf32>
        %swap3A_916 = arith.index_cast %add3A_902 : i32 to index
        %swap3A_917 = arith.constant 16 : index
        %swap3A_918 = tpu.vector_load %arg15[%swap3A_916, %swap3A_917] {strides = array<i32>} : memref<128x128xf32, #tpu.memory_space<vmem>>, vector<1x16xf32>,
        %swap3A_919 = vector.shape_cast %swap3A_918 : vector<1x16xf32> to vector<16xf32>
        %swap3A_920 = vector.shape_cast %get3A_915 : vector<16xf32> to vector<1x16xf32>
        tpu.vector_store %arg15[%swap3A_916, %swap3A_917], %swap3A_920 {add = true, strides = array<i32>} : memref<128x128xf32, #tpu.memory_space<vmem>>, vector<1x16xf32>,
        %get3A_921 = arith.index_cast %add3A_902 : i32 to index
        %get3A_922 = arith.constant 32 : index
        %get3A_923 = tpu.vector_load %arg11[%get3A_921, %get3A_922] {strides = array<i32>} : memref<128x128xf32, #tpu.memory_space<vmem>>, vector<1x16xf32>,
        %get3A_924 = vector.shape_cast %get3A_923 : vector<1x16xf32> to vector<16xf32>
        %swap3A_925 = arith.index_cast %add3A_902 : i32 to index
        %swap3A_926 = arith.constant 32 : index
        %swap3A_927 = tpu.vector_load %arg15[%swap3A_925, %swap3A_926] {strides = array<i32>} : memref<128x128xf32, #tpu.memory_space<vmem>>, vector<1x16xf32>,
        %swap3A_928 = vector.shape_cast %swap3A_927 : vector<1x16xf32> to vector<16xf32>
        %swap3A_929 = vector.shape_cast %get3A_924 : vector<16xf32> to vector<1x16xf32>
        tpu.vector_store %arg15[%swap3A_925, %swap3A_926], %swap3A_929 {add = true, strides = array<i32>} : memref<128x128xf32, #tpu.memory_space<vmem>>, vector<1x16xf32>,
        %get3A_930 = arith.index_cast %add3A_902 : i32 to index
        %get3A_931 = arith.constant 48 : index
        %get3A_932 = tpu.vector_load %arg11[%get3A_930, %get3A_931] {strides = array<i32>} : memref<128x128xf32, #tpu.memory_space<vmem>>, vector<1x16xf32>,
        %get3A_933 = vector.shape_cast %get3A_932 : vector<1x16xf32> to vector<16xf32>
        %swap3A_934 = arith.index_cast %add3A_902 : i32 to index
        %swap3A_935 = arith.constant 48 : index
        %swap3A_936 = tpu.vector_load %arg15[%swap3A_934, %swap3A_935] {strides = array<i32>} : memref<128x128xf32, #tpu.memory_space<vmem>>, vector<1x16xf32>,
        %swap3A_937 = vector.shape_cast %swap3A_936 : vector<1x16xf32> to vector<16xf32>
        %swap3A_938 = vector.shape_cast %get3A_933 : vector<16xf32> to vector<1x16xf32>
        tpu.vector_store %arg15[%swap3A_934, %swap3A_935], %swap3A_938 {add = true, strides = array<i32>} : memref<128x128xf32, #tpu.memory_space<vmem>>, vector<1x16xf32>,
        %get3A_939 = arith.index_cast %add3A_902 : i32 to index
        %get3A_940 = arith.constant 64 : index
        %get3A_941 = tpu.vector_load %arg13[%get3A_939, %get3A_940] {strides = array<i32>} : memref<128x128xf32, #tpu.memory_space<vmem>>, vector<1x16xf32>,
        %get3A_942 = vector.shape_cast %get3A_941 : vector<1x16xf32> to vector<16xf32>
        %swap3A_943 = arith.index_cast %add3A_902 : i32 to index
        %swap3A_944 = arith.constant 64 : index
        %swap3A_945 = tpu.vector_load %arg15[%swap3A_943, %swap3A_944] {strides = array<i32>} : memref<128x128xf32, #tpu.memory_space<vmem>>, vector<1x16xf32>,
        %swap3A_946 = vector.shape_cast %swap3A_945 : vector<1x16xf32> to vector<16xf32>
        %swap3A_947 = vector.shape_cast %get3A_942 : vector<16xf32> to vector<1x16xf32>
        tpu.vector_store %arg15[%swap3A_943, %swap3A_944], %swap3A_947 {add = true, strides = array<i32>} : memref<128x128xf32, #tpu.memory_space<vmem>>, vector<1x16xf32>,
        %get3A_948 = arith.index_cast %add3A_902 : i32 to index
        %get3A_949 = arith.constant 80 : index
        %get3A_950 = tpu.vector_load %arg13[%get3A_948, %get3A_949] {strides = array<i32>} : memref<128x128xf32, #tpu.memory_space<vmem>>, vector<1x16xf32>,
        %get3A_951 = vector.shape_cast %get3A_950 : vector<1x16xf32> to vector<16xf32>
        %swap3A_952 = arith.index_cast %add3A_902 : i32 to index
        %swap3A_953 = arith.constant 80 : index
        %swap3A_954 = tpu.vector_load %arg15[%swap3A_952, %swap3A_953] {strides = array<i32>} : memref<128x128xf32, #tpu.memory_space<vmem>>, vector<1x16xf32>,
        %swap3A_955 = vector.shape_cast %swap3A_954 : vector<1x16xf32> to vector<16xf32>
        %swap3A_956 = vector.shape_cast %get3A_951 : vector<16xf32> to vector<1x16xf32>
        tpu.vector_store %arg15[%swap3A_952, %swap3A_953], %swap3A_956 {add = true, strides = array<i32>} : memref<128x128xf32, #tpu.memory_space<vmem>>, vector<1x16xf32>,
        %get3A_957 = arith.index_cast %add3A_902 : i32 to index
        %get3A_958 = arith.constant 96 : index
        %get3A_959 = tpu.vector_load %arg13[%get3A_957, %get3A_958] {strides = array<i32>} : memref<128x128xf32, #tpu.memory_space<vmem>>, vector<1x16xf32>,
        %get3A_960 = vector.shape_cast %get3A_959 : vector<1x16xf32> to vector<16xf32>
        %swap3A_961 = arith.index_cast %add3A_902 : i32 to index
        %swap3A_962 = arith.constant 96 : index
        %swap3A_963 = tpu.vector_load %arg15[%swap3A_961, %swap3A_962] {strides = array<i32>} : memref<128x128xf32, #tpu.memory_space<vmem>>, vector<1x16xf32>,
        %swap3A_964 = vector.shape_cast %swap3A_963 : vector<1x16xf32> to vector<16xf32>
        %swap3A_965 = vector.shape_cast %get3A_960 : vector<16xf32> to vector<1x16xf32>
        tpu.vector_store %arg15[%swap3A_961, %swap3A_962], %swap3A_965 {add = true, strides = array<i32>} : memref<128x128xf32, #tpu.memory_space<vmem>>, vector<1x16xf32>,
        %get3A_966 = arith.index_cast %add3A_902 : i32 to index
        %get3A_967 = arith.constant 112 : index
        %get3A_968 = tpu.vector_load %arg13[%get3A_966, %get3A_967] {strides = array<i32>} : memref<128x128xf32, #tpu.memory_space<vmem>>, vector<1x16xf32>,
        %get3A_969 = vector.shape_cast %get3A_968 : vector<1x16xf32> to vector<16xf32>
        %swap3A_970 = arith.index_cast %add3A_902 : i32 to index
        %swap3A_971 = arith.constant 112 : index
        %swap3A_972 = tpu.vector_load %arg15[%swap3A_970, %swap3A_971] {strides = array<i32>} : memref<128x128xf32, #tpu.memory_space<vmem>>, vector<1x16xf32>,
        %swap3A_973 = vector.shape_cast %swap3A_972 : vector<1x16xf32> to vector<16xf32>
        %swap3A_974 = vector.shape_cast %get3A_969 : vector<16xf32> to vector<1x16xf32>
        tpu.vector_store %arg15[%swap3A_970, %swap3A_971], %swap3A_974 {add = true, strides = array<i32>} : memref<128x128xf32, #tpu.memory_space<vmem>>, vector<1x16xf32>,
        %scan3A_975 = arith.constant 5 : i32
        %scan3A_976 = arith.addi %scan3A_588, %scan3A_975 : i32
        %mul3A_977 = arith.constant 1 : i32
        %mul3A_978 = arith.muli %scan3A_976, %mul3A_977 : i32
        %add3A_979 = arith.constant 0 : i32
        %add3A_980 = arith.addi %add3A_979, %mul3A_978 : i32
        %get3A_981 = arith.index_cast %add3A_980 : i32 to index
        %get3A_982 = arith.constant 0 : index
        %get3A_983 = tpu.vector_load %arg11[%get3A_981, %get3A_982] {strides = array<i32>} : memref<128x128xf32, #tpu.memory_space<vmem>>, vector<1x16xf32>,
        %get3A_984 = vector.shape_cast %get3A_983 : vector<1x16xf32> to vector<16xf32>
        %swap3A_985 = arith.index_cast %add3A_980 : i32 to index
        %swap3A_986 = arith.constant 0 : index
        %swap3A_987 = tpu.vector_load %arg15[%swap3A_985, %swap3A_986] {strides = array<i32>} : memref<128x128xf32, #tpu.memory_space<vmem>>, vector<1x16xf32>,
        %swap3A_988 = vector.shape_cast %swap3A_987 : vector<1x16xf32> to vector<16xf32>
        %swap3A_989 = vector.shape_cast %get3A_984 : vector<16xf32> to vector<1x16xf32>
        tpu.vector_store %arg15[%swap3A_985, %swap3A_986], %swap3A_989 {add = true, strides = array<i32>} : memref<128x128xf32, #tpu.memory_space<vmem>>, vector<1x16xf32>,
        %get3A_990 = arith.index_cast %add3A_980 : i32 to index
        %get3A_991 = arith.constant 16 : index
        %get3A_992 = tpu.vector_load %arg11[%get3A_990, %get3A_991] {strides = array<i32>} : memref<128x128xf32, #tpu.memory_space<vmem>>, vector<1x16xf32>,
        %get3A_993 = vector.shape_cast %get3A_992 : vector<1x16xf32> to vector<16xf32>
        %swap3A_994 = arith.index_cast %add3A_980 : i32 to index
        %swap3A_995 = arith.constant 16 : index
        %swap3A_996 = tpu.vector_load %arg15[%swap3A_994, %swap3A_995] {strides = array<i32>} : memref<128x128xf32, #tpu.memory_space<vmem>>, vector<1x16xf32>,
        %swap3A_997 = vector.shape_cast %swap3A_996 : vector<1x16xf32> to vector<16xf32>
        %swap3A_998 = vector.shape_cast %get3A_993 : vector<16xf32> to vector<1x16xf32>
        tpu.vector_store %arg15[%swap3A_994, %swap3A_995], %swap3A_998 {add = true, strides = array<i32>} : memref<128x128xf32, #tpu.memory_space<vmem>>, vector<1x16xf32>,
        %get3A_999 = arith.index_cast %add3A_980 : i32 to index
        %get3A_1000 = arith.constant 32 : index
        %get3A_1001 = tpu.vector_load %arg11[%get3A_999, %get3A_1000] {strides = array<i32>} : memref<128x128xf32, #tpu.memory_space<vmem>>, vector<1x16xf32>,
        %get3A_1002 = vector.shape_cast %get3A_1001 : vector<1x16xf32> to vector<16xf32>
        %swap3A_1003 = arith.index_cast %add3A_980 : i32 to index
        %swap3A_1004 = arith.constant 32 : index
        %swap3A_1005 = tpu.vector_load %arg15[%swap3A_1003, %swap3A_1004] {strides = array<i32>} : memref<128x128xf32, #tpu.memory_space<vmem>>, vector<1x16xf32>,
        %swap3A_1006 = vector.shape_cast %swap3A_1005 : vector<1x16xf32> to vector<16xf32>
        %swap3A_1007 = vector.shape_cast %get3A_1002 : vector<16xf32> to vector<1x16xf32>
        tpu.vector_store %arg15[%swap3A_1003, %swap3A_1004], %swap3A_1007 {add = true, strides = array<i32>} : memref<128x128xf32, #tpu.memory_space<vmem>>, vector<1x16xf32>,
        %get3A_1008 = arith.index_cast %add3A_980 : i32 to index
        %get3A_1009 = arith.constant 48 : index
        %get3A_1010 = tpu.vector_load %arg11[%get3A_1008, %get3A_1009] {strides = array<i32>} : memref<128x128xf32, #tpu.memory_space<vmem>>, vector<1x16xf32>,
        %get3A_1011 = vector.shape_cast %get3A_1010 : vector<1x16xf32> to vector<16xf32>
        %swap3A_1012 = arith.index_cast %add3A_980 : i32 to index
        %swap3A_1013 = arith.constant 48 : index
        %swap3A_1014 = tpu.vector_load %arg15[%swap3A_1012, %swap3A_1013] {strides = array<i32>} : memref<128x128xf32, #tpu.memory_space<vmem>>, vector<1x16xf32>,
        %swap3A_1015 = vector.shape_cast %swap3A_1014 : vector<1x16xf32> to vector<16xf32>
        %swap3A_1016 = vector.shape_cast %get3A_1011 : vector<16xf32> to vector<1x16xf32>
        tpu.vector_store %arg15[%swap3A_1012, %swap3A_1013], %swap3A_1016 {add = true, strides = array<i32>} : memref<128x128xf32, #tpu.memory_space<vmem>>, vector<1x16xf32>,
        %get3A_1017 = arith.index_cast %add3A_980 : i32 to index
        %get3A_1018 = arith.constant 64 : index
        %get3A_1019 = tpu.vector_load %arg13[%get3A_1017, %get3A_1018] {strides = array<i32>} : memref<128x128xf32, #tpu.memory_space<vmem>>, vector<1x16xf32>,
        %get3A_1020 = vector.shape_cast %get3A_1019 : vector<1x16xf32> to vector<16xf32>
        %swap3A_1021 = arith.index_cast %add3A_980 : i32 to index
        %swap3A_1022 = arith.constant 64 : index
        %swap3A_1023 = tpu.vector_load %arg15[%swap3A_1021, %swap3A_1022] {strides = array<i32>} : memref<128x128xf32, #tpu.memory_space<vmem>>, vector<1x16xf32>,
        %swap3A_1024 = vector.shape_cast %swap3A_1023 : vector<1x16xf32> to vector<16xf32>
        %swap3A_1025 = vector.shape_cast %get3A_1020 : vector<16xf32> to vector<1x16xf32>
        tpu.vector_store %arg15[%swap3A_1021, %swap3A_1022], %swap3A_1025 {add = true, strides = array<i32>} : memref<128x128xf32, #tpu.memory_space<vmem>>, vector<1x16xf32>,
        %get3A_1026 = arith.index_cast %add3A_980 : i32 to index
        %get3A_1027 = arith.constant 80 : index
        %get3A_1028 = tpu.vector_load %arg13[%get3A_1026, %get3A_1027] {strides = array<i32>} : memref<128x128xf32, #tpu.memory_space<vmem>>, vector<1x16xf32>,
        %get3A_1029 = vector.shape_cast %get3A_1028 : vector<1x16xf32> to vector<16xf32>
        %swap3A_1030 = arith.index_cast %add3A_980 : i32 to index
        %swap3A_1031 = arith.constant 80 : index
        %swap3A_1032 = tpu.vector_load %arg15[%swap3A_1030, %swap3A_1031] {strides = array<i32>} : memref<128x128xf32, #tpu.memory_space<vmem>>, vector<1x16xf32>,
        %swap3A_1033 = vector.shape_cast %swap3A_1032 : vector<1x16xf32> to vector<16xf32>
        %swap3A_1034 = vector.shape_cast %get3A_1029 : vector<16xf32> to vector<1x16xf32>
        tpu.vector_store %arg15[%swap3A_1030, %swap3A_1031], %swap3A_1034 {add = true, strides = array<i32>} : memref<128x128xf32, #tpu.memory_space<vmem>>, vector<1x16xf32>,
        %get3A_1035 = arith.index_cast %add3A_980 : i32 to index
        %get3A_1036 = arith.constant 96 : index
        %get3A_1037 = tpu.vector_load %arg13[%get3A_1035, %get3A_1036] {strides = array<i32>} : memref<128x128xf32, #tpu.memory_space<vmem>>, vector<1x16xf32>,
        %get3A_1038 = vector.shape_cast %get3A_1037 : vector<1x16xf32> to vector<16xf32>
        %swap3A_1039 = arith.index_cast %add3A_980 : i32 to index
        %swap3A_1040 = arith.constant 96 : index
        %swap3A_1041 = tpu.vector_load %arg15[%swap3A_1039, %swap3A_1040] {strides = array<i32>} : memref<128x128xf32, #tpu.memory_space<vmem>>, vector<1x16xf32>,
        %swap3A_1042 = vector.shape_cast %swap3A_1041 : vector<1x16xf32> to vector<16xf32>
        %swap3A_1043 = vector.shape_cast %get3A_1038 : vector<16xf32> to vector<1x16xf32>
        tpu.vector_store %arg15[%swap3A_1039, %swap3A_1040], %swap3A_1043 {add = true, strides = array<i32>} : memref<128x128xf32, #tpu.memory_space<vmem>>, vector<1x16xf32>,
        %get3A_1044 = arith.index_cast %add3A_980 : i32 to index
        %get3A_1045 = arith.constant 112 : index
        %get3A_1046 = tpu.vector_load %arg13[%get3A_1044, %get3A_1045] {strides = array<i32>} : memref<128x128xf32, #tpu.memory_space<vmem>>, vector<1x16xf32>,
        %get3A_1047 = vector.shape_cast %get3A_1046 : vector<1x16xf32> to vector<16xf32>
        %swap3A_1048 = arith.index_cast %add3A_980 : i32 to index
        %swap3A_1049 = arith.constant 112 : index
        %swap3A_1050 = tpu.vector_load %arg15[%swap3A_1048, %swap3A_1049] {strides = array<i32>} : memref<128x128xf32, #tpu.memory_space<vmem>>, vector<1x16xf32>,
        %swap3A_1051 = vector.shape_cast %swap3A_1050 : vector<1x16xf32> to vector<16xf32>
        %swap3A_1052 = vector.shape_cast %get3A_1047 : vector<16xf32> to vector<1x16xf32>
        tpu.vector_store %arg15[%swap3A_1048, %swap3A_1049], %swap3A_1052 {add = true, strides = array<i32>} : memref<128x128xf32, #tpu.memory_space<vmem>>, vector<1x16xf32>,
        %scan3A_1053 = arith.constant 6 : i32
        %scan3A_1054 = arith.addi %scan3A_588, %scan3A_1053 : i32
        %mul3A_1055 = arith.constant 1 : i32
        %mul3A_1056 = arith.muli %scan3A_1054, %mul3A_1055 : i32
        %add3A_1057 = arith.constant 0 : i32
        %add3A_1058 = arith.addi %add3A_1057, %mul3A_1056 : i32
        %get3A_1059 = arith.index_cast %add3A_1058 : i32 to index
        %get3A_1060 = arith.constant 0 : index
        %get3A_1061 = tpu.vector_load %arg11[%get3A_1059, %get3A_1060] {strides = array<i32>} : memref<128x128xf32, #tpu.memory_space<vmem>>, vector<1x16xf32>,
        %get3A_1062 = vector.shape_cast %get3A_1061 : vector<1x16xf32> to vector<16xf32>
        %swap3A_1063 = arith.index_cast %add3A_1058 : i32 to index
        %swap3A_1064 = arith.constant 0 : index
        %swap3A_1065 = tpu.vector_load %arg15[%swap3A_1063, %swap3A_1064] {strides = array<i32>} : memref<128x128xf32, #tpu.memory_space<vmem>>, vector<1x16xf32>,
        %swap3A_1066 = vector.shape_cast %swap3A_1065 : vector<1x16xf32> to vector<16xf32>
        %swap3A_1067 = vector.shape_cast %get3A_1062 : vector<16xf32> to vector<1x16xf32>
        tpu.vector_store %arg15[%swap3A_1063, %swap3A_1064], %swap3A_1067 {add = true, strides = array<i32>} : memref<128x128xf32, #tpu.memory_space<vmem>>, vector<1x16xf32>,
        %get3A_1068 = arith.index_cast %add3A_1058 : i32 to index
        %get3A_1069 = arith.constant 16 : index
        %get3A_1070 = tpu.vector_load %arg11[%get3A_1068, %get3A_1069] {strides = array<i32>} : memref<128x128xf32, #tpu.memory_space<vmem>>, vector<1x16xf32>,
        %get3A_1071 = vector.shape_cast %get3A_1070 : vector<1x16xf32> to vector<16xf32>
        %swap3A_1072 = arith.index_cast %add3A_1058 : i32 to index
        %swap3A_1073 = arith.constant 16 : index
        %swap3A_1074 = tpu.vector_load %arg15[%swap3A_1072, %swap3A_1073] {strides = array<i32>} : memref<128x128xf32, #tpu.memory_space<vmem>>, vector<1x16xf32>,
        %swap3A_1075 = vector.shape_cast %swap3A_1074 : vector<1x16xf32> to vector<16xf32>
        %swap3A_1076 = vector.shape_cast %get3A_1071 : vector<16xf32> to vector<1x16xf32>
        tpu.vector_store %arg15[%swap3A_1072, %swap3A_1073], %swap3A_1076 {add = true, strides = array<i32>} : memref<128x128xf32, #tpu.memory_space<vmem>>, vector<1x16xf32>,
        %get3A_1077 = arith.index_cast %add3A_1058 : i32 to index
        %get3A_1078 = arith.constant 32 : index
        %get3A_1079 = tpu.vector_load %arg11[%get3A_1077, %get3A_1078] {strides = array<i32>} : memref<128x128xf32, #tpu.memory_space<vmem>>, vector<1x16xf32>,
        %get3A_1080 = vector.shape_cast %get3A_1079 : vector<1x16xf32> to vector<16xf32>
        %swap3A_1081 = arith.index_cast %add3A_1058 : i32 to index
        %swap3A_1082 = arith.constant 32 : index
        %swap3A_1083 = tpu.vector_load %arg15[%swap3A_1081, %swap3A_1082] {strides = array<i32>} : memref<128x128xf32, #tpu.memory_space<vmem>>, vector<1x16xf32>,
        %swap3A_1084 = vector.shape_cast %swap3A_1083 : vector<1x16xf32> to vector<16xf32>
        %swap3A_1085 = vector.shape_cast %get3A_1080 : vector<16xf32> to vector<1x16xf32>
        tpu.vector_store %arg15[%swap3A_1081, %swap3A_1082], %swap3A_1085 {add = true, strides = array<i32>} : memref<128x128xf32, #tpu.memory_space<vmem>>, vector<1x16xf32>,
        %get3A_1086 = arith.index_cast %add3A_1058 : i32 to index
        %get3A_1087 = arith.constant 48 : index
        %get3A_1088 = tpu.vector_load %arg11[%get3A_1086, %get3A_1087] {strides = array<i32>} : memref<128x128xf32, #tpu.memory_space<vmem>>, vector<1x16xf32>,
        %get3A_1089 = vector.shape_cast %get3A_1088 : vector<1x16xf32> to vector<16xf32>
        %swap3A_1090 = arith.index_cast %add3A_1058 : i32 to index
        %swap3A_1091 = arith.constant 48 : index
        %swap3A_1092 = tpu.vector_load %arg15[%swap3A_1090, %swap3A_1091] {strides = array<i32>} : memref<128x128xf32, #tpu.memory_space<vmem>>, vector<1x16xf32>,
        %swap3A_1093 = vector.shape_cast %swap3A_1092 : vector<1x16xf32> to vector<16xf32>
        %swap3A_1094 = vector.shape_cast %get3A_1089 : vector<16xf32> to vector<1x16xf32>
        tpu.vector_store %arg15[%swap3A_1090, %swap3A_1091], %swap3A_1094 {add = true, strides = array<i32>} : memref<128x128xf32, #tpu.memory_space<vmem>>, vector<1x16xf32>,
        %get3A_1095 = arith.index_cast %add3A_1058 : i32 to index
        %get3A_1096 = arith.constant 64 : index
        %get3A_1097 = tpu.vector_load %arg13[%get3A_1095, %get3A_1096] {strides = array<i32>} : memref<128x128xf32, #tpu.memory_space<vmem>>, vector<1x16xf32>,
        %get3A_1098 = vector.shape_cast %get3A_1097 : vector<1x16xf32> to vector<16xf32>
        %swap3A_1099 = arith.index_cast %add3A_1058 : i32 to index
        %swap3A_1100 = arith.constant 64 : index
        %swap3A_1101 = tpu.vector_load %arg15[%swap3A_1099, %swap3A_1100] {strides = array<i32>} : memref<128x128xf32, #tpu.memory_space<vmem>>, vector<1x16xf32>,
        %swap3A_1102 = vector.shape_cast %swap3A_1101 : vector<1x16xf32> to vector<16xf32>
        %swap3A_1103 = vector.shape_cast %get3A_1098 : vector<16xf32> to vector<1x16xf32>
        tpu.vector_store %arg15[%swap3A_1099, %swap3A_1100], %swap3A_1103 {add = true, strides = array<i32>} : memref<128x128xf32, #tpu.memory_space<vmem>>, vector<1x16xf32>,
        %get3A_1104 = arith.index_cast %add3A_1058 : i32 to index
        %get3A_1105 = arith.constant 80 : index
        %get3A_1106 = tpu.vector_load %arg13[%get3A_1104, %get3A_1105] {strides = array<i32>} : memref<128x128xf32, #tpu.memory_space<vmem>>, vector<1x16xf32>,
        %get3A_1107 = vector.shape_cast %get3A_1106 : vector<1x16xf32> to vector<16xf32>
        %swap3A_1108 = arith.index_cast %add3A_1058 : i32 to index
        %swap3A_1109 = arith.constant 80 : index
        %swap3A_1110 = tpu.vector_load %arg15[%swap3A_1108, %swap3A_1109] {strides = array<i32>} : memref<128x128xf32, #tpu.memory_space<vmem>>, vector<1x16xf32>,
        %swap3A_1111 = vector.shape_cast %swap3A_1110 : vector<1x16xf32> to vector<16xf32>
        %swap3A_1112 = vector.shape_cast %get3A_1107 : vector<16xf32> to vector<1x16xf32>
        tpu.vector_store %arg15[%swap3A_1108, %swap3A_1109], %swap3A_1112 {add = true, strides = array<i32>} : memref<128x128xf32, #tpu.memory_space<vmem>>, vector<1x16xf32>,
        %get3A_1113 = arith.index_cast %add3A_1058 : i32 to index
        %get3A_1114 = arith.constant 96 : index
        %get3A_1115 = tpu.vector_load %arg13[%get3A_1113, %get3A_1114] {strides = array<i32>} : memref<128x128xf32, #tpu.memory_space<vmem>>, vector<1x16xf32>,
        %get3A_1116 = vector.shape_cast %get3A_1115 : vector<1x16xf32> to vector<16xf32>
        %swap3A_1117 = arith.index_cast %add3A_1058 : i32 to index
        %swap3A_1118 = arith.constant 96 : index
        %swap3A_1119 = tpu.vector_load %arg15[%swap3A_1117, %swap3A_1118] {strides = array<i32>} : memref<128x128xf32, #tpu.memory_space<vmem>>, vector<1x16xf32>,
        %swap3A_1120 = vector.shape_cast %swap3A_1119 : vector<1x16xf32> to vector<16xf32>
        %swap3A_1121 = vector.shape_cast %get3A_1116 : vector<16xf32> to vector<1x16xf32>
        tpu.vector_store %arg15[%swap3A_1117, %swap3A_1118], %swap3A_1121 {add = true, strides = array<i32>} : memref<128x128xf32, #tpu.memory_space<vmem>>, vector<1x16xf32>,
        %get3A_1122 = arith.index_cast %add3A_1058 : i32 to index
        %get3A_1123 = arith.constant 112 : index
        %get3A_1124 = tpu.vector_load %arg13[%get3A_1122, %get3A_1123] {strides = array<i32>} : memref<128x128xf32, #tpu.memory_space<vmem>>, vector<1x16xf32>,
        %get3A_1125 = vector.shape_cast %get3A_1124 : vector<1x16xf32> to vector<16xf32>
        %swap3A_1126 = arith.index_cast %add3A_1058 : i32 to index
        %swap3A_1127 = arith.constant 112 : index
        %swap3A_1128 = tpu.vector_load %arg15[%swap3A_1126, %swap3A_1127] {strides = array<i32>} : memref<128x128xf32, #tpu.memory_space<vmem>>, vector<1x16xf32>,
        %swap3A_1129 = vector.shape_cast %swap3A_1128 : vector<1x16xf32> to vector<16xf32>
        %swap3A_1130 = vector.shape_cast %get3A_1125 : vector<16xf32> to vector<1x16xf32>
        tpu.vector_store %arg15[%swap3A_1126, %swap3A_1127], %swap3A_1130 {add = true, strides = array<i32>} : memref<128x128xf32, #tpu.memory_space<vmem>>, vector<1x16xf32>,
        %scan3A_1131 = arith.constant 7 : i32
        %scan3A_1132 = arith.addi %scan3A_588, %scan3A_1131 : i32
        %mul3A_1133 = arith.constant 1 : i32
        %mul3A_1134 = arith.muli %scan3A_1132, %mul3A_1133 : i32
        %add3A_1135 = arith.constant 0 : i32
        %add3A_1136 = arith.addi %add3A_1135, %mul3A_1134 : i32
        %get3A_1137 = arith.index_cast %add3A_1136 : i32 to index
        %get3A_1138 = arith.constant 0 : index
        %get3A_1139 = tpu.vector_load %arg11[%get3A_1137, %get3A_1138] {strides = array<i32>} : memref<128x128xf32, #tpu.memory_space<vmem>>, vector<1x16xf32>,
        %get3A_1140 = vector.shape_cast %get3A_1139 : vector<1x16xf32> to vector<16xf32>
        %swap3A_1141 = arith.index_cast %add3A_1136 : i32 to index
        %swap3A_1142 = arith.constant 0 : index
        %swap3A_1143 = tpu.vector_load %arg15[%swap3A_1141, %swap3A_1142] {strides = array<i32>} : memref<128x128xf32, #tpu.memory_space<vmem>>, vector<1x16xf32>,
        %swap3A_1144 = vector.shape_cast %swap3A_1143 : vector<1x16xf32> to vector<16xf32>
        %swap3A_1145 = vector.shape_cast %get3A_1140 : vector<16xf32> to vector<1x16xf32>
        tpu.vector_store %arg15[%swap3A_1141, %swap3A_1142], %swap3A_1145 {add = true, strides = array<i32>} : memref<128x128xf32, #tpu.memory_space<vmem>>, vector<1x16xf32>,
        %get3A_1146 = arith.index_cast %add3A_1136 : i32 to index
        %get3A_1147 = arith.constant 16 : index
        %get3A_1148 = tpu.vector_load %arg11[%get3A_1146, %get3A_1147] {strides = array<i32>} : memref<128x128xf32, #tpu.memory_space<vmem>>, vector<1x16xf32>,
        %get3A_1149 = vector.shape_cast %get3A_1148 : vector<1x16xf32> to vector<16xf32>
        %swap3A_1150 = arith.index_cast %add3A_1136 : i32 to index
        %swap3A_1151 = arith.constant 16 : index
        %swap3A_1152 = tpu.vector_load %arg15[%swap3A_1150, %swap3A_1151] {strides = array<i32>} : memref<128x128xf32, #tpu.memory_space<vmem>>, vector<1x16xf32>,
        %swap3A_1153 = vector.shape_cast %swap3A_1152 : vector<1x16xf32> to vector<16xf32>
        %swap3A_1154 = vector.shape_cast %get3A_1149 : vector<16xf32> to vector<1x16xf32>
        tpu.vector_store %arg15[%swap3A_1150, %swap3A_1151], %swap3A_1154 {add = true, strides = array<i32>} : memref<128x128xf32, #tpu.memory_space<vmem>>, vector<1x16xf32>,
        %get3A_1155 = arith.index_cast %add3A_1136 : i32 to index
        %get3A_1156 = arith.constant 32 : index
        %get3A_1157 = tpu.vector_load %arg11[%get3A_1155, %get3A_1156] {strides = array<i32>} : memref<128x128xf32, #tpu.memory_space<vmem>>, vector<1x16xf32>,
        %get3A_1158 = vector.shape_cast %get3A_1157 : vector<1x16xf32> to vector<16xf32>
        %swap3A_1159 = arith.index_cast %add3A_1136 : i32 to index
        %swap3A_1160 = arith.constant 32 : index
        %swap3A_1161 = tpu.vector_load %arg15[%swap3A_1159, %swap3A_1160] {strides = array<i32>} : memref<128x128xf32, #tpu.memory_space<vmem>>, vector<1x16xf32>,
        %swap3A_1162 = vector.shape_cast %swap3A_1161 : vector<1x16xf32> to vector<16xf32>
        %swap3A_1163 = vector.shape_cast %get3A_1158 : vector<16xf32> to vector<1x16xf32>
        tpu.vector_store %arg15[%swap3A_1159, %swap3A_1160], %swap3A_1163 {add = true, strides = array<i32>} : memref<128x128xf32, #tpu.memory_space<vmem>>, vector<1x16xf32>,
        %get3A_1164 = arith.index_cast %add3A_1136 : i32 to index
        %get3A_1165 = arith.constant 48 : index
        %get3A_1166 = tpu.vector_load %arg11[%get3A_1164, %get3A_1165] {strides = array<i32>} : memref<128x128xf32, #tpu.memory_space<vmem>>, vector<1x16xf32>,
        %get3A_1167 = vector.shape_cast %get3A_1166 : vector<1x16xf32> to vector<16xf32>
        %swap3A_1168 = arith.index_cast %add3A_1136 : i32 to index
        %swap3A_1169 = arith.constant 48 : index
        %swap3A_1170 = tpu.vector_load %arg15[%swap3A_1168, %swap3A_1169] {strides = array<i32>} : memref<128x128xf32, #tpu.memory_space<vmem>>, vector<1x16xf32>,
        %swap3A_1171 = vector.shape_cast %swap3A_1170 : vector<1x16xf32> to vector<16xf32>
        %swap3A_1172 = vector.shape_cast %get3A_1167 : vector<16xf32> to vector<1x16xf32>
        tpu.vector_store %arg15[%swap3A_1168, %swap3A_1169], %swap3A_1172 {add = true, strides = array<i32>} : memref<128x128xf32, #tpu.memory_space<vmem>>, vector<1x16xf32>,
        %get3A_1173 = arith.index_cast %add3A_1136 : i32 to index
        %get3A_1174 = arith.constant 64 : index
        %get3A_1175 = tpu.vector_load %arg13[%get3A_1173, %get3A_1174] {strides = array<i32>} : memref<128x128xf32, #tpu.memory_space<vmem>>, vector<1x16xf32>,
        %get3A_1176 = vector.shape_cast %get3A_1175 : vector<1x16xf32> to vector<16xf32>
        %swap3A_1177 = arith.index_cast %add3A_1136 : i32 to index
        %swap3A_1178 = arith.constant 64 : index
        %swap3A_1179 = tpu.vector_load %arg15[%swap3A_1177, %swap3A_1178] {strides = array<i32>} : memref<128x128xf32, #tpu.memory_space<vmem>>, vector<1x16xf32>,
        %swap3A_1180 = vector.shape_cast %swap3A_1179 : vector<1x16xf32> to vector<16xf32>
        %swap3A_1181 = vector.shape_cast %get3A_1176 : vector<16xf32> to vector<1x16xf32>
        tpu.vector_store %arg15[%swap3A_1177, %swap3A_1178], %swap3A_1181 {add = true, strides = array<i32>} : memref<128x128xf32, #tpu.memory_space<vmem>>, vector<1x16xf32>,
        %get3A_1182 = arith.index_cast %add3A_1136 : i32 to index
        %get3A_1183 = arith.constant 80 : index
        %get3A_1184 = tpu.vector_load %arg13[%get3A_1182, %get3A_1183] {strides = array<i32>} : memref<128x128xf32, #tpu.memory_space<vmem>>, vector<1x16xf32>,
        %get3A_1185 = vector.shape_cast %get3A_1184 : vector<1x16xf32> to vector<16xf32>
        %swap3A_1186 = arith.index_cast %add3A_1136 : i32 to index
        %swap3A_1187 = arith.constant 80 : index
        %swap3A_1188 = tpu.vector_load %arg15[%swap3A_1186, %swap3A_1187] {strides = array<i32>} : memref<128x128xf32, #tpu.memory_space<vmem>>, vector<1x16xf32>,
        %swap3A_1189 = vector.shape_cast %swap3A_1188 : vector<1x16xf32> to vector<16xf32>
        %swap3A_1190 = vector.shape_cast %get3A_1185 : vector<16xf32> to vector<1x16xf32>
        tpu.vector_store %arg15[%swap3A_1186, %swap3A_1187], %swap3A_1190 {add = true, strides = array<i32>} : memref<128x128xf32, #tpu.memory_space<vmem>>, vector<1x16xf32>,
        %get3A_1191 = arith.index_cast %add3A_1136 : i32 to index
        %get3A_1192 = arith.constant 96 : index
        %get3A_1193 = tpu.vector_load %arg13[%get3A_1191, %get3A_1192] {strides = array<i32>} : memref<128x128xf32, #tpu.memory_space<vmem>>, vector<1x16xf32>,
        %get3A_1194 = vector.shape_cast %get3A_1193 : vector<1x16xf32> to vector<16xf32>
        %swap3A_1195 = arith.index_cast %add3A_1136 : i32 to index
        %swap3A_1196 = arith.constant 96 : index
        %swap3A_1197 = tpu.vector_load %arg15[%swap3A_1195, %swap3A_1196] {strides = array<i32>} : memref<128x128xf32, #tpu.memory_space<vmem>>, vector<1x16xf32>,
        %swap3A_1198 = vector.shape_cast %swap3A_1197 : vector<1x16xf32> to vector<16xf32>
        %swap3A_1199 = vector.shape_cast %get3A_1194 : vector<16xf32> to vector<1x16xf32>
        tpu.vector_store %arg15[%swap3A_1195, %swap3A_1196], %swap3A_1199 {add = true, strides = array<i32>} : memref<128x128xf32, #tpu.memory_space<vmem>>, vector<1x16xf32>,
        %get3A_1200 = arith.index_cast %add3A_1136 : i32 to index
        %get3A_1201 = arith.constant 112 : index
        %get3A_1202 = tpu.vector_load %arg13[%get3A_1200, %get3A_1201] {strides = array<i32>} : memref<128x128xf32, #tpu.memory_space<vmem>>, vector<1x16xf32>,
        %get3A_1203 = vector.shape_cast %get3A_1202 : vector<1x16xf32> to vector<16xf32>
        %swap3A_1204 = arith.index_cast %add3A_1136 : i32 to index
        %swap3A_1205 = arith.constant 112 : index
        %swap3A_1206 = tpu.vector_load %arg15[%swap3A_1204, %swap3A_1205] {strides = array<i32>} : memref<128x128xf32, #tpu.memory_space<vmem>>, vector<1x16xf32>,
        %swap3A_1207 = vector.shape_cast %swap3A_1206 : vector<1x16xf32> to vector<16xf32>
        %swap3A_1208 = vector.shape_cast %get3A_1203 : vector<16xf32> to vector<1x16xf32>
        tpu.vector_store %arg15[%swap3A_1204, %swap3A_1205], %swap3A_1208 {add = true, strides = array<i32>} : memref<128x128xf32, #tpu.memory_space<vmem>>, vector<1x16xf32>,
      }
      %scan3A_488 = arith.constant 64 : i32
      %add3A_489 = arith.addi %mul3A_2, %add3A_406 : i32
      %jit3A_490 = arith.constant 32 : i32
      %div3A_491 = arith.divsi %add3A_489, %jit3A_490 : i32
      %sign3A_492 = arith.constant 0 : i32
      %sign3A_493 = arith.cmpi sgt, %add3A_489, %sign3A_492 : i32
      %sign3A_494 = arith.extui %sign3A_493 : i1 to i32
      %sign3A_495 = arith.constant 0 : i32
      %sign3A_496 = arith.cmpi slt, %add3A_489, %sign3A_495 : i32
      %sign3A_497 = arith.extui %sign3A_496 : i1 to i32
      %sign3A_498 = arith.subi %sign3A_494, %sign3A_497 : i32
      %sign3A_499 = arith.constant 0 : i32
      %sign3A_500 = arith.cmpi sgt, %jit3A_490, %sign3A_499 : i32
      %sign3A_501 = arith.extui %sign3A_500 : i1 to i32
      %sign3A_502 = arith.constant 0 : i32
      %sign3A_503 = arith.cmpi slt, %jit3A_490, %sign3A_502 : i32
      %sign3A_504 = arith.extui %sign3A_503 : i1 to i32
      %sign3A_505 = arith.subi %sign3A_501, %sign3A_504 : i32
      %ne3A_506 = arith.cmpi ne, %sign3A_498, %sign3A_505 : i32
      %rem3A_507 = arith.remsi %add3A_489, %jit3A_490 : i32
      %ne3A_508 = arith.constant 0 : i32
      %ne3A_509 = arith.cmpi ne, %rem3A_507, %ne3A_508 : i32
      %and3A_510 = arith.andi %ne3A_506, %ne3A_509 : i1
      %sub3A_511 = arith.constant 1 : i32
      %sub3A_512 = arith.subi %div3A_491, %sub3A_511 : i32
      %select_n3A_513 = arith.select %and3A_510, %sub3A_512, %div3A_491 : i32
      %mul3A_514 = arith.constant 32 : i32
      %mul3A_515 = arith.muli %select_n3A_513, %mul3A_514 : i32
      %sub3A_516 = arith.subi %add3A_489, %mul3A_515 : i32
      %mul3A_517 = arith.constant 128 : i32
      %mul3A_518 = arith.muli %sub3A_516, %mul3A_517 : i32
      %add3A_519 = arith.constant 0 : i32
      %add3A_520 = arith.addi %mul3A_518, %add3A_519 : i32
      %dma_start3A_521 = arith.constant 1 : i32
      %dma_start3A_522 = arith.constant 0 : i32
      %dma_start3A_523 = arith.constant 0 : i32
      %dma_start3A_524 = tpu.memref_slice %arg15[%dma_start3A_522, %dma_start3A_523] : memref<128x128xf32, #tpu.memory_space<vmem>> -> memref<64x128xf32, #tpu.memory_space<vmem>>
      %dma_start3A_525 = arith.constant 0 : i32
      %dma_start3A_526 = tpu.memref_slice %arg5[%add3A_520, %select_n3A_513, %dma_start3A_525] : memref<4096x200x128xf32, #tpu.memory_space<hbm>> -> memref<64x1x128xf32, #tpu.memory_space<hbm>>
      %dma_start3A_527 = tpu.memref_squeeze %dma_start3A_526 : memref<64x1x128xf32, #tpu.memory_space<hbm>> -> memref<64x128xf32, #tpu.memory_space<hbm>>
      %dma_start3A_528 = tpu.memref_slice %arg21[%dma_start3A_521] : memref<2x!tpu.dma_semaphore, #tpu.memory_space<semaphore_mem>> -> memref<1x!tpu.dma_semaphore, #tpu.memory_space<semaphore_mem>>
      %dma_start3A_529 = tpu.memref_squeeze %dma_start3A_528 : memref<1x!tpu.dma_semaphore, #tpu.memory_space<semaphore_mem>> -> memref<!tpu.dma_semaphore, #tpu.memory_space<semaphore_mem>>
      %dma_start3A_530 = arith.constant 0 : i32
      %dma_start3A_531 = tpu.memref_slice %arg5[%add3A_520, %select_n3A_513, %dma_start3A_530] : memref<4096x200x128xf32, #tpu.memory_space<hbm>> -> memref<64x1x128xf32, #tpu.memory_space<hbm>>
      %dma_start3A_532 = tpu.memref_squeeze %dma_start3A_531 : memref<64x1x128xf32, #tpu.memory_space<hbm>> -> memref<64x128xf32, #tpu.memory_space<hbm>>
      %dma_start3A_533 = arith.constant 0 : i32
      %dma_start3A_534 = arith.constant 0 : i32
      %dma_start3A_535 = tpu.memref_slice %arg15[%dma_start3A_533, %dma_start3A_534] : memref<128x128xf32, #tpu.memory_space<vmem>> -> memref<64x128xf32, #tpu.memory_space<vmem>>
      tpu.enqueue_dma source(%dma_start3A_535 : memref<64x128xf32, #tpu.memory_space<vmem>>) target(%dma_start3A_532 : memref<64x128xf32, #tpu.memory_space<hbm>>) target_semaphore(%dma_start3A_529 : memref<!tpu.dma_semaphore, #tpu.memory_space<semaphore_mem>>)
      %scan3A_536 = arith.constant 0 : i32
      %scan3A_537 = arith.constant 64 : i32
      %scan3A_538 = arith.addi %scan3A_536, %scan3A_537 : i32
      %scan3A_539 = arith.constant 8 : i32
      scf.for %scan3A_588 = %scan3A_536 to %scan3A_538 step %scan3A_539  : i32 {
        %mul3A_589 = arith.constant 1 : i32
        %mul3A_590 = arith.muli %scan3A_588, %mul3A_589 : i32
        %add3A_591 = arith.constant 64 : i32
        %add3A_592 = arith.addi %add3A_591, %mul3A_590 : i32
        %get3A = arith.index_cast %add3A_592 : i32 to index
        %get3A_593 = arith.constant 0 : index
        %get3A_594 = tpu.vector_load %arg11[%get3A, %get3A_593] {strides = array<i32>} : memref<128x128xf32, #tpu.memory_space<vmem>>, vector<1x16xf32>,
        %get3A_595 = vector.shape_cast %get3A_594 : vector<1x16xf32> to vector<16xf32>
        %swap3A = arith.index_cast %add3A_592 : i32 to index
        %swap3A_596 = arith.constant 0 : index
        %swap3A_597 = tpu.vector_load %arg15[%swap3A, %swap3A_596] {strides = array<i32>} : memref<128x128xf32, #tpu.memory_space<vmem>>, vector<1x16xf32>,
        %swap3A_598 = vector.shape_cast %swap3A_597 : vector<1x16xf32> to vector<16xf32>
        %swap3A_599 = vector.shape_cast %get3A_595 : vector<16xf32> to vector<1x16xf32>
        tpu.vector_store %arg15[%swap3A, %swap3A_596], %swap3A_599 {add = true, strides = array<i32>} : memref<128x128xf32, #tpu.memory_space<vmem>>, vector<1x16xf32>,
        %get3A_600 = arith.index_cast %add3A_592 : i32 to index
        %get3A_601 = arith.constant 16 : index
        %get3A_602 = tpu.vector_load %arg11[%get3A_600, %get3A_601] {strides = array<i32>} : memref<128x128xf32, #tpu.memory_space<vmem>>, vector<1x16xf32>,
        %get3A_603 = vector.shape_cast %get3A_602 : vector<1x16xf32> to vector<16xf32>
        %swap3A_604 = arith.index_cast %add3A_592 : i32 to index
        %swap3A_605 = arith.constant 16 : index
        %swap3A_606 = tpu.vector_load %arg15[%swap3A_604, %swap3A_605] {strides = array<i32>} : memref<128x128xf32, #tpu.memory_space<vmem>>, vector<1x16xf32>,
        %swap3A_607 = vector.shape_cast %swap3A_606 : vector<1x16xf32> to vector<16xf32>
        %swap3A_608 = vector.shape_cast %get3A_603 : vector<16xf32> to vector<1x16xf32>
        tpu.vector_store %arg15[%swap3A_604, %swap3A_605], %swap3A_608 {add = true, strides = array<i32>} : memref<128x128xf32, #tpu.memory_space<vmem>>, vector<1x16xf32>,
        %get3A_609 = arith.index_cast %add3A_592 : i32 to index
        %get3A_610 = arith.constant 32 : index
        %get3A_611 = tpu.vector_load %arg11[%get3A_609, %get3A_610] {strides = array<i32>} : memref<128x128xf32, #tpu.memory_space<vmem>>, vector<1x16xf32>,
        %get3A_612 = vector.shape_cast %get3A_611 : vector<1x16xf32> to vector<16xf32>
        %swap3A_613 = arith.index_cast %add3A_592 : i32 to index
        %swap3A_614 = arith.constant 32 : index
        %swap3A_615 = tpu.vector_load %arg15[%swap3A_613, %swap3A_614] {strides = array<i32>} : memref<128x128xf32, #tpu.memory_space<vmem>>, vector<1x16xf32>,
        %swap3A_616 = vector.shape_cast %swap3A_615 : vector<1x16xf32> to vector<16xf32>
        %swap3A_617 = vector.shape_cast %get3A_612 : vector<16xf32> to vector<1x16xf32>
        tpu.vector_store %arg15[%swap3A_613, %swap3A_614], %swap3A_617 {add = true, strides = array<i32>} : memref<128x128xf32, #tpu.memory_space<vmem>>, vector<1x16xf32>,
        %get3A_618 = arith.index_cast %add3A_592 : i32 to index
        %get3A_619 = arith.constant 48 : index
        %get3A_620 = tpu.vector_load %arg11[%get3A_618, %get3A_619] {strides = array<i32>} : memref<128x128xf32, #tpu.memory_space<vmem>>, vector<1x16xf32>,
        %get3A_621 = vector.shape_cast %get3A_620 : vector<1x16xf32> to vector<16xf32>
        %swap3A_622 = arith.index_cast %add3A_592 : i32 to index
        %swap3A_623 = arith.constant 48 : index
        %swap3A_624 = tpu.vector_load %arg15[%swap3A_622, %swap3A_623] {strides = array<i32>} : memref<128x128xf32, #tpu.memory_space<vmem>>, vector<1x16xf32>,
        %swap3A_625 = vector.shape_cast %swap3A_624 : vector<1x16xf32> to vector<16xf32>
        %swap3A_626 = vector.shape_cast %get3A_621 : vector<16xf32> to vector<1x16xf32>
        tpu.vector_store %arg15[%swap3A_622, %swap3A_623], %swap3A_626 {add = true, strides = array<i32>} : memref<128x128xf32, #tpu.memory_space<vmem>>, vector<1x16xf32>,
        %get3A_627 = arith.index_cast %add3A_592 : i32 to index
        %get3A_628 = arith.constant 64 : index
        %get3A_629 = tpu.vector_load %arg13[%get3A_627, %get3A_628] {strides = array<i32>} : memref<128x128xf32, #tpu.memory_space<vmem>>, vector<1x16xf32>,
        %get3A_630 = vector.shape_cast %get3A_629 : vector<1x16xf32> to vector<16xf32>
        %swap3A_631 = arith.index_cast %add3A_592 : i32 to index
        %swap3A_632 = arith.constant 64 : index
        %swap3A_633 = tpu.vector_load %arg15[%swap3A_631, %swap3A_632] {strides = array<i32>} : memref<128x128xf32, #tpu.memory_space<vmem>>, vector<1x16xf32>,
        %swap3A_634 = vector.shape_cast %swap3A_633 : vector<1x16xf32> to vector<16xf32>
        %swap3A_635 = vector.shape_cast %get3A_630 : vector<16xf32> to vector<1x16xf32>
        tpu.vector_store %arg15[%swap3A_631, %swap3A_632], %swap3A_635 {add = true, strides = array<i32>} : memref<128x128xf32, #tpu.memory_space<vmem>>, vector<1x16xf32>,
        %get3A_636 = arith.index_cast %add3A_592 : i32 to index
        %get3A_637 = arith.constant 80 : index
        %get3A_638 = tpu.vector_load %arg13[%get3A_636, %get3A_637] {strides = array<i32>} : memref<128x128xf32, #tpu.memory_space<vmem>>, vector<1x16xf32>,
        %get3A_639 = vector.shape_cast %get3A_638 : vector<1x16xf32> to vector<16xf32>
        %swap3A_640 = arith.index_cast %add3A_592 : i32 to index
        %swap3A_641 = arith.constant 80 : index
        %swap3A_642 = tpu.vector_load %arg15[%swap3A_640, %swap3A_641] {strides = array<i32>} : memref<128x128xf32, #tpu.memory_space<vmem>>, vector<1x16xf32>,
        %swap3A_643 = vector.shape_cast %swap3A_642 : vector<1x16xf32> to vector<16xf32>
        %swap3A_644 = vector.shape_cast %get3A_639 : vector<16xf32> to vector<1x16xf32>
        tpu.vector_store %arg15[%swap3A_640, %swap3A_641], %swap3A_644 {add = true, strides = array<i32>} : memref<128x128xf32, #tpu.memory_space<vmem>>, vector<1x16xf32>,
        %get3A_645 = arith.index_cast %add3A_592 : i32 to index
        %get3A_646 = arith.constant 96 : index
        %get3A_647 = tpu.vector_load %arg13[%get3A_645, %get3A_646] {strides = array<i32>} : memref<128x128xf32, #tpu.memory_space<vmem>>, vector<1x16xf32>,
        %get3A_648 = vector.shape_cast %get3A_647 : vector<1x16xf32> to vector<16xf32>
        %swap3A_649 = arith.index_cast %add3A_592 : i32 to index
        %swap3A_650 = arith.constant 96 : index
        %swap3A_651 = tpu.vector_load %arg15[%swap3A_649, %swap3A_650] {strides = array<i32>} : memref<128x128xf32, #tpu.memory_space<vmem>>, vector<1x16xf32>,
        %swap3A_652 = vector.shape_cast %swap3A_651 : vector<1x16xf32> to vector<16xf32>
        %swap3A_653 = vector.shape_cast %get3A_648 : vector<16xf32> to vector<1x16xf32>
        tpu.vector_store %arg15[%swap3A_649, %swap3A_650], %swap3A_653 {add = true, strides = array<i32>} : memref<128x128xf32, #tpu.memory_space<vmem>>, vector<1x16xf32>,
        %get3A_654 = arith.index_cast %add3A_592 : i32 to index
        %get3A_655 = arith.constant 112 : index
        %get3A_656 = tpu.vector_load %arg13[%get3A_654, %get3A_655] {strides = array<i32>} : memref<128x128xf32, #tpu.memory_space<vmem>>, vector<1x16xf32>,
        %get3A_657 = vector.shape_cast %get3A_656 : vector<1x16xf32> to vector<16xf32>
        %swap3A_658 = arith.index_cast %add3A_592 : i32 to index
        %swap3A_659 = arith.constant 112 : index
        %swap3A_660 = tpu.vector_load %arg15[%swap3A_658, %swap3A_659] {strides = array<i32>} : memref<128x128xf32, #tpu.memory_space<vmem>>, vector<1x16xf32>,
        %swap3A_661 = vector.shape_cast %swap3A_660 : vector<1x16xf32> to vector<16xf32>
        %swap3A_662 = vector.shape_cast %get3A_657 : vector<16xf32> to vector<1x16xf32>
        tpu.vector_store %arg15[%swap3A_658, %swap3A_659], %swap3A_662 {add = true, strides = array<i32>} : memref<128x128xf32, #tpu.memory_space<vmem>>, vector<1x16xf32>,
        %scan3A_663 = arith.constant 1 : i32
        %scan3A_664 = arith.addi %scan3A_588, %scan3A_663 : i32
        %mul3A_665 = arith.constant 1 : i32
        %mul3A_666 = arith.muli %scan3A_664, %mul3A_665 : i32
        %add3A_667 = arith.constant 64 : i32
        %add3A_668 = arith.addi %add3A_667, %mul3A_666 : i32
        %get3A_669 = arith.index_cast %add3A_668 : i32 to index
        %get3A_670 = arith.constant 0 : index
        %get3A_671 = tpu.vector_load %arg11[%get3A_669, %get3A_670] {strides = array<i32>} : memref<128x128xf32, #tpu.memory_space<vmem>>, vector<1x16xf32>,
        %get3A_672 = vector.shape_cast %get3A_671 : vector<1x16xf32> to vector<16xf32>
        %swap3A_673 = arith.index_cast %add3A_668 : i32 to index
        %swap3A_674 = arith.constant 0 : index
        %swap3A_675 = tpu.vector_load %arg15[%swap3A_673, %swap3A_674] {strides = array<i32>} : memref<128x128xf32, #tpu.memory_space<vmem>>, vector<1x16xf32>,
        %swap3A_676 = vector.shape_cast %swap3A_675 : vector<1x16xf32> to vector<16xf32>
        %swap3A_677 = vector.shape_cast %get3A_672 : vector<16xf32> to vector<1x16xf32>
        tpu.vector_store %arg15[%swap3A_673, %swap3A_674], %swap3A_677 {add = true, strides = array<i32>} : memref<128x128xf32, #tpu.memory_space<vmem>>, vector<1x16xf32>,
        %get3A_678 = arith.index_cast %add3A_668 : i32 to index
        %get3A_679 = arith.constant 16 : index
        %get3A_680 = tpu.vector_load %arg11[%get3A_678, %get3A_679] {strides = array<i32>} : memref<128x128xf32, #tpu.memory_space<vmem>>, vector<1x16xf32>,
        %get3A_681 = vector.shape_cast %get3A_680 : vector<1x16xf32> to vector<16xf32>
        %swap3A_682 = arith.index_cast %add3A_668 : i32 to index
        %swap3A_683 = arith.constant 16 : index
        %swap3A_684 = tpu.vector_load %arg15[%swap3A_682, %swap3A_683] {strides = array<i32>} : memref<128x128xf32, #tpu.memory_space<vmem>>, vector<1x16xf32>,
        %swap3A_685 = vector.shape_cast %swap3A_684 : vector<1x16xf32> to vector<16xf32>
        %swap3A_686 = vector.shape_cast %get3A_681 : vector<16xf32> to vector<1x16xf32>
        tpu.vector_store %arg15[%swap3A_682, %swap3A_683], %swap3A_686 {add = true, strides = array<i32>} : memref<128x128xf32, #tpu.memory_space<vmem>>, vector<1x16xf32>,
        %get3A_687 = arith.index_cast %add3A_668 : i32 to index
        %get3A_688 = arith.constant 32 : index
        %get3A_689 = tpu.vector_load %arg11[%get3A_687, %get3A_688] {strides = array<i32>} : memref<128x128xf32, #tpu.memory_space<vmem>>, vector<1x16xf32>,
        %get3A_690 = vector.shape_cast %get3A_689 : vector<1x16xf32> to vector<16xf32>
        %swap3A_691 = arith.index_cast %add3A_668 : i32 to index
        %swap3A_692 = arith.constant 32 : index
        %swap3A_693 = tpu.vector_load %arg15[%swap3A_691, %swap3A_692] {strides = array<i32>} : memref<128x128xf32, #tpu.memory_space<vmem>>, vector<1x16xf32>,
        %swap3A_694 = vector.shape_cast %swap3A_693 : vector<1x16xf32> to vector<16xf32>
        %swap3A_695 = vector.shape_cast %get3A_690 : vector<16xf32> to vector<1x16xf32>
        tpu.vector_store %arg15[%swap3A_691, %swap3A_692], %swap3A_695 {add = true, strides = array<i32>} : memref<128x128xf32, #tpu.memory_space<vmem>>, vector<1x16xf32>,
        %get3A_696 = arith.index_cast %add3A_668 : i32 to index
        %get3A_697 = arith.constant 48 : index
        %get3A_698 = tpu.vector_load %arg11[%get3A_696, %get3A_697] {strides = array<i32>} : memref<128x128xf32, #tpu.memory_space<vmem>>, vector<1x16xf32>,
        %get3A_699 = vector.shape_cast %get3A_698 : vector<1x16xf32> to vector<16xf32>
        %swap3A_700 = arith.index_cast %add3A_668 : i32 to index
        %swap3A_701 = arith.constant 48 : index
        %swap3A_702 = tpu.vector_load %arg15[%swap3A_700, %swap3A_701] {strides = array<i32>} : memref<128x128xf32, #tpu.memory_space<vmem>>, vector<1x16xf32>,
        %swap3A_703 = vector.shape_cast %swap3A_702 : vector<1x16xf32> to vector<16xf32>
        %swap3A_704 = vector.shape_cast %get3A_699 : vector<16xf32> to vector<1x16xf32>
        tpu.vector_store %arg15[%swap3A_700, %swap3A_701], %swap3A_704 {add = true, strides = array<i32>} : memref<128x128xf32, #tpu.memory_space<vmem>>, vector<1x16xf32>,
        %get3A_705 = arith.index_cast %add3A_668 : i32 to index
        %get3A_706 = arith.constant 64 : index
        %get3A_707 = tpu.vector_load %arg13[%get3A_705, %get3A_706] {strides = array<i32>} : memref<128x128xf32, #tpu.memory_space<vmem>>, vector<1x16xf32>,
        %get3A_708 = vector.shape_cast %get3A_707 : vector<1x16xf32> to vector<16xf32>
        %swap3A_709 = arith.index_cast %add3A_668 : i32 to index
        %swap3A_710 = arith.constant 64 : index
        %swap3A_711 = tpu.vector_load %arg15[%swap3A_709, %swap3A_710] {strides = array<i32>} : memref<128x128xf32, #tpu.memory_space<vmem>>, vector<1x16xf32>,
        %swap3A_712 = vector.shape_cast %swap3A_711 : vector<1x16xf32> to vector<16xf32>
        %swap3A_713 = vector.shape_cast %get3A_708 : vector<16xf32> to vector<1x16xf32>
        tpu.vector_store %arg15[%swap3A_709, %swap3A_710], %swap3A_713 {add = true, strides = array<i32>} : memref<128x128xf32, #tpu.memory_space<vmem>>, vector<1x16xf32>,
        %get3A_714 = arith.index_cast %add3A_668 : i32 to index
        %get3A_715 = arith.constant 80 : index
        %get3A_716 = tpu.vector_load %arg13[%get3A_714, %get3A_715] {strides = array<i32>} : memref<128x128xf32, #tpu.memory_space<vmem>>, vector<1x16xf32>,
        %get3A_717 = vector.shape_cast %get3A_716 : vector<1x16xf32> to vector<16xf32>
        %swap3A_718 = arith.index_cast %add3A_668 : i32 to index
        %swap3A_719 = arith.constant 80 : index
        %swap3A_720 = tpu.vector_load %arg15[%swap3A_718, %swap3A_719] {strides = array<i32>} : memref<128x128xf32, #tpu.memory_space<vmem>>, vector<1x16xf32>,
        %swap3A_721 = vector.shape_cast %swap3A_720 : vector<1x16xf32> to vector<16xf32>
        %swap3A_722 = vector.shape_cast %get3A_717 : vector<16xf32> to vector<1x16xf32>
        tpu.vector_store %arg15[%swap3A_718, %swap3A_719], %swap3A_722 {add = true, strides = array<i32>} : memref<128x128xf32, #tpu.memory_space<vmem>>, vector<1x16xf32>,
        %get3A_723 = arith.index_cast %add3A_668 : i32 to index
        %get3A_724 = arith.constant 96 : index
        %get3A_725 = tpu.vector_load %arg13[%get3A_723, %get3A_724] {strides = array<i32>} : memref<128x128xf32, #tpu.memory_space<vmem>>, vector<1x16xf32>,
        %get3A_726 = vector.shape_cast %get3A_725 : vector<1x16xf32> to vector<16xf32>
        %swap3A_727 = arith.index_cast %add3A_668 : i32 to index
        %swap3A_728 = arith.constant 96 : index
        %swap3A_729 = tpu.vector_load %arg15[%swap3A_727, %swap3A_728] {strides = array<i32>} : memref<128x128xf32, #tpu.memory_space<vmem>>, vector<1x16xf32>,
        %swap3A_730 = vector.shape_cast %swap3A_729 : vector<1x16xf32> to vector<16xf32>
        %swap3A_731 = vector.shape_cast %get3A_726 : vector<16xf32> to vector<1x16xf32>
        tpu.vector_store %arg15[%swap3A_727, %swap3A_728], %swap3A_731 {add = true, strides = array<i32>} : memref<128x128xf32, #tpu.memory_space<vmem>>, vector<1x16xf32>,
        %get3A_732 = arith.index_cast %add3A_668 : i32 to index
        %get3A_733 = arith.constant 112 : index
        %get3A_734 = tpu.vector_load %arg13[%get3A_732, %get3A_733] {strides = array<i32>} : memref<128x128xf32, #tpu.memory_space<vmem>>, vector<1x16xf32>,
        %get3A_735 = vector.shape_cast %get3A_734 : vector<1x16xf32> to vector<16xf32>
        %swap3A_736 = arith.index_cast %add3A_668 : i32 to index
        %swap3A_737 = arith.constant 112 : index
        %swap3A_738 = tpu.vector_load %arg15[%swap3A_736, %swap3A_737] {strides = array<i32>} : memref<128x128xf32, #tpu.memory_space<vmem>>, vector<1x16xf32>,
        %swap3A_739 = vector.shape_cast %swap3A_738 : vector<1x16xf32> to vector<16xf32>
        %swap3A_740 = vector.shape_cast %get3A_735 : vector<16xf32> to vector<1x16xf32>
        tpu.vector_store %arg15[%swap3A_736, %swap3A_737], %swap3A_740 {add = true, strides = array<i32>} : memref<128x128xf32, #tpu.memory_space<vmem>>, vector<1x16xf32>,
        %scan3A_741 = arith.constant 2 : i32
        %scan3A_742 = arith.addi %scan3A_588, %scan3A_741 : i32
        %mul3A_743 = arith.constant 1 : i32
        %mul3A_744 = arith.muli %scan3A_742, %mul3A_743 : i32
        %add3A_745 = arith.constant 64 : i32
        %add3A_746 = arith.addi %add3A_745, %mul3A_744 : i32
        %get3A_747 = arith.index_cast %add3A_746 : i32 to index
        %get3A_748 = arith.constant 0 : index
        %get3A_749 = tpu.vector_load %arg11[%get3A_747, %get3A_748] {strides = array<i32>} : memref<128x128xf32, #tpu.memory_space<vmem>>, vector<1x16xf32>,
        %get3A_750 = vector.shape_cast %get3A_749 : vector<1x16xf32> to vector<16xf32>
        %swap3A_751 = arith.index_cast %add3A_746 : i32 to index
        %swap3A_752 = arith.constant 0 : index
        %swap3A_753 = tpu.vector_load %arg15[%swap3A_751, %swap3A_752] {strides = array<i32>} : memref<128x128xf32, #tpu.memory_space<vmem>>, vector<1x16xf32>,
        %swap3A_754 = vector.shape_cast %swap3A_753 : vector<1x16xf32> to vector<16xf32>
        %swap3A_755 = vector.shape_cast %get3A_750 : vector<16xf32> to vector<1x16xf32>
        tpu.vector_store %arg15[%swap3A_751, %swap3A_752], %swap3A_755 {add = true, strides = array<i32>} : memref<128x128xf32, #tpu.memory_space<vmem>>, vector<1x16xf32>,
        %get3A_756 = arith.index_cast %add3A_746 : i32 to index
        %get3A_757 = arith.constant 16 : index
        %get3A_758 = tpu.vector_load %arg11[%get3A_756, %get3A_757] {strides = array<i32>} : memref<128x128xf32, #tpu.memory_space<vmem>>, vector<1x16xf32>,
        %get3A_759 = vector.shape_cast %get3A_758 : vector<1x16xf32> to vector<16xf32>
        %swap3A_760 = arith.index_cast %add3A_746 : i32 to index
        %swap3A_761 = arith.constant 16 : index
        %swap3A_762 = tpu.vector_load %arg15[%swap3A_760, %swap3A_761] {strides = array<i32>} : memref<128x128xf32, #tpu.memory_space<vmem>>, vector<1x16xf32>,
        %swap3A_763 = vector.shape_cast %swap3A_762 : vector<1x16xf32> to vector<16xf32>
        %swap3A_764 = vector.shape_cast %get3A_759 : vector<16xf32> to vector<1x16xf32>
        tpu.vector_store %arg15[%swap3A_760, %swap3A_761], %swap3A_764 {add = true, strides = array<i32>} : memref<128x128xf32, #tpu.memory_space<vmem>>, vector<1x16xf32>,
        %get3A_765 = arith.index_cast %add3A_746 : i32 to index
        %get3A_766 = arith.constant 32 : index
        %get3A_767 = tpu.vector_load %arg11[%get3A_765, %get3A_766] {strides = array<i32>} : memref<128x128xf32, #tpu.memory_space<vmem>>, vector<1x16xf32>,
        %get3A_768 = vector.shape_cast %get3A_767 : vector<1x16xf32> to vector<16xf32>
        %swap3A_769 = arith.index_cast %add3A_746 : i32 to index
        %swap3A_770 = arith.constant 32 : index
        %swap3A_771 = tpu.vector_load %arg15[%swap3A_769, %swap3A_770] {strides = array<i32>} : memref<128x128xf32, #tpu.memory_space<vmem>>, vector<1x16xf32>,
        %swap3A_772 = vector.shape_cast %swap3A_771 : vector<1x16xf32> to vector<16xf32>
        %swap3A_773 = vector.shape_cast %get3A_768 : vector<16xf32> to vector<1x16xf32>
        tpu.vector_store %arg15[%swap3A_769, %swap3A_770], %swap3A_773 {add = true, strides = array<i32>} : memref<128x128xf32, #tpu.memory_space<vmem>>, vector<1x16xf32>,
        %get3A_774 = arith.index_cast %add3A_746 : i32 to index
        %get3A_775 = arith.constant 48 : index
        %get3A_776 = tpu.vector_load %arg11[%get3A_774, %get3A_775] {strides = array<i32>} : memref<128x128xf32, #tpu.memory_space<vmem>>, vector<1x16xf32>,
        %get3A_777 = vector.shape_cast %get3A_776 : vector<1x16xf32> to vector<16xf32>
        %swap3A_778 = arith.index_cast %add3A_746 : i32 to index
        %swap3A_779 = arith.constant 48 : index
        %swap3A_780 = tpu.vector_load %arg15[%swap3A_778, %swap3A_779] {strides = array<i32>} : memref<128x128xf32, #tpu.memory_space<vmem>>, vector<1x16xf32>,
        %swap3A_781 = vector.shape_cast %swap3A_780 : vector<1x16xf32> to vector<16xf32>
        %swap3A_782 = vector.shape_cast %get3A_777 : vector<16xf32> to vector<1x16xf32>
        tpu.vector_store %arg15[%swap3A_778, %swap3A_779], %swap3A_782 {add = true, strides = array<i32>} : memref<128x128xf32, #tpu.memory_space<vmem>>, vector<1x16xf32>,
        %get3A_783 = arith.index_cast %add3A_746 : i32 to index
        %get3A_784 = arith.constant 64 : index
        %get3A_785 = tpu.vector_load %arg13[%get3A_783, %get3A_784] {strides = array<i32>} : memref<128x128xf32, #tpu.memory_space<vmem>>, vector<1x16xf32>,
        %get3A_786 = vector.shape_cast %get3A_785 : vector<1x16xf32> to vector<16xf32>
        %swap3A_787 = arith.index_cast %add3A_746 : i32 to index
        %swap3A_788 = arith.constant 64 : index
        %swap3A_789 = tpu.vector_load %arg15[%swap3A_787, %swap3A_788] {strides = array<i32>} : memref<128x128xf32, #tpu.memory_space<vmem>>, vector<1x16xf32>,
        %swap3A_790 = vector.shape_cast %swap3A_789 : vector<1x16xf32> to vector<16xf32>
        %swap3A_791 = vector.shape_cast %get3A_786 : vector<16xf32> to vector<1x16xf32>
        tpu.vector_store %arg15[%swap3A_787, %swap3A_788], %swap3A_791 {add = true, strides = array<i32>} : memref<128x128xf32, #tpu.memory_space<vmem>>, vector<1x16xf32>,
        %get3A_792 = arith.index_cast %add3A_746 : i32 to index
        %get3A_793 = arith.constant 80 : index
        %get3A_794 = tpu.vector_load %arg13[%get3A_792, %get3A_793] {strides = array<i32>} : memref<128x128xf32, #tpu.memory_space<vmem>>, vector<1x16xf32>,
        %get3A_795 = vector.shape_cast %get3A_794 : vector<1x16xf32> to vector<16xf32>
        %swap3A_796 = arith.index_cast %add3A_746 : i32 to index
        %swap3A_797 = arith.constant 80 : index
        %swap3A_798 = tpu.vector_load %arg15[%swap3A_796, %swap3A_797] {strides = array<i32>} : memref<128x128xf32, #tpu.memory_space<vmem>>, vector<1x16xf32>,
        %swap3A_799 = vector.shape_cast %swap3A_798 : vector<1x16xf32> to vector<16xf32>
        %swap3A_800 = vector.shape_cast %get3A_795 : vector<16xf32> to vector<1x16xf32>
        tpu.vector_store %arg15[%swap3A_796, %swap3A_797], %swap3A_800 {add = true, strides = array<i32>} : memref<128x128xf32, #tpu.memory_space<vmem>>, vector<1x16xf32>,
        %get3A_801 = arith.index_cast %add3A_746 : i32 to index
        %get3A_802 = arith.constant 96 : index
        %get3A_803 = tpu.vector_load %arg13[%get3A_801, %get3A_802] {strides = array<i32>} : memref<128x128xf32, #tpu.memory_space<vmem>>, vector<1x16xf32>,
        %get3A_804 = vector.shape_cast %get3A_803 : vector<1x16xf32> to vector<16xf32>
        %swap3A_805 = arith.index_cast %add3A_746 : i32 to index
        %swap3A_806 = arith.constant 96 : index
        %swap3A_807 = tpu.vector_load %arg15[%swap3A_805, %swap3A_806] {strides = array<i32>} : memref<128x128xf32, #tpu.memory_space<vmem>>, vector<1x16xf32>,
        %swap3A_808 = vector.shape_cast %swap3A_807 : vector<1x16xf32> to vector<16xf32>
        %swap3A_809 = vector.shape_cast %get3A_804 : vector<16xf32> to vector<1x16xf32>
        tpu.vector_store %arg15[%swap3A_805, %swap3A_806], %swap3A_809 {add = true, strides = array<i32>} : memref<128x128xf32, #tpu.memory_space<vmem>>, vector<1x16xf32>,
        %get3A_810 = arith.index_cast %add3A_746 : i32 to index
        %get3A_811 = arith.constant 112 : index
        %get3A_812 = tpu.vector_load %arg13[%get3A_810, %get3A_811] {strides = array<i32>} : memref<128x128xf32, #tpu.memory_space<vmem>>, vector<1x16xf32>,
        %get3A_813 = vector.shape_cast %get3A_812 : vector<1x16xf32> to vector<16xf32>
        %swap3A_814 = arith.index_cast %add3A_746 : i32 to index
        %swap3A_815 = arith.constant 112 : index
        %swap3A_816 = tpu.vector_load %arg15[%swap3A_814, %swap3A_815] {strides = array<i32>} : memref<128x128xf32, #tpu.memory_space<vmem>>, vector<1x16xf32>,
        %swap3A_817 = vector.shape_cast %swap3A_816 : vector<1x16xf32> to vector<16xf32>
        %swap3A_818 = vector.shape_cast %get3A_813 : vector<16xf32> to vector<1x16xf32>
        tpu.vector_store %arg15[%swap3A_814, %swap3A_815], %swap3A_818 {add = true, strides = array<i32>} : memref<128x128xf32, #tpu.memory_space<vmem>>, vector<1x16xf32>,
        %scan3A_819 = arith.constant 3 : i32
        %scan3A_820 = arith.addi %scan3A_588, %scan3A_819 : i32
        %mul3A_821 = arith.constant 1 : i32
        %mul3A_822 = arith.muli %scan3A_820, %mul3A_821 : i32
        %add3A_823 = arith.constant 64 : i32
        %add3A_824 = arith.addi %add3A_823, %mul3A_822 : i32
        %get3A_825 = arith.index_cast %add3A_824 : i32 to index
        %get3A_826 = arith.constant 0 : index
        %get3A_827 = tpu.vector_load %arg11[%get3A_825, %get3A_826] {strides = array<i32>} : memref<128x128xf32, #tpu.memory_space<vmem>>, vector<1x16xf32>,
        %get3A_828 = vector.shape_cast %get3A_827 : vector<1x16xf32> to vector<16xf32>
        %swap3A_829 = arith.index_cast %add3A_824 : i32 to index
        %swap3A_830 = arith.constant 0 : index
        %swap3A_831 = tpu.vector_load %arg15[%swap3A_829, %swap3A_830] {strides = array<i32>} : memref<128x128xf32, #tpu.memory_space<vmem>>, vector<1x16xf32>,
        %swap3A_832 = vector.shape_cast %swap3A_831 : vector<1x16xf32> to vector<16xf32>
        %swap3A_833 = vector.shape_cast %get3A_828 : vector<16xf32> to vector<1x16xf32>
        tpu.vector_store %arg15[%swap3A_829, %swap3A_830], %swap3A_833 {add = true, strides = array<i32>} : memref<128x128xf32, #tpu.memory_space<vmem>>, vector<1x16xf32>,
        %get3A_834 = arith.index_cast %add3A_824 : i32 to index
        %get3A_835 = arith.constant 16 : index
        %get3A_836 = tpu.vector_load %arg11[%get3A_834, %get3A_835] {strides = array<i32>} : memref<128x128xf32, #tpu.memory_space<vmem>>, vector<1x16xf32>,
        %get3A_837 = vector.shape_cast %get3A_836 : vector<1x16xf32> to vector<16xf32>
        %swap3A_838 = arith.index_cast %add3A_824 : i32 to index
        %swap3A_839 = arith.constant 16 : index
        %swap3A_840 = tpu.vector_load %arg15[%swap3A_838, %swap3A_839] {strides = array<i32>} : memref<128x128xf32, #tpu.memory_space<vmem>>, vector<1x16xf32>,
        %swap3A_841 = vector.shape_cast %swap3A_840 : vector<1x16xf32> to vector<16xf32>
        %swap3A_842 = vector.shape_cast %get3A_837 : vector<16xf32> to vector<1x16xf32>
        tpu.vector_store %arg15[%swap3A_838, %swap3A_839], %swap3A_842 {add = true, strides = array<i32>} : memref<128x128xf32, #tpu.memory_space<vmem>>, vector<1x16xf32>,
        %get3A_843 = arith.index_cast %add3A_824 : i32 to index
        %get3A_844 = arith.constant 32 : index
        %get3A_845 = tpu.vector_load %arg11[%get3A_843, %get3A_844] {strides = array<i32>} : memref<128x128xf32, #tpu.memory_space<vmem>>, vector<1x16xf32>,
        %get3A_846 = vector.shape_cast %get3A_845 : vector<1x16xf32> to vector<16xf32>
        %swap3A_847 = arith.index_cast %add3A_824 : i32 to index
        %swap3A_848 = arith.constant 32 : index
        %swap3A_849 = tpu.vector_load %arg15[%swap3A_847, %swap3A_848] {strides = array<i32>} : memref<128x128xf32, #tpu.memory_space<vmem>>, vector<1x16xf32>,
        %swap3A_850 = vector.shape_cast %swap3A_849 : vector<1x16xf32> to vector<16xf32>
        %swap3A_851 = vector.shape_cast %get3A_846 : vector<16xf32> to vector<1x16xf32>
        tpu.vector_store %arg15[%swap3A_847, %swap3A_848], %swap3A_851 {add = true, strides = array<i32>} : memref<128x128xf32, #tpu.memory_space<vmem>>, vector<1x16xf32>,
        %get3A_852 = arith.index_cast %add3A_824 : i32 to index
        %get3A_853 = arith.constant 48 : index
        %get3A_854 = tpu.vector_load %arg11[%get3A_852, %get3A_853] {strides = array<i32>} : memref<128x128xf32, #tpu.memory_space<vmem>>, vector<1x16xf32>,
        %get3A_855 = vector.shape_cast %get3A_854 : vector<1x16xf32> to vector<16xf32>
        %swap3A_856 = arith.index_cast %add3A_824 : i32 to index
        %swap3A_857 = arith.constant 48 : index
        %swap3A_858 = tpu.vector_load %arg15[%swap3A_856, %swap3A_857] {strides = array<i32>} : memref<128x128xf32, #tpu.memory_space<vmem>>, vector<1x16xf32>,
        %swap3A_859 = vector.shape_cast %swap3A_858 : vector<1x16xf32> to vector<16xf32>
        %swap3A_860 = vector.shape_cast %get3A_855 : vector<16xf32> to vector<1x16xf32>
        tpu.vector_store %arg15[%swap3A_856, %swap3A_857], %swap3A_860 {add = true, strides = array<i32>} : memref<128x128xf32, #tpu.memory_space<vmem>>, vector<1x16xf32>,
        %get3A_861 = arith.index_cast %add3A_824 : i32 to index
        %get3A_862 = arith.constant 64 : index
        %get3A_863 = tpu.vector_load %arg13[%get3A_861, %get3A_862] {strides = array<i32>} : memref<128x128xf32, #tpu.memory_space<vmem>>, vector<1x16xf32>,
        %get3A_864 = vector.shape_cast %get3A_863 : vector<1x16xf32> to vector<16xf32>
        %swap3A_865 = arith.index_cast %add3A_824 : i32 to index
        %swap3A_866 = arith.constant 64 : index
        %swap3A_867 = tpu.vector_load %arg15[%swap3A_865, %swap3A_866] {strides = array<i32>} : memref<128x128xf32, #tpu.memory_space<vmem>>, vector<1x16xf32>,
        %swap3A_868 = vector.shape_cast %swap3A_867 : vector<1x16xf32> to vector<16xf32>
        %swap3A_869 = vector.shape_cast %get3A_864 : vector<16xf32> to vector<1x16xf32>
        tpu.vector_store %arg15[%swap3A_865, %swap3A_866], %swap3A_869 {add = true, strides = array<i32>} : memref<128x128xf32, #tpu.memory_space<vmem>>, vector<1x16xf32>,
        %get3A_870 = arith.index_cast %add3A_824 : i32 to index
        %get3A_871 = arith.constant 80 : index
        %get3A_872 = tpu.vector_load %arg13[%get3A_870, %get3A_871] {strides = array<i32>} : memref<128x128xf32, #tpu.memory_space<vmem>>, vector<1x16xf32>,
        %get3A_873 = vector.shape_cast %get3A_872 : vector<1x16xf32> to vector<16xf32>
        %swap3A_874 = arith.index_cast %add3A_824 : i32 to index
        %swap3A_875 = arith.constant 80 : index
        %swap3A_876 = tpu.vector_load %arg15[%swap3A_874, %swap3A_875] {strides = array<i32>} : memref<128x128xf32, #tpu.memory_space<vmem>>, vector<1x16xf32>,
        %swap3A_877 = vector.shape_cast %swap3A_876 : vector<1x16xf32> to vector<16xf32>
        %swap3A_878 = vector.shape_cast %get3A_873 : vector<16xf32> to vector<1x16xf32>
        tpu.vector_store %arg15[%swap3A_874, %swap3A_875], %swap3A_878 {add = true, strides = array<i32>} : memref<128x128xf32, #tpu.memory_space<vmem>>, vector<1x16xf32>,
        %get3A_879 = arith.index_cast %add3A_824 : i32 to index
        %get3A_880 = arith.constant 96 : index
        %get3A_881 = tpu.vector_load %arg13[%get3A_879, %get3A_880] {strides = array<i32>} : memref<128x128xf32, #tpu.memory_space<vmem>>, vector<1x16xf32>,
        %get3A_882 = vector.shape_cast %get3A_881 : vector<1x16xf32> to vector<16xf32>
        %swap3A_883 = arith.index_cast %add3A_824 : i32 to index
        %swap3A_884 = arith.constant 96 : index
        %swap3A_885 = tpu.vector_load %arg15[%swap3A_883, %swap3A_884] {strides = array<i32>} : memref<128x128xf32, #tpu.memory_space<vmem>>, vector<1x16xf32>,
        %swap3A_886 = vector.shape_cast %swap3A_885 : vector<1x16xf32> to vector<16xf32>
        %swap3A_887 = vector.shape_cast %get3A_882 : vector<16xf32> to vector<1x16xf32>
        tpu.vector_store %arg15[%swap3A_883, %swap3A_884], %swap3A_887 {add = true, strides = array<i32>} : memref<128x128xf32, #tpu.memory_space<vmem>>, vector<1x16xf32>,
        %get3A_888 = arith.index_cast %add3A_824 : i32 to index
        %get3A_889 = arith.constant 112 : index
        %get3A_890 = tpu.vector_load %arg13[%get3A_888, %get3A_889] {strides = array<i32>} : memref<128x128xf32, #tpu.memory_space<vmem>>, vector<1x16xf32>,
        %get3A_891 = vector.shape_cast %get3A_890 : vector<1x16xf32> to vector<16xf32>
        %swap3A_892 = arith.index_cast %add3A_824 : i32 to index
        %swap3A_893 = arith.constant 112 : index
        %swap3A_894 = tpu.vector_load %arg15[%swap3A_892, %swap3A_893] {strides = array<i32>} : memref<128x128xf32, #tpu.memory_space<vmem>>, vector<1x16xf32>,
        %swap3A_895 = vector.shape_cast %swap3A_894 : vector<1x16xf32> to vector<16xf32>
        %swap3A_896 = vector.shape_cast %get3A_891 : vector<16xf32> to vector<1x16xf32>
        tpu.vector_store %arg15[%swap3A_892, %swap3A_893], %swap3A_896 {add = true, strides = array<i32>} : memref<128x128xf32, #tpu.memory_space<vmem>>, vector<1x16xf32>,
        %scan3A_897 = arith.constant 4 : i32
        %scan3A_898 = arith.addi %scan3A_588, %scan3A_897 : i32
        %mul3A_899 = arith.constant 1 : i32
        %mul3A_900 = arith.muli %scan3A_898, %mul3A_899 : i32
        %add3A_901 = arith.constant 64 : i32
        %add3A_902 = arith.addi %add3A_901, %mul3A_900 : i32
        %get3A_903 = arith.index_cast %add3A_902 : i32 to index
        %get3A_904 = arith.constant 0 : index
        %get3A_905 = tpu.vector_load %arg11[%get3A_903, %get3A_904] {strides = array<i32>} : memref<128x128xf32, #tpu.memory_space<vmem>>, vector<1x16xf32>,
        %get3A_906 = vector.shape_cast %get3A_905 : vector<1x16xf32> to vector<16xf32>
        %swap3A_907 = arith.index_cast %add3A_902 : i32 to index
        %swap3A_908 = arith.constant 0 : index
        %swap3A_909 = tpu.vector_load %arg15[%swap3A_907, %swap3A_908] {strides = array<i32>} : memref<128x128xf32, #tpu.memory_space<vmem>>, vector<1x16xf32>,
        %swap3A_910 = vector.shape_cast %swap3A_909 : vector<1x16xf32> to vector<16xf32>
        %swap3A_911 = vector.shape_cast %get3A_906 : vector<16xf32> to vector<1x16xf32>
        tpu.vector_store %arg15[%swap3A_907, %swap3A_908], %swap3A_911 {add = true, strides = array<i32>} : memref<128x128xf32, #tpu.memory_space<vmem>>, vector<1x16xf32>,
        %get3A_912 = arith.index_cast %add3A_902 : i32 to index
        %get3A_913 = arith.constant 16 : index
        %get3A_914 = tpu.vector_load %arg11[%get3A_912, %get3A_913] {strides = array<i32>} : memref<128x128xf32, #tpu.memory_space<vmem>>, vector<1x16xf32>,
        %get3A_915 = vector.shape_cast %get3A_914 : vector<1x16xf32> to vector<16xf32>
        %swap3A_916 = arith.index_cast %add3A_902 : i32 to index
        %swap3A_917 = arith.constant 16 : index
        %swap3A_918 = tpu.vector_load %arg15[%swap3A_916, %swap3A_917] {strides = array<i32>} : memref<128x128xf32, #tpu.memory_space<vmem>>, vector<1x16xf32>,
        %swap3A_919 = vector.shape_cast %swap3A_918 : vector<1x16xf32> to vector<16xf32>
        %swap3A_920 = vector.shape_cast %get3A_915 : vector<16xf32> to vector<1x16xf32>
        tpu.vector_store %arg15[%swap3A_916, %swap3A_917], %swap3A_920 {add = true, strides = array<i32>} : memref<128x128xf32, #tpu.memory_space<vmem>>, vector<1x16xf32>,
        %get3A_921 = arith.index_cast %add3A_902 : i32 to index
        %get3A_922 = arith.constant 32 : index
        %get3A_923 = tpu.vector_load %arg11[%get3A_921, %get3A_922] {strides = array<i32>} : memref<128x128xf32, #tpu.memory_space<vmem>>, vector<1x16xf32>,
        %get3A_924 = vector.shape_cast %get3A_923 : vector<1x16xf32> to vector<16xf32>
        %swap3A_925 = arith.index_cast %add3A_902 : i32 to index
        %swap3A_926 = arith.constant 32 : index
        %swap3A_927 = tpu.vector_load %arg15[%swap3A_925, %swap3A_926] {strides = array<i32>} : memref<128x128xf32, #tpu.memory_space<vmem>>, vector<1x16xf32>,
        %swap3A_928 = vector.shape_cast %swap3A_927 : vector<1x16xf32> to vector<16xf32>
        %swap3A_929 = vector.shape_cast %get3A_924 : vector<16xf32> to vector<1x16xf32>
        tpu.vector_store %arg15[%swap3A_925, %swap3A_926], %swap3A_929 {add = true, strides = array<i32>} : memref<128x128xf32, #tpu.memory_space<vmem>>, vector<1x16xf32>,
        %get3A_930 = arith.index_cast %add3A_902 : i32 to index
        %get3A_931 = arith.constant 48 : index
        %get3A_932 = tpu.vector_load %arg11[%get3A_930, %get3A_931] {strides = array<i32>} : memref<128x128xf32, #tpu.memory_space<vmem>>, vector<1x16xf32>,
        %get3A_933 = vector.shape_cast %get3A_932 : vector<1x16xf32> to vector<16xf32>
        %swap3A_934 = arith.index_cast %add3A_902 : i32 to index
        %swap3A_935 = arith.constant 48 : index
        %swap3A_936 = tpu.vector_load %arg15[%swap3A_934, %swap3A_935] {strides = array<i32>} : memref<128x128xf32, #tpu.memory_space<vmem>>, vector<1x16xf32>,
        %swap3A_937 = vector.shape_cast %swap3A_936 : vector<1x16xf32> to vector<16xf32>
        %swap3A_938 = vector.shape_cast %get3A_933 : vector<16xf32> to vector<1x16xf32>
        tpu.vector_store %arg15[%swap3A_934, %swap3A_935], %swap3A_938 {add = true, strides = array<i32>} : memref<128x128xf32, #tpu.memory_space<vmem>>, vector<1x16xf32>,
        %get3A_939 = arith.index_cast %add3A_902 : i32 to index
        %get3A_940 = arith.constant 64 : index
        %get3A_941 = tpu.vector_load %arg13[%get3A_939, %get3A_940] {strides = array<i32>} : memref<128x128xf32, #tpu.memory_space<vmem>>, vector<1x16xf32>,
        %get3A_942 = vector.shape_cast %get3A_941 : vector<1x16xf32> to vector<16xf32>
        %swap3A_943 = arith.index_cast %add3A_902 : i32 to index
        %swap3A_944 = arith.constant 64 : index
        %swap3A_945 = tpu.vector_load %arg15[%swap3A_943, %swap3A_944] {strides = array<i32>} : memref<128x128xf32, #tpu.memory_space<vmem>>, vector<1x16xf32>,
        %swap3A_946 = vector.shape_cast %swap3A_945 : vector<1x16xf32> to vector<16xf32>
        %swap3A_947 = vector.shape_cast %get3A_942 : vector<16xf32> to vector<1x16xf32>
        tpu.vector_store %arg15[%swap3A_943, %swap3A_944], %swap3A_947 {add = true, strides = array<i32>} : memref<128x128xf32, #tpu.memory_space<vmem>>, vector<1x16xf32>,
        %get3A_948 = arith.index_cast %add3A_902 : i32 to index
        %get3A_949 = arith.constant 80 : index
        %get3A_950 = tpu.vector_load %arg13[%get3A_948, %get3A_949] {strides = array<i32>} : memref<128x128xf32, #tpu.memory_space<vmem>>, vector<1x16xf32>,
        %get3A_951 = vector.shape_cast %get3A_950 : vector<1x16xf32> to vector<16xf32>
        %swap3A_952 = arith.index_cast %add3A_902 : i32 to index
        %swap3A_953 = arith.constant 80 : index
        %swap3A_954 = tpu.vector_load %arg15[%swap3A_952, %swap3A_953] {strides = array<i32>} : memref<128x128xf32, #tpu.memory_space<vmem>>, vector<1x16xf32>,
        %swap3A_955 = vector.shape_cast %swap3A_954 : vector<1x16xf32> to vector<16xf32>
        %swap3A_956 = vector.shape_cast %get3A_951 : vector<16xf32> to vector<1x16xf32>
        tpu.vector_store %arg15[%swap3A_952, %swap3A_953], %swap3A_956 {add = true, strides = array<i32>} : memref<128x128xf32, #tpu.memory_space<vmem>>, vector<1x16xf32>,
        %get3A_957 = arith.index_cast %add3A_902 : i32 to index
        %get3A_958 = arith.constant 96 : index
        %get3A_959 = tpu.vector_load %arg13[%get3A_957, %get3A_958] {strides = array<i32>} : memref<128x128xf32, #tpu.memory_space<vmem>>, vector<1x16xf32>,
        %get3A_960 = vector.shape_cast %get3A_959 : vector<1x16xf32> to vector<16xf32>
        %swap3A_961 = arith.index_cast %add3A_902 : i32 to index
        %swap3A_962 = arith.constant 96 : index
        %swap3A_963 = tpu.vector_load %arg15[%swap3A_961, %swap3A_962] {strides = array<i32>} : memref<128x128xf32, #tpu.memory_space<vmem>>, vector<1x16xf32>,
        %swap3A_964 = vector.shape_cast %swap3A_963 : vector<1x16xf32> to vector<16xf32>
        %swap3A_965 = vector.shape_cast %get3A_960 : vector<16xf32> to vector<1x16xf32>
        tpu.vector_store %arg15[%swap3A_961, %swap3A_962], %swap3A_965 {add = true, strides = array<i32>} : memref<128x128xf32, #tpu.memory_space<vmem>>, vector<1x16xf32>,
        %get3A_966 = arith.index_cast %add3A_902 : i32 to index
        %get3A_967 = arith.constant 112 : index
        %get3A_968 = tpu.vector_load %arg13[%get3A_966, %get3A_967] {strides = array<i32>} : memref<128x128xf32, #tpu.memory_space<vmem>>, vector<1x16xf32>,
        %get3A_969 = vector.shape_cast %get3A_968 : vector<1x16xf32> to vector<16xf32>
        %swap3A_970 = arith.index_cast %add3A_902 : i32 to index
        %swap3A_971 = arith.constant 112 : index
        %swap3A_972 = tpu.vector_load %arg15[%swap3A_970, %swap3A_971] {strides = array<i32>} : memref<128x128xf32, #tpu.memory_space<vmem>>, vector<1x16xf32>,
        %swap3A_973 = vector.shape_cast %swap3A_972 : vector<1x16xf32> to vector<16xf32>
        %swap3A_974 = vector.shape_cast %get3A_969 : vector<16xf32> to vector<1x16xf32>
        tpu.vector_store %arg15[%swap3A_970, %swap3A_971], %swap3A_974 {add = true, strides = array<i32>} : memref<128x128xf32, #tpu.memory_space<vmem>>, vector<1x16xf32>,
        %scan3A_975 = arith.constant 5 : i32
        %scan3A_976 = arith.addi %scan3A_588, %scan3A_975 : i32
        %mul3A_977 = arith.constant 1 : i32
        %mul3A_978 = arith.muli %scan3A_976, %mul3A_977 : i32
        %add3A_979 = arith.constant 64 : i32
        %add3A_980 = arith.addi %add3A_979, %mul3A_978 : i32
        %get3A_981 = arith.index_cast %add3A_980 : i32 to index
        %get3A_982 = arith.constant 0 : index
        %get3A_983 = tpu.vector_load %arg11[%get3A_981, %get3A_982] {strides = array<i32>} : memref<128x128xf32, #tpu.memory_space<vmem>>, vector<1x16xf32>,
        %get3A_984 = vector.shape_cast %get3A_983 : vector<1x16xf32> to vector<16xf32>
        %swap3A_985 = arith.index_cast %add3A_980 : i32 to index
        %swap3A_986 = arith.constant 0 : index
        %swap3A_987 = tpu.vector_load %arg15[%swap3A_985, %swap3A_986] {strides = array<i32>} : memref<128x128xf32, #tpu.memory_space<vmem>>, vector<1x16xf32>,
        %swap3A_988 = vector.shape_cast %swap3A_987 : vector<1x16xf32> to vector<16xf32>
        %swap3A_989 = vector.shape_cast %get3A_984 : vector<16xf32> to vector<1x16xf32>
        tpu.vector_store %arg15[%swap3A_985, %swap3A_986], %swap3A_989 {add = true, strides = array<i32>} : memref<128x128xf32, #tpu.memory_space<vmem>>, vector<1x16xf32>,
        %get3A_990 = arith.index_cast %add3A_980 : i32 to index
        %get3A_991 = arith.constant 16 : index
        %get3A_992 = tpu.vector_load %arg11[%get3A_990, %get3A_991] {strides = array<i32>} : memref<128x128xf32, #tpu.memory_space<vmem>>, vector<1x16xf32>,
        %get3A_993 = vector.shape_cast %get3A_992 : vector<1x16xf32> to vector<16xf32>
        %swap3A_994 = arith.index_cast %add3A_980 : i32 to index
        %swap3A_995 = arith.constant 16 : index
        %swap3A_996 = tpu.vector_load %arg15[%swap3A_994, %swap3A_995] {strides = array<i32>} : memref<128x128xf32, #tpu.memory_space<vmem>>, vector<1x16xf32>,
        %swap3A_997 = vector.shape_cast %swap3A_996 : vector<1x16xf32> to vector<16xf32>
        %swap3A_998 = vector.shape_cast %get3A_993 : vector<16xf32> to vector<1x16xf32>
        tpu.vector_store %arg15[%swap3A_994, %swap3A_995], %swap3A_998 {add = true, strides = array<i32>} : memref<128x128xf32, #tpu.memory_space<vmem>>, vector<1x16xf32>,
        %get3A_999 = arith.index_cast %add3A_980 : i32 to index
        %get3A_1000 = arith.constant 32 : index
        %get3A_1001 = tpu.vector_load %arg11[%get3A_999, %get3A_1000] {strides = array<i32>} : memref<128x128xf32, #tpu.memory_space<vmem>>, vector<1x16xf32>,
        %get3A_1002 = vector.shape_cast %get3A_1001 : vector<1x16xf32> to vector<16xf32>
        %swap3A_1003 = arith.index_cast %add3A_980 : i32 to index
        %swap3A_1004 = arith.constant 32 : index
        %swap3A_1005 = tpu.vector_load %arg15[%swap3A_1003, %swap3A_1004] {strides = array<i32>} : memref<128x128xf32, #tpu.memory_space<vmem>>, vector<1x16xf32>,
        %swap3A_1006 = vector.shape_cast %swap3A_1005 : vector<1x16xf32> to vector<16xf32>
        %swap3A_1007 = vector.shape_cast %get3A_1002 : vector<16xf32> to vector<1x16xf32>
        tpu.vector_store %arg15[%swap3A_1003, %swap3A_1004], %swap3A_1007 {add = true, strides = array<i32>} : memref<128x128xf32, #tpu.memory_space<vmem>>, vector<1x16xf32>,
        %get3A_1008 = arith.index_cast %add3A_980 : i32 to index
        %get3A_1009 = arith.constant 48 : index
        %get3A_1010 = tpu.vector_load %arg11[%get3A_1008, %get3A_1009] {strides = array<i32>} : memref<128x128xf32, #tpu.memory_space<vmem>>, vector<1x16xf32>,
        %get3A_1011 = vector.shape_cast %get3A_1010 : vector<1x16xf32> to vector<16xf32>
        %swap3A_1012 = arith.index_cast %add3A_980 : i32 to index
        %swap3A_1013 = arith.constant 48 : index
        %swap3A_1014 = tpu.vector_load %arg15[%swap3A_1012, %swap3A_1013] {strides = array<i32>} : memref<128x128xf32, #tpu.memory_space<vmem>>, vector<1x16xf32>,
        %swap3A_1015 = vector.shape_cast %swap3A_1014 : vector<1x16xf32> to vector<16xf32>
        %swap3A_1016 = vector.shape_cast %get3A_1011 : vector<16xf32> to vector<1x16xf32>
        tpu.vector_store %arg15[%swap3A_1012, %swap3A_1013], %swap3A_1016 {add = true, strides = array<i32>} : memref<128x128xf32, #tpu.memory_space<vmem>>, vector<1x16xf32>,
        %get3A_1017 = arith.index_cast %add3A_980 : i32 to index
        %get3A_1018 = arith.constant 64 : index
        %get3A_1019 = tpu.vector_load %arg13[%get3A_1017, %get3A_1018] {strides = array<i32>} : memref<128x128xf32, #tpu.memory_space<vmem>>, vector<1x16xf32>,
        %get3A_1020 = vector.shape_cast %get3A_1019 : vector<1x16xf32> to vector<16xf32>
        %swap3A_1021 = arith.index_cast %add3A_980 : i32 to index
        %swap3A_1022 = arith.constant 64 : index
        %swap3A_1023 = tpu.vector_load %arg15[%swap3A_1021, %swap3A_1022] {strides = array<i32>} : memref<128x128xf32, #tpu.memory_space<vmem>>, vector<1x16xf32>,
        %swap3A_1024 = vector.shape_cast %swap3A_1023 : vector<1x16xf32> to vector<16xf32>
        %swap3A_1025 = vector.shape_cast %get3A_1020 : vector<16xf32> to vector<1x16xf32>
        tpu.vector_store %arg15[%swap3A_1021, %swap3A_1022], %swap3A_1025 {add = true, strides = array<i32>} : memref<128x128xf32, #tpu.memory_space<vmem>>, vector<1x16xf32>,
        %get3A_1026 = arith.index_cast %add3A_980 : i32 to index
        %get3A_1027 = arith.constant 80 : index
        %get3A_1028 = tpu.vector_load %arg13[%get3A_1026, %get3A_1027] {strides = array<i32>} : memref<128x128xf32, #tpu.memory_space<vmem>>, vector<1x16xf32>,
        %get3A_1029 = vector.shape_cast %get3A_1028 : vector<1x16xf32> to vector<16xf32>
        %swap3A_1030 = arith.index_cast %add3A_980 : i32 to index
        %swap3A_1031 = arith.constant 80 : index
        %swap3A_1032 = tpu.vector_load %arg15[%swap3A_1030, %swap3A_1031] {strides = array<i32>} : memref<128x128xf32, #tpu.memory_space<vmem>>, vector<1x16xf32>,
        %swap3A_1033 = vector.shape_cast %swap3A_1032 : vector<1x16xf32> to vector<16xf32>
        %swap3A_1034 = vector.shape_cast %get3A_1029 : vector<16xf32> to vector<1x16xf32>
        tpu.vector_store %arg15[%swap3A_1030, %swap3A_1031], %swap3A_1034 {add = true, strides = array<i32>} : memref<128x128xf32, #tpu.memory_space<vmem>>, vector<1x16xf32>,
        %get3A_1035 = arith.index_cast %add3A_980 : i32 to index
        %get3A_1036 = arith.constant 96 : index
        %get3A_1037 = tpu.vector_load %arg13[%get3A_1035, %get3A_1036] {strides = array<i32>} : memref<128x128xf32, #tpu.memory_space<vmem>>, vector<1x16xf32>,
        %get3A_1038 = vector.shape_cast %get3A_1037 : vector<1x16xf32> to vector<16xf32>
        %swap3A_1039 = arith.index_cast %add3A_980 : i32 to index
        %swap3A_1040 = arith.constant 96 : index
        %swap3A_1041 = tpu.vector_load %arg15[%swap3A_1039, %swap3A_1040] {strides = array<i32>} : memref<128x128xf32, #tpu.memory_space<vmem>>, vector<1x16xf32>,
        %swap3A_1042 = vector.shape_cast %swap3A_1041 : vector<1x16xf32> to vector<16xf32>
        %swap3A_1043 = vector.shape_cast %get3A_1038 : vector<16xf32> to vector<1x16xf32>
        tpu.vector_store %arg15[%swap3A_1039, %swap3A_1040], %swap3A_1043 {add = true, strides = array<i32>} : memref<128x128xf32, #tpu.memory_space<vmem>>, vector<1x16xf32>,
        %get3A_1044 = arith.index_cast %add3A_980 : i32 to index
        %get3A_1045 = arith.constant 112 : index
        %get3A_1046 = tpu.vector_load %arg13[%get3A_1044, %get3A_1045] {strides = array<i32>} : memref<128x128xf32, #tpu.memory_space<vmem>>, vector<1x16xf32>,
        %get3A_1047 = vector.shape_cast %get3A_1046 : vector<1x16xf32> to vector<16xf32>
        %swap3A_1048 = arith.index_cast %add3A_980 : i32 to index
        %swap3A_1049 = arith.constant 112 : index
        %swap3A_1050 = tpu.vector_load %arg15[%swap3A_1048, %swap3A_1049] {strides = array<i32>} : memref<128x128xf32, #tpu.memory_space<vmem>>, vector<1x16xf32>,
        %swap3A_1051 = vector.shape_cast %swap3A_1050 : vector<1x16xf32> to vector<16xf32>
        %swap3A_1052 = vector.shape_cast %get3A_1047 : vector<16xf32> to vector<1x16xf32>
        tpu.vector_store %arg15[%swap3A_1048, %swap3A_1049], %swap3A_1052 {add = true, strides = array<i32>} : memref<128x128xf32, #tpu.memory_space<vmem>>, vector<1x16xf32>,
        %scan3A_1053 = arith.constant 6 : i32
        %scan3A_1054 = arith.addi %scan3A_588, %scan3A_1053 : i32
        %mul3A_1055 = arith.constant 1 : i32
        %mul3A_1056 = arith.muli %scan3A_1054, %mul3A_1055 : i32
        %add3A_1057 = arith.constant 64 : i32
        %add3A_1058 = arith.addi %add3A_1057, %mul3A_1056 : i32
        %get3A_1059 = arith.index_cast %add3A_1058 : i32 to index
        %get3A_1060 = arith.constant 0 : index
        %get3A_1061 = tpu.vector_load %arg11[%get3A_1059, %get3A_1060] {strides = array<i32>} : memref<128x128xf32, #tpu.memory_space<vmem>>, vector<1x16xf32>,
        %get3A_1062 = vector.shape_cast %get3A_1061 : vector<1x16xf32> to vector<16xf32>
        %swap3A_1063 = arith.index_cast %add3A_1058 : i32 to index
        %swap3A_1064 = arith.constant 0 : index
        %swap3A_1065 = tpu.vector_load %arg15[%swap3A_1063, %swap3A_1064] {strides = array<i32>} : memref<128x128xf32, #tpu.memory_space<vmem>>, vector<1x16xf32>,
        %swap3A_1066 = vector.shape_cast %swap3A_1065 : vector<1x16xf32> to vector<16xf32>
        %swap3A_1067 = vector.shape_cast %get3A_1062 : vector<16xf32> to vector<1x16xf32>
        tpu.vector_store %arg15[%swap3A_1063, %swap3A_1064], %swap3A_1067 {add = true, strides = array<i32>} : memref<128x128xf32, #tpu.memory_space<vmem>>, vector<1x16xf32>,
        %get3A_1068 = arith.index_cast %add3A_1058 : i32 to index
        %get3A_1069 = arith.constant 16 : index
        %get3A_1070 = tpu.vector_load %arg11[%get3A_1068, %get3A_1069] {strides = array<i32>} : memref<128x128xf32, #tpu.memory_space<vmem>>, vector<1x16xf32>,
        %get3A_1071 = vector.shape_cast %get3A_1070 : vector<1x16xf32> to vector<16xf32>
        %swap3A_1072 = arith.index_cast %add3A_1058 : i32 to index
        %swap3A_1073 = arith.constant 16 : index
        %swap3A_1074 = tpu.vector_load %arg15[%swap3A_1072, %swap3A_1073] {strides = array<i32>} : memref<128x128xf32, #tpu.memory_space<vmem>>, vector<1x16xf32>,
        %swap3A_1075 = vector.shape_cast %swap3A_1074 : vector<1x16xf32> to vector<16xf32>
        %swap3A_1076 = vector.shape_cast %get3A_1071 : vector<16xf32> to vector<1x16xf32>
        tpu.vector_store %arg15[%swap3A_1072, %swap3A_1073], %swap3A_1076 {add = true, strides = array<i32>} : memref<128x128xf32, #tpu.memory_space<vmem>>, vector<1x16xf32>,
        %get3A_1077 = arith.index_cast %add3A_1058 : i32 to index
        %get3A_1078 = arith.constant 32 : index
        %get3A_1079 = tpu.vector_load %arg11[%get3A_1077, %get3A_1078] {strides = array<i32>} : memref<128x128xf32, #tpu.memory_space<vmem>>, vector<1x16xf32>,
        %get3A_1080 = vector.shape_cast %get3A_1079 : vector<1x16xf32> to vector<16xf32>
        %swap3A_1081 = arith.index_cast %add3A_1058 : i32 to index
        %swap3A_1082 = arith.constant 32 : index
        %swap3A_1083 = tpu.vector_load %arg15[%swap3A_1081, %swap3A_1082] {strides = array<i32>} : memref<128x128xf32, #tpu.memory_space<vmem>>, vector<1x16xf32>,
        %swap3A_1084 = vector.shape_cast %swap3A_1083 : vector<1x16xf32> to vector<16xf32>
        %swap3A_1085 = vector.shape_cast %get3A_1080 : vector<16xf32> to vector<1x16xf32>
        tpu.vector_store %arg15[%swap3A_1081, %swap3A_1082], %swap3A_1085 {add = true, strides = array<i32>} : memref<128x128xf32, #tpu.memory_space<vmem>>, vector<1x16xf32>,
        %get3A_1086 = arith.index_cast %add3A_1058 : i32 to index
        %get3A_1087 = arith.constant 48 : index
        %get3A_1088 = tpu.vector_load %arg11[%get3A_1086, %get3A_1087] {strides = array<i32>} : memref<128x128xf32, #tpu.memory_space<vmem>>, vector<1x16xf32>,
        %get3A_1089 = vector.shape_cast %get3A_1088 : vector<1x16xf32> to vector<16xf32>
        %swap3A_1090 = arith.index_cast %add3A_1058 : i32 to index
        %swap3A_1091 = arith.constant 48 : index
        %swap3A_1092 = tpu.vector_load %arg15[%swap3A_1090, %swap3A_1091] {strides = array<i32>} : memref<128x128xf32, #tpu.memory_space<vmem>>, vector<1x16xf32>,
        %swap3A_1093 = vector.shape_cast %swap3A_1092 : vector<1x16xf32> to vector<16xf32>
        %swap3A_1094 = vector.shape_cast %get3A_1089 : vector<16xf32> to vector<1x16xf32>
        tpu.vector_store %arg15[%swap3A_1090, %swap3A_1091], %swap3A_1094 {add = true, strides = array<i32>} : memref<128x128xf32, #tpu.memory_space<vmem>>, vector<1x16xf32>,
        %get3A_1095 = arith.index_cast %add3A_1058 : i32 to index
        %get3A_1096 = arith.constant 64 : index
        %get3A_1097 = tpu.vector_load %arg13[%get3A_1095, %get3A_1096] {strides = array<i32>} : memref<128x128xf32, #tpu.memory_space<vmem>>, vector<1x16xf32>,
        %get3A_1098 = vector.shape_cast %get3A_1097 : vector<1x16xf32> to vector<16xf32>
        %swap3A_1099 = arith.index_cast %add3A_1058 : i32 to index
        %swap3A_1100 = arith.constant 64 : index
        %swap3A_1101 = tpu.vector_load %arg15[%swap3A_1099, %swap3A_1100] {strides = array<i32>} : memref<128x128xf32, #tpu.memory_space<vmem>>, vector<1x16xf32>,
        %swap3A_1102 = vector.shape_cast %swap3A_1101 : vector<1x16xf32> to vector<16xf32>
        %swap3A_1103 = vector.shape_cast %get3A_1098 : vector<16xf32> to vector<1x16xf32>
        tpu.vector_store %arg15[%swap3A_1099, %swap3A_1100], %swap3A_1103 {add = true, strides = array<i32>} : memref<128x128xf32, #tpu.memory_space<vmem>>, vector<1x16xf32>,
        %get3A_1104 = arith.index_cast %add3A_1058 : i32 to index
        %get3A_1105 = arith.constant 80 : index
        %get3A_1106 = tpu.vector_load %arg13[%get3A_1104, %get3A_1105] {strides = array<i32>} : memref<128x128xf32, #tpu.memory_space<vmem>>, vector<1x16xf32>,
        %get3A_1107 = vector.shape_cast %get3A_1106 : vector<1x16xf32> to vector<16xf32>
        %swap3A_1108 = arith.index_cast %add3A_1058 : i32 to index
        %swap3A_1109 = arith.constant 80 : index
        %swap3A_1110 = tpu.vector_load %arg15[%swap3A_1108, %swap3A_1109] {strides = array<i32>} : memref<128x128xf32, #tpu.memory_space<vmem>>, vector<1x16xf32>,
        %swap3A_1111 = vector.shape_cast %swap3A_1110 : vector<1x16xf32> to vector<16xf32>
        %swap3A_1112 = vector.shape_cast %get3A_1107 : vector<16xf32> to vector<1x16xf32>
        tpu.vector_store %arg15[%swap3A_1108, %swap3A_1109], %swap3A_1112 {add = true, strides = array<i32>} : memref<128x128xf32, #tpu.memory_space<vmem>>, vector<1x16xf32>,
        %get3A_1113 = arith.index_cast %add3A_1058 : i32 to index
        %get3A_1114 = arith.constant 96 : index
        %get3A_1115 = tpu.vector_load %arg13[%get3A_1113, %get3A_1114] {strides = array<i32>} : memref<128x128xf32, #tpu.memory_space<vmem>>, vector<1x16xf32>,
        %get3A_1116 = vector.shape_cast %get3A_1115 : vector<1x16xf32> to vector<16xf32>
        %swap3A_1117 = arith.index_cast %add3A_1058 : i32 to index
        %swap3A_1118 = arith.constant 96 : index
        %swap3A_1119 = tpu.vector_load %arg15[%swap3A_1117, %swap3A_1118] {strides = array<i32>} : memref<128x128xf32, #tpu.memory_space<vmem>>, vector<1x16xf32>,
        %swap3A_1120 = vector.shape_cast %swap3A_1119 : vector<1x16xf32> to vector<16xf32>
        %swap3A_1121 = vector.shape_cast %get3A_1116 : vector<16xf32> to vector<1x16xf32>
        tpu.vector_store %arg15[%swap3A_1117, %swap3A_1118], %swap3A_1121 {add = true, strides = array<i32>} : memref<128x128xf32, #tpu.memory_space<vmem>>, vector<1x16xf32>,
        %get3A_1122 = arith.index_cast %add3A_1058 : i32 to index
        %get3A_1123 = arith.constant 112 : index
        %get3A_1124 = tpu.vector_load %arg13[%get3A_1122, %get3A_1123] {strides = array<i32>} : memref<128x128xf32, #tpu.memory_space<vmem>>, vector<1x16xf32>,
        %get3A_1125 = vector.shape_cast %get3A_1124 : vector<1x16xf32> to vector<16xf32>
        %swap3A_1126 = arith.index_cast %add3A_1058 : i32 to index
        %swap3A_1127 = arith.constant 112 : index
        %swap3A_1128 = tpu.vector_load %arg15[%swap3A_1126, %swap3A_1127] {strides = array<i32>} : memref<128x128xf32, #tpu.memory_space<vmem>>, vector<1x16xf32>,
        %swap3A_1129 = vector.shape_cast %swap3A_1128 : vector<1x16xf32> to vector<16xf32>
        %swap3A_1130 = vector.shape_cast %get3A_1125 : vector<16xf32> to vector<1x16xf32>
        tpu.vector_store %arg15[%swap3A_1126, %swap3A_1127], %swap3A_1130 {add = true, strides = array<i32>} : memref<128x128xf32, #tpu.memory_space<vmem>>, vector<1x16xf32>,
        %scan3A_1131 = arith.constant 7 : i32
        %scan3A_1132 = arith.addi %scan3A_588, %scan3A_1131 : i32
        %mul3A_1133 = arith.constant 1 : i32
        %mul3A_1134 = arith.muli %scan3A_1132, %mul3A_1133 : i32
        %add3A_1135 = arith.constant 64 : i32
        %add3A_1136 = arith.addi %add3A_1135, %mul3A_1134 : i32
        %get3A_1137 = arith.index_cast %add3A_1136 : i32 to index
        %get3A_1138 = arith.constant 0 : index
        %get3A_1139 = tpu.vector_load %arg11[%get3A_1137, %get3A_1138] {strides = array<i32>} : memref<128x128xf32, #tpu.memory_space<vmem>>, vector<1x16xf32>,
        %get3A_1140 = vector.shape_cast %get3A_1139 : vector<1x16xf32> to vector<16xf32>
        %swap3A_1141 = arith.index_cast %add3A_1136 : i32 to index
        %swap3A_1142 = arith.constant 0 : index
        %swap3A_1143 = tpu.vector_load %arg15[%swap3A_1141, %swap3A_1142] {strides = array<i32>} : memref<128x128xf32, #tpu.memory_space<vmem>>, vector<1x16xf32>,
        %swap3A_1144 = vector.shape_cast %swap3A_1143 : vector<1x16xf32> to vector<16xf32>
        %swap3A_1145 = vector.shape_cast %get3A_1140 : vector<16xf32> to vector<1x16xf32>
        tpu.vector_store %arg15[%swap3A_1141, %swap3A_1142], %swap3A_1145 {add = true, strides = array<i32>} : memref<128x128xf32, #tpu.memory_space<vmem>>, vector<1x16xf32>,
        %get3A_1146 = arith.index_cast %add3A_1136 : i32 to index
        %get3A_1147 = arith.constant 16 : index
        %get3A_1148 = tpu.vector_load %arg11[%get3A_1146, %get3A_1147] {strides = array<i32>} : memref<128x128xf32, #tpu.memory_space<vmem>>, vector<1x16xf32>,
        %get3A_1149 = vector.shape_cast %get3A_1148 : vector<1x16xf32> to vector<16xf32>
        %swap3A_1150 = arith.index_cast %add3A_1136 : i32 to index
        %swap3A_1151 = arith.constant 16 : index
        %swap3A_1152 = tpu.vector_load %arg15[%swap3A_1150, %swap3A_1151] {strides = array<i32>} : memref<128x128xf32, #tpu.memory_space<vmem>>, vector<1x16xf32>,
        %swap3A_1153 = vector.shape_cast %swap3A_1152 : vector<1x16xf32> to vector<16xf32>
        %swap3A_1154 = vector.shape_cast %get3A_1149 : vector<16xf32> to vector<1x16xf32>
        tpu.vector_store %arg15[%swap3A_1150, %swap3A_1151], %swap3A_1154 {add = true, strides = array<i32>} : memref<128x128xf32, #tpu.memory_space<vmem>>, vector<1x16xf32>,
        %get3A_1155 = arith.index_cast %add3A_1136 : i32 to index
        %get3A_1156 = arith.constant 32 : index
        %get3A_1157 = tpu.vector_load %arg11[%get3A_1155, %get3A_1156] {strides = array<i32>} : memref<128x128xf32, #tpu.memory_space<vmem>>, vector<1x16xf32>,
        %get3A_1158 = vector.shape_cast %get3A_1157 : vector<1x16xf32> to vector<16xf32>
        %swap3A_1159 = arith.index_cast %add3A_1136 : i32 to index
        %swap3A_1160 = arith.constant 32 : index
        %swap3A_1161 = tpu.vector_load %arg15[%swap3A_1159, %swap3A_1160] {strides = array<i32>} : memref<128x128xf32, #tpu.memory_space<vmem>>, vector<1x16xf32>,
        %swap3A_1162 = vector.shape_cast %swap3A_1161 : vector<1x16xf32> to vector<16xf32>
        %swap3A_1163 = vector.shape_cast %get3A_1158 : vector<16xf32> to vector<1x16xf32>
        tpu.vector_store %arg15[%swap3A_1159, %swap3A_1160], %swap3A_1163 {add = true, strides = array<i32>} : memref<128x128xf32, #tpu.memory_space<vmem>>, vector<1x16xf32>,
        %get3A_1164 = arith.index_cast %add3A_1136 : i32 to index
        %get3A_1165 = arith.constant 48 : index
        %get3A_1166 = tpu.vector_load %arg11[%get3A_1164, %get3A_1165] {strides = array<i32>} : memref<128x128xf32, #tpu.memory_space<vmem>>, vector<1x16xf32>,
        %get3A_1167 = vector.shape_cast %get3A_1166 : vector<1x16xf32> to vector<16xf32>
        %swap3A_1168 = arith.index_cast %add3A_1136 : i32 to index
        %swap3A_1169 = arith.constant 48 : index
        %swap3A_1170 = tpu.vector_load %arg15[%swap3A_1168, %swap3A_1169] {strides = array<i32>} : memref<128x128xf32, #tpu.memory_space<vmem>>, vector<1x16xf32>,
        %swap3A_1171 = vector.shape_cast %swap3A_1170 : vector<1x16xf32> to vector<16xf32>
        %swap3A_1172 = vector.shape_cast %get3A_1167 : vector<16xf32> to vector<1x16xf32>
        tpu.vector_store %arg15[%swap3A_1168, %swap3A_1169], %swap3A_1172 {add = true, strides = array<i32>} : memref<128x128xf32, #tpu.memory_space<vmem>>, vector<1x16xf32>,
        %get3A_1173 = arith.index_cast %add3A_1136 : i32 to index
        %get3A_1174 = arith.constant 64 : index
        %get3A_1175 = tpu.vector_load %arg13[%get3A_1173, %get3A_1174] {strides = array<i32>} : memref<128x128xf32, #tpu.memory_space<vmem>>, vector<1x16xf32>,
        %get3A_1176 = vector.shape_cast %get3A_1175 : vector<1x16xf32> to vector<16xf32>
        %swap3A_1177 = arith.index_cast %add3A_1136 : i32 to index
        %swap3A_1178 = arith.constant 64 : index
        %swap3A_1179 = tpu.vector_load %arg15[%swap3A_1177, %swap3A_1178] {strides = array<i32>} : memref<128x128xf32, #tpu.memory_space<vmem>>, vector<1x16xf32>,
        %swap3A_1180 = vector.shape_cast %swap3A_1179 : vector<1x16xf32> to vector<16xf32>
        %swap3A_1181 = vector.shape_cast %get3A_1176 : vector<16xf32> to vector<1x16xf32>
        tpu.vector_store %arg15[%swap3A_1177, %swap3A_1178], %swap3A_1181 {add = true, strides = array<i32>} : memref<128x128xf32, #tpu.memory_space<vmem>>, vector<1x16xf32>,
        %get3A_1182 = arith.index_cast %add3A_1136 : i32 to index
        %get3A_1183 = arith.constant 80 : index
        %get3A_1184 = tpu.vector_load %arg13[%get3A_1182, %get3A_1183] {strides = array<i32>} : memref<128x128xf32, #tpu.memory_space<vmem>>, vector<1x16xf32>,
        %get3A_1185 = vector.shape_cast %get3A_1184 : vector<1x16xf32> to vector<16xf32>
        %swap3A_1186 = arith.index_cast %add3A_1136 : i32 to index
        %swap3A_1187 = arith.constant 80 : index
        %swap3A_1188 = tpu.vector_load %arg15[%swap3A_1186, %swap3A_1187] {strides = array<i32>} : memref<128x128xf32, #tpu.memory_space<vmem>>, vector<1x16xf32>,
        %swap3A_1189 = vector.shape_cast %swap3A_1188 : vector<1x16xf32> to vector<16xf32>
        %swap3A_1190 = vector.shape_cast %get3A_1185 : vector<16xf32> to vector<1x16xf32>
        tpu.vector_store %arg15[%swap3A_1186, %swap3A_1187], %swap3A_1190 {add = true, strides = array<i32>} : memref<128x128xf32, #tpu.memory_space<vmem>>, vector<1x16xf32>,
        %get3A_1191 = arith.index_cast %add3A_1136 : i32 to index
        %get3A_1192 = arith.constant 96 : index
        %get3A_1193 = tpu.vector_load %arg13[%get3A_1191, %get3A_1192] {strides = array<i32>} : memref<128x128xf32, #tpu.memory_space<vmem>>, vector<1x16xf32>,
        %get3A_1194 = vector.shape_cast %get3A_1193 : vector<1x16xf32> to vector<16xf32>
        %swap3A_1195 = arith.index_cast %add3A_1136 : i32 to index
        %swap3A_1196 = arith.constant 96 : index
        %swap3A_1197 = tpu.vector_load %arg15[%swap3A_1195, %swap3A_1196] {strides = array<i32>} : memref<128x128xf32, #tpu.memory_space<vmem>>, vector<1x16xf32>,
        %swap3A_1198 = vector.shape_cast %swap3A_1197 : vector<1x16xf32> to vector<16xf32>
        %swap3A_1199 = vector.shape_cast %get3A_1194 : vector<16xf32> to vector<1x16xf32>
        tpu.vector_store %arg15[%swap3A_1195, %swap3A_1196], %swap3A_1199 {add = true, strides = array<i32>} : memref<128x128xf32, #tpu.memory_space<vmem>>, vector<1x16xf32>,
        %get3A_1200 = arith.index_cast %add3A_1136 : i32 to index
        %get3A_1201 = arith.constant 112 : index
        %get3A_1202 = tpu.vector_load %arg13[%get3A_1200, %get3A_1201] {strides = array<i32>} : memref<128x128xf32, #tpu.memory_space<vmem>>, vector<1x16xf32>,
        %get3A_1203 = vector.shape_cast %get3A_1202 : vector<1x16xf32> to vector<16xf32>
        %swap3A_1204 = arith.index_cast %add3A_1136 : i32 to index
        %swap3A_1205 = arith.constant 112 : index
        %swap3A_1206 = tpu.vector_load %arg15[%swap3A_1204, %swap3A_1205] {strides = array<i32>} : memref<128x128xf32, #tpu.memory_space<vmem>>, vector<1x16xf32>,
        %swap3A_1207 = vector.shape_cast %swap3A_1206 : vector<1x16xf32> to vector<16xf32>
        %swap3A_1208 = vector.shape_cast %get3A_1203 : vector<16xf32> to vector<1x16xf32>
        tpu.vector_store %arg15[%swap3A_1204, %swap3A_1205], %swap3A_1208 {add = true, strides = array<i32>} : memref<128x128xf32, #tpu.memory_space<vmem>>, vector<1x16xf32>,
      }
      %scan3A_540 = arith.constant 64 : i32
      %add3A_541 = arith.addi %mul3A_2, %add3A_406 : i32
      %jit3A_542 = arith.constant 32 : i32
      %div3A_543 = arith.divsi %add3A_541, %jit3A_542 : i32
      %sign3A_544 = arith.constant 0 : i32
      %sign3A_545 = arith.cmpi sgt, %add3A_541, %sign3A_544 : i32
      %sign3A_546 = arith.extui %sign3A_545 : i1 to i32
      %sign3A_547 = arith.constant 0 : i32
      %sign3A_548 = arith.cmpi slt, %add3A_541, %sign3A_547 : i32
      %sign3A_549 = arith.extui %sign3A_548 : i1 to i32
      %sign3A_550 = arith.subi %sign3A_546, %sign3A_549 : i32
      %sign3A_551 = arith.constant 0 : i32
      %sign3A_552 = arith.cmpi sgt, %jit3A_542, %sign3A_551 : i32
      %sign3A_553 = arith.extui %sign3A_552 : i1 to i32
      %sign3A_554 = arith.constant 0 : i32
      %sign3A_555 = arith.cmpi slt, %jit3A_542, %sign3A_554 : i32
      %sign3A_556 = arith.extui %sign3A_555 : i1 to i32
      %sign3A_557 = arith.subi %sign3A_553, %sign3A_556 : i32
      %ne3A_558 = arith.cmpi ne, %sign3A_550, %sign3A_557 : i32
      %rem3A_559 = arith.remsi %add3A_541, %jit3A_542 : i32
      %ne3A_560 = arith.constant 0 : i32
      %ne3A_561 = arith.cmpi ne, %rem3A_559, %ne3A_560 : i32
      %and3A_562 = arith.andi %ne3A_558, %ne3A_561 : i1
      %sub3A_563 = arith.constant 1 : i32
      %sub3A_564 = arith.subi %div3A_543, %sub3A_563 : i32
      %select_n3A_565 = arith.select %and3A_562, %sub3A_564, %div3A_543 : i32
      %mul3A_566 = arith.constant 32 : i32
      %mul3A_567 = arith.muli %select_n3A_565, %mul3A_566 : i32
      %sub3A_568 = arith.subi %add3A_541, %mul3A_567 : i32
      %mul3A_569 = arith.constant 128 : i32
      %mul3A_570 = arith.muli %sub3A_568, %mul3A_569 : i32
      %add3A_571 = arith.constant 64 : i32
      %add3A_572 = arith.addi %mul3A_570, %add3A_571 : i32
      %dma_start3A_573 = arith.constant 1 : i32
      %dma_start3A_574 = arith.constant 64 : i32
      %dma_start3A_575 = arith.constant 0 : i32
      %dma_start3A_576 = tpu.memref_slice %arg15[%dma_start3A_574, %dma_start3A_575] : memref<128x128xf32, #tpu.memory_space<vmem>> -> memref<64x128xf32, #tpu.memory_space<vmem>>
      %dma_start3A_577 = arith.constant 0 : i32
      %dma_start3A_578 = tpu.memref_slice %arg5[%add3A_572, %select_n3A_565, %dma_start3A_577] : memref<4096x200x128xf32, #tpu.memory_space<hbm>> -> memref<64x1x128xf32, #tpu.memory_space<hbm>>
      %dma_start3A_579 = tpu.memref_squeeze %dma_start3A_578 : memref<64x1x128xf32, #tpu.memory_space<hbm>> -> memref<64x128xf32, #tpu.memory_space<hbm>>
      %dma_start3A_580 = tpu.memref_slice %arg21[%dma_start3A_573] : memref<2x!tpu.dma_semaphore, #tpu.memory_space<semaphore_mem>> -> memref<1x!tpu.dma_semaphore, #tpu.memory_space<semaphore_mem>>
      %dma_start3A_581 = tpu.memref_squeeze %dma_start3A_580 : memref<1x!tpu.dma_semaphore, #tpu.memory_space<semaphore_mem>> -> memref<!tpu.dma_semaphore, #tpu.memory_space<semaphore_mem>>
      %dma_start3A_582 = arith.constant 0 : i32
      %dma_start3A_583 = tpu.memref_slice %arg5[%add3A_572, %select_n3A_565, %dma_start3A_582] : memref<4096x200x128xf32, #tpu.memory_space<hbm>> -> memref<64x1x128xf32, #tpu.memory_space<hbm>>
      %dma_start3A_584 = tpu.memref_squeeze %dma_start3A_583 : memref<64x1x128xf32, #tpu.memory_space<hbm>> -> memref<64x128xf32, #tpu.memory_space<hbm>>
      %dma_start3A_585 = arith.constant 64 : i32
      %dma_start3A_586 = arith.constant 0 : i32
      %dma_start3A_587 = tpu.memref_slice %arg15[%dma_start3A_585, %dma_start3A_586] : memref<128x128xf32, #tpu.memory_space<vmem>> -> memref<64x128xf32, #tpu.memory_space<vmem>>
      tpu.enqueue_dma source(%dma_start3A_587 : memref<64x128xf32, #tpu.memory_space<vmem>>) target(%dma_start3A_584 : memref<64x128xf32, #tpu.memory_space<hbm>>) target_semaphore(%dma_start3A_581 : memref<!tpu.dma_semaphore, #tpu.memory_space<semaphore_mem>>)
    }
    %scan3A_120 = arith.constant 100 : i32
    %add3A_121 = arith.constant 199 : i32
    %add3A_122 = arith.addi %mul3A_2, %add3A_121 : i32
    %jit3A_123 = arith.constant 32 : i32
    %div3A_124 = arith.divsi %add3A_122, %jit3A_123 : i32
    %sign3A_125 = arith.constant 0 : i32
    %sign3A_126 = arith.cmpi sgt, %add3A_122, %sign3A_125 : i32
    %sign3A_127 = arith.extui %sign3A_126 : i1 to i32
    %sign3A_128 = arith.constant 0 : i32
    %sign3A_129 = arith.cmpi slt, %add3A_122, %sign3A_128 : i32
    %sign3A_130 = arith.extui %sign3A_129 : i1 to i32
    %sign3A_131 = arith.subi %sign3A_127, %sign3A_130 : i32
    %sign3A_132 = arith.constant 0 : i32
    %sign3A_133 = arith.cmpi sgt, %jit3A_123, %sign3A_132 : i32
    %sign3A_134 = arith.extui %sign3A_133 : i1 to i32
    %sign3A_135 = arith.constant 0 : i32
    %sign3A_136 = arith.cmpi slt, %jit3A_123, %sign3A_135 : i32
    %sign3A_137 = arith.extui %sign3A_136 : i1 to i32
    %sign3A_138 = arith.subi %sign3A_134, %sign3A_137 : i32
    %ne3A_139 = arith.cmpi ne, %sign3A_131, %sign3A_138 : i32
    %rem3A_140 = arith.remsi %add3A_122, %jit3A_123 : i32
    %ne3A_141 = arith.constant 0 : i32
    %ne3A_142 = arith.cmpi ne, %rem3A_140, %ne3A_141 : i32
    %and3A_143 = arith.andi %ne3A_139, %ne3A_142 : i1
    %sub3A_144 = arith.constant 1 : i32
    %sub3A_145 = arith.subi %div3A_124, %sub3A_144 : i32
    %select_n3A_146 = arith.select %and3A_143, %sub3A_145, %div3A_124 : i32
    %mul3A_147 = arith.constant 32 : i32
    %mul3A_148 = arith.muli %select_n3A_146, %mul3A_147 : i32
    %sub3A_149 = arith.subi %add3A_122, %mul3A_148 : i32
    %mul3A_150 = arith.constant 128 : i32
    %mul3A_151 = arith.muli %sub3A_149, %mul3A_150 : i32
    %add3A_152 = arith.constant 0 : i32
    %add3A_153 = arith.addi %mul3A_151, %add3A_152 : i32
    %dma_wait3A_154 = arith.constant 1 : i32
    %dma_wait3A_155 = arith.constant 0 : i32
    %dma_wait3A_156 = arith.constant 0 : i32
    %dma_wait3A_157 = tpu.memref_slice %arg15[%dma_wait3A_155, %dma_wait3A_156] : memref<128x128xf32, #tpu.memory_space<vmem>> -> memref<64x128xf32, #tpu.memory_space<vmem>>
    %dma_wait3A_158 = arith.constant 0 : i32
    %dma_wait3A_159 = tpu.memref_slice %arg5[%add3A_153, %select_n3A_146, %dma_wait3A_158] : memref<4096x200x128xf32, #tpu.memory_space<hbm>> -> memref<64x1x128xf32, #tpu.memory_space<hbm>>
    %dma_wait3A_160 = tpu.memref_squeeze %dma_wait3A_159 : memref<64x1x128xf32, #tpu.memory_space<hbm>> -> memref<64x128xf32, #tpu.memory_space<hbm>>
    %dma_wait3A_161 = tpu.memref_slice %arg21[%dma_wait3A_154] : memref<2x!tpu.dma_semaphore, #tpu.memory_space<semaphore_mem>> -> memref<1x!tpu.dma_semaphore, #tpu.memory_space<semaphore_mem>>
    %dma_wait3A_162 = tpu.memref_squeeze %dma_wait3A_161 : memref<1x!tpu.dma_semaphore, #tpu.memory_space<semaphore_mem>> -> memref<!tpu.dma_semaphore, #tpu.memory_space<semaphore_mem>>
    %dma_wait3A_163 = arith.constant 0 : i32
    %dma_wait3A_164 = tpu.memref_slice %arg5[%add3A_153, %select_n3A_146, %dma_wait3A_163] : memref<4096x200x128xf32, #tpu.memory_space<hbm>> -> memref<64x1x128xf32, #tpu.memory_space<hbm>>
    %dma_wait3A_165 = tpu.memref_squeeze %dma_wait3A_164 : memref<64x1x128xf32, #tpu.memory_space<hbm>> -> memref<64x128xf32, #tpu.memory_space<hbm>>
    %dma_wait3A_166 = arith.constant 0 : i32
    %dma_wait3A_167 = arith.constant 0 : i32
    %dma_wait3A_168 = tpu.memref_slice %arg15[%dma_wait3A_166, %dma_wait3A_167] : memref<128x128xf32, #tpu.memory_space<vmem>> -> memref<64x128xf32, #tpu.memory_space<vmem>>
    tpu.wait_dma2 semaphore(%dma_wait3A_162 : memref<!tpu.dma_semaphore, #tpu.memory_space<semaphore_mem>>) src(%dma_wait3A_168 : memref<64x128xf32, #tpu.memory_space<vmem>>) dst(%dma_wait3A_165 : memref<64x128xf32, #tpu.memory_space<hbm>>)
    %add3A_169 = arith.constant 199 : i32
    %add3A_170 = arith.addi %mul3A_2, %add3A_169 : i32
    %jit3A_171 = arith.constant 32 : i32
    %div3A_172 = arith.divsi %add3A_170, %jit3A_171 : i32
    %sign3A_173 = arith.constant 0 : i32
    %sign3A_174 = arith.cmpi sgt, %add3A_170, %sign3A_173 : i32
    %sign3A_175 = arith.extui %sign3A_174 : i1 to i32
    %sign3A_176 = arith.constant 0 : i32
    %sign3A_177 = arith.cmpi slt, %add3A_170, %sign3A_176 : i32
    %sign3A_178 = arith.extui %sign3A_177 : i1 to i32
    %sign3A_179 = arith.subi %sign3A_175, %sign3A_178 : i32
    %sign3A_180 = arith.constant 0 : i32
    %sign3A_181 = arith.cmpi sgt, %jit3A_171, %sign3A_180 : i32
    %sign3A_182 = arith.extui %sign3A_181 : i1 to i32
    %sign3A_183 = arith.constant 0 : i32
    %sign3A_184 = arith.cmpi slt, %jit3A_171, %sign3A_183 : i32
    %sign3A_185 = arith.extui %sign3A_184 : i1 to i32
    %sign3A_186 = arith.subi %sign3A_182, %sign3A_185 : i32
    %ne3A_187 = arith.cmpi ne, %sign3A_179, %sign3A_186 : i32
    %rem3A_188 = arith.remsi %add3A_170, %jit3A_171 : i32
    %ne3A_189 = arith.constant 0 : i32
    %ne3A_190 = arith.cmpi ne, %rem3A_188, %ne3A_189 : i32
    %and3A_191 = arith.andi %ne3A_187, %ne3A_190 : i1
    %sub3A_192 = arith.constant 1 : i32
    %sub3A_193 = arith.subi %div3A_172, %sub3A_192 : i32
    %select_n3A_194 = arith.select %and3A_191, %sub3A_193, %div3A_172 : i32
    %mul3A_195 = arith.constant 32 : i32
    %mul3A_196 = arith.muli %select_n3A_194, %mul3A_195 : i32
    %sub3A_197 = arith.subi %add3A_170, %mul3A_196 : i32
    %mul3A_198 = arith.constant 128 : i32
    %mul3A_199 = arith.muli %sub3A_197, %mul3A_198 : i32
    %add3A_200 = arith.constant 64 : i32
    %add3A_201 = arith.addi %mul3A_199, %add3A_200 : i32
    %dma_wait3A_202 = arith.constant 1 : i32
    %dma_wait3A_203 = arith.constant 64 : i32
    %dma_wait3A_204 = arith.constant 0 : i32
    %dma_wait3A_205 = tpu.memref_slice %arg15[%dma_wait3A_203, %dma_wait3A_204] : memref<128x128xf32, #tpu.memory_space<vmem>> -> memref<64x128xf32, #tpu.memory_space<vmem>>
    %dma_wait3A_206 = arith.constant 0 : i32
    %dma_wait3A_207 = tpu.memref_slice %arg5[%add3A_201, %select_n3A_194, %dma_wait3A_206] : memref<4096x200x128xf32, #tpu.memory_space<hbm>> -> memref<64x1x128xf32, #tpu.memory_space<hbm>>
    %dma_wait3A_208 = tpu.memref_squeeze %dma_wait3A_207 : memref<64x1x128xf32, #tpu.memory_space<hbm>> -> memref<64x128xf32, #tpu.memory_space<hbm>>
    %dma_wait3A_209 = tpu.memref_slice %arg21[%dma_wait3A_202] : memref<2x!tpu.dma_semaphore, #tpu.memory_space<semaphore_mem>> -> memref<1x!tpu.dma_semaphore, #tpu.memory_space<semaphore_mem>>
    %dma_wait3A_210 = tpu.memref_squeeze %dma_wait3A_209 : memref<1x!tpu.dma_semaphore, #tpu.memory_space<semaphore_mem>> -> memref<!tpu.dma_semaphore, #tpu.memory_space<semaphore_mem>>
    %dma_wait3A_211 = arith.constant 0 : i32
    %dma_wait3A_212 = tpu.memref_slice %arg5[%add3A_201, %select_n3A_194, %dma_wait3A_211] : memref<4096x200x128xf32, #tpu.memory_space<hbm>> -> memref<64x1x128xf32, #tpu.memory_space<hbm>>
    %dma_wait3A_213 = tpu.memref_squeeze %dma_wait3A_212 : memref<64x1x128xf32, #tpu.memory_space<hbm>> -> memref<64x128xf32, #tpu.memory_space<hbm>>
    %dma_wait3A_214 = arith.constant 64 : i32
    %dma_wait3A_215 = arith.constant 0 : i32
    %dma_wait3A_216 = tpu.memref_slice %arg15[%dma_wait3A_214, %dma_wait3A_215] : memref<128x128xf32, #tpu.memory_space<vmem>> -> memref<64x128xf32, #tpu.memory_space<vmem>>
    tpu.wait_dma2 semaphore(%dma_wait3A_210 : memref<!tpu.dma_semaphore, #tpu.memory_space<semaphore_mem>>) src(%dma_wait3A_216 : memref<64x128xf32, #tpu.memory_space<vmem>>) dst(%dma_wait3A_213 : memref<64x128xf32, #tpu.memory_space<hbm>>)
    return
  }
}

</mosaic_0001>

<sc_bundles>
// kernel: kernel.3.cloned.1.call-start
scs
__scs_entry_jumppad:
0x0: {  	(pc) =	sbr.rel $0x88, $3  }
0x1: {  	(tag) =	ssettag $0x0;
	lr =	simm.s32 $0x1  }
0x2: {  	[smem:$0x3F9E] =	sst lr;
	_ =	strace $0xD0000000  }
0x3: {  	_ = 	snop  }
0x4: {  	_ = 	snop  }
0x5: {  	_ = 	snop  }
0x6: {  	_ = 	snop  }
0x7: {  	_ = 	snop  }
__scs_overlays_trampoline_lowered:
0x8: {  	[smem:$0x3FAD] =	sst s0  }
0x9: {  	[smem:$0x3FAE] =	sst s1  }
0xa: {  	[smem:$0x3FAF] =	sst s2  }
0xb: {  	[smem:$0x3FB0] =	sst s3  }
0xc: {  	[smem:$0x3FB1] =	sst s4  }
0xd: {  	[smem:$0x3FB2] =	sst s5  }
0xe: {  	[smem:$0x3FB3] =	sst s6  }
0xf: {  	[smem:$0x3FB4] =	sst s7  }
0x10: {  	[smem:$0x3FB5] =	sst s8  }
0x11: {  	[smem:$0x3FB6] =	sst s9;
	s0 =	simm.s32 @!p0 $0x0  }
0x12: {  	s1 =	sld [smem:$0x3F9C];
	s0 =	simm.s32 @p0 $0x1  }
0x13: {  	[smem:$0x3FB7] =	sst s0;
	s0 =	simm.s32 @!p1 $0x0  }
0x14: {  	s2 =	sld [smem:$0x3F9B];
	s0 =	simm.s32 @p1 $0x1  }
0x15: {  	[smem:$0x3FB8] =	sst s0;
	s0 =	simm.s32 @!p2 $0x0  }
0x16: {  	s3 =	sld [smem:$0x3FDB];
	s0 =	simm.s32 @p2 $0x1  }
0x17: {  	s4 =	simm.s32 $0x1BF5;
	[smem:$0x3FBA] =	sst s0  }
0x18: {  	s0 =	sld [smem:$0x3F9D];
	_ =	swait.ge [sflag:s4], $0x0  }
0x19: {  	s7 =	sld [smem:$0x3F9E]  }
0x1a: {  	s8 =	sadd.s32 $0xFFFFE003, lr  }
0x1b: {  	s9 =	sadd.s32 $0xFFFFFEF7, lr;
	s5 =	simm.s32 $0xFFFFFFFF;
	p2 =	slt.u32 s8, $0xFFFFF086  }
0x1c: {  	p1 =	slt.u32 s9, $0xF7A;
	s5 =	simm.s32 @!p2 $0x0  }
0x1d: {  	s5 =	simm.s32 @p1 $0x1;
	p0 =	seq.s32 s7, s2  }
0x1e: {  	s7 =	smul.u32 @!p0 $0xF7A, s2;
	p2 =	seq.s32 @!p0 s5, $0x0  }
0x1f: {  	s9 =	smul.u32 $0xF7A, s1;
	s8 =	simm.s32 @!p0 $0x1BF5;
	p2 =	por !p2, p0  }
0x20: {  	[sflag:s8] =	ssyncset.s32 @!p0 $0xFFFFF086;
	s6 =	sadd.s32 @!p0 s3, s7;
	s7 =	simm.s32 @!p0 $0x108  }
0x21: {  	s3 =	sadd.s32 s3, s9;
	s6 =	sadd.s32 @!p0 $0x88, s6;
	s7 =	simm.s32 @p2 $0x1082  }
0x22: {  	[simem:s7], [sflag:s8] =	dma.local @!p0 [hbm:s6], $0xF7A  }
0x23: {  	s9 =	sor.u32 $0xD0000000, s2;
	s6 =	simm.s32 $0x108;
	_ =	swait.ge @!p0 [sflag:s8], $0x0  }
0x24: {  	s3 =	sadd.s32 $0x88, s3;
	s6 =	simm.s32 @!p1 $0x1082;
	[sflag:s4] =	ssyncset.s32 $0xFFFFF086  }
0x25: {  	[simem:s6], [sflag:s4] =	dma.local [hbm:s3], $0xF7A  }
0x26: {  	[smem:$0x3F9E] =	sst s1;
	(tag) =	ssettag s2;
	_ =	strace s9  }
0x27: {  	s1 =	sld [smem:$0x3FAE]  }
0x28: {  	s2 =	sld [smem:$0x3FAF]  }
0x29: {  	s4 =	sld [smem:$0x3FB1]  }
0x2a: {  	p0 =	seq.s32 s5, $0x0;
	s5 =	sld [smem:$0x3FB2]  }
0x2b: {  	s6 =	sld [smem:$0x3FB3]  }
0x2c: {  	s7 =	sld [smem:$0x3FB4]  }
0x2d: {  	s3 =	simm.s32 $0x108;
	s8 =	sld [smem:$0x3FB5]  }
0x2e: {  	s3 =	simm.s32 @!p0 $0x1082;
	s9 =	sld [smem:$0x3FB6]  }
0x2f: {  	lr =	sadd.s32 s0, s3;
	s0 =	sld [smem:$0x3FAD]  }
0x30: {  	s3 =	sld [smem:$0x3FB0]  }
0x31: {  	[smem:$0x3FB9] =	sst s10  }
0x32: {  	s10 =	sld [smem:$0x3FB7];
	_ =	sdelay $0x3  }
0x33: {  	p0 =	seq.s32 s10, $0x1;
	s10 =	sld [smem:$0x3FB9];
	_ =	sdelay $0x3  }
0x34: {  	[smem:$0x3FB9] =	sst s10  }
0x35: {  	s10 =	sld [smem:$0x3FB8];
	_ =	sdelay $0x3  }
0x36: {  	p1 =	seq.s32 s10, $0x1;
	s10 =	sld [smem:$0x3FB9];
	_ =	sdelay $0x3  }
0x37: {  	[smem:$0x3FB9] =	sst s10  }
0x38: {  	s10 =	sld [smem:$0x3FBA]  }
0x39: {  	_ = 	snop;
	(pc) =	sbr.ind lr, $3  }
0x3a: {  	_ = 	snop  }
0x3b: {  	_ = 	snop  }
0x3c: {  	p2 =	seq.s32 s10, $0x1;
	s10 =	sld [smem:$0x3FB9]  }
0x3d: {  	_ =	shalt  }
0x3e: {  	_ =	shalt  }
0x3f: {  	_ =	shalt  }
0x40: {  	_ =	shalt  }
0x41: {  	_ =	shalt  }
0x42: {  	_ =	shalt  }
0x43: {  	_ =	shalt  }
0x44: {  	_ =	shalt  }
0x45: {  	_ =	shalt  }
0x46: {  	_ =	shalt  }
0x47: {  	_ =	shalt  }
0x48: {  	_ =	shalt  }
0x49: {  	_ =	shalt  }
0x4a: {  	_ =	shalt  }
0x4b: {  	_ =	shalt  }
0x4c: {  	_ =	shalt  }
0x4d: {  	_ =	shalt  }
0x4e: {  	_ =	shalt  }
0x4f: {  	_ =	shalt  }
0x50: {  	_ =	shalt  }
0x51: {  	_ =	shalt  }
0x52: {  	_ =	shalt  }
0x53: {  	_ =	shalt  }
0x54: {  	_ =	shalt  }
0x55: {  	_ =	shalt  }
0x56: {  	_ =	shalt  }
0x57: {  	_ =	shalt  }
0x58: {  	_ =	shalt  }
0x59: {  	_ =	shalt  }
0x5a: {  	_ =	shalt  }
0x5b: {  	_ =	shalt  }
0x5c: {  	_ =	shalt  }
0x5d: {  	_ =	shalt  }
0x5e: {  	_ =	shalt  }
0x5f: {  	_ =	shalt  }
0x60: {  	_ =	shalt  }
0x61: {  	_ =	shalt  }
0x62: {  	_ =	shalt  }
0x63: {  	_ =	shalt  }
0x64: {  	_ =	shalt  }
0x65: {  	_ =	shalt  }
0x66: {  	_ =	shalt  }
0x67: {  	_ =	shalt  }
0x68: {  	_ =	shalt  }
0x69: {  	_ =	shalt  }
0x6a: {  	_ =	shalt  }
0x6b: {  	_ =	shalt  }
0x6c: {  	_ =	shalt  }
0x6d: {  	_ =	shalt  }
0x6e: {  	_ =	shalt  }
0x6f: {  	_ =	shalt  }
0x70: {  	_ =	shalt  }
0x71: {  	_ =	shalt  }
0x72: {  	_ =	shalt  }
0x73: {  	_ =	shalt  }
0x74: {  	_ =	shalt  }
0x75: {  	_ =	shalt  }
0x76: {  	_ =	shalt  }
0x77: {  	_ =	shalt  }
0x78: {  	_ =	shalt  }
0x79: {  	_ =	shalt  }
0x7a: {  	_ =	shalt  }
0x7b: {  	_ =	shalt  }
0x7c: {  	_ =	shalt  }
0x7d: {  	_ =	shalt  }
0x7e: {  	_ =	shalt  }
0x7f: {  	_ =	shalt  }
0x80: {  	_ =	shalt  }
0x81: {  	_ =	shalt  }
0x82: {  	_ =	shalt  }
0x83: {  	_ =	shalt  }
0x84: {  	_ =	shalt  }
0x85: {  	_ =	shalt  }
0x86: {  	_ =	shalt  }
0x87: {  	_ =	shalt  }
.Lfunc_end0:
.L_simem_size_0:
called_computation_lowered:
.L_overlay_start_0:
0x88: {  	s2 =	sld [smem:$0x3FD9]  }
0x89: {  	s3 =	sld [smem:$0x3FFE];
	_ =	sdelay $0x1  }
0x8a: {  	s1 =	srdreg.scid  }
0x8b: {  	s0 =	sand.u32 $0x1, s1  }
0x8c: {  	s17 =	sshll.u32 s0, $0xA;
	s2 =	sadd.s32 s3, s2  }
0x8d: {  	s2 =	sadd.s32 s2, s17  }
0x8e: {  	[smem:$0x3FC5] =	sst s2  }
0x8f: {  	_ = 	snop  }
0x90: {  	s2 =	sld [smem:$0x3FC9]  }
0x91: {  	s18 =	sld [smem:$0x3FC8]  }
0x92: {  	s4 =	sld [smem:$0x3FD0];
	(tm) =	ssettm $0x1  }
0x93: {  	s5 =	sld [smem:$0x3FFB];
	_ =	sdelay $0x3  }
0x94: {  	_ =	strace s5  }
0x95: {  	s5 =	sld [smem:$0x3FFC];
	_ =	sdelay $0x3  }
0x96: {  	_ =	strace s5  }
0x97: {  	s5 =	sld [smem:$0x3FFD];
	_ =	sdelay $0x3  }
0x98: {  	_ =	strace s5  }
0x99: {  	_ =	strace $0x8FFFFFFF  }
0x9a: {  	s19 =	sld [smem:$0x3FDB];
	_ =	sdelay $0x1  }
0x9b: {  	s6 =	simm.s32 $_scs_section_size  }
0x9c: {  	s7 =	simm.s32 $_size__tile_overlayer_lowered;
	s8 =	simm.s32 $_tile_overlayer_lowered  }
0x9d: {  	s22 =	simm.s32 $0x1BFF;
	s21 =	sshll.u32 s8, $0x1;
	s5 =	sadd.s32 s6, s19  }
0x9e: {  	s9 =	simm.s32 $0x0;
	s20 =	sshll.u32 s7, $0x1;
	s7 =	sadd.s32 s21, s5  }
0x9f: {  	[timem:s9], [sflag:s22] =	dma.local [hbm:s7], s20  }
0xa0: {  	_ =	swait.ge [sflag:s22], s20  }
0xa1: {  	s6 =	ssub.s32 $0x0, s20;
	[sflag:s22] =	ssyncset.done $0x0  }
0xa2: {  	[sflag:s22] =	ssyncadd.s32 s6;
	_ =	sdelay $0x1  }
0xa3: {  	s23 =	simm.s32 $0x1B8B  }
0xa4: {  	_ =	swait.ge [sflag:s23], $0x1  }
0xa5: {  	[sflag:s23] =	ssyncset.done $0x0  }
0xa6: {  	s25 =	simm.s32 $0x1B8E;
	s24 =	sld [smem:$0x3FFE];
	[sflag:s23] =	ssyncadd.s32 $0xFFFFFFFF  }
0xa7: {  	s26 =	simm.s32 $execute0_lowered;
	[smem:$0x3FD2] =	sst s25  }
0xa8: {  	s7 =	sshll.u32 s26, $0x1;
	_ =	strace $0x80000046;
	[dreg:$0x1] =	wrdreg $0xFFFFFFFF  }
0xa9: {  	s28 =	simm.s32 $_size_execute0_lowered;
	s5 =	sadd.s32 s5, s7;
	[dreg:$0x0] =	wrdreg $0x0  }
0xaa: {  	s7 =	sshll.u32 s28, $0x1;
	[dreg:$0x2] =	wrdreg s5  }
0xab: {  	[dreg:$0x3] =	wrdreg s7  }
0xac: {  	[dreg:$0x4] =	wrdreg $0xC0  }
0xad: {  	_ =	task [dreg:s9], $0x5FFFF  }
0xae: {  	[dreg:$0x1] =	wrdreg $0xFFFFFFFF  }
0xaf: {  	[dreg:$0x0] =	wrdreg $0x60  }
0xb0: {  	[dreg:$0x2] =	wrdreg s2  }
0xb1: {  	[dreg:$0x3] =	wrdreg s18  }
0xb2: {  	[dreg:$0x4] =	wrdreg s24  }
0xb3: {  	[dreg:$0x5] =	wrdreg s4  }
0xb4: {  	[dreg:$0x6] =	wrdreg $0x9  }
0xb5: {  	_ =	task.clear_ibuf [dreg:s9], $0x7FFFF;
	_ =	strace $0x90000046  }
0xb6: {  	s29 =	simm.s32 $0x9;
	_ =	strace $0x80000048  }
0xb7: {  	_ =	swait.ge [sflag:s29], $0x1  }
0xb8: {  	[sflag:s29] =	ssyncadd.s32 $0xFFFFFFFF  }
0xb9: {  	_ =	strace $0x90000048  }
0xba: {  	_ =	sfence  }
0xbb: {  	s30 =	sld [smem:$0x0];
	_ =	sdelay $0x2  }
0xbc: {  	s31 =	sshll.u32 s1, $0xD;
	s1 =	sshrl.u32 s1, $0x2  }
0xbd: {  	s3 =	sand.u32 $0x4000, s31;
	s1 =	sadd.s32 s1, s30  }
0xbe: {  	s0 =	sor.u32 s3, s0;
	s1 =	sshll.u32 s1, $0x11  }
0xbf: {  	s0 =	sor.u32 s1, s0  }
0xc0: {  	s0 =	sadd.s32 $0x8F2B, s0  }
0xc1: {  	[sflag:s0] =	ssyncadd.remote.s32 $0x1  }
0xc2: {  	_ =	sfence.sel $0xFFFF  }
0xc3: {  	[dreg:$0x0] =	wrdreg $0xFFFFFFFF;
	(pc) =	sbr.abs _section_cstart, $3  }
0xc4: {  	[dreg:$0x1] =	wrdreg $0xFFFFFFFF  }
0xc5: {  	_ =	task.clear_ibuf [dreg:s9], $0x2FFFF;
	_ =	strace $0x9FFFFFFF  }
0xc6: {  	(tm) =	ssettm $0x7FFFFFFF  }
0xc7: {  	_ =	shalt  }
tec
execute0_lowered:
.L_overlay_start_1:
0x0: {  	(tag) =	ssettag $0x1  }
0x1: {  	s1 =	rddreg [dreg:$0x0]  }
0x2: {  	s2 =	rddreg [dreg:$0x1]  }
0x3: {  	s0 =	rddreg [dreg:$0x2];
	s3 =	srdreg.scid  }
0x4: {  	s5 =	stileid.u32;
	s4 =	rddreg [dreg:$0x3]  }
0x5: {  	s6 =	simm.s32 $0x0;
	s17 =	simm.s32 $0x80;
	s23 =	simm.s32 $0x6400  }
0x6: {  	s24 =	simm.s32 $0x10200;
	s3 =	sand.u32 $0x1, s3;
	s5 =	sshll.u32 s5, $0x1  }
0x7: {  	s30 =	simm.s32 $0x14200;
	s31 =	simm.s32 $0x5;
	s5 =	sor.u32 s3, s5  }
0x8: {  	s22 =	simm.s32 $0x6;
	[smem:$0x7FF] =	sst s6;
	s6 =	smul.u32 $0xC8, s5  }
0x9: {  	s16 =	simm.s32 $0x8;
	s3 =	ssub.s32 $0x2, s3;
	s9 =	smul.u32 $0x1900, s5  }
0xa: {  	s11 =	simm.s32 $0x0;
	s5 =	smul.u32 $0x320, s5;
	s25 =	sshrl.u32 s3, $0x1  }
0xb: {  	s7 =	sadd.s32 $0x400, s0;
	_ =	strace $0x80000047;
	s0 =	ssub.s32 s3, s25  }
0xc: {  	s25 =	simm.s32 $0x2;
	s8 =	sand.u32 $0x18, s6;
	s26 =	sand.u32 $0x7F80, s5  }
0xd: {  	s28 =	sadd.s32 s2, s9;
	s14 =	sor.u32 $0x3, s6;
	s0 =	smax.u32 s0, $0x1  }
0xe: {  	s10 =	smul.u32 $0x320000, s8;
	s8 =	sadd.s32 $0x10, s2;
	[dreg:$0x5] =	wrdreg s28  }
0xf: {  	s29 =	sadd.s32 $0x20, s28;
	s5 =	sadd.s32 $0x30, s28;
	[dreg:$0xa] =	wrdreg s0  }
0x10: {  	s0 =	simm.s32 $0x9;
	[dreg:$0x7] =	wrdreg s29;
	s3 =	sor.u32 s26, s10  }
0x11: {  	s9 =	sadd.s32 s9, s8;
	[dreg:$0x8] =	wrdreg s5;
	s3 =	sshrl.u32 s3, $0x3  }
0x12: {  	[dreg:$0x6] =	wrdreg s9;
	s26 =	simm.s32 $0x4;
	s3 =	sadd.s32 s1, s3  }
0x13: {  	s10 =	simm.s32 $0xA;
	[dreg:$0x9] =	wrdreg s3;
	s3 =	simm.s32 $0x7  }
.LBB2_1:
0x14: {  	[dreg:$0xb] =	wrdreg s11  }
0x15: {  	s5 =	simm.s32 $0x0;
	s9 =	rddreg [dreg:$0x5]  }
0x16: {  	[tilespmem:s5], [sflag:$0x1] =	stream.linear.gather [hbm4b:s9+s5], $0x80, $0x38;
	[tilespmem:$0x18200] =	vst v63  }
0x17: {  	s12 =	rddreg [dreg:$0x6];
	s13 =	simm.s32 $0x100  }
0x18: {  	[tilespmem:s13], [sflag:$0x3] =	stream.linear.gather [hbm4b:s12+s5], $0x80, $0x38;
	[tilespmem:$0x18200] =	vst v63  }
0x19: {  	s15 =	rddreg [dreg:$0x7]  }
0x1a: {  	[tilespmem:s17], [sflag:$0x2] =	stream.linear.gather [hbm4b:s15+s5], $0x80, $0x38;
	[tilespmem:$0x18200] =	vst v63  }
0x1b: {  	s18 =	rddreg [dreg:$0x8];
	s19 =	simm.s32 $0x1;
	s12 =	simm.s32 $0x180  }
0x1c: {  	[tilespmem:s12], [sflag:$0x4] =	stream.linear.gather [hbm4b:s18+s5], $0x80, $0x38;
	[tilespmem:$0x18200] =	vst v63  }
0x1d: {  	_ =	swait.ge [sflag:s19], $0x80  }
0x1e: {  	[sflag:s19] =	ssyncset.done $0x0  }
0x1f: {  	s20 =	simm.s32 $0x3;
	[sflag:s19] =	ssyncadd.s32 $0xFFFFFF80  }
0x20: {  	_ =	swait.ge [sflag:s20], $0x80  }
0x21: {  	[sflag:s20] =	ssyncset.done $0x0  }
0x22: {  	s21 =	simm.s32 $0x200;
	[sflag:s20] =	ssyncadd.s32 $0xFFFFFF80  }
0x23: {  	[tilespmem:s21], [sflag:$0x5] =	stream.indirect.gather [hbm4b:s7+s17], $0x80, s5, s17, $0xb8;
	[tilespmem:$0x18200] =	vst v63  }
0x24: {  	s28 =	simm.s32 $0x8200  }
0x25: {  	[tilespmem:s28], [sflag:$0x7] =	stream.indirect.gather [hbm4b:s7+s17], $0x80, s13, s17, $0xb8;
	[tilespmem:$0x18200] =	vst v63  }
0x26: {  	s15 =	simm.s32 $0x0;
	s29 =	rddreg [dreg:$0x9]  }
0x27: {  	[tilespmem:s24], [sflag:$0x9] =	stream.strided.gather [hbm4b:s29+s17], $0x4000, s23, s17, $0x38;
	[tilespmem:$0x18200] =	vst v63  }
.LBB2_2:
0x28: {  	_ =	swait.ge [sflag:s25], $0x80  }
0x29: {  	[sflag:s25] =	ssyncset.done $0x0  }
0x2a: {  	[sflag:s25] =	ssyncadd.s32 $0xFFFFFF80  }
0x2b: {  	_ =	swait.ge [sflag:s26], $0x80  }
0x2c: {  	s5 =	simm.s32 $0x4200;
	[sflag:s26] =	ssyncset.done $0x0  }
0x2d: {  	s19 =	sshllo.u32 s15, $0x1;
	s9 =	simm.s32 $0x180;
	[sflag:s26] =	ssyncadd.s32 $0xFFFFFF80  }
0x2e: {  	[tilespmem:s5], [sflag:$0x6] =	stream.indirect.gather [hbm4b:s7+s17], $0x80, s17, s17, $0xb8;
	[tilespmem:$0x18200] =	vst v63  }
0x2f: {  	s11 =	simm.s32 $0xC200;
	p0 =	seq.s32 s15, $0x0;
	s5 =	sadd.s32 s6, s19  }
0x30: {  	[tilespmem:s11], [sflag:$0x8] =	stream.indirect.gather [hbm4b:s7+s17], $0x80, s9, s17, $0xb8;
	[tilespmem:$0x18200] =	vst v63  }
0x31: {  	s20 =	sand.u32 $0x1F, s5;
	s11 =	simm.s32 @!p0 $0xC  }
0x32: {  	s5 =	sshll.u32 s5, $0x2;
	s9 =	smul.u32 $0x320000, s20;
	_ =	swait.ge @!p0 [sflag:s11], $0x2000  }
0x33: {  	s12 =	sand.u32 $0x7FFFFC00, s5;
	[sflag:s11] =	ssyncset.done @!p0 $0x0  }
0x34: {  	s19 =	sand.u32 $0x380, s5;
	s9 =	sadd.s32 s12, s9;
	[sflag:s11] =	ssyncadd.s32 @!p0 $0xFFFFE000  }
0x35: {  	s5 =	sor.u32 s19, s9;
	_ =	swait.ge @!p0 [sflag:s11], $0x2000  }
0x36: {  	s20 =	sshrl.u32 s5, $0x3;
	[sflag:s11] =	ssyncset.done @!p0 $0x0  }
0x37: {  	s5 =	sadd.s32 s1, s20;
	[sflag:s11] =	ssyncadd.s32 @!p0 $0xFFFFE000  }
0x38: {  	[tilespmem:s30], [sflag:$0xA] =	stream.strided.gather [hbm4b:s5+s17], $0x4000, s23, s17, $0x38;
	[tilespmem:$0x18200] =	vst v63  }
0x39: {  	_ =	swait.ge [sflag:s31], $0x4000  }
0x3a: {  	[sflag:s31] =	ssyncset.done $0x0  }
0x3b: {  	[sflag:s31] =	ssyncadd.s32 $0xFFFFC000  }
0x3c: {  	_ =	swait.ge [sflag:s3], $0x4000  }
0x3d: {  	s5 =	sshll.u32 s15, $0x1;
	[sflag:s3] =	ssyncset.done $0x0  }
0x3e: {  	p0 =	seq.s32 s15, $0x63;
	s11 =	sadd.s32 $0x2, s5;
	[sflag:s3] =	ssyncadd.s32 $0xFFFFC000  }
0x3f: {  	s12 =	sadd.s32 @!p0 s6, s11;
	_ =	swait.ge [sflag:s0], $0x4000  }
0x40: {  	s11 =	sshll.u32 @!p0 s12, $0x5;
	[sflag:s0] =	ssyncset.done $0x0  }
0x41: {  	s18 =	simm.s32 @!p0 $0x0;
	s13 =	sadd.s32 @!p0 s2, s11;
	[sflag:s0] =	ssyncadd.s32 $0xFFFFC000  }
0x42: {  	[tilespmem:s18], [sflag:$0x1] =	stream.linear.gather @!p0 [hbm4b:s13+s18], $0x80, $0x38;
	[tilespmem:$0x18200] =	vst v63  }
0x43: {  	s29 =	simm.s32 $0x0;
	s11 =	sadd.s32 @!p0 s11, s8;
	s13 =	simm.s32 @!p0 $0x100  }
0x44: {  	[tilespmem:s13], [sflag:$0x3] =	stream.linear.gather @!p0 [hbm4b:s11+s18], $0x80, $0x38;
	[tilespmem:$0x18200] =	vst v63  }
0x45: {  	v0 =	vld [tilespmem:s29+$0x85F0]  }
0x46: {  	v1 =	vld [tilespmem:s29+$0x200]  }
0x47: {  	v2 =	vld [tilespmem:s29+$0x210]  }
0x48: {  	v3 =	vld [tilespmem:s29+$0x220]  }
0x49: {  	v4 =	vld [tilespmem:s29+$0x230]  }
0x4a: {  	v5 =	vld [tilespmem:s29+$0x8240]  }
0x4b: {  	v6 =	vld [tilespmem:s29+$0x8250]  }
0x4c: {  	v7 =	vld [tilespmem:s29+$0x8260]  }
0x4d: {  	v8 =	vld [tilespmem:s29+$0x8270]  }
0x4e: {  	v9 =	vld [tilespmem:s29+$0x280]  }
0x4f: {  	v10 =	vld [tilespmem:s29+$0x290]  }
0x50: {  	v11 =	vld [tilespmem:s29+$0x2A0]  }
0x51: {  	v12 =	vld [tilespmem:s29+$0x2B0]  }
0x52: {  	v13 =	vld [tilespmem:s29+$0x82C0]  }
0x53: {  	v14 =	vld [tilespmem:s29+$0x82D0]  }
0x54: {  	v15 =	vld [tilespmem:s29+$0x82E0]  }
0x55: {  	v16 =	vld [tilespmem:s29+$0x82F0]  }
0x56: {  	v17 =	vld [tilespmem:s29+$0x300]  }
0x57: {  	v18 =	vld [tilespmem:s29+$0x310]  }
0x58: {  	v19 =	vld [tilespmem:s29+$0x320]  }
0x59: {  	v20 =	vld [tilespmem:s29+$0x330]  }
0x5a: {  	v21 =	vld [tilespmem:s29+$0x8340]  }
0x5b: {  	v22 =	vld [tilespmem:s29+$0x8350]  }
0x5c: {  	v23 =	vld [tilespmem:s29+$0x8360]  }
0x5d: {  	v24 =	vld [tilespmem:s29+$0x8370]  }
0x5e: {  	v25 =	vld [tilespmem:s29+$0x380]  }
0x5f: {  	v26 =	vld [tilespmem:s29+$0x390]  }
0x60: {  	v27 =	vld [tilespmem:s29+$0x3A0]  }
0x61: {  	v28 =	vld [tilespmem:s29+$0x3B0]  }
0x62: {  	v29 =	vld [tilespmem:s29+$0x83C0]  }
0x63: {  	v30 =	vld [tilespmem:s29+$0x83D0]  }
0x64: {  	v31 =	vld [tilespmem:s29+$0x83E0]  }
0x65: {  	v32 =	vld [tilespmem:s29+$0x83F0]  }
0x66: {  	v33 =	vld [tilespmem:s29+$0x400]  }
0x67: {  	v34 =	vld [tilespmem:s29+$0x410]  }
0x68: {  	v35 =	vld [tilespmem:s29+$0x420]  }
0x69: {  	v36 =	vld [tilespmem:s29+$0x430]  }
0x6a: {  	v37 =	vld [tilespmem:s29+$0x8440]  }
0x6b: {  	v38 =	vld [tilespmem:s29+$0x8450]  }
0x6c: {  	v39 =	vld [tilespmem:s29+$0x8460]  }
0x6d: {  	v40 =	vld [tilespmem:s29+$0x8470]  }
0x6e: {  	v41 =	vld [tilespmem:s29+$0x480]  }
0x6f: {  	v42 =	vld [tilespmem:s29+$0x490]  }
0x70: {  	v43 =	vld [tilespmem:s29+$0x4A0]  }
0x71: {  	v44 =	vld [tilespmem:s29+$0x4B0]  }
0x72: {  	v45 =	vld [tilespmem:s29+$0x84C0]  }
0x73: {  	v46 =	vld [tilespmem:s29+$0x84D0]  }
0x74: {  	v47 =	vld [tilespmem:s29+$0x84E0]  }
0x75: {  	v48 =	vld [tilespmem:s29+$0x84F0]  }
0x76: {  	v49 =	vld [tilespmem:s29+$0x500]  }
0x77: {  	v50 =	vld [tilespmem:s29+$0x510]  }
0x78: {  	v51 =	vld [tilespmem:s29+$0x520]  }
0x79: {  	v52 =	vld [tilespmem:s29+$0x530]  }
0x7a: {  	v53 =	vld [tilespmem:s29+$0x8540]  }
0x7b: {  	v54 =	vld [tilespmem:s29+$0x8550]  }
0x7c: {  	v55 =	vld [tilespmem:s29+$0x8560]  }
0x7d: {  	v56 =	vld [tilespmem:s29+$0x8570]  }
0x7e: {  	v57 =	vld [tilespmem:s29+$0x580]  }
0x7f: {  	v58 =	vld [tilespmem:s29+$0x590]  }
0x80: {  	v59 =	vld [tilespmem:s29+$0x5A0]  }
0x81: {  	v60 =	vld [tilespmem:s29+$0x5B0]  }
0x82: {  	v61 =	vld [tilespmem:s29+$0x85C0]  }
0x83: {  	v62 =	vld [tilespmem:s29+$0x85D0]  }
0x84: {  	[tilespmem:s29+$0x105F0] =	vst.add.f32.msk $0xffff, v0  }
0x85: {  	v0 =	vld [tilespmem:s29+$0x85E0]  }
0x86: {  	[tilespmem:s29+$0x10200] =	vst.add.f32.msk $0xffff, v1  }
0x87: {  	[tilespmem:s29+$0x10210] =	vst.add.f32.msk $0xffff, v2  }
0x88: {  	[tilespmem:s29+$0x10220] =	vst.add.f32.msk $0xffff, v3  }
0x89: {  	[tilespmem:s29+$0x10230] =	vst.add.f32.msk $0xffff, v4  }
0x8a: {  	[tilespmem:s29+$0x10240] =	vst.add.f32.msk $0xffff, v5  }
0x8b: {  	[tilespmem:s29+$0x10250] =	vst.add.f32.msk $0xffff, v6  }
0x8c: {  	[tilespmem:s29+$0x10260] =	vst.add.f32.msk $0xffff, v7  }
0x8d: {  	[tilespmem:s29+$0x10270] =	vst.add.f32.msk $0xffff, v8  }
0x8e: {  	[tilespmem:s29+$0x10280] =	vst.add.f32.msk $0xffff, v9  }
0x8f: {  	[tilespmem:s29+$0x10290] =	vst.add.f32.msk $0xffff, v10  }
0x90: {  	[tilespmem:s29+$0x102A0] =	vst.add.f32.msk $0xffff, v11  }
0x91: {  	[tilespmem:s29+$0x102B0] =	vst.add.f32.msk $0xffff, v12  }
0x92: {  	[tilespmem:s29+$0x102C0] =	vst.add.f32.msk $0xffff, v13  }
0x93: {  	[tilespmem:s29+$0x102D0] =	vst.add.f32.msk $0xffff, v14  }
0x94: {  	[tilespmem:s29+$0x102E0] =	vst.add.f32.msk $0xffff, v15  }
0x95: {  	[tilespmem:s29+$0x102F0] =	vst.add.f32.msk $0xffff, v16  }
0x96: {  	[tilespmem:s29+$0x10300] =	vst.add.f32.msk $0xffff, v17  }
0x97: {  	[tilespmem:s29+$0x10310] =	vst.add.f32.msk $0xffff, v18  }
0x98: {  	[tilespmem:s29+$0x10320] =	vst.add.f32.msk $0xffff, v19  }
0x99: {  	[tilespmem:s29+$0x10330] =	vst.add.f32.msk $0xffff, v20  }
0x9a: {  	[tilespmem:s29+$0x10340] =	vst.add.f32.msk $0xffff, v21  }
0x9b: {  	[tilespmem:s29+$0x10350] =	vst.add.f32.msk $0xffff, v22  }
0x9c: {  	[tilespmem:s29+$0x10360] =	vst.add.f32.msk $0xffff, v23  }
0x9d: {  	[tilespmem:s29+$0x10370] =	vst.add.f32.msk $0xffff, v24  }
0x9e: {  	[tilespmem:s29+$0x10380] =	vst.add.f32.msk $0xffff, v25  }
0x9f: {  	[tilespmem:s29+$0x10390] =	vst.add.f32.msk $0xffff, v26  }
0xa0: {  	[tilespmem:s29+$0x103A0] =	vst.add.f32.msk $0xffff, v27  }
0xa1: {  	[tilespmem:s29+$0x103B0] =	vst.add.f32.msk $0xffff, v28  }
0xa2: {  	[tilespmem:s29+$0x103C0] =	vst.add.f32.msk $0xffff, v29  }
0xa3: {  	[tilespmem:s29+$0x103D0] =	vst.add.f32.msk $0xffff, v30  }
0xa4: {  	[tilespmem:s29+$0x103E0] =	vst.add.f32.msk $0xffff, v31  }
0xa5: {  	[tilespmem:s29+$0x103F0] =	vst.add.f32.msk $0xffff, v32  }
0xa6: {  	[tilespmem:s29+$0x10400] =	vst.add.f32.msk $0xffff, v33  }
0xa7: {  	[tilespmem:s29+$0x10410] =	vst.add.f32.msk $0xffff, v34  }
0xa8: {  	[tilespmem:s29+$0x10420] =	vst.add.f32.msk $0xffff, v35  }
0xa9: {  	[tilespmem:s29+$0x10430] =	vst.add.f32.msk $0xffff, v36  }
0xaa: {  	[tilespmem:s29+$0x10440] =	vst.add.f32.msk $0xffff, v37  }
0xab: {  	[tilespmem:s29+$0x10450] =	vst.add.f32.msk $0xffff, v38  }
0xac: {  	[tilespmem:s29+$0x10460] =	vst.add.f32.msk $0xffff, v39  }
0xad: {  	[tilespmem:s29+$0x10470] =	vst.add.f32.msk $0xffff, v40  }
0xae: {  	[tilespmem:s29+$0x10480] =	vst.add.f32.msk $0xffff, v41  }
0xaf: {  	[tilespmem:s29+$0x10490] =	vst.add.f32.msk $0xffff, v42  }
0xb0: {  	[tilespmem:s29+$0x104A0] =	vst.add.f32.msk $0xffff, v43  }
0xb1: {  	[tilespmem:s29+$0x104B0] =	vst.add.f32.msk $0xffff, v44  }
0xb2: {  	[tilespmem:s29+$0x104C0] =	vst.add.f32.msk $0xffff, v45  }
0xb3: {  	[tilespmem:s29+$0x104D0] =	vst.add.f32.msk $0xffff, v46  }
0xb4: {  	[tilespmem:s29+$0x104E0] =	vst.add.f32.msk $0xffff, v47  }
0xb5: {  	[tilespmem:s29+$0x104F0] =	vst.add.f32.msk $0xffff, v48  }
0xb6: {  	[tilespmem:s29+$0x10500] =	vst.add.f32.msk $0xffff, v49  }
0xb7: {  	[tilespmem:s29+$0x10510] =	vst.add.f32.msk $0xffff, v50  }
0xb8: {  	[tilespmem:s29+$0x10520] =	vst.add.f32.msk $0xffff, v51  }
0xb9: {  	[tilespmem:s29+$0x10530] =	vst.add.f32.msk $0xffff, v52  }
0xba: {  	[tilespmem:s29+$0x10540] =	vst.add.f32.msk $0xffff, v53  }
0xbb: {  	[tilespmem:s29+$0x10550] =	vst.add.f32.msk $0xffff, v54  }
0xbc: {  	[tilespmem:s29+$0x10560] =	vst.add.f32.msk $0xffff, v55  }
0xbd: {  	[tilespmem:s29+$0x10570] =	vst.add.f32.msk $0xffff, v56  }
0xbe: {  	s21 =	sadd.s32 s6, s5;
	[tilespmem:s29+$0x10580] =	vst.add.f32.msk $0xffff, v57  }
0xbf: {  	s18 =	sand.u32 $0x1E, s21;
	[tilespmem:s29+$0x10590] =	vst.add.f32.msk $0xffff, v58  }
0xc0: {  	s11 =	sshll.u32 s21, $0x2;
	s13 =	smul.u32 $0x320000, s18;
	[tilespmem:s29+$0x105A0] =	vst.add.f32.msk $0xffff, v59  }
0xc1: {  	s21 =	sand.u32 $0x7FFFFC00, s11;
	[tilespmem:s29+$0x105B0] =	vst.add.f32.msk $0xffff, v60  }
0xc2: {  	s28 =	sand.u32 $0x380, s11;
	s13 =	sadd.s32 s21, s13;
	[tilespmem:s29+$0x105C0] =	vst.add.f32.msk $0xffff, v61  }
0xc3: {  	s11 =	simm.s32 $0x0;
	s18 =	simm.s32 $0x1000;
	s21 =	sor.u32 s28, s13;
	[tilespmem:s29+$0x105D0] =	vst.add.f32.msk $0xffff, v62  }
.LBB2_3:
0xc4: {  	s11 =	sadd.s32 $0x8, s11;
	[tilespmem:s29+$0x105E0] =	vst.add.f32.msk $0xffff, v0;
	s29 =	sshra.s32 s18, $0x2  }
0xc5: {  	v0 =	vld [tilespmem:s29+$0x85F0];
	p1 =	slt.u32 s11, $0x38  }
0xc6: {  	v1 =	vld [tilespmem:s29+$0x200]  }
0xc7: {  	v2 =	vld [tilespmem:s29+$0x210]  }
0xc8: {  	v3 =	vld [tilespmem:s29+$0x220]  }
0xc9: {  	v4 =	vld [tilespmem:s29+$0x230]  }
0xca: {  	[tilespmem:s29+$0x105F0] =	vst.add.f32.msk $0xffff, v0  }
0xcb: {  	v5 =	vld [tilespmem:s29+$0x8240]  }
0xcc: {  	v6 =	vld [tilespmem:s29+$0x8250]  }
0xcd: {  	v7 =	vld [tilespmem:s29+$0x8260]  }
0xce: {  	v8 =	vld [tilespmem:s29+$0x8270]  }
0xcf: {  	v9 =	vld [tilespmem:s29+$0x280]  }
0xd0: {  	v10 =	vld [tilespmem:s29+$0x290]  }
0xd1: {  	v11 =	vld [tilespmem:s29+$0x2A0]  }
0xd2: {  	v12 =	vld [tilespmem:s29+$0x2B0]  }
0xd3: {  	v13 =	vld [tilespmem:s29+$0x82C0]  }
0xd4: {  	v14 =	vld [tilespmem:s29+$0x82D0]  }
0xd5: {  	v15 =	vld [tilespmem:s29+$0x82E0]  }
0xd6: {  	v16 =	vld [tilespmem:s29+$0x82F0]  }
0xd7: {  	v17 =	vld [tilespmem:s29+$0x300]  }
0xd8: {  	v18 =	vld [tilespmem:s29+$0x310]  }
0xd9: {  	v19 =	vld [tilespmem:s29+$0x320]  }
0xda: {  	v20 =	vld [tilespmem:s29+$0x330]  }
0xdb: {  	v21 =	vld [tilespmem:s29+$0x8340]  }
0xdc: {  	v22 =	vld [tilespmem:s29+$0x8350]  }
0xdd: {  	v23 =	vld [tilespmem:s29+$0x8360]  }
0xde: {  	v24 =	vld [tilespmem:s29+$0x8370]  }
0xdf: {  	v25 =	vld [tilespmem:s29+$0x380]  }
0xe0: {  	v26 =	vld [tilespmem:s29+$0x390]  }
0xe1: {  	v27 =	vld [tilespmem:s29+$0x3A0]  }
0xe2: {  	v28 =	vld [tilespmem:s29+$0x3B0]  }
0xe3: {  	v29 =	vld [tilespmem:s29+$0x83C0]  }
0xe4: {  	v30 =	vld [tilespmem:s29+$0x83D0]  }
0xe5: {  	v31 =	vld [tilespmem:s29+$0x83E0]  }
0xe6: {  	v32 =	vld [tilespmem:s29+$0x83F0]  }
0xe7: {  	v33 =	vld [tilespmem:s29+$0x400]  }
0xe8: {  	v34 =	vld [tilespmem:s29+$0x410]  }
0xe9: {  	v35 =	vld [tilespmem:s29+$0x420]  }
0xea: {  	v36 =	vld [tilespmem:s29+$0x430]  }
0xeb: {  	v37 =	vld [tilespmem:s29+$0x8440]  }
0xec: {  	v38 =	vld [tilespmem:s29+$0x8450]  }
0xed: {  	v39 =	vld [tilespmem:s29+$0x8460]  }
0xee: {  	v40 =	vld [tilespmem:s29+$0x8470]  }
0xef: {  	v41 =	vld [tilespmem:s29+$0x480]  }
0xf0: {  	v42 =	vld [tilespmem:s29+$0x490]  }
0xf1: {  	v43 =	vld [tilespmem:s29+$0x4A0]  }
0xf2: {  	v44 =	vld [tilespmem:s29+$0x4B0]  }
0xf3: {  	v45 =	vld [tilespmem:s29+$0x84C0]  }
0xf4: {  	v46 =	vld [tilespmem:s29+$0x84D0]  }
0xf5: {  	v47 =	vld [tilespmem:s29+$0x84E0]  }
0xf6: {  	v48 =	vld [tilespmem:s29+$0x84F0]  }
0xf7: {  	v49 =	vld [tilespmem:s29+$0x500]  }
0xf8: {  	v50 =	vld [tilespmem:s29+$0x510]  }
0xf9: {  	v51 =	vld [tilespmem:s29+$0x520]  }
0xfa: {  	v52 =	vld [tilespmem:s29+$0x530]  }
0xfb: {  	v53 =	vld [tilespmem:s29+$0x8540]  }
0xfc: {  	v54 =	vld [tilespmem:s29+$0x8550]  }
0xfd: {  	v55 =	vld [tilespmem:s29+$0x8560]  }
0xfe: {  	v56 =	vld [tilespmem:s29+$0x8570]  }
0xff: {  	v57 =	vld [tilespmem:s29+$0x580]  }
0x100: {  	v58 =	vld [tilespmem:s29+$0x590]  }
0x101: {  	v59 =	vld [tilespmem:s29+$0x5A0]  }
0x102: {  	v60 =	vld [tilespmem:s29+$0x5B0]  }
0x103: {  	v61 =	vld [tilespmem:s29+$0x85C0]  }
0x104: {  	v62 =	vld [tilespmem:s29+$0x85D0]  }
0x105: {  	v0 =	vld [tilespmem:s29+$0x85E0]  }
0x106: {  	[tilespmem:s29+$0x10200] =	vst.add.f32.msk $0xffff, v1  }
0x107: {  	[tilespmem:s29+$0x10210] =	vst.add.f32.msk $0xffff, v2  }
0x108: {  	[tilespmem:s29+$0x10220] =	vst.add.f32.msk $0xffff, v3  }
0x109: {  	[tilespmem:s29+$0x10230] =	vst.add.f32.msk $0xffff, v4  }
0x10a: {  	[tilespmem:s29+$0x10240] =	vst.add.f32.msk $0xffff, v5  }
0x10b: {  	[tilespmem:s29+$0x10250] =	vst.add.f32.msk $0xffff, v6  }
0x10c: {  	[tilespmem:s29+$0x10260] =	vst.add.f32.msk $0xffff, v7  }
0x10d: {  	[tilespmem:s29+$0x10270] =	vst.add.f32.msk $0xffff, v8  }
0x10e: {  	[tilespmem:s29+$0x10280] =	vst.add.f32.msk $0xffff, v9  }
0x10f: {  	[tilespmem:s29+$0x10290] =	vst.add.f32.msk $0xffff, v10  }
0x110: {  	[tilespmem:s29+$0x102A0] =	vst.add.f32.msk $0xffff, v11  }
0x111: {  	[tilespmem:s29+$0x102B0] =	vst.add.f32.msk $0xffff, v12  }
0x112: {  	[tilespmem:s29+$0x102C0] =	vst.add.f32.msk $0xffff, v13  }
0x113: {  	[tilespmem:s29+$0x102D0] =	vst.add.f32.msk $0xffff, v14  }
0x114: {  	[tilespmem:s29+$0x102E0] =	vst.add.f32.msk $0xffff, v15  }
0x115: {  	[tilespmem:s29+$0x102F0] =	vst.add.f32.msk $0xffff, v16  }
0x116: {  	[tilespmem:s29+$0x10300] =	vst.add.f32.msk $0xffff, v17  }
0x117: {  	[tilespmem:s29+$0x10310] =	vst.add.f32.msk $0xffff, v18  }
0x118: {  	[tilespmem:s29+$0x10320] =	vst.add.f32.msk $0xffff, v19  }
0x119: {  	[tilespmem:s29+$0x10330] =	vst.add.f32.msk $0xffff, v20  }
0x11a: {  	[tilespmem:s29+$0x10340] =	vst.add.f32.msk $0xffff, v21  }
0x11b: {  	[tilespmem:s29+$0x10350] =	vst.add.f32.msk $0xffff, v22  }
0x11c: {  	[tilespmem:s29+$0x10360] =	vst.add.f32.msk $0xffff, v23  }
0x11d: {  	[tilespmem:s29+$0x10370] =	vst.add.f32.msk $0xffff, v24  }
0x11e: {  	[tilespmem:s29+$0x10380] =	vst.add.f32.msk $0xffff, v25  }
0x11f: {  	[tilespmem:s29+$0x10390] =	vst.add.f32.msk $0xffff, v26  }
0x120: {  	[tilespmem:s29+$0x103A0] =	vst.add.f32.msk $0xffff, v27  }
0x121: {  	[tilespmem:s29+$0x103B0] =	vst.add.f32.msk $0xffff, v28  }
0x122: {  	[tilespmem:s29+$0x103C0] =	vst.add.f32.msk $0xffff, v29  }
0x123: {  	[tilespmem:s29+$0x103D0] =	vst.add.f32.msk $0xffff, v30  }
0x124: {  	[tilespmem:s29+$0x103E0] =	vst.add.f32.msk $0xffff, v31  }
0x125: {  	[tilespmem:s29+$0x103F0] =	vst.add.f32.msk $0xffff, v32  }
0x126: {  	[tilespmem:s29+$0x10400] =	vst.add.f32.msk $0xffff, v33  }
0x127: {  	[tilespmem:s29+$0x10410] =	vst.add.f32.msk $0xffff, v34  }
0x128: {  	[tilespmem:s29+$0x10420] =	vst.add.f32.msk $0xffff, v35  }
0x129: {  	[tilespmem:s29+$0x10430] =	vst.add.f32.msk $0xffff, v36  }
0x12a: {  	[tilespmem:s29+$0x10440] =	vst.add.f32.msk $0xffff, v37  }
0x12b: {  	[tilespmem:s29+$0x10450] =	vst.add.f32.msk $0xffff, v38  }
0x12c: {  	[tilespmem:s29+$0x10460] =	vst.add.f32.msk $0xffff, v39  }
0x12d: {  	[tilespmem:s29+$0x10470] =	vst.add.f32.msk $0xffff, v40  }
0x12e: {  	[tilespmem:s29+$0x10480] =	vst.add.f32.msk $0xffff, v41  }
0x12f: {  	[tilespmem:s29+$0x10490] =	vst.add.f32.msk $0xffff, v42  }
0x130: {  	[tilespmem:s29+$0x104A0] =	vst.add.f32.msk $0xffff, v43  }
0x131: {  	[tilespmem:s29+$0x104B0] =	vst.add.f32.msk $0xffff, v44  }
0x132: {  	[tilespmem:s29+$0x104C0] =	vst.add.f32.msk $0xffff, v45  }
0x133: {  	[tilespmem:s29+$0x104D0] =	vst.add.f32.msk $0xffff, v46  }
0x134: {  	[tilespmem:s29+$0x104E0] =	vst.add.f32.msk $0xffff, v47  }
0x135: {  	[tilespmem:s29+$0x104F0] =	vst.add.f32.msk $0xffff, v48  }
0x136: {  	[tilespmem:s29+$0x10500] =	vst.add.f32.msk $0xffff, v49  }
0x137: {  	[tilespmem:s29+$0x10510] =	vst.add.f32.msk $0xffff, v50  }
0x138: {  	[tilespmem:s29+$0x10520] =	vst.add.f32.msk $0xffff, v51  }
0x139: {  	[tilespmem:s29+$0x10530] =	vst.add.f32.msk $0xffff, v52  }
0x13a: {  	[tilespmem:s29+$0x10540] =	vst.add.f32.msk $0xffff, v53  }
0x13b: {  	[tilespmem:s29+$0x10550] =	vst.add.f32.msk $0xffff, v54  }
0x13c: {  	[tilespmem:s29+$0x10560] =	vst.add.f32.msk $0xffff, v55  }
0x13d: {  	[tilespmem:s29+$0x10570] =	vst.add.f32.msk $0xffff, v56  }
0x13e: {  	[tilespmem:s29+$0x10580] =	vst.add.f32.msk $0xffff, v57  }
.Ltmp0:
0x13f: {  	[tilespmem:s29+$0x10590] =	vst.add.f32.msk $0xffff, v58;
	(pc) =	sbr.rel @p1 .LBB2_3-.Ltmp0, $4  }
0x140: {  	[tilespmem:s29+$0x105A0] =	vst.add.f32.msk $0xffff, v59  }
0x141: {  	[tilespmem:s29+$0x105B0] =	vst.add.f32.msk $0xffff, v60  }
0x142: {  	[tilespmem:s29+$0x105C0] =	vst.add.f32.msk $0xffff, v61  }
0x143: {  	s18 =	sadd.s32 $0x1000, s18;
	[tilespmem:s29+$0x105D0] =	vst.add.f32.msk $0xffff, v62  }
0x144: {  	s11 =	sshrl.u32 s21, $0x3  }
0x145: {  	[tilespmem:s29+$0x105E0] =	vst.add.f32.msk $0xffff, v0;
	s29 =	simm.s32 $0x0;
	s11 =	sadd.s32 s4, s11  }
0x146: {  	[hbm4b:s11+s17] =	stream.strided.scatter [tilespmem:s24], [sflag:$0xB], $0x2000, s23, s17, $0x38;
	[tilespmem:$0x18200] =	vst v63  }
0x147: {  	v0 =	vld [tilespmem:s29+$0xA5F0]  }
0x148: {  	v1 =	vld [tilespmem:s29+$0x2200]  }
0x149: {  	v2 =	vld [tilespmem:s29+$0x2210]  }
0x14a: {  	v3 =	vld [tilespmem:s29+$0x2220]  }
0x14b: {  	v4 =	vld [tilespmem:s29+$0x2230]  }
0x14c: {  	v5 =	vld [tilespmem:s29+$0xA240]  }
0x14d: {  	v6 =	vld [tilespmem:s29+$0xA250]  }
0x14e: {  	v7 =	vld [tilespmem:s29+$0xA260]  }
0x14f: {  	v8 =	vld [tilespmem:s29+$0xA270]  }
0x150: {  	v9 =	vld [tilespmem:s29+$0x2280]  }
0x151: {  	v10 =	vld [tilespmem:s29+$0x2290]  }
0x152: {  	v11 =	vld [tilespmem:s29+$0x22A0]  }
0x153: {  	v12 =	vld [tilespmem:s29+$0x22B0]  }
0x154: {  	v13 =	vld [tilespmem:s29+$0xA2C0]  }
0x155: {  	v14 =	vld [tilespmem:s29+$0xA2D0]  }
0x156: {  	v15 =	vld [tilespmem:s29+$0xA2E0]  }
0x157: {  	v16 =	vld [tilespmem:s29+$0xA2F0]  }
0x158: {  	v17 =	vld [tilespmem:s29+$0x2300]  }
0x159: {  	v18 =	vld [tilespmem:s29+$0x2310]  }
0x15a: {  	v19 =	vld [tilespmem:s29+$0x2320]  }
0x15b: {  	v20 =	vld [tilespmem:s29+$0x2330]  }
0x15c: {  	v21 =	vld [tilespmem:s29+$0xA340]  }
0x15d: {  	v22 =	vld [tilespmem:s29+$0xA350]  }
0x15e: {  	v23 =	vld [tilespmem:s29+$0xA360]  }
0x15f: {  	v24 =	vld [tilespmem:s29+$0xA370]  }
0x160: {  	v25 =	vld [tilespmem:s29+$0x2380]  }
0x161: {  	v26 =	vld [tilespmem:s29+$0x2390]  }
0x162: {  	v27 =	vld [tilespmem:s29+$0x23A0]  }
0x163: {  	v28 =	vld [tilespmem:s29+$0x23B0]  }
0x164: {  	v29 =	vld [tilespmem:s29+$0xA3C0]  }
0x165: {  	v30 =	vld [tilespmem:s29+$0xA3D0]  }
0x166: {  	v31 =	vld [tilespmem:s29+$0xA3E0]  }
0x167: {  	v32 =	vld [tilespmem:s29+$0xA3F0]  }
0x168: {  	v33 =	vld [tilespmem:s29+$0x2400]  }
0x169: {  	v34 =	vld [tilespmem:s29+$0x2410]  }
0x16a: {  	v35 =	vld [tilespmem:s29+$0x2420]  }
0x16b: {  	v36 =	vld [tilespmem:s29+$0x2430]  }
0x16c: {  	v37 =	vld [tilespmem:s29+$0xA440]  }
0x16d: {  	v38 =	vld [tilespmem:s29+$0xA450]  }
0x16e: {  	v39 =	vld [tilespmem:s29+$0xA460]  }
0x16f: {  	v40 =	vld [tilespmem:s29+$0xA470]  }
0x170: {  	v41 =	vld [tilespmem:s29+$0x2480]  }
0x171: {  	v42 =	vld [tilespmem:s29+$0x2490]  }
0x172: {  	v43 =	vld [tilespmem:s29+$0x24A0]  }
0x173: {  	v44 =	vld [tilespmem:s29+$0x24B0]  }
0x174: {  	v45 =	vld [tilespmem:s29+$0xA4C0]  }
0x175: {  	v46 =	vld [tilespmem:s29+$0xA4D0]  }
0x176: {  	v47 =	vld [tilespmem:s29+$0xA4E0]  }
0x177: {  	v48 =	vld [tilespmem:s29+$0xA4F0]  }
0x178: {  	v49 =	vld [tilespmem:s29+$0x2500]  }
0x179: {  	v50 =	vld [tilespmem:s29+$0x2510]  }
0x17a: {  	v51 =	vld [tilespmem:s29+$0x2520]  }
0x17b: {  	v52 =	vld [tilespmem:s29+$0x2530]  }
0x17c: {  	v53 =	vld [tilespmem:s29+$0xA540]  }
0x17d: {  	v54 =	vld [tilespmem:s29+$0xA550]  }
0x17e: {  	v55 =	vld [tilespmem:s29+$0xA560]  }
0x17f: {  	v56 =	vld [tilespmem:s29+$0xA570]  }
0x180: {  	v57 =	vld [tilespmem:s29+$0x2580]  }
0x181: {  	v58 =	vld [tilespmem:s29+$0x2590]  }
0x182: {  	v59 =	vld [tilespmem:s29+$0x25A0]  }
0x183: {  	v60 =	vld [tilespmem:s29+$0x25B0]  }
0x184: {  	v61 =	vld [tilespmem:s29+$0xA5C0]  }
0x185: {  	v62 =	vld [tilespmem:s29+$0xA5D0]  }
0x186: {  	[tilespmem:s29+$0x125F0] =	vst.add.f32.msk $0xffff, v0  }
0x187: {  	v0 =	vld [tilespmem:s29+$0xA5E0]  }
0x188: {  	[tilespmem:s29+$0x12200] =	vst.add.f32.msk $0xffff, v1  }
0x189: {  	[tilespmem:s29+$0x12210] =	vst.add.f32.msk $0xffff, v2  }
0x18a: {  	[tilespmem:s29+$0x12220] =	vst.add.f32.msk $0xffff, v3  }
0x18b: {  	[tilespmem:s29+$0x12230] =	vst.add.f32.msk $0xffff, v4  }
0x18c: {  	[tilespmem:s29+$0x12240] =	vst.add.f32.msk $0xffff, v5  }
0x18d: {  	[tilespmem:s29+$0x12250] =	vst.add.f32.msk $0xffff, v6  }
0x18e: {  	[tilespmem:s29+$0x12260] =	vst.add.f32.msk $0xffff, v7  }
0x18f: {  	[tilespmem:s29+$0x12270] =	vst.add.f32.msk $0xffff, v8  }
0x190: {  	[tilespmem:s29+$0x12280] =	vst.add.f32.msk $0xffff, v9  }
0x191: {  	[tilespmem:s29+$0x12290] =	vst.add.f32.msk $0xffff, v10  }
0x192: {  	[tilespmem:s29+$0x122A0] =	vst.add.f32.msk $0xffff, v11  }
0x193: {  	[tilespmem:s29+$0x122B0] =	vst.add.f32.msk $0xffff, v12  }
0x194: {  	[tilespmem:s29+$0x122C0] =	vst.add.f32.msk $0xffff, v13  }
0x195: {  	[tilespmem:s29+$0x122D0] =	vst.add.f32.msk $0xffff, v14  }
0x196: {  	[tilespmem:s29+$0x122E0] =	vst.add.f32.msk $0xffff, v15  }
0x197: {  	[tilespmem:s29+$0x122F0] =	vst.add.f32.msk $0xffff, v16  }
0x198: {  	[tilespmem:s29+$0x12300] =	vst.add.f32.msk $0xffff, v17  }
0x199: {  	[tilespmem:s29+$0x12310] =	vst.add.f32.msk $0xffff, v18  }
0x19a: {  	[tilespmem:s29+$0x12320] =	vst.add.f32.msk $0xffff, v19  }
0x19b: {  	[tilespmem:s29+$0x12330] =	vst.add.f32.msk $0xffff, v20  }
0x19c: {  	[tilespmem:s29+$0x12340] =	vst.add.f32.msk $0xffff, v21  }
0x19d: {  	[tilespmem:s29+$0x12350] =	vst.add.f32.msk $0xffff, v22  }
0x19e: {  	[tilespmem:s29+$0x12360] =	vst.add.f32.msk $0xffff, v23  }
0x19f: {  	[tilespmem:s29+$0x12370] =	vst.add.f32.msk $0xffff, v24  }
0x1a0: {  	[tilespmem:s29+$0x12380] =	vst.add.f32.msk $0xffff, v25  }
0x1a1: {  	[tilespmem:s29+$0x12390] =	vst.add.f32.msk $0xffff, v26  }
0x1a2: {  	[tilespmem:s29+$0x123A0] =	vst.add.f32.msk $0xffff, v27  }
0x1a3: {  	[tilespmem:s29+$0x123B0] =	vst.add.f32.msk $0xffff, v28  }
0x1a4: {  	[tilespmem:s29+$0x123C0] =	vst.add.f32.msk $0xffff, v29  }
0x1a5: {  	[tilespmem:s29+$0x123D0] =	vst.add.f32.msk $0xffff, v30  }
0x1a6: {  	[tilespmem:s29+$0x123E0] =	vst.add.f32.msk $0xffff, v31  }
0x1a7: {  	[tilespmem:s29+$0x123F0] =	vst.add.f32.msk $0xffff, v32  }
0x1a8: {  	[tilespmem:s29+$0x12400] =	vst.add.f32.msk $0xffff, v33  }
0x1a9: {  	[tilespmem:s29+$0x12410] =	vst.add.f32.msk $0xffff, v34  }
0x1aa: {  	[tilespmem:s29+$0x12420] =	vst.add.f32.msk $0xffff, v35  }
0x1ab: {  	[tilespmem:s29+$0x12430] =	vst.add.f32.msk $0xffff, v36  }
0x1ac: {  	[tilespmem:s29+$0x12440] =	vst.add.f32.msk $0xffff, v37  }
0x1ad: {  	[tilespmem:s29+$0x12450] =	vst.add.f32.msk $0xffff, v38  }
0x1ae: {  	[tilespmem:s29+$0x12460] =	vst.add.f32.msk $0xffff, v39  }
0x1af: {  	[tilespmem:s29+$0x12470] =	vst.add.f32.msk $0xffff, v40  }
0x1b0: {  	[tilespmem:s29+$0x12480] =	vst.add.f32.msk $0xffff, v41  }
0x1b1: {  	[tilespmem:s29+$0x12490] =	vst.add.f32.msk $0xffff, v42  }
0x1b2: {  	[tilespmem:s29+$0x124A0] =	vst.add.f32.msk $0xffff, v43  }
0x1b3: {  	[tilespmem:s29+$0x124B0] =	vst.add.f32.msk $0xffff, v44  }
0x1b4: {  	[tilespmem:s29+$0x124C0] =	vst.add.f32.msk $0xffff, v45  }
0x1b5: {  	[tilespmem:s29+$0x124D0] =	vst.add.f32.msk $0xffff, v46  }
0x1b6: {  	[tilespmem:s29+$0x124E0] =	vst.add.f32.msk $0xffff, v47  }
0x1b7: {  	[tilespmem:s29+$0x124F0] =	vst.add.f32.msk $0xffff, v48  }
0x1b8: {  	[tilespmem:s29+$0x12500] =	vst.add.f32.msk $0xffff, v49  }
0x1b9: {  	[tilespmem:s29+$0x12510] =	vst.add.f32.msk $0xffff, v50  }
0x1ba: {  	[tilespmem:s29+$0x12520] =	vst.add.f32.msk $0xffff, v51  }
0x1bb: {  	[tilespmem:s29+$0x12530] =	vst.add.f32.msk $0xffff, v52  }
0x1bc: {  	[tilespmem:s29+$0x12540] =	vst.add.f32.msk $0xffff, v53  }
0x1bd: {  	[tilespmem:s29+$0x12550] =	vst.add.f32.msk $0xffff, v54  }
0x1be: {  	[tilespmem:s29+$0x12560] =	vst.add.f32.msk $0xffff, v55  }
0x1bf: {  	[tilespmem:s29+$0x12570] =	vst.add.f32.msk $0xffff, v56  }
0x1c0: {  	[tilespmem:s29+$0x12580] =	vst.add.f32.msk $0xffff, v57  }
0x1c1: {  	[tilespmem:s29+$0x12590] =	vst.add.f32.msk $0xffff, v58  }
0x1c2: {  	[tilespmem:s29+$0x125A0] =	vst.add.f32.msk $0xffff, v59  }
0x1c3: {  	[tilespmem:s29+$0x125B0] =	vst.add.f32.msk $0xffff, v60  }
0x1c4: {  	[tilespmem:s29+$0x125C0] =	vst.add.f32.msk $0xffff, v61  }
0x1c5: {  	s18 =	simm.s32 $0x1000;
	s11 =	simm.s32 $0x0;
	[tilespmem:s29+$0x125D0] =	vst.add.f32.msk $0xffff, v62  }
.LBB2_5:
0x1c6: {  	s11 =	sadd.s32 $0x8, s11;
	[tilespmem:s29+$0x125E0] =	vst.add.f32.msk $0xffff, v0;
	s29 =	sshra.s32 s18, $0x2  }
0x1c7: {  	v0 =	vld [tilespmem:s29+$0xA5F0];
	p1 =	slt.u32 s11, $0x38  }
0x1c8: {  	v1 =	vld [tilespmem:s29+$0x2200]  }
0x1c9: {  	v2 =	vld [tilespmem:s29+$0x2210]  }
0x1ca: {  	v3 =	vld [tilespmem:s29+$0x2220]  }
0x1cb: {  	v4 =	vld [tilespmem:s29+$0x2230]  }
0x1cc: {  	[tilespmem:s29+$0x125F0] =	vst.add.f32.msk $0xffff, v0  }
0x1cd: {  	v5 =	vld [tilespmem:s29+$0xA240]  }
0x1ce: {  	v6 =	vld [tilespmem:s29+$0xA250]  }
0x1cf: {  	v7 =	vld [tilespmem:s29+$0xA260]  }
0x1d0: {  	v8 =	vld [tilespmem:s29+$0xA270]  }
0x1d1: {  	v9 =	vld [tilespmem:s29+$0x2280]  }
0x1d2: {  	v10 =	vld [tilespmem:s29+$0x2290]  }
0x1d3: {  	v11 =	vld [tilespmem:s29+$0x22A0]  }
0x1d4: {  	v12 =	vld [tilespmem:s29+$0x22B0]  }
0x1d5: {  	v13 =	vld [tilespmem:s29+$0xA2C0]  }
0x1d6: {  	v14 =	vld [tilespmem:s29+$0xA2D0]  }
0x1d7: {  	v15 =	vld [tilespmem:s29+$0xA2E0]  }
0x1d8: {  	v16 =	vld [tilespmem:s29+$0xA2F0]  }
0x1d9: {  	v17 =	vld [tilespmem:s29+$0x2300]  }
0x1da: {  	v18 =	vld [tilespmem:s29+$0x2310]  }
0x1db: {  	v19 =	vld [tilespmem:s29+$0x2320]  }
0x1dc: {  	v20 =	vld [tilespmem:s29+$0x2330]  }
0x1dd: {  	v21 =	vld [tilespmem:s29+$0xA340]  }
0x1de: {  	v22 =	vld [tilespmem:s29+$0xA350]  }
0x1df: {  	v23 =	vld [tilespmem:s29+$0xA360]  }
0x1e0: {  	v24 =	vld [tilespmem:s29+$0xA370]  }
0x1e1: {  	v25 =	vld [tilespmem:s29+$0x2380]  }
0x1e2: {  	v26 =	vld [tilespmem:s29+$0x2390]  }
0x1e3: {  	v27 =	vld [tilespmem:s29+$0x23A0]  }
0x1e4: {  	v28 =	vld [tilespmem:s29+$0x23B0]  }
0x1e5: {  	v29 =	vld [tilespmem:s29+$0xA3C0]  }
0x1e6: {  	v30 =	vld [tilespmem:s29+$0xA3D0]  }
0x1e7: {  	v31 =	vld [tilespmem:s29+$0xA3E0]  }
0x1e8: {  	v32 =	vld [tilespmem:s29+$0xA3F0]  }
0x1e9: {  	v33 =	vld [tilespmem:s29+$0x2400]  }
0x1ea: {  	v34 =	vld [tilespmem:s29+$0x2410]  }
0x1eb: {  	v35 =	vld [tilespmem:s29+$0x2420]  }
0x1ec: {  	v36 =	vld [tilespmem:s29+$0x2430]  }
0x1ed: {  	v37 =	vld [tilespmem:s29+$0xA440]  }
0x1ee: {  	v38 =	vld [tilespmem:s29+$0xA450]  }
0x1ef: {  	v39 =	vld [tilespmem:s29+$0xA460]  }
0x1f0: {  	v40 =	vld [tilespmem:s29+$0xA470]  }
0x1f1: {  	v41 =	vld [tilespmem:s29+$0x2480]  }
0x1f2: {  	v42 =	vld [tilespmem:s29+$0x2490]  }
0x1f3: {  	v43 =	vld [tilespmem:s29+$0x24A0]  }
0x1f4: {  	v44 =	vld [tilespmem:s29+$0x24B0]  }
0x1f5: {  	v45 =	vld [tilespmem:s29+$0xA4C0]  }
0x1f6: {  	v46 =	vld [tilespmem:s29+$0xA4D0]  }
0x1f7: {  	v47 =	vld [tilespmem:s29+$0xA4E0]  }
0x1f8: {  	v48 =	vld [tilespmem:s29+$0xA4F0]  }
0x1f9: {  	v49 =	vld [tilespmem:s29+$0x2500]  }
0x1fa: {  	v50 =	vld [tilespmem:s29+$0x2510]  }
0x1fb: {  	v51 =	vld [tilespmem:s29+$0x2520]  }
0x1fc: {  	v52 =	vld [tilespmem:s29+$0x2530]  }
0x1fd: {  	v53 =	vld [tilespmem:s29+$0xA540]  }
0x1fe: {  	v54 =	vld [tilespmem:s29+$0xA550]  }
0x1ff: {  	v55 =	vld [tilespmem:s29+$0xA560]  }
0x200: {  	v56 =	vld [tilespmem:s29+$0xA570]  }
0x201: {  	v57 =	vld [tilespmem:s29+$0x2580]  }
0x202: {  	v58 =	vld [tilespmem:s29+$0x2590]  }
0x203: {  	v59 =	vld [tilespmem:s29+$0x25A0]  }
0x204: {  	v60 =	vld [tilespmem:s29+$0x25B0]  }
0x205: {  	v61 =	vld [tilespmem:s29+$0xA5C0]  }
0x206: {  	v62 =	vld [tilespmem:s29+$0xA5D0]  }
0x207: {  	v0 =	vld [tilespmem:s29+$0xA5E0]  }
0x208: {  	[tilespmem:s29+$0x12200] =	vst.add.f32.msk $0xffff, v1  }
0x209: {  	[tilespmem:s29+$0x12210] =	vst.add.f32.msk $0xffff, v2  }
0x20a: {  	[tilespmem:s29+$0x12220] =	vst.add.f32.msk $0xffff, v3  }
0x20b: {  	[tilespmem:s29+$0x12230] =	vst.add.f32.msk $0xffff, v4  }
0x20c: {  	[tilespmem:s29+$0x12240] =	vst.add.f32.msk $0xffff, v5  }
0x20d: {  	[tilespmem:s29+$0x12250] =	vst.add.f32.msk $0xffff, v6  }
0x20e: {  	[tilespmem:s29+$0x12260] =	vst.add.f32.msk $0xffff, v7  }
0x20f: {  	[tilespmem:s29+$0x12270] =	vst.add.f32.msk $0xffff, v8  }
0x210: {  	[tilespmem:s29+$0x12280] =	vst.add.f32.msk $0xffff, v9  }
0x211: {  	[tilespmem:s29+$0x12290] =	vst.add.f32.msk $0xffff, v10  }
0x212: {  	[tilespmem:s29+$0x122A0] =	vst.add.f32.msk $0xffff, v11  }
0x213: {  	[tilespmem:s29+$0x122B0] =	vst.add.f32.msk $0xffff, v12  }
0x214: {  	[tilespmem:s29+$0x122C0] =	vst.add.f32.msk $0xffff, v13  }
0x215: {  	[tilespmem:s29+$0x122D0] =	vst.add.f32.msk $0xffff, v14  }
0x216: {  	[tilespmem:s29+$0x122E0] =	vst.add.f32.msk $0xffff, v15  }
0x217: {  	[tilespmem:s29+$0x122F0] =	vst.add.f32.msk $0xffff, v16  }
0x218: {  	[tilespmem:s29+$0x12300] =	vst.add.f32.msk $0xffff, v17  }
0x219: {  	[tilespmem:s29+$0x12310] =	vst.add.f32.msk $0xffff, v18  }
0x21a: {  	[tilespmem:s29+$0x12320] =	vst.add.f32.msk $0xffff, v19  }
0x21b: {  	[tilespmem:s29+$0x12330] =	vst.add.f32.msk $0xffff, v20  }
0x21c: {  	[tilespmem:s29+$0x12340] =	vst.add.f32.msk $0xffff, v21  }
0x21d: {  	[tilespmem:s29+$0x12350] =	vst.add.f32.msk $0xffff, v22  }
0x21e: {  	[tilespmem:s29+$0x12360] =	vst.add.f32.msk $0xffff, v23  }
0x21f: {  	[tilespmem:s29+$0x12370] =	vst.add.f32.msk $0xffff, v24  }
0x220: {  	[tilespmem:s29+$0x12380] =	vst.add.f32.msk $0xffff, v25  }
0x221: {  	[tilespmem:s29+$0x12390] =	vst.add.f32.msk $0xffff, v26  }
0x222: {  	[tilespmem:s29+$0x123A0] =	vst.add.f32.msk $0xffff, v27  }
0x223: {  	[tilespmem:s29+$0x123B0] =	vst.add.f32.msk $0xffff, v28  }
0x224: {  	[tilespmem:s29+$0x123C0] =	vst.add.f32.msk $0xffff, v29  }
0x225: {  	[tilespmem:s29+$0x123D0] =	vst.add.f32.msk $0xffff, v30  }
0x226: {  	[tilespmem:s29+$0x123E0] =	vst.add.f32.msk $0xffff, v31  }
0x227: {  	[tilespmem:s29+$0x123F0] =	vst.add.f32.msk $0xffff, v32  }
0x228: {  	[tilespmem:s29+$0x12400] =	vst.add.f32.msk $0xffff, v33  }
0x229: {  	[tilespmem:s29+$0x12410] =	vst.add.f32.msk $0xffff, v34  }
0x22a: {  	[tilespmem:s29+$0x12420] =	vst.add.f32.msk $0xffff, v35  }
0x22b: {  	[tilespmem:s29+$0x12430] =	vst.add.f32.msk $0xffff, v36  }
0x22c: {  	[tilespmem:s29+$0x12440] =	vst.add.f32.msk $0xffff, v37  }
0x22d: {  	[tilespmem:s29+$0x12450] =	vst.add.f32.msk $0xffff, v38  }
0x22e: {  	[tilespmem:s29+$0x12460] =	vst.add.f32.msk $0xffff, v39  }
0x22f: {  	[tilespmem:s29+$0x12470] =	vst.add.f32.msk $0xffff, v40  }
0x230: {  	[tilespmem:s29+$0x12480] =	vst.add.f32.msk $0xffff, v41  }
0x231: {  	[tilespmem:s29+$0x12490] =	vst.add.f32.msk $0xffff, v42  }
0x232: {  	[tilespmem:s29+$0x124A0] =	vst.add.f32.msk $0xffff, v43  }
0x233: {  	[tilespmem:s29+$0x124B0] =	vst.add.f32.msk $0xffff, v44  }
0x234: {  	[tilespmem:s29+$0x124C0] =	vst.add.f32.msk $0xffff, v45  }
0x235: {  	[tilespmem:s29+$0x124D0] =	vst.add.f32.msk $0xffff, v46  }
0x236: {  	[tilespmem:s29+$0x124E0] =	vst.add.f32.msk $0xffff, v47  }
0x237: {  	[tilespmem:s29+$0x124F0] =	vst.add.f32.msk $0xffff, v48  }
0x238: {  	[tilespmem:s29+$0x12500] =	vst.add.f32.msk $0xffff, v49  }
0x239: {  	[tilespmem:s29+$0x12510] =	vst.add.f32.msk $0xffff, v50  }
0x23a: {  	[tilespmem:s29+$0x12520] =	vst.add.f32.msk $0xffff, v51  }
0x23b: {  	[tilespmem:s29+$0x12530] =	vst.add.f32.msk $0xffff, v52  }
0x23c: {  	[tilespmem:s29+$0x12540] =	vst.add.f32.msk $0xffff, v53  }
0x23d: {  	[tilespmem:s29+$0x12550] =	vst.add.f32.msk $0xffff, v54  }
0x23e: {  	[tilespmem:s29+$0x12560] =	vst.add.f32.msk $0xffff, v55  }
0x23f: {  	[tilespmem:s29+$0x12570] =	vst.add.f32.msk $0xffff, v56  }
0x240: {  	[tilespmem:s29+$0x12580] =	vst.add.f32.msk $0xffff, v57  }
.Ltmp1:
0x241: {  	[tilespmem:s29+$0x12590] =	vst.add.f32.msk $0xffff, v58;
	(pc) =	sbr.rel @p1 .LBB2_5-.Ltmp1, $4  }
0x242: {  	[tilespmem:s29+$0x125A0] =	vst.add.f32.msk $0xffff, v59  }
0x243: {  	[tilespmem:s29+$0x125B0] =	vst.add.f32.msk $0xffff, v60  }
0x244: {  	[tilespmem:s29+$0x125C0] =	vst.add.f32.msk $0xffff, v61  }
0x245: {  	s18 =	sadd.s32 $0x1000, s18;
	[tilespmem:s29+$0x125D0] =	vst.add.f32.msk $0xffff, v62  }
0x246: {  	s11 =	sadd.s32 s28, s13  }
0x247: {  	s11 =	sadd.s32 $0x190000, s11  }
0x248: {  	s11 =	sshrl.u32 s11, $0x3  }
0x249: {  	[tilespmem:s29+$0x125E0] =	vst.add.f32.msk $0xffff, v0;
	s29 =	simm.s32 $0x12200;
	s11 =	sadd.s32 s4, s11  }
0x24a: {  	[hbm4b:s11+s17] =	stream.strided.scatter [tilespmem:s29], [sflag:$0xB], $0x2000, s23, s17, $0x38;
	[tilespmem:$0x18200] =	vst v63  }
0x24b: {  	s11 =	simm.s32 @p0 $0xB  }
0x24c: {  	_ =	swait.ge @p0 [sflag:s11], $0x2000  }
0x24d: {  	[sflag:s11] =	ssyncset.done @p0 $0x0  }
0x24e: {  	[sflag:s11] =	ssyncadd.s32 @p0 $0xFFFFE000  }
0x24f: {  	_ =	swait.ge @p0 [sflag:s11], $0x2000  }
0x250: {  	[sflag:s11] =	ssyncset.done @p0 $0x0  }
0x251: {  	[sflag:s11] =	ssyncadd.s32 @p0 $0xFFFFE000;
	s11 =	simm.s32 @!p0 $0x1  }
0x252: {  	_ =	swait.ge @!p0 [sflag:s11], $0x80  }
0x253: {  	[sflag:s11] =	ssyncset.done @!p0 $0x0  }
0x254: {  	[sflag:s11] =	ssyncadd.s32 @!p0 $0xFFFFFF80;
	s11 =	simm.s32 @!p0 $0x3  }
0x255: {  	_ =	swait.ge @!p0 [sflag:s11], $0x80  }
0x256: {  	s13 =	simm.s32 @!p0 $0x0;
	[sflag:s11] =	ssyncset.done @!p0 $0x0  }
0x257: {  	s18 =	simm.s32 @!p0 $0x200;
	[sflag:s11] =	ssyncadd.s32 @!p0 $0xFFFFFF80;
	s11 =	simm.s32 @!p0 $0x80  }
0x258: {  	[tilespmem:s18], [sflag:$0x5] =	stream.indirect.gather @!p0 [hbm4b:s7+s11], $0x80, s13, s11, $0xb8;
	[tilespmem:$0x18200] =	vst v63  }
0x259: {  	s21 =	simm.s32 @!p0 $0x8200;
	s18 =	simm.s32 @!p0 $0x100  }
0x25a: {  	[tilespmem:s21], [sflag:$0x7] =	stream.indirect.gather @!p0 [hbm4b:s7+s11], $0x80, s18, s11, $0xb8;
	[tilespmem:$0x18200] =	vst v63  }
0x25b: {  	s18 =	simm.s32 @!p0 $0xB;
	s21 =	sand.u32 @!p0 $0x1E, s12  }
0x25c: {  	s12 =	sshll.u32 @!p0 s12, $0x2;
	_ =	swait.ge @!p0 [sflag:s18], $0x2000;
	s21 =	smul.u32 @!p0 $0x320000, s21  }
0x25d: {  	s28 =	sand.u32 @!p0 $0x7FFFFC00, s12;
	[sflag:s18] =	ssyncset.done @!p0 $0x0  }
0x25e: {  	s12 =	sand.u32 @!p0 $0x380, s12;
	[sflag:s18] =	ssyncadd.s32 @!p0 $0xFFFFE000;
	s21 =	sadd.s32 @!p0 s28, s21  }
0x25f: {  	_ =	swait.ge @!p0 [sflag:s18], $0x2000;
	s12 =	sor.u32 @!p0 s12, s21  }
0x260: {  	s21 =	simm.s32 @!p0 $0x10200;
	[sflag:s18] =	ssyncset.done @!p0 $0x0;
	s12 =	sshrl.u32 @!p0 s12, $0x3  }
0x261: {  	[sflag:s18] =	ssyncadd.s32 @!p0 $0xFFFFE000;
	s12 =	sadd.s32 @!p0 s1, s12;
	s18 =	simm.s32 @!p0 $0x6400  }
0x262: {  	[tilespmem:s21], [sflag:$0x9] =	stream.strided.gather @!p0 [hbm4b:s12+s11], $0x4000, s18, s11, $0x38;
	[tilespmem:$0x18200] =	vst v63  }
0x263: {  	_ =	swait.ge [sflag:s22], $0x4000  }
0x264: {  	[sflag:s22] =	ssyncset.done $0x0  }
0x265: {  	[sflag:s22] =	ssyncadd.s32 $0xFFFFC000  }
0x266: {  	_ =	swait.ge [sflag:s16], $0x4000  }
0x267: {  	[sflag:s16] =	ssyncset.done $0x0  }
0x268: {  	[sflag:s16] =	ssyncadd.s32 $0xFFFFC000  }
0x269: {  	s5 =	sadd.s32 @!p0 s5, s14;
	_ =	swait.ge [sflag:s10], $0x4000  }
0x26a: {  	s5 =	sshll.u32 @!p0 s5, $0x5;
	[sflag:s10] =	ssyncset.done $0x0  }
0x26b: {  	s12 =	sadd.s32 @!p0 s2, s5;
	[sflag:s10] =	ssyncadd.s32 $0xFFFFC000  }
0x26c: {  	[tilespmem:s11], [sflag:$0x2] =	stream.linear.gather @!p0 [hbm4b:s12+s13], $0x80, $0x38;
	[tilespmem:$0x18200] =	vst v63  }
0x26d: {  	s5 =	sadd.s32 @!p0 s5, s8;
	s11 =	simm.s32 @!p0 $0x180  }
0x26e: {  	[tilespmem:s11], [sflag:$0x4] =	stream.linear.gather @!p0 [hbm4b:s5+s13], $0x80, $0x38;
	[tilespmem:$0x18200] =	vst v63  }
0x26f: {  	s5 =	simm.s32 $0x0  }
0x270: {  	v0 =	vld [tilespmem:s5+$0xC5F0]  }
0x271: {  	v1 =	vld [tilespmem:s5+$0x4200]  }
0x272: {  	v2 =	vld [tilespmem:s5+$0x4210]  }
0x273: {  	v3 =	vld [tilespmem:s5+$0x4220]  }
0x274: {  	v4 =	vld [tilespmem:s5+$0x4230]  }
0x275: {  	v5 =	vld [tilespmem:s5+$0xC240]  }
0x276: {  	v6 =	vld [tilespmem:s5+$0xC250]  }
0x277: {  	v7 =	vld [tilespmem:s5+$0xC260]  }
0x278: {  	v8 =	vld [tilespmem:s5+$0xC270]  }
0x279: {  	v9 =	vld [tilespmem:s5+$0x4280]  }
0x27a: {  	v10 =	vld [tilespmem:s5+$0x4290]  }
0x27b: {  	v11 =	vld [tilespmem:s5+$0x42A0]  }
0x27c: {  	v12 =	vld [tilespmem:s5+$0x42B0]  }
0x27d: {  	v13 =	vld [tilespmem:s5+$0xC2C0]  }
0x27e: {  	v14 =	vld [tilespmem:s5+$0xC2D0]  }
0x27f: {  	v15 =	vld [tilespmem:s5+$0xC2E0]  }
0x280: {  	v16 =	vld [tilespmem:s5+$0xC2F0]  }
0x281: {  	v17 =	vld [tilespmem:s5+$0x4300]  }
0x282: {  	v18 =	vld [tilespmem:s5+$0x4310]  }
0x283: {  	v19 =	vld [tilespmem:s5+$0x4320]  }
0x284: {  	v20 =	vld [tilespmem:s5+$0x4330]  }
0x285: {  	v21 =	vld [tilespmem:s5+$0xC340]  }
0x286: {  	v22 =	vld [tilespmem:s5+$0xC350]  }
0x287: {  	v23 =	vld [tilespmem:s5+$0xC360]  }
0x288: {  	v24 =	vld [tilespmem:s5+$0xC370]  }
0x289: {  	v25 =	vld [tilespmem:s5+$0x4380]  }
0x28a: {  	v26 =	vld [tilespmem:s5+$0x4390]  }
0x28b: {  	v27 =	vld [tilespmem:s5+$0x43A0]  }
0x28c: {  	v28 =	vld [tilespmem:s5+$0x43B0]  }
0x28d: {  	v29 =	vld [tilespmem:s5+$0xC3C0]  }
0x28e: {  	v30 =	vld [tilespmem:s5+$0xC3D0]  }
0x28f: {  	v31 =	vld [tilespmem:s5+$0xC3E0]  }
0x290: {  	v32 =	vld [tilespmem:s5+$0xC3F0]  }
0x291: {  	v33 =	vld [tilespmem:s5+$0x4400]  }
0x292: {  	v34 =	vld [tilespmem:s5+$0x4410]  }
0x293: {  	v35 =	vld [tilespmem:s5+$0x4420]  }
0x294: {  	v36 =	vld [tilespmem:s5+$0x4430]  }
0x295: {  	v37 =	vld [tilespmem:s5+$0xC440]  }
0x296: {  	v38 =	vld [tilespmem:s5+$0xC450]  }
0x297: {  	v39 =	vld [tilespmem:s5+$0xC460]  }
0x298: {  	v40 =	vld [tilespmem:s5+$0xC470]  }
0x299: {  	v41 =	vld [tilespmem:s5+$0x4480]  }
0x29a: {  	v42 =	vld [tilespmem:s5+$0x4490]  }
0x29b: {  	v43 =	vld [tilespmem:s5+$0x44A0]  }
0x29c: {  	v44 =	vld [tilespmem:s5+$0x44B0]  }
0x29d: {  	v45 =	vld [tilespmem:s5+$0xC4C0]  }
0x29e: {  	v46 =	vld [tilespmem:s5+$0xC4D0]  }
0x29f: {  	v47 =	vld [tilespmem:s5+$0xC4E0]  }
0x2a0: {  	v48 =	vld [tilespmem:s5+$0xC4F0]  }
0x2a1: {  	v49 =	vld [tilespmem:s5+$0x4500]  }
0x2a2: {  	v50 =	vld [tilespmem:s5+$0x4510]  }
0x2a3: {  	v51 =	vld [tilespmem:s5+$0x4520]  }
0x2a4: {  	v52 =	vld [tilespmem:s5+$0x4530]  }
0x2a5: {  	v53 =	vld [tilespmem:s5+$0xC540]  }
0x2a6: {  	v54 =	vld [tilespmem:s5+$0xC550]  }
0x2a7: {  	v55 =	vld [tilespmem:s5+$0xC560]  }
0x2a8: {  	v56 =	vld [tilespmem:s5+$0xC570]  }
0x2a9: {  	v57 =	vld [tilespmem:s5+$0x4580]  }
0x2aa: {  	v58 =	vld [tilespmem:s5+$0x4590]  }
0x2ab: {  	v59 =	vld [tilespmem:s5+$0x45A0]  }
0x2ac: {  	v60 =	vld [tilespmem:s5+$0x45B0]  }
0x2ad: {  	v61 =	vld [tilespmem:s5+$0xC5C0]  }
0x2ae: {  	v62 =	vld [tilespmem:s5+$0xC5D0]  }
0x2af: {  	[tilespmem:s5+$0x145F0] =	vst.add.f32.msk $0xffff, v0  }
0x2b0: {  	v0 =	vld [tilespmem:s5+$0xC5E0]  }
0x2b1: {  	[tilespmem:s5+$0x14200] =	vst.add.f32.msk $0xffff, v1  }
0x2b2: {  	[tilespmem:s5+$0x14210] =	vst.add.f32.msk $0xffff, v2  }
0x2b3: {  	[tilespmem:s5+$0x14220] =	vst.add.f32.msk $0xffff, v3  }
0x2b4: {  	[tilespmem:s5+$0x14230] =	vst.add.f32.msk $0xffff, v4  }
0x2b5: {  	[tilespmem:s5+$0x14240] =	vst.add.f32.msk $0xffff, v5  }
0x2b6: {  	[tilespmem:s5+$0x14250] =	vst.add.f32.msk $0xffff, v6  }
0x2b7: {  	[tilespmem:s5+$0x14260] =	vst.add.f32.msk $0xffff, v7  }
0x2b8: {  	[tilespmem:s5+$0x14270] =	vst.add.f32.msk $0xffff, v8  }
0x2b9: {  	[tilespmem:s5+$0x14280] =	vst.add.f32.msk $0xffff, v9  }
0x2ba: {  	[tilespmem:s5+$0x14290] =	vst.add.f32.msk $0xffff, v10  }
0x2bb: {  	[tilespmem:s5+$0x142A0] =	vst.add.f32.msk $0xffff, v11  }
0x2bc: {  	[tilespmem:s5+$0x142B0] =	vst.add.f32.msk $0xffff, v12  }
0x2bd: {  	[tilespmem:s5+$0x142C0] =	vst.add.f32.msk $0xffff, v13  }
0x2be: {  	[tilespmem:s5+$0x142D0] =	vst.add.f32.msk $0xffff, v14  }
0x2bf: {  	[tilespmem:s5+$0x142E0] =	vst.add.f32.msk $0xffff, v15  }
0x2c0: {  	[tilespmem:s5+$0x142F0] =	vst.add.f32.msk $0xffff, v16  }
0x2c1: {  	[tilespmem:s5+$0x14300] =	vst.add.f32.msk $0xffff, v17  }
0x2c2: {  	[tilespmem:s5+$0x14310] =	vst.add.f32.msk $0xffff, v18  }
0x2c3: {  	[tilespmem:s5+$0x14320] =	vst.add.f32.msk $0xffff, v19  }
0x2c4: {  	[tilespmem:s5+$0x14330] =	vst.add.f32.msk $0xffff, v20  }
0x2c5: {  	[tilespmem:s5+$0x14340] =	vst.add.f32.msk $0xffff, v21  }
0x2c6: {  	[tilespmem:s5+$0x14350] =	vst.add.f32.msk $0xffff, v22  }
0x2c7: {  	[tilespmem:s5+$0x14360] =	vst.add.f32.msk $0xffff, v23  }
0x2c8: {  	[tilespmem:s5+$0x14370] =	vst.add.f32.msk $0xffff, v24  }
0x2c9: {  	[tilespmem:s5+$0x14380] =	vst.add.f32.msk $0xffff, v25  }
0x2ca: {  	[tilespmem:s5+$0x14390] =	vst.add.f32.msk $0xffff, v26  }
0x2cb: {  	[tilespmem:s5+$0x143A0] =	vst.add.f32.msk $0xffff, v27  }
0x2cc: {  	[tilespmem:s5+$0x143B0] =	vst.add.f32.msk $0xffff, v28  }
0x2cd: {  	[tilespmem:s5+$0x143C0] =	vst.add.f32.msk $0xffff, v29  }
0x2ce: {  	[tilespmem:s5+$0x143D0] =	vst.add.f32.msk $0xffff, v30  }
0x2cf: {  	[tilespmem:s5+$0x143E0] =	vst.add.f32.msk $0xffff, v31  }
0x2d0: {  	[tilespmem:s5+$0x143F0] =	vst.add.f32.msk $0xffff, v32  }
0x2d1: {  	[tilespmem:s5+$0x14400] =	vst.add.f32.msk $0xffff, v33  }
0x2d2: {  	[tilespmem:s5+$0x14410] =	vst.add.f32.msk $0xffff, v34  }
0x2d3: {  	[tilespmem:s5+$0x14420] =	vst.add.f32.msk $0xffff, v35  }
0x2d4: {  	[tilespmem:s5+$0x14430] =	vst.add.f32.msk $0xffff, v36  }
0x2d5: {  	[tilespmem:s5+$0x14440] =	vst.add.f32.msk $0xffff, v37  }
0x2d6: {  	[tilespmem:s5+$0x14450] =	vst.add.f32.msk $0xffff, v38  }
0x2d7: {  	[tilespmem:s5+$0x14460] =	vst.add.f32.msk $0xffff, v39  }
0x2d8: {  	[tilespmem:s5+$0x14470] =	vst.add.f32.msk $0xffff, v40  }
0x2d9: {  	[tilespmem:s5+$0x14480] =	vst.add.f32.msk $0xffff, v41  }
0x2da: {  	[tilespmem:s5+$0x14490] =	vst.add.f32.msk $0xffff, v42  }
0x2db: {  	[tilespmem:s5+$0x144A0] =	vst.add.f32.msk $0xffff, v43  }
0x2dc: {  	[tilespmem:s5+$0x144B0] =	vst.add.f32.msk $0xffff, v44  }
0x2dd: {  	[tilespmem:s5+$0x144C0] =	vst.add.f32.msk $0xffff, v45  }
0x2de: {  	[tilespmem:s5+$0x144D0] =	vst.add.f32.msk $0xffff, v46  }
0x2df: {  	[tilespmem:s5+$0x144E0] =	vst.add.f32.msk $0xffff, v47  }
0x2e0: {  	[tilespmem:s5+$0x144F0] =	vst.add.f32.msk $0xffff, v48  }
0x2e1: {  	[tilespmem:s5+$0x14500] =	vst.add.f32.msk $0xffff, v49  }
0x2e2: {  	[tilespmem:s5+$0x14510] =	vst.add.f32.msk $0xffff, v50  }
0x2e3: {  	[tilespmem:s5+$0x14520] =	vst.add.f32.msk $0xffff, v51  }
0x2e4: {  	[tilespmem:s5+$0x14530] =	vst.add.f32.msk $0xffff, v52  }
0x2e5: {  	[tilespmem:s5+$0x14540] =	vst.add.f32.msk $0xffff, v53  }
0x2e6: {  	[tilespmem:s5+$0x14550] =	vst.add.f32.msk $0xffff, v54  }
0x2e7: {  	[tilespmem:s5+$0x14560] =	vst.add.f32.msk $0xffff, v55  }
0x2e8: {  	[tilespmem:s5+$0x14570] =	vst.add.f32.msk $0xffff, v56  }
0x2e9: {  	[tilespmem:s5+$0x14580] =	vst.add.f32.msk $0xffff, v57  }
0x2ea: {  	[tilespmem:s5+$0x14590] =	vst.add.f32.msk $0xffff, v58  }
0x2eb: {  	[tilespmem:s5+$0x145A0] =	vst.add.f32.msk $0xffff, v59  }
0x2ec: {  	[tilespmem:s5+$0x145B0] =	vst.add.f32.msk $0xffff, v60  }
0x2ed: {  	[tilespmem:s5+$0x145C0] =	vst.add.f32.msk $0xffff, v61  }
0x2ee: {  	s12 =	simm.s32 $0x1000;
	s11 =	simm.s32 $0x0;
	[tilespmem:s5+$0x145D0] =	vst.add.f32.msk $0xffff, v62  }
.LBB2_7:
0x2ef: {  	s11 =	sadd.s32 $0x8, s11;
	[tilespmem:s5+$0x145E0] =	vst.add.f32.msk $0xffff, v0;
	s5 =	sshra.s32 s12, $0x2  }
0x2f0: {  	v0 =	vld [tilespmem:s5+$0xC5F0];
	p0 =	slt.u32 s11, $0x38  }
0x2f1: {  	v1 =	vld [tilespmem:s5+$0x4200]  }
0x2f2: {  	v2 =	vld [tilespmem:s5+$0x4210]  }
0x2f3: {  	v3 =	vld [tilespmem:s5+$0x4220]  }
0x2f4: {  	v4 =	vld [tilespmem:s5+$0x4230]  }
0x2f5: {  	[tilespmem:s5+$0x145F0] =	vst.add.f32.msk $0xffff, v0  }
0x2f6: {  	v5 =	vld [tilespmem:s5+$0xC240]  }
0x2f7: {  	v6 =	vld [tilespmem:s5+$0xC250]  }
0x2f8: {  	v7 =	vld [tilespmem:s5+$0xC260]  }
0x2f9: {  	v8 =	vld [tilespmem:s5+$0xC270]  }
0x2fa: {  	v9 =	vld [tilespmem:s5+$0x4280]  }
0x2fb: {  	v10 =	vld [tilespmem:s5+$0x4290]  }
0x2fc: {  	v11 =	vld [tilespmem:s5+$0x42A0]  }
0x2fd: {  	v12 =	vld [tilespmem:s5+$0x42B0]  }
0x2fe: {  	v13 =	vld [tilespmem:s5+$0xC2C0]  }
0x2ff: {  	v14 =	vld [tilespmem:s5+$0xC2D0]  }
0x300: {  	v15 =	vld [tilespmem:s5+$0xC2E0]  }
0x301: {  	v16 =	vld [tilespmem:s5+$0xC2F0]  }
0x302: {  	v17 =	vld [tilespmem:s5+$0x4300]  }
0x303: {  	v18 =	vld [tilespmem:s5+$0x4310]  }
0x304: {  	v19 =	vld [tilespmem:s5+$0x4320]  }
0x305: {  	v20 =	vld [tilespmem:s5+$0x4330]  }
0x306: {  	v21 =	vld [tilespmem:s5+$0xC340]  }
0x307: {  	v22 =	vld [tilespmem:s5+$0xC350]  }
0x308: {  	v23 =	vld [tilespmem:s5+$0xC360]  }
0x309: {  	v24 =	vld [tilespmem:s5+$0xC370]  }
0x30a: {  	v25 =	vld [tilespmem:s5+$0x4380]  }
0x30b: {  	v26 =	vld [tilespmem:s5+$0x4390]  }
0x30c: {  	v27 =	vld [tilespmem:s5+$0x43A0]  }
0x30d: {  	v28 =	vld [tilespmem:s5+$0x43B0]  }
0x30e: {  	v29 =	vld [tilespmem:s5+$0xC3C0]  }
0x30f: {  	v30 =	vld [tilespmem:s5+$0xC3D0]  }
0x310: {  	v31 =	vld [tilespmem:s5+$0xC3E0]  }
0x311: {  	v32 =	vld [tilespmem:s5+$0xC3F0]  }
0x312: {  	v33 =	vld [tilespmem:s5+$0x4400]  }
0x313: {  	v34 =	vld [tilespmem:s5+$0x4410]  }
0x314: {  	v35 =	vld [tilespmem:s5+$0x4420]  }
0x315: {  	v36 =	vld [tilespmem:s5+$0x4430]  }
0x316: {  	v37 =	vld [tilespmem:s5+$0xC440]  }
0x317: {  	v38 =	vld [tilespmem:s5+$0xC450]  }
0x318: {  	v39 =	vld [tilespmem:s5+$0xC460]  }
0x319: {  	v40 =	vld [tilespmem:s5+$0xC470]  }
0x31a: {  	v41 =	vld [tilespmem:s5+$0x4480]  }
0x31b: {  	v42 =	vld [tilespmem:s5+$0x4490]  }
0x31c: {  	v43 =	vld [tilespmem:s5+$0x44A0]  }
0x31d: {  	v44 =	vld [tilespmem:s5+$0x44B0]  }
0x31e: {  	v45 =	vld [tilespmem:s5+$0xC4C0]  }
0x31f: {  	v46 =	vld [tilespmem:s5+$0xC4D0]  }
0x320: {  	v47 =	vld [tilespmem:s5+$0xC4E0]  }
0x321: {  	v48 =	vld [tilespmem:s5+$0xC4F0]  }
0x322: {  	v49 =	vld [tilespmem:s5+$0x4500]  }
0x323: {  	v50 =	vld [tilespmem:s5+$0x4510]  }
0x324: {  	v51 =	vld [tilespmem:s5+$0x4520]  }
0x325: {  	v52 =	vld [tilespmem:s5+$0x4530]  }
0x326: {  	v53 =	vld [tilespmem:s5+$0xC540]  }
0x327: {  	v54 =	vld [tilespmem:s5+$0xC550]  }
0x328: {  	v55 =	vld [tilespmem:s5+$0xC560]  }
0x329: {  	v56 =	vld [tilespmem:s5+$0xC570]  }
0x32a: {  	v57 =	vld [tilespmem:s5+$0x4580]  }
0x32b: {  	v58 =	vld [tilespmem:s5+$0x4590]  }
0x32c: {  	v59 =	vld [tilespmem:s5+$0x45A0]  }
0x32d: {  	v60 =	vld [tilespmem:s5+$0x45B0]  }
0x32e: {  	v61 =	vld [tilespmem:s5+$0xC5C0]  }
0x32f: {  	v62 =	vld [tilespmem:s5+$0xC5D0]  }
0x330: {  	v0 =	vld [tilespmem:s5+$0xC5E0]  }
0x331: {  	[tilespmem:s5+$0x14200] =	vst.add.f32.msk $0xffff, v1  }
0x332: {  	[tilespmem:s5+$0x14210] =	vst.add.f32.msk $0xffff, v2  }
0x333: {  	[tilespmem:s5+$0x14220] =	vst.add.f32.msk $0xffff, v3  }
0x334: {  	[tilespmem:s5+$0x14230] =	vst.add.f32.msk $0xffff, v4  }
0x335: {  	[tilespmem:s5+$0x14240] =	vst.add.f32.msk $0xffff, v5  }
0x336: {  	[tilespmem:s5+$0x14250] =	vst.add.f32.msk $0xffff, v6  }
0x337: {  	[tilespmem:s5+$0x14260] =	vst.add.f32.msk $0xffff, v7  }
0x338: {  	[tilespmem:s5+$0x14270] =	vst.add.f32.msk $0xffff, v8  }
0x339: {  	[tilespmem:s5+$0x14280] =	vst.add.f32.msk $0xffff, v9  }
0x33a: {  	[tilespmem:s5+$0x14290] =	vst.add.f32.msk $0xffff, v10  }
0x33b: {  	[tilespmem:s5+$0x142A0] =	vst.add.f32.msk $0xffff, v11  }
0x33c: {  	[tilespmem:s5+$0x142B0] =	vst.add.f32.msk $0xffff, v12  }
0x33d: {  	[tilespmem:s5+$0x142C0] =	vst.add.f32.msk $0xffff, v13  }
0x33e: {  	[tilespmem:s5+$0x142D0] =	vst.add.f32.msk $0xffff, v14  }
0x33f: {  	[tilespmem:s5+$0x142E0] =	vst.add.f32.msk $0xffff, v15  }
0x340: {  	[tilespmem:s5+$0x142F0] =	vst.add.f32.msk $0xffff, v16  }
0x341: {  	[tilespmem:s5+$0x14300] =	vst.add.f32.msk $0xffff, v17  }
0x342: {  	[tilespmem:s5+$0x14310] =	vst.add.f32.msk $0xffff, v18  }
0x343: {  	[tilespmem:s5+$0x14320] =	vst.add.f32.msk $0xffff, v19  }
0x344: {  	[tilespmem:s5+$0x14330] =	vst.add.f32.msk $0xffff, v20  }
0x345: {  	[tilespmem:s5+$0x14340] =	vst.add.f32.msk $0xffff, v21  }
0x346: {  	[tilespmem:s5+$0x14350] =	vst.add.f32.msk $0xffff, v22  }
0x347: {  	[tilespmem:s5+$0x14360] =	vst.add.f32.msk $0xffff, v23  }
0x348: {  	[tilespmem:s5+$0x14370] =	vst.add.f32.msk $0xffff, v24  }
0x349: {  	[tilespmem:s5+$0x14380] =	vst.add.f32.msk $0xffff, v25  }
0x34a: {  	[tilespmem:s5+$0x14390] =	vst.add.f32.msk $0xffff, v26  }
0x34b: {  	[tilespmem:s5+$0x143A0] =	vst.add.f32.msk $0xffff, v27  }
0x34c: {  	[tilespmem:s5+$0x143B0] =	vst.add.f32.msk $0xffff, v28  }
0x34d: {  	[tilespmem:s5+$0x143C0] =	vst.add.f32.msk $0xffff, v29  }
0x34e: {  	[tilespmem:s5+$0x143D0] =	vst.add.f32.msk $0xffff, v30  }
0x34f: {  	[tilespmem:s5+$0x143E0] =	vst.add.f32.msk $0xffff, v31  }
0x350: {  	[tilespmem:s5+$0x143F0] =	vst.add.f32.msk $0xffff, v32  }
0x351: {  	[tilespmem:s5+$0x14400] =	vst.add.f32.msk $0xffff, v33  }
0x352: {  	[tilespmem:s5+$0x14410] =	vst.add.f32.msk $0xffff, v34  }
0x353: {  	[tilespmem:s5+$0x14420] =	vst.add.f32.msk $0xffff, v35  }
0x354: {  	[tilespmem:s5+$0x14430] =	vst.add.f32.msk $0xffff, v36  }
0x355: {  	[tilespmem:s5+$0x14440] =	vst.add.f32.msk $0xffff, v37  }
0x356: {  	[tilespmem:s5+$0x14450] =	vst.add.f32.msk $0xffff, v38  }
0x357: {  	[tilespmem:s5+$0x14460] =	vst.add.f32.msk $0xffff, v39  }
0x358: {  	[tilespmem:s5+$0x14470] =	vst.add.f32.msk $0xffff, v40  }
0x359: {  	[tilespmem:s5+$0x14480] =	vst.add.f32.msk $0xffff, v41  }
0x35a: {  	[tilespmem:s5+$0x14490] =	vst.add.f32.msk $0xffff, v42  }
0x35b: {  	[tilespmem:s5+$0x144A0] =	vst.add.f32.msk $0xffff, v43  }
0x35c: {  	[tilespmem:s5+$0x144B0] =	vst.add.f32.msk $0xffff, v44  }
0x35d: {  	[tilespmem:s5+$0x144C0] =	vst.add.f32.msk $0xffff, v45  }
0x35e: {  	[tilespmem:s5+$0x144D0] =	vst.add.f32.msk $0xffff, v46  }
0x35f: {  	[tilespmem:s5+$0x144E0] =	vst.add.f32.msk $0xffff, v47  }
0x360: {  	[tilespmem:s5+$0x144F0] =	vst.add.f32.msk $0xffff, v48  }
0x361: {  	[tilespmem:s5+$0x14500] =	vst.add.f32.msk $0xffff, v49  }
0x362: {  	[tilespmem:s5+$0x14510] =	vst.add.f32.msk $0xffff, v50  }
0x363: {  	[tilespmem:s5+$0x14520] =	vst.add.f32.msk $0xffff, v51  }
0x364: {  	[tilespmem:s5+$0x14530] =	vst.add.f32.msk $0xffff, v52  }
0x365: {  	[tilespmem:s5+$0x14540] =	vst.add.f32.msk $0xffff, v53  }
0x366: {  	[tilespmem:s5+$0x14550] =	vst.add.f32.msk $0xffff, v54  }
0x367: {  	[tilespmem:s5+$0x14560] =	vst.add.f32.msk $0xffff, v55  }
0x368: {  	[tilespmem:s5+$0x14570] =	vst.add.f32.msk $0xffff, v56  }
0x369: {  	[tilespmem:s5+$0x14580] =	vst.add.f32.msk $0xffff, v57  }
.Ltmp2:
0x36a: {  	[tilespmem:s5+$0x14590] =	vst.add.f32.msk $0xffff, v58;
	(pc) =	sbr.rel @p0 .LBB2_7-.Ltmp2, $4  }
0x36b: {  	[tilespmem:s5+$0x145A0] =	vst.add.f32.msk $0xffff, v59  }
0x36c: {  	[tilespmem:s5+$0x145B0] =	vst.add.f32.msk $0xffff, v60  }
0x36d: {  	[tilespmem:s5+$0x145C0] =	vst.add.f32.msk $0xffff, v61  }
0x36e: {  	s12 =	sadd.s32 $0x1000, s12;
	[tilespmem:s5+$0x145D0] =	vst.add.f32.msk $0xffff, v62  }
0x36f: {  	[tilespmem:s5+$0x145E0] =	vst.add.f32.msk $0xffff, v0;
	s29 =	sadd.s32 s4, s20;
	s5 =	simm.s32 $0x0  }
0x370: {  	[hbm4b:s29+s17] =	stream.strided.scatter [tilespmem:s30], [sflag:$0xC], $0x2000, s23, s17, $0x38;
	[tilespmem:$0x18200] =	vst v63  }
0x371: {  	v0 =	vld [tilespmem:s5+$0xE5F0]  }
0x372: {  	v1 =	vld [tilespmem:s5+$0x6200]  }
0x373: {  	v2 =	vld [tilespmem:s5+$0x6210]  }
0x374: {  	v3 =	vld [tilespmem:s5+$0x6220]  }
0x375: {  	v4 =	vld [tilespmem:s5+$0x6230]  }
0x376: {  	v5 =	vld [tilespmem:s5+$0xE240]  }
0x377: {  	v6 =	vld [tilespmem:s5+$0xE250]  }
0x378: {  	v7 =	vld [tilespmem:s5+$0xE260]  }
0x379: {  	v8 =	vld [tilespmem:s5+$0xE270]  }
0x37a: {  	v9 =	vld [tilespmem:s5+$0x6280]  }
0x37b: {  	v10 =	vld [tilespmem:s5+$0x6290]  }
0x37c: {  	v11 =	vld [tilespmem:s5+$0x62A0]  }
0x37d: {  	v12 =	vld [tilespmem:s5+$0x62B0]  }
0x37e: {  	v13 =	vld [tilespmem:s5+$0xE2C0]  }
0x37f: {  	v14 =	vld [tilespmem:s5+$0xE2D0]  }
0x380: {  	v15 =	vld [tilespmem:s5+$0xE2E0]  }
0x381: {  	v16 =	vld [tilespmem:s5+$0xE2F0]  }
0x382: {  	v17 =	vld [tilespmem:s5+$0x6300]  }
0x383: {  	v18 =	vld [tilespmem:s5+$0x6310]  }
0x384: {  	v19 =	vld [tilespmem:s5+$0x6320]  }
0x385: {  	v20 =	vld [tilespmem:s5+$0x6330]  }
0x386: {  	v21 =	vld [tilespmem:s5+$0xE340]  }
0x387: {  	v22 =	vld [tilespmem:s5+$0xE350]  }
0x388: {  	v23 =	vld [tilespmem:s5+$0xE360]  }
0x389: {  	v24 =	vld [tilespmem:s5+$0xE370]  }
0x38a: {  	v25 =	vld [tilespmem:s5+$0x6380]  }
0x38b: {  	v26 =	vld [tilespmem:s5+$0x6390]  }
0x38c: {  	v27 =	vld [tilespmem:s5+$0x63A0]  }
0x38d: {  	v28 =	vld [tilespmem:s5+$0x63B0]  }
0x38e: {  	v29 =	vld [tilespmem:s5+$0xE3C0]  }
0x38f: {  	v30 =	vld [tilespmem:s5+$0xE3D0]  }
0x390: {  	v31 =	vld [tilespmem:s5+$0xE3E0]  }
0x391: {  	v32 =	vld [tilespmem:s5+$0xE3F0]  }
0x392: {  	v33 =	vld [tilespmem:s5+$0x6400]  }
0x393: {  	v34 =	vld [tilespmem:s5+$0x6410]  }
0x394: {  	v35 =	vld [tilespmem:s5+$0x6420]  }
0x395: {  	v36 =	vld [tilespmem:s5+$0x6430]  }
0x396: {  	v37 =	vld [tilespmem:s5+$0xE440]  }
0x397: {  	v38 =	vld [tilespmem:s5+$0xE450]  }
0x398: {  	v39 =	vld [tilespmem:s5+$0xE460]  }
0x399: {  	v40 =	vld [tilespmem:s5+$0xE470]  }
0x39a: {  	v41 =	vld [tilespmem:s5+$0x6480]  }
0x39b: {  	v42 =	vld [tilespmem:s5+$0x6490]  }
0x39c: {  	v43 =	vld [tilespmem:s5+$0x64A0]  }
0x39d: {  	v44 =	vld [tilespmem:s5+$0x64B0]  }
0x39e: {  	v45 =	vld [tilespmem:s5+$0xE4C0]  }
0x39f: {  	v46 =	vld [tilespmem:s5+$0xE4D0]  }
0x3a0: {  	v47 =	vld [tilespmem:s5+$0xE4E0]  }
0x3a1: {  	v48 =	vld [tilespmem:s5+$0xE4F0]  }
0x3a2: {  	v49 =	vld [tilespmem:s5+$0x6500]  }
0x3a3: {  	v50 =	vld [tilespmem:s5+$0x6510]  }
0x3a4: {  	v51 =	vld [tilespmem:s5+$0x6520]  }
0x3a5: {  	v52 =	vld [tilespmem:s5+$0x6530]  }
0x3a6: {  	v53 =	vld [tilespmem:s5+$0xE540]  }
0x3a7: {  	v54 =	vld [tilespmem:s5+$0xE550]  }
0x3a8: {  	v55 =	vld [tilespmem:s5+$0xE560]  }
0x3a9: {  	v56 =	vld [tilespmem:s5+$0xE570]  }
0x3aa: {  	v57 =	vld [tilespmem:s5+$0x6580]  }
0x3ab: {  	v58 =	vld [tilespmem:s5+$0x6590]  }
0x3ac: {  	v59 =	vld [tilespmem:s5+$0x65A0]  }
0x3ad: {  	v60 =	vld [tilespmem:s5+$0x65B0]  }
0x3ae: {  	v61 =	vld [tilespmem:s5+$0xE5C0]  }
0x3af: {  	v62 =	vld [tilespmem:s5+$0xE5D0]  }
0x3b0: {  	[tilespmem:s5+$0x165F0] =	vst.add.f32.msk $0xffff, v0  }
0x3b1: {  	v0 =	vld [tilespmem:s5+$0xE5E0]  }
0x3b2: {  	[tilespmem:s5+$0x16200] =	vst.add.f32.msk $0xffff, v1  }
0x3b3: {  	[tilespmem:s5+$0x16210] =	vst.add.f32.msk $0xffff, v2  }
0x3b4: {  	[tilespmem:s5+$0x16220] =	vst.add.f32.msk $0xffff, v3  }
0x3b5: {  	[tilespmem:s5+$0x16230] =	vst.add.f32.msk $0xffff, v4  }
0x3b6: {  	[tilespmem:s5+$0x16240] =	vst.add.f32.msk $0xffff, v5  }
0x3b7: {  	[tilespmem:s5+$0x16250] =	vst.add.f32.msk $0xffff, v6  }
0x3b8: {  	[tilespmem:s5+$0x16260] =	vst.add.f32.msk $0xffff, v7  }
0x3b9: {  	[tilespmem:s5+$0x16270] =	vst.add.f32.msk $0xffff, v8  }
0x3ba: {  	[tilespmem:s5+$0x16280] =	vst.add.f32.msk $0xffff, v9  }
0x3bb: {  	[tilespmem:s5+$0x16290] =	vst.add.f32.msk $0xffff, v10  }
0x3bc: {  	[tilespmem:s5+$0x162A0] =	vst.add.f32.msk $0xffff, v11  }
0x3bd: {  	[tilespmem:s5+$0x162B0] =	vst.add.f32.msk $0xffff, v12  }
0x3be: {  	[tilespmem:s5+$0x162C0] =	vst.add.f32.msk $0xffff, v13  }
0x3bf: {  	[tilespmem:s5+$0x162D0] =	vst.add.f32.msk $0xffff, v14  }
0x3c0: {  	[tilespmem:s5+$0x162E0] =	vst.add.f32.msk $0xffff, v15  }
0x3c1: {  	[tilespmem:s5+$0x162F0] =	vst.add.f32.msk $0xffff, v16  }
0x3c2: {  	[tilespmem:s5+$0x16300] =	vst.add.f32.msk $0xffff, v17  }
0x3c3: {  	[tilespmem:s5+$0x16310] =	vst.add.f32.msk $0xffff, v18  }
0x3c4: {  	[tilespmem:s5+$0x16320] =	vst.add.f32.msk $0xffff, v19  }
0x3c5: {  	[tilespmem:s5+$0x16330] =	vst.add.f32.msk $0xffff, v20  }
0x3c6: {  	[tilespmem:s5+$0x16340] =	vst.add.f32.msk $0xffff, v21  }
0x3c7: {  	[tilespmem:s5+$0x16350] =	vst.add.f32.msk $0xffff, v22  }
0x3c8: {  	[tilespmem:s5+$0x16360] =	vst.add.f32.msk $0xffff, v23  }
0x3c9: {  	[tilespmem:s5+$0x16370] =	vst.add.f32.msk $0xffff, v24  }
0x3ca: {  	[tilespmem:s5+$0x16380] =	vst.add.f32.msk $0xffff, v25  }
0x3cb: {  	[tilespmem:s5+$0x16390] =	vst.add.f32.msk $0xffff, v26  }
0x3cc: {  	[tilespmem:s5+$0x163A0] =	vst.add.f32.msk $0xffff, v27  }
0x3cd: {  	[tilespmem:s5+$0x163B0] =	vst.add.f32.msk $0xffff, v28  }
0x3ce: {  	[tilespmem:s5+$0x163C0] =	vst.add.f32.msk $0xffff, v29  }
0x3cf: {  	[tilespmem:s5+$0x163D0] =	vst.add.f32.msk $0xffff, v30  }
0x3d0: {  	[tilespmem:s5+$0x163E0] =	vst.add.f32.msk $0xffff, v31  }
0x3d1: {  	[tilespmem:s5+$0x163F0] =	vst.add.f32.msk $0xffff, v32  }
0x3d2: {  	[tilespmem:s5+$0x16400] =	vst.add.f32.msk $0xffff, v33  }
0x3d3: {  	[tilespmem:s5+$0x16410] =	vst.add.f32.msk $0xffff, v34  }
0x3d4: {  	[tilespmem:s5+$0x16420] =	vst.add.f32.msk $0xffff, v35  }
0x3d5: {  	[tilespmem:s5+$0x16430] =	vst.add.f32.msk $0xffff, v36  }
0x3d6: {  	[tilespmem:s5+$0x16440] =	vst.add.f32.msk $0xffff, v37  }
0x3d7: {  	[tilespmem:s5+$0x16450] =	vst.add.f32.msk $0xffff, v38  }
0x3d8: {  	[tilespmem:s5+$0x16460] =	vst.add.f32.msk $0xffff, v39  }
0x3d9: {  	[tilespmem:s5+$0x16470] =	vst.add.f32.msk $0xffff, v40  }
0x3da: {  	[tilespmem:s5+$0x16480] =	vst.add.f32.msk $0xffff, v41  }
0x3db: {  	[tilespmem:s5+$0x16490] =	vst.add.f32.msk $0xffff, v42  }
0x3dc: {  	[tilespmem:s5+$0x164A0] =	vst.add.f32.msk $0xffff, v43  }
0x3dd: {  	[tilespmem:s5+$0x164B0] =	vst.add.f32.msk $0xffff, v44  }
0x3de: {  	[tilespmem:s5+$0x164C0] =	vst.add.f32.msk $0xffff, v45  }
0x3df: {  	[tilespmem:s5+$0x164D0] =	vst.add.f32.msk $0xffff, v46  }
0x3e0: {  	[tilespmem:s5+$0x164E0] =	vst.add.f32.msk $0xffff, v47  }
0x3e1: {  	[tilespmem:s5+$0x164F0] =	vst.add.f32.msk $0xffff, v48  }
0x3e2: {  	[tilespmem:s5+$0x16500] =	vst.add.f32.msk $0xffff, v49  }
0x3e3: {  	[tilespmem:s5+$0x16510] =	vst.add.f32.msk $0xffff, v50  }
0x3e4: {  	[tilespmem:s5+$0x16520] =	vst.add.f32.msk $0xffff, v51  }
0x3e5: {  	[tilespmem:s5+$0x16530] =	vst.add.f32.msk $0xffff, v52  }
0x3e6: {  	[tilespmem:s5+$0x16540] =	vst.add.f32.msk $0xffff, v53  }
0x3e7: {  	[tilespmem:s5+$0x16550] =	vst.add.f32.msk $0xffff, v54  }
0x3e8: {  	[tilespmem:s5+$0x16560] =	vst.add.f32.msk $0xffff, v55  }
0x3e9: {  	[tilespmem:s5+$0x16570] =	vst.add.f32.msk $0xffff, v56  }
0x3ea: {  	[tilespmem:s5+$0x16580] =	vst.add.f32.msk $0xffff, v57  }
0x3eb: {  	[tilespmem:s5+$0x16590] =	vst.add.f32.msk $0xffff, v58  }
0x3ec: {  	[tilespmem:s5+$0x165A0] =	vst.add.f32.msk $0xffff, v59  }
0x3ed: {  	[tilespmem:s5+$0x165B0] =	vst.add.f32.msk $0xffff, v60  }
0x3ee: {  	[tilespmem:s5+$0x165C0] =	vst.add.f32.msk $0xffff, v61  }
0x3ef: {  	s11 =	simm.s32 $0x0;
	s12 =	simm.s32 $0x1000;
	[tilespmem:s5+$0x165D0] =	vst.add.f32.msk $0xffff, v62  }
.LBB2_9:
0x3f0: {  	s11 =	sadd.s32 $0x8, s11;
	[tilespmem:s5+$0x165E0] =	vst.add.f32.msk $0xffff, v0;
	s5 =	sshra.s32 s12, $0x2  }
0x3f1: {  	v0 =	vld [tilespmem:s5+$0xE5F0];
	p0 =	slt.u32 s11, $0x38  }
0x3f2: {  	v1 =	vld [tilespmem:s5+$0x6200]  }
0x3f3: {  	v2 =	vld [tilespmem:s5+$0x6210]  }
0x3f4: {  	v3 =	vld [tilespmem:s5+$0x6220]  }
0x3f5: {  	v4 =	vld [tilespmem:s5+$0x6230]  }
0x3f6: {  	[tilespmem:s5+$0x165F0] =	vst.add.f32.msk $0xffff, v0  }
0x3f7: {  	v5 =	vld [tilespmem:s5+$0xE240]  }
0x3f8: {  	v6 =	vld [tilespmem:s5+$0xE250]  }
0x3f9: {  	v7 =	vld [tilespmem:s5+$0xE260]  }
0x3fa: {  	v8 =	vld [tilespmem:s5+$0xE270]  }
0x3fb: {  	v9 =	vld [tilespmem:s5+$0x6280]  }
0x3fc: {  	v10 =	vld [tilespmem:s5+$0x6290]  }
0x3fd: {  	v11 =	vld [tilespmem:s5+$0x62A0]  }
0x3fe: {  	v12 =	vld [tilespmem:s5+$0x62B0]  }
0x3ff: {  	v13 =	vld [tilespmem:s5+$0xE2C0]  }
0x400: {  	v14 =	vld [tilespmem:s5+$0xE2D0]  }
0x401: {  	v15 =	vld [tilespmem:s5+$0xE2E0]  }
0x402: {  	v16 =	vld [tilespmem:s5+$0xE2F0]  }
0x403: {  	v17 =	vld [tilespmem:s5+$0x6300]  }
0x404: {  	v18 =	vld [tilespmem:s5+$0x6310]  }
0x405: {  	v19 =	vld [tilespmem:s5+$0x6320]  }
0x406: {  	v20 =	vld [tilespmem:s5+$0x6330]  }
0x407: {  	v21 =	vld [tilespmem:s5+$0xE340]  }
0x408: {  	v22 =	vld [tilespmem:s5+$0xE350]  }
0x409: {  	v23 =	vld [tilespmem:s5+$0xE360]  }
0x40a: {  	v24 =	vld [tilespmem:s5+$0xE370]  }
0x40b: {  	v25 =	vld [tilespmem:s5+$0x6380]  }
0x40c: {  	v26 =	vld [tilespmem:s5+$0x6390]  }
0x40d: {  	v27 =	vld [tilespmem:s5+$0x63A0]  }
0x40e: {  	v28 =	vld [tilespmem:s5+$0x63B0]  }
0x40f: {  	v29 =	vld [tilespmem:s5+$0xE3C0]  }
0x410: {  	v30 =	vld [tilespmem:s5+$0xE3D0]  }
0x411: {  	v31 =	vld [tilespmem:s5+$0xE3E0]  }
0x412: {  	v32 =	vld [tilespmem:s5+$0xE3F0]  }
0x413: {  	v33 =	vld [tilespmem:s5+$0x6400]  }
0x414: {  	v34 =	vld [tilespmem:s5+$0x6410]  }
0x415: {  	v35 =	vld [tilespmem:s5+$0x6420]  }
0x416: {  	v36 =	vld [tilespmem:s5+$0x6430]  }
0x417: {  	v37 =	vld [tilespmem:s5+$0xE440]  }
0x418: {  	v38 =	vld [tilespmem:s5+$0xE450]  }
0x419: {  	v39 =	vld [tilespmem:s5+$0xE460]  }
0x41a: {  	v40 =	vld [tilespmem:s5+$0xE470]  }
0x41b: {  	v41 =	vld [tilespmem:s5+$0x6480]  }
0x41c: {  	v42 =	vld [tilespmem:s5+$0x6490]  }
0x41d: {  	v43 =	vld [tilespmem:s5+$0x64A0]  }
0x41e: {  	v44 =	vld [tilespmem:s5+$0x64B0]  }
0x41f: {  	v45 =	vld [tilespmem:s5+$0xE4C0]  }
0x420: {  	v46 =	vld [tilespmem:s5+$0xE4D0]  }
0x421: {  	v47 =	vld [tilespmem:s5+$0xE4E0]  }
0x422: {  	v48 =	vld [tilespmem:s5+$0xE4F0]  }
0x423: {  	v49 =	vld [tilespmem:s5+$0x6500]  }
0x424: {  	v50 =	vld [tilespmem:s5+$0x6510]  }
0x425: {  	v51 =	vld [tilespmem:s5+$0x6520]  }
0x426: {  	v52 =	vld [tilespmem:s5+$0x6530]  }
0x427: {  	v53 =	vld [tilespmem:s5+$0xE540]  }
0x428: {  	v54 =	vld [tilespmem:s5+$0xE550]  }
0x429: {  	v55 =	vld [tilespmem:s5+$0xE560]  }
0x42a: {  	v56 =	vld [tilespmem:s5+$0xE570]  }
0x42b: {  	v57 =	vld [tilespmem:s5+$0x6580]  }
0x42c: {  	v58 =	vld [tilespmem:s5+$0x6590]  }
0x42d: {  	v59 =	vld [tilespmem:s5+$0x65A0]  }
0x42e: {  	v60 =	vld [tilespmem:s5+$0x65B0]  }
0x42f: {  	v61 =	vld [tilespmem:s5+$0xE5C0]  }
0x430: {  	v62 =	vld [tilespmem:s5+$0xE5D0]  }
0x431: {  	v0 =	vld [tilespmem:s5+$0xE5E0]  }
0x432: {  	[tilespmem:s5+$0x16200] =	vst.add.f32.msk $0xffff, v1  }
0x433: {  	[tilespmem:s5+$0x16210] =	vst.add.f32.msk $0xffff, v2  }
0x434: {  	[tilespmem:s5+$0x16220] =	vst.add.f32.msk $0xffff, v3  }
0x435: {  	[tilespmem:s5+$0x16230] =	vst.add.f32.msk $0xffff, v4  }
0x436: {  	[tilespmem:s5+$0x16240] =	vst.add.f32.msk $0xffff, v5  }
0x437: {  	[tilespmem:s5+$0x16250] =	vst.add.f32.msk $0xffff, v6  }
0x438: {  	[tilespmem:s5+$0x16260] =	vst.add.f32.msk $0xffff, v7  }
0x439: {  	[tilespmem:s5+$0x16270] =	vst.add.f32.msk $0xffff, v8  }
0x43a: {  	[tilespmem:s5+$0x16280] =	vst.add.f32.msk $0xffff, v9  }
0x43b: {  	[tilespmem:s5+$0x16290] =	vst.add.f32.msk $0xffff, v10  }
0x43c: {  	[tilespmem:s5+$0x162A0] =	vst.add.f32.msk $0xffff, v11  }
0x43d: {  	[tilespmem:s5+$0x162B0] =	vst.add.f32.msk $0xffff, v12  }
0x43e: {  	[tilespmem:s5+$0x162C0] =	vst.add.f32.msk $0xffff, v13  }
0x43f: {  	[tilespmem:s5+$0x162D0] =	vst.add.f32.msk $0xffff, v14  }
0x440: {  	[tilespmem:s5+$0x162E0] =	vst.add.f32.msk $0xffff, v15  }
0x441: {  	[tilespmem:s5+$0x162F0] =	vst.add.f32.msk $0xffff, v16  }
0x442: {  	[tilespmem:s5+$0x16300] =	vst.add.f32.msk $0xffff, v17  }
0x443: {  	[tilespmem:s5+$0x16310] =	vst.add.f32.msk $0xffff, v18  }
0x444: {  	[tilespmem:s5+$0x16320] =	vst.add.f32.msk $0xffff, v19  }
0x445: {  	[tilespmem:s5+$0x16330] =	vst.add.f32.msk $0xffff, v20  }
0x446: {  	[tilespmem:s5+$0x16340] =	vst.add.f32.msk $0xffff, v21  }
0x447: {  	[tilespmem:s5+$0x16350] =	vst.add.f32.msk $0xffff, v22  }
0x448: {  	[tilespmem:s5+$0x16360] =	vst.add.f32.msk $0xffff, v23  }
0x449: {  	[tilespmem:s5+$0x16370] =	vst.add.f32.msk $0xffff, v24  }
0x44a: {  	[tilespmem:s5+$0x16380] =	vst.add.f32.msk $0xffff, v25  }
0x44b: {  	[tilespmem:s5+$0x16390] =	vst.add.f32.msk $0xffff, v26  }
0x44c: {  	[tilespmem:s5+$0x163A0] =	vst.add.f32.msk $0xffff, v27  }
0x44d: {  	[tilespmem:s5+$0x163B0] =	vst.add.f32.msk $0xffff, v28  }
0x44e: {  	[tilespmem:s5+$0x163C0] =	vst.add.f32.msk $0xffff, v29  }
0x44f: {  	[tilespmem:s5+$0x163D0] =	vst.add.f32.msk $0xffff, v30  }
0x450: {  	[tilespmem:s5+$0x163E0] =	vst.add.f32.msk $0xffff, v31  }
0x451: {  	[tilespmem:s5+$0x163F0] =	vst.add.f32.msk $0xffff, v32  }
0x452: {  	[tilespmem:s5+$0x16400] =	vst.add.f32.msk $0xffff, v33  }
0x453: {  	[tilespmem:s5+$0x16410] =	vst.add.f32.msk $0xffff, v34  }
0x454: {  	[tilespmem:s5+$0x16420] =	vst.add.f32.msk $0xffff, v35  }
0x455: {  	[tilespmem:s5+$0x16430] =	vst.add.f32.msk $0xffff, v36  }
0x456: {  	[tilespmem:s5+$0x16440] =	vst.add.f32.msk $0xffff, v37  }
0x457: {  	[tilespmem:s5+$0x16450] =	vst.add.f32.msk $0xffff, v38  }
0x458: {  	[tilespmem:s5+$0x16460] =	vst.add.f32.msk $0xffff, v39  }
0x459: {  	[tilespmem:s5+$0x16470] =	vst.add.f32.msk $0xffff, v40  }
0x45a: {  	[tilespmem:s5+$0x16480] =	vst.add.f32.msk $0xffff, v41  }
0x45b: {  	[tilespmem:s5+$0x16490] =	vst.add.f32.msk $0xffff, v42  }
0x45c: {  	[tilespmem:s5+$0x164A0] =	vst.add.f32.msk $0xffff, v43  }
0x45d: {  	[tilespmem:s5+$0x164B0] =	vst.add.f32.msk $0xffff, v44  }
0x45e: {  	[tilespmem:s5+$0x164C0] =	vst.add.f32.msk $0xffff, v45  }
0x45f: {  	[tilespmem:s5+$0x164D0] =	vst.add.f32.msk $0xffff, v46  }
0x460: {  	[tilespmem:s5+$0x164E0] =	vst.add.f32.msk $0xffff, v47  }
0x461: {  	[tilespmem:s5+$0x164F0] =	vst.add.f32.msk $0xffff, v48  }
0x462: {  	[tilespmem:s5+$0x16500] =	vst.add.f32.msk $0xffff, v49  }
0x463: {  	[tilespmem:s5+$0x16510] =	vst.add.f32.msk $0xffff, v50  }
0x464: {  	[tilespmem:s5+$0x16520] =	vst.add.f32.msk $0xffff, v51  }
0x465: {  	[tilespmem:s5+$0x16530] =	vst.add.f32.msk $0xffff, v52  }
0x466: {  	[tilespmem:s5+$0x16540] =	vst.add.f32.msk $0xffff, v53  }
0x467: {  	[tilespmem:s5+$0x16550] =	vst.add.f32.msk $0xffff, v54  }
0x468: {  	[tilespmem:s5+$0x16560] =	vst.add.f32.msk $0xffff, v55  }
0x469: {  	[tilespmem:s5+$0x16570] =	vst.add.f32.msk $0xffff, v56  }
0x46a: {  	[tilespmem:s5+$0x16580] =	vst.add.f32.msk $0xffff, v57  }
.Ltmp3:
0x46b: {  	[tilespmem:s5+$0x16590] =	vst.add.f32.msk $0xffff, v58;
	(pc) =	sbr.rel @p0 .LBB2_9-.Ltmp3, $4  }
0x46c: {  	[tilespmem:s5+$0x165A0] =	vst.add.f32.msk $0xffff, v59  }
0x46d: {  	[tilespmem:s5+$0x165B0] =	vst.add.f32.msk $0xffff, v60  }
0x46e: {  	[tilespmem:s5+$0x165C0] =	vst.add.f32.msk $0xffff, v61  }
0x46f: {  	s12 =	sadd.s32 $0x1000, s12;
	[tilespmem:s5+$0x165D0] =	vst.add.f32.msk $0xffff, v62  }
0x470: {  	s15 =	sadd.s32 $0x1, s15  }
0x471: {  	p0 =	sne.s32 s15, $0x64  }
.Ltmp4:
0x472: {  	s9 =	sadd.s32 s19, s9;
	(pc) =	sbr.rel @p0 .LBB2_2-.Ltmp4, $4  }
0x473: {  	s9 =	sadd.s32 $0x190000, s9  }
0x474: {  	s9 =	sshrl.u32 s9, $0x3  }
0x475: {  	[tilespmem:s5+$0x165E0] =	vst.add.f32.msk $0xffff, v0;
	s29 =	simm.s32 $0x16200;
	s28 =	sadd.s32 s4, s9  }
0x476: {  	[hbm4b:s28+s17] =	stream.strided.scatter [tilespmem:s29], [sflag:$0xC], $0x2000, s23, s17, $0x38;
	[tilespmem:$0x18200] =	vst v63  }
0x477: {  	s9 =	simm.s32 $0xC  }
0x478: {  	_ =	swait.ge [sflag:s9], $0x2000  }
0x479: {  	[sflag:s9] =	ssyncset.done $0x0  }
0x47a: {  	[sflag:s9] =	ssyncadd.s32 $0xFFFFE000  }
0x47b: {  	_ =	swait.ge [sflag:s9], $0x2000  }
0x47c: {  	s11 =	rddreg [dreg:$0xb]  }
0x47d: {  	s5 =	rddreg [dreg:$0xa];
	s11 =	sadd.s32 $0x1, s11  }
0x47e: {  	p0 =	sne.s32 s11, s5  }
.Ltmp5:
0x47f: {  	_ = 	snop;
	(pc) =	sbr.rel @p0 .LBB2_1-.Ltmp5, $3  }
0x480: {  	_ =	sdelay $0x1  }
0x481: {  	[sflag:s9] =	ssyncset.done $0x0  }
0x482: {  	[sflag:s9] =	ssyncadd.s32 $0xFFFFE000  }
0x483: {  	_ =	sfence.sel $0x180000  }
0x484: {  	[bflag:$0x0] =	sbarrier.arrive $0xFFFF  }
0x485: {  	_ =	strace $0x90000047  }
0x486: {  	s0 =	stileid.u32;
	[bflag:$0x2] =	sbarrier.arrive $0xFFFF  }
0x487: {  	p0 =	sne.s32 s0, $0x0;
	s0 =	rddreg [dreg:$0x4]  }
0x488: {  	s0 =	sadd.s32 @!p0 $0x100000, s0  }
0x489: {  	[sflag:s0] =	ssyncadd.tile.s32 @!p0 $0x1;
	_ =	shalt  }
.Lfunc_end2:
_tile_overlayer_lowered:
.L_overlay_start_2:
0x48a: {  	(tag) =	ssettag $0x2  }
0x48b: {  	s0 =	rddreg [dreg:$0x0];
	s2 =	stileid.u32  }
0x48c: {  	s1 =	rddreg [dreg:$0x1];
	p0 =	sne.s32 s2, $0x0  }
0x48d: {  	s3 =	rddreg [dreg:$0x2];
	[bflag:$0x3] =	sbarrier.arrive $0xFFFF;
	s2 =	simm.s32 @!p0 $0x1C0D  }
0x48e: {  	[timem:s3], [sflag:s2] =	dma.local @!p0 [hbm:s0], s1  }
0x48f: {  	s0 =	simm.s32 @!p0 $0xD  }
0x490: {  	_ =	swait.ge @!p0 [sflag:s0], s1  }
0x491: {  	s1 =	ssub.s32 @!p0 $0x0, s1;
	[sflag:s0] =	ssyncset.done @!p0 $0x0  }
0x492: {  	[sflag:s0] =	ssyncadd.s32 @!p0 s1  }
0x493: {  	[bflag:$0x3] =	sbarrier.arrive $0xFFFF  }
0x494: {  	_ =	shalt  }

</sc_bundles>
